<compile_context>
chip_gen: v7x
topology: tpu7x:2x2x1
jax: 0.10.2.dev20260603
libtpu: 0.0.44.dev20260713+nightly
codegen_flags: <defaults>
</compile_context>

<pallas_src>
import functools

import jax
import jax.numpy as jnp
from jax import lax
from jax.experimental import pallas as pl
from jax.experimental.pallas import tpu as pltpu
from jax.experimental.pallas import tpu_sc as plsc

B, H, W, C = 8, 224, 224, 192
N = B * H * W
HW = H * W
L = 16
NW = 32
PIX_PER_W = N // NW
K = 64
NCHUNKS = PIX_PER_W // K
CB = C // L


def _floor_f32(x):
    t = x.astype(jnp.int32).astype(jnp.float32)
    return jnp.where(t > x, t - 1.0, t)


def _splat(ref, i):
    return plsc.load_gather(ref, [jnp.full((L,), i, jnp.int32)])


def _sc_body(img_hbm, theta_hbm, xt_hbm, yt_hbm, out_hbm, theta_v, xt_v,
             yt_v, idx_v, w_v, rows_v, out_v, sem0, sem1, osem0, osem1):
    wid = lax.axis_index("s") * 2 + lax.axis_index("c")
    base = wid * PIX_PER_W
    b = wid // (NW // B)
    bhw = b * HW

    pltpu.sync_copy(theta_hbm, theta_v.at[pl.ds(0, B * 6)])
    pltpu.sync_copy(xt_hbm, xt_v)
    pltpu.sync_copy(yt_hbm, yt_v)
    t = [_splat(theta_v, b * 6 + j) for j in range(6)]

    iota = lax.iota(jnp.int32, L)
    sems = (sem0, sem1)
    osems = (osem0, osem1)

    def do_idx(g, bf):
        off = base + g * K
        for u in range(K // L):
            p = off + u * L + iota
            rr = p - bhw
            hh = rr // W
            ww = rr - hh * W
            xt = plsc.load_gather(xt_v, [ww])
            yt = plsc.load_gather(yt_v, [hh])
            xs = (t[0] * xt + t[1] * yt) + t[2]
            ys = (t[3] * xt + t[4] * yt) + t[5]
            xf = 0.5 * ((xs + 1.0) * float(W) - 1.0)
            yf = 0.5 * ((ys + 1.0) * float(H) - 1.0)
            xf = jnp.minimum(jnp.maximum(xf, -4.0), float(W) + 4.0)
            yf = jnp.minimum(jnp.maximum(yf, -4.0), float(H) + 4.0)
            x0f = _floor_f32(xf)
            y0f = _floor_f32(yf)
            omfx = (x0f + 1.0) - xf
            omfy = (y0f + 1.0) - yf
            fx = xf - x0f
            fy = yf - y0f
            wb0 = bf * 4 * K
            w_v[pl.ds(wb0 + 0 * K + u * L, L)] = omfx * omfy
            w_v[pl.ds(wb0 + 1 * K + u * L, L)] = omfx * fy
            w_v[pl.ds(wb0 + 2 * K + u * L, L)] = fx * omfy
            w_v[pl.ds(wb0 + 3 * K + u * L, L)] = fx * fy
            x0i = x0f.astype(jnp.int32)
            y0i = y0f.astype(jnp.int32)
            x0c = jnp.minimum(jnp.maximum(x0i, 0), W - 1)
            x1c = jnp.minimum(jnp.maximum(x0i + 1, 0), W - 1)
            y0c = jnp.minimum(jnp.maximum(y0i, 0), H - 1)
            y1c = jnp.minimum(jnp.maximum(y0i + 1, 0), H - 1)
            r0 = bhw + y0c * W
            r1 = bhw + y1c * W
            idx_v[bf, 0, pl.ds(u * L, L)] = r0 + x0c
            idx_v[bf, 0, pl.ds(K + u * L, L)] = r1 + x0c
            idx_v[bf, 1, pl.ds(u * L, L)] = r0 + x1c
            idx_v[bf, 1, pl.ds(K + u * L, L)] = r1 + x1c

    def fire(bf):
        pltpu.async_copy(img_hbm.at[idx_v.at[bf, 0]], rows_v.at[bf, 0],
                         sems[bf])
        pltpu.async_copy(img_hbm.at[idx_v.at[bf, 1]], rows_v.at[bf, 1],
                         sems[bf])

    def drain(bf):
        pltpu.make_async_copy(img_hbm.at[idx_v.at[bf, 0]], rows_v.at[bf, 0],
                              sems[bf]).wait()
        pltpu.make_async_copy(img_hbm.at[idx_v.at[bf, 1]], rows_v.at[bf, 1],
                              sems[bf]).wait()

    def blend_out(g, bf, first):
        off = base + g * K

        def blend(k, carry2):
            wb0 = bf * 4 * K
            wa = _splat(w_v, wb0 + k)
            wb = _splat(w_v, wb0 + k + K)
            wc = _splat(w_v, wb0 + k + 2 * K)
            wd = _splat(w_v, wb0 + k + 3 * K)
            for cb in range(CB):
                s = pl.ds(cb * L, L)
                acc = wa * rows_v[bf, 0, k, s]
                acc = acc + wb * rows_v[bf, 0, K + k, s]
                acc = acc + wc * rows_v[bf, 1, k, s]
                acc = acc + wd * rows_v[bf, 1, K + k, s]
                out_v[bf, pl.ds(k * C + cb * L, L)] = acc
            return carry2

        @pl.when(jnp.logical_not(first))
        def _():
            pltpu.make_async_copy(
                out_v.at[bf], out_hbm.at[pl.ds(0, K * C)], osems[bf]).wait()

        lax.fori_loop(0, K, blend, 0)
        pltpu.async_copy(out_v.at[bf], out_hbm.at[pl.ds(off * C, K * C)],
                         osems[bf])

    do_idx(0, 0)
    fire(0)

    def step(i, carry):
        g0 = 2 * i
        do_idx(g0 + 1, 1)
        fire(1)
        drain(0)
        blend_out(g0, 0, i == 0)

        @pl.when(i < NCHUNKS // 2 - 1)
        def _():
            do_idx(g0 + 2, 0)
            fire(0)

        drain(1)
        blend_out(g0 + 1, 1, i == 0)
        return carry

    lax.fori_loop(0, NCHUNKS // 2, step, 0)
    for bf in range(2):
        pltpu.make_async_copy(out_v.at[bf], out_hbm.at[pl.ds(0, K * C)],
                              osems[bf]).wait()


@jax.jit
def _spatial_transform(flat_images, theta_b, xt_b, yt_b):
    mesh = plsc.VectorSubcoreMesh(core_axis_name="c", subcore_axis_name="s")
    f = functools.partial(
        pl.kernel,
        mesh=mesh,
        compiler_params=pltpu.CompilerParams(needs_layout_passes=False,
                                             use_tc_tiling_on_sc=False),
        out_type=jax.ShapeDtypeStruct((N * C,), jnp.float32),
        scratch_types=[
            pltpu.VMEM((B * 6 + L,), jnp.float32),
            pltpu.VMEM((W,), jnp.float32),
            pltpu.VMEM((H,), jnp.float32),
            pltpu.VMEM((2, 2, 2 * K), jnp.int32),
            pltpu.VMEM((8 * K,), jnp.float32),
            pltpu.VMEM((2, 2, 2 * K, C), jnp.float32),
            pltpu.VMEM((2, K * C), jnp.float32),
            pltpu.SemaphoreType.DMA,
            pltpu.SemaphoreType.DMA,
            pltpu.SemaphoreType.DMA,
            pltpu.SemaphoreType.DMA,
        ],
    )(_sc_body)
    return f(flat_images, theta_b, xt_b, yt_b)


def kernel(images, theta):
    flat = images.reshape(N, C)
    theta_b = lax.optimization_barrier(
        theta.astype(jnp.bfloat16)).astype(jnp.float32).reshape(B * 6)
    xt_b = lax.optimization_barrier(
        jnp.linspace(-1.0, 1.0, W).astype(jnp.float32)
        .astype(jnp.bfloat16)).astype(jnp.float32)
    yt_b = lax.optimization_barrier(
        jnp.linspace(-1.0, 1.0, H).astype(jnp.float32)
        .astype(jnp.bfloat16)).astype(jnp.float32)
    out = _spatial_transform(flat, theta_b, xt_b, yt_b)
    return out.reshape(B, H, W, C)

# --- scband reference (transcript-rebuilt; emitter-appended) ---
"""Pipeline reference for scband-spatial-transformer-80461917324002 (READ-ONLY COPY).

The authoritative reference and input builder live on the scoring server;
editing this copy changes nothing except your own understanding.
"""

import jax, jax.numpy as jnp
import numpy as np

B, H, W, C = 8, 224, 224, 192

def setup_inputs(seed: int = 0):
    key = jax.random.key(seed)
    k1, k2 = jax.random.split(key)
    images = jax.random.normal(k1, (B, H, W, C), dtype=jnp.float32)
    # near-identity affine params so sampling grid mostly stays in-bounds
    ident = jnp.tile(jnp.array([1., 0., 0., 0., 1., 0.], jnp.float32), (B, 1))
    theta = ident + 0.1 * jax.random.normal(k2, (B, 6), dtype=jnp.float32)
    return {"images": images, "theta": theta}

def _bilinear_sample(images, x, y):
    Bs, Hs, Ws, Cs = images.shape
    xf = 0.5 * ((x + 1.0) * float(Ws) - 1.0)
    yf = 0.5 * ((y + 1.0) * float(Hs) - 1.0)
    x0f = jnp.floor(xf)
    y0f = jnp.floor(yf)
    x1f = x0f + 1.0
    y1f = y0f + 1.0
    x0 = jnp.clip(x0f.astype(jnp.int32), 0, Ws - 1)
    x1 = jnp.clip(x1f.astype(jnp.int32), 0, Ws - 1)
    y0 = jnp.clip(y0f.astype(jnp.int32), 0, Hs - 1)
    y1 = jnp.clip(y1f.astype(jnp.int32), 0, Hs - 1)
    base = (jnp.arange(Bs, dtype=jnp.int32) * Hs * Ws).reshape(Bs, 1, 1, 1)
    flat = images.reshape(-1, Cs)
    i00 = (base + y0 * Ws + x0).reshape(-1)
    i01 = (base + y1 * Ws + x0).reshape(-1)
    i10 = (base + y0 * Ws + x1).reshape(-1)
    i11 = (base + y1 * Ws + x1).reshape(-1)
    p00 = jnp.take(flat, i00, axis=0)
    p01 = jnp.take(flat, i01, axis=0)
    p10 = jnp.take(flat, i10, axis=0)
    p11 = jnp.take(flat, i11, axis=0)
    wa = ((x1f - xf) * (y1f - yf)).reshape(-1, 1)
    wb = ((x1f - xf) * (yf - y0f)).reshape(-1, 1)
    wc = ((xf - x0f) * (y1f - yf)).reshape(-1, 1)
    wd = ((xf - x0f) * (yf - y0f)).reshape(-1, 1)
    out = wa * p00 + wb * p01 + wc * p10 + wd * p11
    return out.reshape(Bs, Hs, Ws, Cs)

def reference(images, theta):
    Bs, Hs, Ws, Cs = images.shape
    x_t, y_t = jnp.meshgrid(jnp.linspace(-1.0, 1.0, Ws), jnp.linspace(-1.0, 1.0, Hs))
    grid = jnp.stack([x_t.reshape(-1), y_t.reshape(-1), jnp.ones(Hs * Ws, jnp.float32)], axis=0).astype(jnp.float32)  # [3, HW]
    T_g = jnp.matmul(theta.reshape(Bs, 2, 3), grid[None])  # [B, 2, HW]
    x_s = T_g[:, 0, :].reshape(Bs, Hs, Ws, 1)
    y_s = T_g[:, 1, :].reshape(Bs, Hs, Ws, 1)
    return _bilinear_sample(images, x_s, y_s)

if __name__ == "__main__":
    import jax
    _d = setup_inputs()
    print(jax.jit(kernel)(*tuple(_d.values())))

</pallas_src>

<mosaic_0001>
#map = affine_map<(d0, d1) -> (0, 0)>
#map1 = affine_map<(d0, d1) -> (0)>
module attributes {stable_mosaic.version = 14 : i64} {
  func.func @_sc_body(%arg0: i32, %arg1: i32, %arg2: memref<401408x192xf32, #tpu.memory_space<hbm>>, %arg3: memref<48xf32, #tpu.memory_space<hbm>>, %arg4: memref<224xf32, #tpu.memory_space<hbm>>, %arg5: memref<224xf32, #tpu.memory_space<hbm>>, %arg6: memref<77070336xf32, #tpu.memory_space<hbm>>, %arg7: memref<64xf32, #tpu.memory_space<vmem>>, %arg8: memref<224xf32, #tpu.memory_space<vmem>>, %arg9: memref<224xf32, #tpu.memory_space<vmem>>, %arg10: memref<2x2x128xi32, #tpu.memory_space<vmem>>, %arg11: memref<512xf32, #tpu.memory_space<vmem>>, %arg12: memref<2x2x128x192xf32, #tpu.memory_space<vmem>>, %arg13: memref<2x12288xf32, #tpu.memory_space<vmem>>, %arg14: memref<!tpu.dma_semaphore, #tpu.memory_space<semaphore_mem>>, %arg15: memref<!tpu.dma_semaphore, #tpu.memory_space<semaphore_mem>>, %arg16: memref<!tpu.dma_semaphore, #tpu.memory_space<semaphore_mem>>, %arg17: memref<!tpu.dma_semaphore, #tpu.memory_space<semaphore_mem>>) attributes {dimension_semantics = [#tpu.dimension_semantics<core_parallel>, #tpu.dimension_semantics<subcore_parallel>], iteration_bounds = array<i64: 2, 16>, scalar_prefetch = 0 : i64, scratch_operands = 11 : i64, tpu.core_type = #tpu.core_type<sc_vector_subcore>, window_params = [{transform_indices = #map}, {transform_indices = #map1}, {transform_indices = #map1}, {transform_indices = #map1}, {transform_indices = #map1}]} {
    %mul3A = arith.constant 2 : i32
    %mul3A_0 = arith.muli %arg1, %mul3A : i32
    %add3A = arith.addi %mul3A_0, %arg0 : i32
    %mul3A_1 = arith.constant 12544 : i32
    %mul3A_2 = arith.muli %add3A, %mul3A_1 : i32
    %jit3A = arith.constant 4 : i32
    %div3A = arith.divsi %add3A, %jit3A : i32
    %sign3A = arith.constant 0 : i32
    %sign3A_3 = arith.cmpi sgt, %add3A, %sign3A : i32
    %sign3A_4 = arith.extui %sign3A_3 : i1 to i32
    %sign3A_5 = arith.constant 0 : i32
    %sign3A_6 = arith.cmpi slt, %add3A, %sign3A_5 : i32
    %sign3A_7 = arith.extui %sign3A_6 : i1 to i32
    %sign3A_8 = arith.subi %sign3A_4, %sign3A_7 : i32
    %sign3A_9 = arith.constant 0 : i32
    %sign3A_10 = arith.cmpi sgt, %jit3A, %sign3A_9 : i32
    %sign3A_11 = arith.extui %sign3A_10 : i1 to i32
    %sign3A_12 = arith.constant 0 : i32
    %sign3A_13 = arith.cmpi slt, %jit3A, %sign3A_12 : i32
    %sign3A_14 = arith.extui %sign3A_13 : i1 to i32
    %sign3A_15 = arith.subi %sign3A_11, %sign3A_14 : i32
    %ne3A = arith.cmpi ne, %sign3A_8, %sign3A_15 : i32
    %rem3A = arith.remsi %add3A, %jit3A : i32
    %ne3A_16 = arith.constant 0 : i32
    %ne3A_17 = arith.cmpi ne, %rem3A, %ne3A_16 : i32
    %and3A = arith.andi %ne3A, %ne3A_17 : i1
    %sub3A = arith.constant 1 : i32
    %sub3A_18 = arith.subi %div3A, %sub3A : i32
    %select_n3A = arith.select %and3A, %sub3A_18, %div3A : i32
    %mul3A_19 = arith.constant 50176 : i32
    %mul3A_20 = arith.muli %select_n3A, %mul3A_19 : i32
    "tpu.region"() ({
      %run_scoped3A = tpu.sem_alloc : memref<!tpu.dma_semaphore, #tpu.memory_space<semaphore_mem>>
      %dma_start3A_877 = arith.constant 0 : i32
      %dma_start3A_878 = tpu.memref_slice %arg7[%dma_start3A_877] : memref<64xf32, #tpu.memory_space<vmem>> -> memref<48xf32, #tpu.memory_space<vmem>>
      %dma_start3A_879 = arith.constant 0 : i32
      %dma_start3A_880 = tpu.memref_slice %arg7[%dma_start3A_879] : memref<64xf32, #tpu.memory_space<vmem>> -> memref<48xf32, #tpu.memory_space<vmem>>
      tpu.enqueue_dma source(%arg3 : memref<48xf32, #tpu.memory_space<hbm>>) target(%dma_start3A_880 : memref<48xf32, #tpu.memory_space<vmem>>) target_semaphore(%run_scoped3A : memref<!tpu.dma_semaphore, #tpu.memory_space<semaphore_mem>>)
      %dma_wait3A_881 = arith.constant 0 : i32
      %dma_wait3A_882 = tpu.memref_slice %arg7[%dma_wait3A_881] : memref<64xf32, #tpu.memory_space<vmem>> -> memref<48xf32, #tpu.memory_space<vmem>>
      %dma_wait3A_883 = arith.constant 0 : i32
      %dma_wait3A_884 = tpu.memref_slice %arg7[%dma_wait3A_883] : memref<64xf32, #tpu.memory_space<vmem>> -> memref<48xf32, #tpu.memory_space<vmem>>
      tpu.wait_dma2 semaphore(%run_scoped3A : memref<!tpu.dma_semaphore, #tpu.memory_space<semaphore_mem>>) src(%arg3 : memref<48xf32, #tpu.memory_space<hbm>>) dst(%dma_wait3A_884 : memref<48xf32, #tpu.memory_space<vmem>>)
      tpu.yield
    }) : () -> ()
    "tpu.region"() ({
      %run_scoped3A = tpu.sem_alloc : memref<!tpu.dma_semaphore, #tpu.memory_space<semaphore_mem>>
      tpu.enqueue_dma source(%arg4 : memref<224xf32, #tpu.memory_space<hbm>>) target(%arg8 : memref<224xf32, #tpu.memory_space<vmem>>) target_semaphore(%run_scoped3A : memref<!tpu.dma_semaphore, #tpu.memory_space<semaphore_mem>>)
      tpu.wait_dma2 semaphore(%run_scoped3A : memref<!tpu.dma_semaphore, #tpu.memory_space<semaphore_mem>>) src(%arg4 : memref<224xf32, #tpu.memory_space<hbm>>) dst(%arg8 : memref<224xf32, #tpu.memory_space<vmem>>)
      tpu.yield
    }) : () -> ()
    "tpu.region"() ({
      %run_scoped3A = tpu.sem_alloc : memref<!tpu.dma_semaphore, #tpu.memory_space<semaphore_mem>>
      tpu.enqueue_dma source(%arg5 : memref<224xf32, #tpu.memory_space<hbm>>) target(%arg9 : memref<224xf32, #tpu.memory_space<vmem>>) target_semaphore(%run_scoped3A : memref<!tpu.dma_semaphore, #tpu.memory_space<semaphore_mem>>)
      tpu.wait_dma2 semaphore(%run_scoped3A : memref<!tpu.dma_semaphore, #tpu.memory_space<semaphore_mem>>) src(%arg5 : memref<224xf32, #tpu.memory_space<hbm>>) dst(%arg9 : memref<224xf32, #tpu.memory_space<vmem>>)
      tpu.yield
    }) : () -> ()
    %mul3A_21 = arith.constant 6 : i32
    %mul3A_22 = arith.muli %select_n3A, %mul3A_21 : i32
    %add3A_23 = arith.constant 0 : i32
    %add3A_24 = arith.addi %mul3A_22, %add3A_23 : i32
    %broadcast_in_dim3A = vector.broadcast %add3A_24 : i32 to vector<16xi32>
    %gather3A = tpu.vector_load_idx %arg7[%broadcast_in_dim3A] : memref<64xf32, #tpu.memory_space<vmem>>[vector<16xi32>], vector<16xf32>,
    %mul3A_25 = arith.constant 6 : i32
    %mul3A_26 = arith.muli %select_n3A, %mul3A_25 : i32
    %add3A_27 = arith.constant 1 : i32
    %add3A_28 = arith.addi %mul3A_26, %add3A_27 : i32
    %broadcast_in_dim3A_29 = vector.broadcast %add3A_28 : i32 to vector<16xi32>
    %gather3A_30 = tpu.vector_load_idx %arg7[%broadcast_in_dim3A_29] : memref<64xf32, #tpu.memory_space<vmem>>[vector<16xi32>], vector<16xf32>,
    %mul3A_31 = arith.constant 6 : i32
    %mul3A_32 = arith.muli %select_n3A, %mul3A_31 : i32
    %add3A_33 = arith.constant 2 : i32
    %add3A_34 = arith.addi %mul3A_32, %add3A_33 : i32
    %broadcast_in_dim3A_35 = vector.broadcast %add3A_34 : i32 to vector<16xi32>
    %gather3A_36 = tpu.vector_load_idx %arg7[%broadcast_in_dim3A_35] : memref<64xf32, #tpu.memory_space<vmem>>[vector<16xi32>], vector<16xf32>,
    %mul3A_37 = arith.constant 6 : i32
    %mul3A_38 = arith.muli %select_n3A, %mul3A_37 : i32
    %add3A_39 = arith.constant 3 : i32
    %add3A_40 = arith.addi %mul3A_38, %add3A_39 : i32
    %broadcast_in_dim3A_41 = vector.broadcast %add3A_40 : i32 to vector<16xi32>
    %gather3A_42 = tpu.vector_load_idx %arg7[%broadcast_in_dim3A_41] : memref<64xf32, #tpu.memory_space<vmem>>[vector<16xi32>], vector<16xf32>,
    %mul3A_43 = arith.constant 6 : i32
    %mul3A_44 = arith.muli %select_n3A, %mul3A_43 : i32
    %add3A_45 = arith.constant 4 : i32
    %add3A_46 = arith.addi %mul3A_44, %add3A_45 : i32
    %broadcast_in_dim3A_47 = vector.broadcast %add3A_46 : i32 to vector<16xi32>
    %gather3A_48 = tpu.vector_load_idx %arg7[%broadcast_in_dim3A_47] : memref<64xf32, #tpu.memory_space<vmem>>[vector<16xi32>], vector<16xf32>,
    %mul3A_49 = arith.constant 6 : i32
    %mul3A_50 = arith.muli %select_n3A, %mul3A_49 : i32
    %add3A_51 = arith.constant 5 : i32
    %add3A_52 = arith.addi %mul3A_50, %add3A_51 : i32
    %broadcast_in_dim3A_53 = vector.broadcast %add3A_52 : i32 to vector<16xi32>
    %gather3A_54 = tpu.vector_load_idx %arg7[%broadcast_in_dim3A_53] : memref<64xf32, #tpu.memory_space<vmem>>[vector<16xi32>], vector<16xf32>,
    %iota3A = tpu.iota {dimensions = array<i32: 0>} : vector<16xi32>
    %add3A_55 = arith.constant 0 : i32
    %add3A_56 = arith.addi %mul3A_2, %add3A_55 : i32
    %add3A_57 = arith.constant 0 : i32
    %add3A_58 = arith.addi %add3A_56, %add3A_57 : i32
    %add3A_59 = vector.broadcast %add3A_58 : i32 to vector<16xi32>
    %add3A_60 = arith.addi %add3A_59, %iota3A : vector<16xi32>
    %sub3A_61 = vector.broadcast %mul3A_20 : i32 to vector<16xi32>
    %sub3A_62 = arith.subi %add3A_60, %sub3A_61 : vector<16xi32>
    %jit3A_63 = arith.constant 224 : i32
    %div3A_64 = vector.broadcast %jit3A_63 : i32 to vector<16xi32>
    %div3A_65 = arith.divsi %sub3A_62, %div3A_64 : vector<16xi32>
    %sign3A_66 = arith.constant 0 : i32
    %sign3A_67 = vector.broadcast %sign3A_66 : i32 to vector<16xi32>
    %sign3A_68 = arith.cmpi sgt, %sub3A_62, %sign3A_67 : vector<16xi32>
    %sign3A_69 = arith.extui %sign3A_68 : vector<16xi1> to vector<16xi32>
    %sign3A_70 = arith.constant 0 : i32
    %sign3A_71 = vector.broadcast %sign3A_70 : i32 to vector<16xi32>
    %sign3A_72 = arith.cmpi slt, %sub3A_62, %sign3A_71 : vector<16xi32>
    %sign3A_73 = arith.extui %sign3A_72 : vector<16xi1> to vector<16xi32>
    %sign3A_74 = arith.subi %sign3A_69, %sign3A_73 : vector<16xi32>
    %sign3A_75 = arith.constant 0 : i32
    %sign3A_76 = arith.cmpi sgt, %jit3A_63, %sign3A_75 : i32
    %sign3A_77 = arith.extui %sign3A_76 : i1 to i32
    %sign3A_78 = arith.constant 0 : i32
    %sign3A_79 = arith.cmpi slt, %jit3A_63, %sign3A_78 : i32
    %sign3A_80 = arith.extui %sign3A_79 : i1 to i32
    %sign3A_81 = arith.subi %sign3A_77, %sign3A_80 : i32
    %ne3A_82 = vector.broadcast %sign3A_81 : i32 to vector<16xi32>
    %ne3A_83 = arith.cmpi ne, %sign3A_74, %ne3A_82 : vector<16xi32>
    %rem3A_84 = vector.broadcast %jit3A_63 : i32 to vector<16xi32>
    %rem3A_85 = arith.remsi %sub3A_62, %rem3A_84 : vector<16xi32>
    %ne3A_86 = arith.constant 0 : i32
    %ne3A_87 = vector.broadcast %ne3A_86 : i32 to vector<16xi32>
    %ne3A_88 = arith.cmpi ne, %rem3A_85, %ne3A_87 : vector<16xi32>
    %and3A_89 = arith.andi %ne3A_83, %ne3A_88 : vector<16xi1>
    %sub3A_90 = arith.constant 1 : i32
    %sub3A_91 = vector.broadcast %sub3A_90 : i32 to vector<16xi32>
    %sub3A_92 = arith.subi %div3A_65, %sub3A_91 : vector<16xi32>
    %select_n3A_93 = arith.select %and3A_89, %sub3A_92, %div3A_65 : vector<16xi1>, vector<16xi32>
    %mul3A_94 = arith.constant 224 : i32
    %mul3A_95 = vector.broadcast %mul3A_94 : i32 to vector<16xi32>
    %mul3A_96 = arith.muli %select_n3A_93, %mul3A_95 : vector<16xi32>
    %sub3A_97 = arith.subi %sub3A_62, %mul3A_96 : vector<16xi32>
    %gather3A_98 = tpu.vector_load_idx %arg8[%sub3A_97] : memref<224xf32, #tpu.memory_space<vmem>>[vector<16xi32>], vector<16xf32>,
    %gather3A_99 = tpu.vector_load_idx %arg9[%select_n3A_93] : memref<224xf32, #tpu.memory_space<vmem>>[vector<16xi32>], vector<16xf32>,
    %mul3A_100 = arith.mulf %gather3A, %gather3A_98 : vector<16xf32>
    %mul3A_101 = arith.mulf %gather3A_30, %gather3A_99 : vector<16xf32>
    %add3A_102 = arith.addf %mul3A_100, %mul3A_101 : vector<16xf32>
    %add3A_103 = arith.addf %add3A_102, %gather3A_36 : vector<16xf32>
    %mul3A_104 = arith.mulf %gather3A_42, %gather3A_98 : vector<16xf32>
    %mul3A_105 = arith.mulf %gather3A_48, %gather3A_99 : vector<16xf32>
    %add3A_106 = arith.addf %mul3A_104, %mul3A_105 : vector<16xf32>
    %add3A_107 = arith.addf %add3A_106, %gather3A_54 : vector<16xf32>
    %add3A_108 = arith.constant 1.000000e+00 : f32
    %add3A_109 = vector.broadcast %add3A_108 : f32 to vector<16xf32>
    %add3A_110 = arith.addf %add3A_103, %add3A_109 : vector<16xf32>
    %mul3A_111 = arith.constant 2.240000e+02 : f32
    %mul3A_112 = vector.broadcast %mul3A_111 : f32 to vector<16xf32>
    %mul3A_113 = arith.mulf %add3A_110, %mul3A_112 : vector<16xf32>
    %sub3A_114 = arith.constant 1.000000e+00 : f32
    %sub3A_115 = vector.broadcast %sub3A_114 : f32 to vector<16xf32>
    %sub3A_116 = arith.subf %mul3A_113, %sub3A_115 : vector<16xf32>
    %mul3A_117 = arith.constant 5.000000e-01 : f32
    %mul3A_118 = vector.broadcast %mul3A_117 : f32 to vector<16xf32>
    %mul3A_119 = arith.mulf %mul3A_118, %sub3A_116 : vector<16xf32>
    %add3A_120 = arith.constant 1.000000e+00 : f32
    %add3A_121 = vector.broadcast %add3A_120 : f32 to vector<16xf32>
    %add3A_122 = arith.addf %add3A_107, %add3A_121 : vector<16xf32>
    %mul3A_123 = arith.constant 2.240000e+02 : f32
    %mul3A_124 = vector.broadcast %mul3A_123 : f32 to vector<16xf32>
    %mul3A_125 = arith.mulf %add3A_122, %mul3A_124 : vector<16xf32>
    %sub3A_126 = arith.constant 1.000000e+00 : f32
    %sub3A_127 = vector.broadcast %sub3A_126 : f32 to vector<16xf32>
    %sub3A_128 = arith.subf %mul3A_125, %sub3A_127 : vector<16xf32>
    %mul3A_129 = arith.constant 5.000000e-01 : f32
    %mul3A_130 = vector.broadcast %mul3A_129 : f32 to vector<16xf32>
    %mul3A_131 = arith.mulf %mul3A_130, %sub3A_128 : vector<16xf32>
    %max3A = arith.constant -4.000000e+00 : f32
    %max3A_132 = vector.broadcast %max3A : f32 to vector<16xf32>
    %max3A_133 = arith.maximumf %mul3A_119, %max3A_132 : vector<16xf32>
    %min3A = arith.constant 2.280000e+02 : f32
    %min3A_134 = vector.broadcast %min3A : f32 to vector<16xf32>
    %min3A_135 = arith.minimumf %max3A_133, %min3A_134 : vector<16xf32>
    %max3A_136 = arith.constant -4.000000e+00 : f32
    %max3A_137 = vector.broadcast %max3A_136 : f32 to vector<16xf32>
    %max3A_138 = arith.maximumf %mul3A_131, %max3A_137 : vector<16xf32>
    %min3A_139 = arith.constant 2.280000e+02 : f32
    %min3A_140 = vector.broadcast %min3A_139 : f32 to vector<16xf32>
    %min3A_141 = arith.minimumf %max3A_138, %min3A_140 : vector<16xf32>
    %convert_element_type3A = arith.fptosi %min3A_135 : vector<16xf32> to vector<16xi32>
    %convert_element_type3A_142 = arith.sitofp %convert_element_type3A : vector<16xi32> to vector<16xf32>
    %gt3A = arith.cmpf ogt, %convert_element_type3A_142, %min3A_135 : vector<16xf32>
    %sub3A_143 = arith.constant 1.000000e+00 : f32
    %sub3A_144 = vector.broadcast %sub3A_143 : f32 to vector<16xf32>
    %sub3A_145 = arith.subf %convert_element_type3A_142, %sub3A_144 : vector<16xf32>
    %select_n3A_146 = arith.select %gt3A, %sub3A_145, %convert_element_type3A_142 : vector<16xi1>, vector<16xf32>
    %convert_element_type3A_147 = arith.fptosi %min3A_141 : vector<16xf32> to vector<16xi32>
    %convert_element_type3A_148 = arith.sitofp %convert_element_type3A_147 : vector<16xi32> to vector<16xf32>
    %gt3A_149 = arith.cmpf ogt, %convert_element_type3A_148, %min3A_141 : vector<16xf32>
    %sub3A_150 = arith.constant 1.000000e+00 : f32
    %sub3A_151 = vector.broadcast %sub3A_150 : f32 to vector<16xf32>
    %sub3A_152 = arith.subf %convert_element_type3A_148, %sub3A_151 : vector<16xf32>
    %select_n3A_153 = arith.select %gt3A_149, %sub3A_152, %convert_element_type3A_148 : vector<16xi1>, vector<16xf32>
    %add3A_154 = arith.constant 1.000000e+00 : f32
    %add3A_155 = vector.broadcast %add3A_154 : f32 to vector<16xf32>
    %add3A_156 = arith.addf %select_n3A_146, %add3A_155 : vector<16xf32>
    %sub3A_157 = arith.subf %add3A_156, %min3A_135 : vector<16xf32>
    %add3A_158 = arith.constant 1.000000e+00 : f32
    %add3A_159 = vector.broadcast %add3A_158 : f32 to vector<16xf32>
    %add3A_160 = arith.addf %select_n3A_153, %add3A_159 : vector<16xf32>
    %sub3A_161 = arith.subf %add3A_160, %min3A_141 : vector<16xf32>
    %sub3A_162 = arith.subf %min3A_135, %select_n3A_146 : vector<16xf32>
    %sub3A_163 = arith.subf %min3A_141, %select_n3A_153 : vector<16xf32>
    %mul3A_164 = arith.mulf %sub3A_157, %sub3A_161 : vector<16xf32>
    %swap3A = arith.constant 0 : index
    %swap3A_165 = tpu.vector_load %arg11[%swap3A] {strides = array<i32>} : memref<512xf32, #tpu.memory_space<vmem>>, vector<16xf32>,
    tpu.vector_store %arg11[%swap3A], %mul3A_164 {strides = array<i32>} : memref<512xf32, #tpu.memory_space<vmem>>, vector<16xf32>,
    %mul3A_166 = arith.mulf %sub3A_157, %sub3A_163 : vector<16xf32>
    %swap3A_167 = arith.constant 64 : index
    %swap3A_168 = tpu.vector_load %arg11[%swap3A_167] {strides = array<i32>} : memref<512xf32, #tpu.memory_space<vmem>>, vector<16xf32>,
    tpu.vector_store %arg11[%swap3A_167], %mul3A_166 {strides = array<i32>} : memref<512xf32, #tpu.memory_space<vmem>>, vector<16xf32>,
    %mul3A_169 = arith.mulf %sub3A_162, %sub3A_161 : vector<16xf32>
    %swap3A_170 = arith.constant 128 : index
    %swap3A_171 = tpu.vector_load %arg11[%swap3A_170] {strides = array<i32>} : memref<512xf32, #tpu.memory_space<vmem>>, vector<16xf32>,
    tpu.vector_store %arg11[%swap3A_170], %mul3A_169 {strides = array<i32>} : memref<512xf32, #tpu.memory_space<vmem>>, vector<16xf32>,
    %mul3A_172 = arith.mulf %sub3A_162, %sub3A_163 : vector<16xf32>
    %swap3A_173 = arith.constant 192 : index
    %swap3A_174 = tpu.vector_load %arg11[%swap3A_173] {strides = array<i32>} : memref<512xf32, #tpu.memory_space<vmem>>, vector<16xf32>,
    tpu.vector_store %arg11[%swap3A_173], %mul3A_172 {strides = array<i32>} : memref<512xf32, #tpu.memory_space<vmem>>, vector<16xf32>,
    %convert_element_type3A_175 = arith.fptosi %select_n3A_146 : vector<16xf32> to vector<16xi32>
    %convert_element_type3A_176 = arith.fptosi %select_n3A_153 : vector<16xf32> to vector<16xi32>
    %max3A_177 = arith.constant 0 : i32
    %max3A_178 = vector.broadcast %max3A_177 : i32 to vector<16xi32>
    %max3A_179 = arith.maxsi %convert_element_type3A_175, %max3A_178 : vector<16xi32>
    %min3A_180 = arith.constant 223 : i32
    %min3A_181 = vector.broadcast %min3A_180 : i32 to vector<16xi32>
    %min3A_182 = arith.minsi %max3A_179, %min3A_181 : vector<16xi32>
    %add3A_183 = arith.constant 1 : i32
    %add3A_184 = vector.broadcast %add3A_183 : i32 to vector<16xi32>
    %add3A_185 = arith.addi %convert_element_type3A_175, %add3A_184 : vector<16xi32>
    %max3A_186 = arith.constant 0 : i32
    %max3A_187 = vector.broadcast %max3A_186 : i32 to vector<16xi32>
    %max3A_188 = arith.maxsi %add3A_185, %max3A_187 : vector<16xi32>
    %min3A_189 = arith.constant 223 : i32
    %min3A_190 = vector.broadcast %min3A_189 : i32 to vector<16xi32>
    %min3A_191 = arith.minsi %max3A_188, %min3A_190 : vector<16xi32>
    %max3A_192 = arith.constant 0 : i32
    %max3A_193 = vector.broadcast %max3A_192 : i32 to vector<16xi32>
    %max3A_194 = arith.maxsi %convert_element_type3A_176, %max3A_193 : vector<16xi32>
    %min3A_195 = arith.constant 223 : i32
    %min3A_196 = vector.broadcast %min3A_195 : i32 to vector<16xi32>
    %min3A_197 = arith.minsi %max3A_194, %min3A_196 : vector<16xi32>
    %add3A_198 = arith.constant 1 : i32
    %add3A_199 = vector.broadcast %add3A_198 : i32 to vector<16xi32>
    %add3A_200 = arith.addi %convert_element_type3A_176, %add3A_199 : vector<16xi32>
    %max3A_201 = arith.constant 0 : i32
    %max3A_202 = vector.broadcast %max3A_201 : i32 to vector<16xi32>
    %max3A_203 = arith.maxsi %add3A_200, %max3A_202 : vector<16xi32>
    %min3A_204 = arith.constant 223 : i32
    %min3A_205 = vector.broadcast %min3A_204 : i32 to vector<16xi32>
    %min3A_206 = arith.minsi %max3A_203, %min3A_205 : vector<16xi32>
    %mul3A_207 = arith.constant 224 : i32
    %mul3A_208 = vector.broadcast %mul3A_207 : i32 to vector<16xi32>
    %mul3A_209 = arith.muli %min3A_197, %mul3A_208 : vector<16xi32>
    %add3A_210 = vector.broadcast %mul3A_20 : i32 to vector<16xi32>
    %add3A_211 = arith.addi %add3A_210, %mul3A_209 : vector<16xi32>
    %mul3A_212 = arith.constant 224 : i32
    %mul3A_213 = vector.broadcast %mul3A_212 : i32 to vector<16xi32>
    %mul3A_214 = arith.muli %min3A_206, %mul3A_213 : vector<16xi32>
    %add3A_215 = vector.broadcast %mul3A_20 : i32 to vector<16xi32>
    %add3A_216 = arith.addi %add3A_215, %mul3A_214 : vector<16xi32>
    %add3A_217 = arith.addi %add3A_211, %min3A_182 : vector<16xi32>
    %swap3A_218 = arith.constant 0 : i32
    %swap3A_219 = arith.constant 0 : i32
    %swap3A_220 = arith.index_cast %swap3A_218 : i32 to index
    %swap3A_221 = arith.index_cast %swap3A_219 : i32 to index
    %swap3A_222 = arith.constant 0 : index
    %swap3A_223 = tpu.vector_load %arg10[%swap3A_220, %swap3A_221, %swap3A_222] {strides = array<i32>} : memref<2x2x128xi32, #tpu.memory_space<vmem>>, vector<16xi32>,
    tpu.vector_store %arg10[%swap3A_220, %swap3A_221, %swap3A_222], %add3A_217 {strides = array<i32>} : memref<2x2x128xi32, #tpu.memory_space<vmem>>, vector<16xi32>,
    %add3A_224 = arith.addi %add3A_216, %min3A_182 : vector<16xi32>
    %swap3A_225 = arith.constant 0 : i32
    %swap3A_226 = arith.constant 0 : i32
    %swap3A_227 = arith.index_cast %swap3A_225 : i32 to index
    %swap3A_228 = arith.index_cast %swap3A_226 : i32 to index
    %swap3A_229 = arith.constant 64 : index
    %swap3A_230 = tpu.vector_load %arg10[%swap3A_227, %swap3A_228, %swap3A_229] {strides = array<i32>} : memref<2x2x128xi32, #tpu.memory_space<vmem>>, vector<16xi32>,
    tpu.vector_store %arg10[%swap3A_227, %swap3A_228, %swap3A_229], %add3A_224 {strides = array<i32>} : memref<2x2x128xi32, #tpu.memory_space<vmem>>, vector<16xi32>,
    %add3A_231 = arith.addi %add3A_211, %min3A_191 : vector<16xi32>
    %swap3A_232 = arith.constant 0 : i32
    %swap3A_233 = arith.constant 1 : i32
    %swap3A_234 = arith.index_cast %swap3A_232 : i32 to index
    %swap3A_235 = arith.index_cast %swap3A_233 : i32 to index
    %swap3A_236 = arith.constant 0 : index
    %swap3A_237 = tpu.vector_load %arg10[%swap3A_234, %swap3A_235, %swap3A_236] {strides = array<i32>} : memref<2x2x128xi32, #tpu.memory_space<vmem>>, vector<16xi32>,
    tpu.vector_store %arg10[%swap3A_234, %swap3A_235, %swap3A_236], %add3A_231 {strides = array<i32>} : memref<2x2x128xi32, #tpu.memory_space<vmem>>, vector<16xi32>,
    %add3A_238 = arith.addi %add3A_216, %min3A_191 : vector<16xi32>
    %swap3A_239 = arith.constant 0 : i32
    %swap3A_240 = arith.constant 1 : i32
    %swap3A_241 = arith.index_cast %swap3A_239 : i32 to index
    %swap3A_242 = arith.index_cast %swap3A_240 : i32 to index
    %swap3A_243 = arith.constant 64 : index
    %swap3A_244 = tpu.vector_load %arg10[%swap3A_241, %swap3A_242, %swap3A_243] {strides = array<i32>} : memref<2x2x128xi32, #tpu.memory_space<vmem>>, vector<16xi32>,
    tpu.vector_store %arg10[%swap3A_241, %swap3A_242, %swap3A_243], %add3A_238 {strides = array<i32>} : memref<2x2x128xi32, #tpu.memory_space<vmem>>, vector<16xi32>,
    %add3A_245 = arith.constant 16 : i32
    %add3A_246 = arith.addi %add3A_56, %add3A_245 : i32
    %add3A_247 = vector.broadcast %add3A_246 : i32 to vector<16xi32>
    %add3A_248 = arith.addi %add3A_247, %iota3A : vector<16xi32>
    %sub3A_249 = vector.broadcast %mul3A_20 : i32 to vector<16xi32>
    %sub3A_250 = arith.subi %add3A_248, %sub3A_249 : vector<16xi32>
    %jit3A_251 = arith.constant 224 : i32
    %div3A_252 = vector.broadcast %jit3A_251 : i32 to vector<16xi32>
    %div3A_253 = arith.divsi %sub3A_250, %div3A_252 : vector<16xi32>
    %sign3A_254 = arith.constant 0 : i32
    %sign3A_255 = vector.broadcast %sign3A_254 : i32 to vector<16xi32>
    %sign3A_256 = arith.cmpi sgt, %sub3A_250, %sign3A_255 : vector<16xi32>
    %sign3A_257 = arith.extui %sign3A_256 : vector<16xi1> to vector<16xi32>
    %sign3A_258 = arith.constant 0 : i32
    %sign3A_259 = vector.broadcast %sign3A_258 : i32 to vector<16xi32>
    %sign3A_260 = arith.cmpi slt, %sub3A_250, %sign3A_259 : vector<16xi32>
    %sign3A_261 = arith.extui %sign3A_260 : vector<16xi1> to vector<16xi32>
    %sign3A_262 = arith.subi %sign3A_257, %sign3A_261 : vector<16xi32>
    %sign3A_263 = arith.constant 0 : i32
    %sign3A_264 = arith.cmpi sgt, %jit3A_251, %sign3A_263 : i32
    %sign3A_265 = arith.extui %sign3A_264 : i1 to i32
    %sign3A_266 = arith.constant 0 : i32
    %sign3A_267 = arith.cmpi slt, %jit3A_251, %sign3A_266 : i32
    %sign3A_268 = arith.extui %sign3A_267 : i1 to i32
    %sign3A_269 = arith.subi %sign3A_265, %sign3A_268 : i32
    %ne3A_270 = vector.broadcast %sign3A_269 : i32 to vector<16xi32>
    %ne3A_271 = arith.cmpi ne, %sign3A_262, %ne3A_270 : vector<16xi32>
    %rem3A_272 = vector.broadcast %jit3A_251 : i32 to vector<16xi32>
    %rem3A_273 = arith.remsi %sub3A_250, %rem3A_272 : vector<16xi32>
    %ne3A_274 = arith.constant 0 : i32
    %ne3A_275 = vector.broadcast %ne3A_274 : i32 to vector<16xi32>
    %ne3A_276 = arith.cmpi ne, %rem3A_273, %ne3A_275 : vector<16xi32>
    %and3A_277 = arith.andi %ne3A_271, %ne3A_276 : vector<16xi1>
    %sub3A_278 = arith.constant 1 : i32
    %sub3A_279 = vector.broadcast %sub3A_278 : i32 to vector<16xi32>
    %sub3A_280 = arith.subi %div3A_253, %sub3A_279 : vector<16xi32>
    %select_n3A_281 = arith.select %and3A_277, %sub3A_280, %div3A_253 : vector<16xi1>, vector<16xi32>
    %mul3A_282 = arith.constant 224 : i32
    %mul3A_283 = vector.broadcast %mul3A_282 : i32 to vector<16xi32>
    %mul3A_284 = arith.muli %select_n3A_281, %mul3A_283 : vector<16xi32>
    %sub3A_285 = arith.subi %sub3A_250, %mul3A_284 : vector<16xi32>
    %gather3A_286 = tpu.vector_load_idx %arg8[%sub3A_285] : memref<224xf32, #tpu.memory_space<vmem>>[vector<16xi32>], vector<16xf32>,
    %gather3A_287 = tpu.vector_load_idx %arg9[%select_n3A_281] : memref<224xf32, #tpu.memory_space<vmem>>[vector<16xi32>], vector<16xf32>,
    %mul3A_288 = arith.mulf %gather3A, %gather3A_286 : vector<16xf32>
    %mul3A_289 = arith.mulf %gather3A_30, %gather3A_287 : vector<16xf32>
    %add3A_290 = arith.addf %mul3A_288, %mul3A_289 : vector<16xf32>
    %add3A_291 = arith.addf %add3A_290, %gather3A_36 : vector<16xf32>
    %mul3A_292 = arith.mulf %gather3A_42, %gather3A_286 : vector<16xf32>
    %mul3A_293 = arith.mulf %gather3A_48, %gather3A_287 : vector<16xf32>
    %add3A_294 = arith.addf %mul3A_292, %mul3A_293 : vector<16xf32>
    %add3A_295 = arith.addf %add3A_294, %gather3A_54 : vector<16xf32>
    %add3A_296 = arith.constant 1.000000e+00 : f32
    %add3A_297 = vector.broadcast %add3A_296 : f32 to vector<16xf32>
    %add3A_298 = arith.addf %add3A_291, %add3A_297 : vector<16xf32>
    %mul3A_299 = arith.constant 2.240000e+02 : f32
    %mul3A_300 = vector.broadcast %mul3A_299 : f32 to vector<16xf32>
    %mul3A_301 = arith.mulf %add3A_298, %mul3A_300 : vector<16xf32>
    %sub3A_302 = arith.constant 1.000000e+00 : f32
    %sub3A_303 = vector.broadcast %sub3A_302 : f32 to vector<16xf32>
    %sub3A_304 = arith.subf %mul3A_301, %sub3A_303 : vector<16xf32>
    %mul3A_305 = arith.constant 5.000000e-01 : f32
    %mul3A_306 = vector.broadcast %mul3A_305 : f32 to vector<16xf32>
    %mul3A_307 = arith.mulf %mul3A_306, %sub3A_304 : vector<16xf32>
    %add3A_308 = arith.constant 1.000000e+00 : f32
    %add3A_309 = vector.broadcast %add3A_308 : f32 to vector<16xf32>
    %add3A_310 = arith.addf %add3A_295, %add3A_309 : vector<16xf32>
    %mul3A_311 = arith.constant 2.240000e+02 : f32
    %mul3A_312 = vector.broadcast %mul3A_311 : f32 to vector<16xf32>
    %mul3A_313 = arith.mulf %add3A_310, %mul3A_312 : vector<16xf32>
    %sub3A_314 = arith.constant 1.000000e+00 : f32
    %sub3A_315 = vector.broadcast %sub3A_314 : f32 to vector<16xf32>
    %sub3A_316 = arith.subf %mul3A_313, %sub3A_315 : vector<16xf32>
    %mul3A_317 = arith.constant 5.000000e-01 : f32
    %mul3A_318 = vector.broadcast %mul3A_317 : f32 to vector<16xf32>
    %mul3A_319 = arith.mulf %mul3A_318, %sub3A_316 : vector<16xf32>
    %max3A_320 = arith.constant -4.000000e+00 : f32
    %max3A_321 = vector.broadcast %max3A_320 : f32 to vector<16xf32>
    %max3A_322 = arith.maximumf %mul3A_307, %max3A_321 : vector<16xf32>
    %min3A_323 = arith.constant 2.280000e+02 : f32
    %min3A_324 = vector.broadcast %min3A_323 : f32 to vector<16xf32>
    %min3A_325 = arith.minimumf %max3A_322, %min3A_324 : vector<16xf32>
    %max3A_326 = arith.constant -4.000000e+00 : f32
    %max3A_327 = vector.broadcast %max3A_326 : f32 to vector<16xf32>
    %max3A_328 = arith.maximumf %mul3A_319, %max3A_327 : vector<16xf32>
    %min3A_329 = arith.constant 2.280000e+02 : f32
    %min3A_330 = vector.broadcast %min3A_329 : f32 to vector<16xf32>
    %min3A_331 = arith.minimumf %max3A_328, %min3A_330 : vector<16xf32>
    %convert_element_type3A_332 = arith.fptosi %min3A_325 : vector<16xf32> to vector<16xi32>
    %convert_element_type3A_333 = arith.sitofp %convert_element_type3A_332 : vector<16xi32> to vector<16xf32>
    %gt3A_334 = arith.cmpf ogt, %convert_element_type3A_333, %min3A_325 : vector<16xf32>
    %sub3A_335 = arith.constant 1.000000e+00 : f32
    %sub3A_336 = vector.broadcast %sub3A_335 : f32 to vector<16xf32>
    %sub3A_337 = arith.subf %convert_element_type3A_333, %sub3A_336 : vector<16xf32>
    %select_n3A_338 = arith.select %gt3A_334, %sub3A_337, %convert_element_type3A_333 : vector<16xi1>, vector<16xf32>
    %convert_element_type3A_339 = arith.fptosi %min3A_331 : vector<16xf32> to vector<16xi32>
    %convert_element_type3A_340 = arith.sitofp %convert_element_type3A_339 : vector<16xi32> to vector<16xf32>
    %gt3A_341 = arith.cmpf ogt, %convert_element_type3A_340, %min3A_331 : vector<16xf32>
    %sub3A_342 = arith.constant 1.000000e+00 : f32
    %sub3A_343 = vector.broadcast %sub3A_342 : f32 to vector<16xf32>
    %sub3A_344 = arith.subf %convert_element_type3A_340, %sub3A_343 : vector<16xf32>
    %select_n3A_345 = arith.select %gt3A_341, %sub3A_344, %convert_element_type3A_340 : vector<16xi1>, vector<16xf32>
    %add3A_346 = arith.constant 1.000000e+00 : f32
    %add3A_347 = vector.broadcast %add3A_346 : f32 to vector<16xf32>
    %add3A_348 = arith.addf %select_n3A_338, %add3A_347 : vector<16xf32>
    %sub3A_349 = arith.subf %add3A_348, %min3A_325 : vector<16xf32>
    %add3A_350 = arith.constant 1.000000e+00 : f32
    %add3A_351 = vector.broadcast %add3A_350 : f32 to vector<16xf32>
    %add3A_352 = arith.addf %select_n3A_345, %add3A_351 : vector<16xf32>
    %sub3A_353 = arith.subf %add3A_352, %min3A_331 : vector<16xf32>
    %sub3A_354 = arith.subf %min3A_325, %select_n3A_338 : vector<16xf32>
    %sub3A_355 = arith.subf %min3A_331, %select_n3A_345 : vector<16xf32>
    %mul3A_356 = arith.mulf %sub3A_349, %sub3A_353 : vector<16xf32>
    %swap3A_357 = arith.constant 16 : index
    %swap3A_358 = tpu.vector_load %arg11[%swap3A_357] {strides = array<i32>} : memref<512xf32, #tpu.memory_space<vmem>>, vector<16xf32>,
    tpu.vector_store %arg11[%swap3A_357], %mul3A_356 {strides = array<i32>} : memref<512xf32, #tpu.memory_space<vmem>>, vector<16xf32>,
    %mul3A_359 = arith.mulf %sub3A_349, %sub3A_355 : vector<16xf32>
    %swap3A_360 = arith.constant 80 : index
    %swap3A_361 = tpu.vector_load %arg11[%swap3A_360] {strides = array<i32>} : memref<512xf32, #tpu.memory_space<vmem>>, vector<16xf32>,
    tpu.vector_store %arg11[%swap3A_360], %mul3A_359 {strides = array<i32>} : memref<512xf32, #tpu.memory_space<vmem>>, vector<16xf32>,
    %mul3A_362 = arith.mulf %sub3A_354, %sub3A_353 : vector<16xf32>
    %swap3A_363 = arith.constant 144 : index
    %swap3A_364 = tpu.vector_load %arg11[%swap3A_363] {strides = array<i32>} : memref<512xf32, #tpu.memory_space<vmem>>, vector<16xf32>,
    tpu.vector_store %arg11[%swap3A_363], %mul3A_362 {strides = array<i32>} : memref<512xf32, #tpu.memory_space<vmem>>, vector<16xf32>,
    %mul3A_365 = arith.mulf %sub3A_354, %sub3A_355 : vector<16xf32>
    %swap3A_366 = arith.constant 208 : index
    %swap3A_367 = tpu.vector_load %arg11[%swap3A_366] {strides = array<i32>} : memref<512xf32, #tpu.memory_space<vmem>>, vector<16xf32>,
    tpu.vector_store %arg11[%swap3A_366], %mul3A_365 {strides = array<i32>} : memref<512xf32, #tpu.memory_space<vmem>>, vector<16xf32>,
    %convert_element_type3A_368 = arith.fptosi %select_n3A_338 : vector<16xf32> to vector<16xi32>
    %convert_element_type3A_369 = arith.fptosi %select_n3A_345 : vector<16xf32> to vector<16xi32>
    %max3A_370 = arith.constant 0 : i32
    %max3A_371 = vector.broadcast %max3A_370 : i32 to vector<16xi32>
    %max3A_372 = arith.maxsi %convert_element_type3A_368, %max3A_371 : vector<16xi32>
    %min3A_373 = arith.constant 223 : i32
    %min3A_374 = vector.broadcast %min3A_373 : i32 to vector<16xi32>
    %min3A_375 = arith.minsi %max3A_372, %min3A_374 : vector<16xi32>
    %add3A_376 = arith.constant 1 : i32
    %add3A_377 = vector.broadcast %add3A_376 : i32 to vector<16xi32>
    %add3A_378 = arith.addi %convert_element_type3A_368, %add3A_377 : vector<16xi32>
    %max3A_379 = arith.constant 0 : i32
    %max3A_380 = vector.broadcast %max3A_379 : i32 to vector<16xi32>
    %max3A_381 = arith.maxsi %add3A_378, %max3A_380 : vector<16xi32>
    %min3A_382 = arith.constant 223 : i32
    %min3A_383 = vector.broadcast %min3A_382 : i32 to vector<16xi32>
    %min3A_384 = arith.minsi %max3A_381, %min3A_383 : vector<16xi32>
    %max3A_385 = arith.constant 0 : i32
    %max3A_386 = vector.broadcast %max3A_385 : i32 to vector<16xi32>
    %max3A_387 = arith.maxsi %convert_element_type3A_369, %max3A_386 : vector<16xi32>
    %min3A_388 = arith.constant 223 : i32
    %min3A_389 = vector.broadcast %min3A_388 : i32 to vector<16xi32>
    %min3A_390 = arith.minsi %max3A_387, %min3A_389 : vector<16xi32>
    %add3A_391 = arith.constant 1 : i32
    %add3A_392 = vector.broadcast %add3A_391 : i32 to vector<16xi32>
    %add3A_393 = arith.addi %convert_element_type3A_369, %add3A_392 : vector<16xi32>
    %max3A_394 = arith.constant 0 : i32
    %max3A_395 = vector.broadcast %max3A_394 : i32 to vector<16xi32>
    %max3A_396 = arith.maxsi %add3A_393, %max3A_395 : vector<16xi32>
    %min3A_397 = arith.constant 223 : i32
    %min3A_398 = vector.broadcast %min3A_397 : i32 to vector<16xi32>
    %min3A_399 = arith.minsi %max3A_396, %min3A_398 : vector<16xi32>
    %mul3A_400 = arith.constant 224 : i32
    %mul3A_401 = vector.broadcast %mul3A_400 : i32 to vector<16xi32>
    %mul3A_402 = arith.muli %min3A_390, %mul3A_401 : vector<16xi32>
    %add3A_403 = vector.broadcast %mul3A_20 : i32 to vector<16xi32>
    %add3A_404 = arith.addi %add3A_403, %mul3A_402 : vector<16xi32>
    %mul3A_405 = arith.constant 224 : i32
    %mul3A_406 = vector.broadcast %mul3A_405 : i32 to vector<16xi32>
    %mul3A_407 = arith.muli %min3A_399, %mul3A_406 : vector<16xi32>
    %add3A_408 = vector.broadcast %mul3A_20 : i32 to vector<16xi32>
    %add3A_409 = arith.addi %add3A_408, %mul3A_407 : vector<16xi32>
    %add3A_410 = arith.addi %add3A_404, %min3A_375 : vector<16xi32>
    %swap3A_411 = arith.constant 0 : i32
    %swap3A_412 = arith.constant 0 : i32
    %swap3A_413 = arith.index_cast %swap3A_411 : i32 to index
    %swap3A_414 = arith.index_cast %swap3A_412 : i32 to index
    %swap3A_415 = arith.constant 16 : index
    %swap3A_416 = tpu.vector_load %arg10[%swap3A_413, %swap3A_414, %swap3A_415] {strides = array<i32>} : memref<2x2x128xi32, #tpu.memory_space<vmem>>, vector<16xi32>,
    tpu.vector_store %arg10[%swap3A_413, %swap3A_414, %swap3A_415], %add3A_410 {strides = array<i32>} : memref<2x2x128xi32, #tpu.memory_space<vmem>>, vector<16xi32>,
    %add3A_417 = arith.addi %add3A_409, %min3A_375 : vector<16xi32>
    %swap3A_418 = arith.constant 0 : i32
    %swap3A_419 = arith.constant 0 : i32
    %swap3A_420 = arith.index_cast %swap3A_418 : i32 to index
    %swap3A_421 = arith.index_cast %swap3A_419 : i32 to index
    %swap3A_422 = arith.constant 80 : index
    %swap3A_423 = tpu.vector_load %arg10[%swap3A_420, %swap3A_421, %swap3A_422] {strides = array<i32>} : memref<2x2x128xi32, #tpu.memory_space<vmem>>, vector<16xi32>,
    tpu.vector_store %arg10[%swap3A_420, %swap3A_421, %swap3A_422], %add3A_417 {strides = array<i32>} : memref<2x2x128xi32, #tpu.memory_space<vmem>>, vector<16xi32>,
    %add3A_424 = arith.addi %add3A_404, %min3A_384 : vector<16xi32>
    %swap3A_425 = arith.constant 0 : i32
    %swap3A_426 = arith.constant 1 : i32
    %swap3A_427 = arith.index_cast %swap3A_425 : i32 to index
    %swap3A_428 = arith.index_cast %swap3A_426 : i32 to index
    %swap3A_429 = arith.constant 16 : index
    %swap3A_430 = tpu.vector_load %arg10[%swap3A_427, %swap3A_428, %swap3A_429] {strides = array<i32>} : memref<2x2x128xi32, #tpu.memory_space<vmem>>, vector<16xi32>,
    tpu.vector_store %arg10[%swap3A_427, %swap3A_428, %swap3A_429], %add3A_424 {strides = array<i32>} : memref<2x2x128xi32, #tpu.memory_space<vmem>>, vector<16xi32>,
    %add3A_431 = arith.addi %add3A_409, %min3A_384 : vector<16xi32>
    %swap3A_432 = arith.constant 0 : i32
    %swap3A_433 = arith.constant 1 : i32
    %swap3A_434 = arith.index_cast %swap3A_432 : i32 to index
    %swap3A_435 = arith.index_cast %swap3A_433 : i32 to index
    %swap3A_436 = arith.constant 80 : index
    %swap3A_437 = tpu.vector_load %arg10[%swap3A_434, %swap3A_435, %swap3A_436] {strides = array<i32>} : memref<2x2x128xi32, #tpu.memory_space<vmem>>, vector<16xi32>,
    tpu.vector_store %arg10[%swap3A_434, %swap3A_435, %swap3A_436], %add3A_431 {strides = array<i32>} : memref<2x2x128xi32, #tpu.memory_space<vmem>>, vector<16xi32>,
    %add3A_438 = arith.constant 32 : i32
    %add3A_439 = arith.addi %add3A_56, %add3A_438 : i32
    %add3A_440 = vector.broadcast %add3A_439 : i32 to vector<16xi32>
    %add3A_441 = arith.addi %add3A_440, %iota3A : vector<16xi32>
    %sub3A_442 = vector.broadcast %mul3A_20 : i32 to vector<16xi32>
    %sub3A_443 = arith.subi %add3A_441, %sub3A_442 : vector<16xi32>
    %jit3A_444 = arith.constant 224 : i32
    %div3A_445 = vector.broadcast %jit3A_444 : i32 to vector<16xi32>
    %div3A_446 = arith.divsi %sub3A_443, %div3A_445 : vector<16xi32>
    %sign3A_447 = arith.constant 0 : i32
    %sign3A_448 = vector.broadcast %sign3A_447 : i32 to vector<16xi32>
    %sign3A_449 = arith.cmpi sgt, %sub3A_443, %sign3A_448 : vector<16xi32>
    %sign3A_450 = arith.extui %sign3A_449 : vector<16xi1> to vector<16xi32>
    %sign3A_451 = arith.constant 0 : i32
    %sign3A_452 = vector.broadcast %sign3A_451 : i32 to vector<16xi32>
    %sign3A_453 = arith.cmpi slt, %sub3A_443, %sign3A_452 : vector<16xi32>
    %sign3A_454 = arith.extui %sign3A_453 : vector<16xi1> to vector<16xi32>
    %sign3A_455 = arith.subi %sign3A_450, %sign3A_454 : vector<16xi32>
    %sign3A_456 = arith.constant 0 : i32
    %sign3A_457 = arith.cmpi sgt, %jit3A_444, %sign3A_456 : i32
    %sign3A_458 = arith.extui %sign3A_457 : i1 to i32
    %sign3A_459 = arith.constant 0 : i32
    %sign3A_460 = arith.cmpi slt, %jit3A_444, %sign3A_459 : i32
    %sign3A_461 = arith.extui %sign3A_460 : i1 to i32
    %sign3A_462 = arith.subi %sign3A_458, %sign3A_461 : i32
    %ne3A_463 = vector.broadcast %sign3A_462 : i32 to vector<16xi32>
    %ne3A_464 = arith.cmpi ne, %sign3A_455, %ne3A_463 : vector<16xi32>
    %rem3A_465 = vector.broadcast %jit3A_444 : i32 to vector<16xi32>
    %rem3A_466 = arith.remsi %sub3A_443, %rem3A_465 : vector<16xi32>
    %ne3A_467 = arith.constant 0 : i32
    %ne3A_468 = vector.broadcast %ne3A_467 : i32 to vector<16xi32>
    %ne3A_469 = arith.cmpi ne, %rem3A_466, %ne3A_468 : vector<16xi32>
    %and3A_470 = arith.andi %ne3A_464, %ne3A_469 : vector<16xi1>
    %sub3A_471 = arith.constant 1 : i32
    %sub3A_472 = vector.broadcast %sub3A_471 : i32 to vector<16xi32>
    %sub3A_473 = arith.subi %div3A_446, %sub3A_472 : vector<16xi32>
    %select_n3A_474 = arith.select %and3A_470, %sub3A_473, %div3A_446 : vector<16xi1>, vector<16xi32>
    %mul3A_475 = arith.constant 224 : i32
    %mul3A_476 = vector.broadcast %mul3A_475 : i32 to vector<16xi32>
    %mul3A_477 = arith.muli %select_n3A_474, %mul3A_476 : vector<16xi32>
    %sub3A_478 = arith.subi %sub3A_443, %mul3A_477 : vector<16xi32>
    %gather3A_479 = tpu.vector_load_idx %arg8[%sub3A_478] : memref<224xf32, #tpu.memory_space<vmem>>[vector<16xi32>], vector<16xf32>,
    %gather3A_480 = tpu.vector_load_idx %arg9[%select_n3A_474] : memref<224xf32, #tpu.memory_space<vmem>>[vector<16xi32>], vector<16xf32>,
    %mul3A_481 = arith.mulf %gather3A, %gather3A_479 : vector<16xf32>
    %mul3A_482 = arith.mulf %gather3A_30, %gather3A_480 : vector<16xf32>
    %add3A_483 = arith.addf %mul3A_481, %mul3A_482 : vector<16xf32>
    %add3A_484 = arith.addf %add3A_483, %gather3A_36 : vector<16xf32>
    %mul3A_485 = arith.mulf %gather3A_42, %gather3A_479 : vector<16xf32>
    %mul3A_486 = arith.mulf %gather3A_48, %gather3A_480 : vector<16xf32>
    %add3A_487 = arith.addf %mul3A_485, %mul3A_486 : vector<16xf32>
    %add3A_488 = arith.addf %add3A_487, %gather3A_54 : vector<16xf32>
    %add3A_489 = arith.constant 1.000000e+00 : f32
    %add3A_490 = vector.broadcast %add3A_489 : f32 to vector<16xf32>
    %add3A_491 = arith.addf %add3A_484, %add3A_490 : vector<16xf32>
    %mul3A_492 = arith.constant 2.240000e+02 : f32
    %mul3A_493 = vector.broadcast %mul3A_492 : f32 to vector<16xf32>
    %mul3A_494 = arith.mulf %add3A_491, %mul3A_493 : vector<16xf32>
    %sub3A_495 = arith.constant 1.000000e+00 : f32
    %sub3A_496 = vector.broadcast %sub3A_495 : f32 to vector<16xf32>
    %sub3A_497 = arith.subf %mul3A_494, %sub3A_496 : vector<16xf32>
    %mul3A_498 = arith.constant 5.000000e-01 : f32
    %mul3A_499 = vector.broadcast %mul3A_498 : f32 to vector<16xf32>
    %mul3A_500 = arith.mulf %mul3A_499, %sub3A_497 : vector<16xf32>
    %add3A_501 = arith.constant 1.000000e+00 : f32
    %add3A_502 = vector.broadcast %add3A_501 : f32 to vector<16xf32>
    %add3A_503 = arith.addf %add3A_488, %add3A_502 : vector<16xf32>
    %mul3A_504 = arith.constant 2.240000e+02 : f32
    %mul3A_505 = vector.broadcast %mul3A_504 : f32 to vector<16xf32>
    %mul3A_506 = arith.mulf %add3A_503, %mul3A_505 : vector<16xf32>
    %sub3A_507 = arith.constant 1.000000e+00 : f32
    %sub3A_508 = vector.broadcast %sub3A_507 : f32 to vector<16xf32>
    %sub3A_509 = arith.subf %mul3A_506, %sub3A_508 : vector<16xf32>
    %mul3A_510 = arith.constant 5.000000e-01 : f32
    %mul3A_511 = vector.broadcast %mul3A_510 : f32 to vector<16xf32>
    %mul3A_512 = arith.mulf %mul3A_511, %sub3A_509 : vector<16xf32>
    %max3A_513 = arith.constant -4.000000e+00 : f32
    %max3A_514 = vector.broadcast %max3A_513 : f32 to vector<16xf32>
    %max3A_515 = arith.maximumf %mul3A_500, %max3A_514 : vector<16xf32>
    %min3A_516 = arith.constant 2.280000e+02 : f32
    %min3A_517 = vector.broadcast %min3A_516 : f32 to vector<16xf32>
    %min3A_518 = arith.minimumf %max3A_515, %min3A_517 : vector<16xf32>
    %max3A_519 = arith.constant -4.000000e+00 : f32
    %max3A_520 = vector.broadcast %max3A_519 : f32 to vector<16xf32>
    %max3A_521 = arith.maximumf %mul3A_512, %max3A_520 : vector<16xf32>
    %min3A_522 = arith.constant 2.280000e+02 : f32
    %min3A_523 = vector.broadcast %min3A_522 : f32 to vector<16xf32>
    %min3A_524 = arith.minimumf %max3A_521, %min3A_523 : vector<16xf32>
    %convert_element_type3A_525 = arith.fptosi %min3A_518 : vector<16xf32> to vector<16xi32>
    %convert_element_type3A_526 = arith.sitofp %convert_element_type3A_525 : vector<16xi32> to vector<16xf32>
    %gt3A_527 = arith.cmpf ogt, %convert_element_type3A_526, %min3A_518 : vector<16xf32>
    %sub3A_528 = arith.constant 1.000000e+00 : f32
    %sub3A_529 = vector.broadcast %sub3A_528 : f32 to vector<16xf32>
    %sub3A_530 = arith.subf %convert_element_type3A_526, %sub3A_529 : vector<16xf32>
    %select_n3A_531 = arith.select %gt3A_527, %sub3A_530, %convert_element_type3A_526 : vector<16xi1>, vector<16xf32>
    %convert_element_type3A_532 = arith.fptosi %min3A_524 : vector<16xf32> to vector<16xi32>
    %convert_element_type3A_533 = arith.sitofp %convert_element_type3A_532 : vector<16xi32> to vector<16xf32>
    %gt3A_534 = arith.cmpf ogt, %convert_element_type3A_533, %min3A_524 : vector<16xf32>
    %sub3A_535 = arith.constant 1.000000e+00 : f32
    %sub3A_536 = vector.broadcast %sub3A_535 : f32 to vector<16xf32>
    %sub3A_537 = arith.subf %convert_element_type3A_533, %sub3A_536 : vector<16xf32>
    %select_n3A_538 = arith.select %gt3A_534, %sub3A_537, %convert_element_type3A_533 : vector<16xi1>, vector<16xf32>
    %add3A_539 = arith.constant 1.000000e+00 : f32
    %add3A_540 = vector.broadcast %add3A_539 : f32 to vector<16xf32>
    %add3A_541 = arith.addf %select_n3A_531, %add3A_540 : vector<16xf32>
    %sub3A_542 = arith.subf %add3A_541, %min3A_518 : vector<16xf32>
    %add3A_543 = arith.constant 1.000000e+00 : f32
    %add3A_544 = vector.broadcast %add3A_543 : f32 to vector<16xf32>
    %add3A_545 = arith.addf %select_n3A_538, %add3A_544 : vector<16xf32>
    %sub3A_546 = arith.subf %add3A_545, %min3A_524 : vector<16xf32>
    %sub3A_547 = arith.subf %min3A_518, %select_n3A_531 : vector<16xf32>
    %sub3A_548 = arith.subf %min3A_524, %select_n3A_538 : vector<16xf32>
    %mul3A_549 = arith.mulf %sub3A_542, %sub3A_546 : vector<16xf32>
    %swap3A_550 = arith.constant 32 : index
    %swap3A_551 = tpu.vector_load %arg11[%swap3A_550] {strides = array<i32>} : memref<512xf32, #tpu.memory_space<vmem>>, vector<16xf32>,
    tpu.vector_store %arg11[%swap3A_550], %mul3A_549 {strides = array<i32>} : memref<512xf32, #tpu.memory_space<vmem>>, vector<16xf32>,
    %mul3A_552 = arith.mulf %sub3A_542, %sub3A_548 : vector<16xf32>
    %swap3A_553 = arith.constant 96 : index
    %swap3A_554 = tpu.vector_load %arg11[%swap3A_553] {strides = array<i32>} : memref<512xf32, #tpu.memory_space<vmem>>, vector<16xf32>,
    tpu.vector_store %arg11[%swap3A_553], %mul3A_552 {strides = array<i32>} : memref<512xf32, #tpu.memory_space<vmem>>, vector<16xf32>,
    %mul3A_555 = arith.mulf %sub3A_547, %sub3A_546 : vector<16xf32>
    %swap3A_556 = arith.constant 160 : index
    %swap3A_557 = tpu.vector_load %arg11[%swap3A_556] {strides = array<i32>} : memref<512xf32, #tpu.memory_space<vmem>>, vector<16xf32>,
    tpu.vector_store %arg11[%swap3A_556], %mul3A_555 {strides = array<i32>} : memref<512xf32, #tpu.memory_space<vmem>>, vector<16xf32>,
    %mul3A_558 = arith.mulf %sub3A_547, %sub3A_548 : vector<16xf32>
    %swap3A_559 = arith.constant 224 : index
    %swap3A_560 = tpu.vector_load %arg11[%swap3A_559] {strides = array<i32>} : memref<512xf32, #tpu.memory_space<vmem>>, vector<16xf32>,
    tpu.vector_store %arg11[%swap3A_559], %mul3A_558 {strides = array<i32>} : memref<512xf32, #tpu.memory_space<vmem>>, vector<16xf32>,
    %convert_element_type3A_561 = arith.fptosi %select_n3A_531 : vector<16xf32> to vector<16xi32>
    %convert_element_type3A_562 = arith.fptosi %select_n3A_538 : vector<16xf32> to vector<16xi32>
    %max3A_563 = arith.constant 0 : i32
    %max3A_564 = vector.broadcast %max3A_563 : i32 to vector<16xi32>
    %max3A_565 = arith.maxsi %convert_element_type3A_561, %max3A_564 : vector<16xi32>
    %min3A_566 = arith.constant 223 : i32
    %min3A_567 = vector.broadcast %min3A_566 : i32 to vector<16xi32>
    %min3A_568 = arith.minsi %max3A_565, %min3A_567 : vector<16xi32>
    %add3A_569 = arith.constant 1 : i32
    %add3A_570 = vector.broadcast %add3A_569 : i32 to vector<16xi32>
    %add3A_571 = arith.addi %convert_element_type3A_561, %add3A_570 : vector<16xi32>
    %max3A_572 = arith.constant 0 : i32
    %max3A_573 = vector.broadcast %max3A_572 : i32 to vector<16xi32>
    %max3A_574 = arith.maxsi %add3A_571, %max3A_573 : vector<16xi32>
    %min3A_575 = arith.constant 223 : i32
    %min3A_576 = vector.broadcast %min3A_575 : i32 to vector<16xi32>
    %min3A_577 = arith.minsi %max3A_574, %min3A_576 : vector<16xi32>
    %max3A_578 = arith.constant 0 : i32
    %max3A_579 = vector.broadcast %max3A_578 : i32 to vector<16xi32>
    %max3A_580 = arith.maxsi %convert_element_type3A_562, %max3A_579 : vector<16xi32>
    %min3A_581 = arith.constant 223 : i32
    %min3A_582 = vector.broadcast %min3A_581 : i32 to vector<16xi32>
    %min3A_583 = arith.minsi %max3A_580, %min3A_582 : vector<16xi32>
    %add3A_584 = arith.constant 1 : i32
    %add3A_585 = vector.broadcast %add3A_584 : i32 to vector<16xi32>
    %add3A_586 = arith.addi %convert_element_type3A_562, %add3A_585 : vector<16xi32>
    %max3A_587 = arith.constant 0 : i32
    %max3A_588 = vector.broadcast %max3A_587 : i32 to vector<16xi32>
    %max3A_589 = arith.maxsi %add3A_586, %max3A_588 : vector<16xi32>
    %min3A_590 = arith.constant 223 : i32
    %min3A_591 = vector.broadcast %min3A_590 : i32 to vector<16xi32>
    %min3A_592 = arith.minsi %max3A_589, %min3A_591 : vector<16xi32>
    %mul3A_593 = arith.constant 224 : i32
    %mul3A_594 = vector.broadcast %mul3A_593 : i32 to vector<16xi32>
    %mul3A_595 = arith.muli %min3A_583, %mul3A_594 : vector<16xi32>
    %add3A_596 = vector.broadcast %mul3A_20 : i32 to vector<16xi32>
    %add3A_597 = arith.addi %add3A_596, %mul3A_595 : vector<16xi32>
    %mul3A_598 = arith.constant 224 : i32
    %mul3A_599 = vector.broadcast %mul3A_598 : i32 to vector<16xi32>
    %mul3A_600 = arith.muli %min3A_592, %mul3A_599 : vector<16xi32>
    %add3A_601 = vector.broadcast %mul3A_20 : i32 to vector<16xi32>
    %add3A_602 = arith.addi %add3A_601, %mul3A_600 : vector<16xi32>
    %add3A_603 = arith.addi %add3A_597, %min3A_568 : vector<16xi32>
    %swap3A_604 = arith.constant 0 : i32
    %swap3A_605 = arith.constant 0 : i32
    %swap3A_606 = arith.index_cast %swap3A_604 : i32 to index
    %swap3A_607 = arith.index_cast %swap3A_605 : i32 to index
    %swap3A_608 = arith.constant 32 : index
    %swap3A_609 = tpu.vector_load %arg10[%swap3A_606, %swap3A_607, %swap3A_608] {strides = array<i32>} : memref<2x2x128xi32, #tpu.memory_space<vmem>>, vector<16xi32>,
    tpu.vector_store %arg10[%swap3A_606, %swap3A_607, %swap3A_608], %add3A_603 {strides = array<i32>} : memref<2x2x128xi32, #tpu.memory_space<vmem>>, vector<16xi32>,
    %add3A_610 = arith.addi %add3A_602, %min3A_568 : vector<16xi32>
    %swap3A_611 = arith.constant 0 : i32
    %swap3A_612 = arith.constant 0 : i32
    %swap3A_613 = arith.index_cast %swap3A_611 : i32 to index
    %swap3A_614 = arith.index_cast %swap3A_612 : i32 to index
    %swap3A_615 = arith.constant 96 : index
    %swap3A_616 = tpu.vector_load %arg10[%swap3A_613, %swap3A_614, %swap3A_615] {strides = array<i32>} : memref<2x2x128xi32, #tpu.memory_space<vmem>>, vector<16xi32>,
    tpu.vector_store %arg10[%swap3A_613, %swap3A_614, %swap3A_615], %add3A_610 {strides = array<i32>} : memref<2x2x128xi32, #tpu.memory_space<vmem>>, vector<16xi32>,
    %add3A_617 = arith.addi %add3A_597, %min3A_577 : vector<16xi32>
    %swap3A_618 = arith.constant 0 : i32
    %swap3A_619 = arith.constant 1 : i32
    %swap3A_620 = arith.index_cast %swap3A_618 : i32 to index
    %swap3A_621 = arith.index_cast %swap3A_619 : i32 to index
    %swap3A_622 = arith.constant 32 : index
    %swap3A_623 = tpu.vector_load %arg10[%swap3A_620, %swap3A_621, %swap3A_622] {strides = array<i32>} : memref<2x2x128xi32, #tpu.memory_space<vmem>>, vector<16xi32>,
    tpu.vector_store %arg10[%swap3A_620, %swap3A_621, %swap3A_622], %add3A_617 {strides = array<i32>} : memref<2x2x128xi32, #tpu.memory_space<vmem>>, vector<16xi32>,
    %add3A_624 = arith.addi %add3A_602, %min3A_577 : vector<16xi32>
    %swap3A_625 = arith.constant 0 : i32
    %swap3A_626 = arith.constant 1 : i32
    %swap3A_627 = arith.index_cast %swap3A_625 : i32 to index
    %swap3A_628 = arith.index_cast %swap3A_626 : i32 to index
    %swap3A_629 = arith.constant 96 : index
    %swap3A_630 = tpu.vector_load %arg10[%swap3A_627, %swap3A_628, %swap3A_629] {strides = array<i32>} : memref<2x2x128xi32, #tpu.memory_space<vmem>>, vector<16xi32>,
    tpu.vector_store %arg10[%swap3A_627, %swap3A_628, %swap3A_629], %add3A_624 {strides = array<i32>} : memref<2x2x128xi32, #tpu.memory_space<vmem>>, vector<16xi32>,
    %add3A_631 = arith.constant 48 : i32
    %add3A_632 = arith.addi %add3A_56, %add3A_631 : i32
    %add3A_633 = vector.broadcast %add3A_632 : i32 to vector<16xi32>
    %add3A_634 = arith.addi %add3A_633, %iota3A : vector<16xi32>
    %sub3A_635 = vector.broadcast %mul3A_20 : i32 to vector<16xi32>
    %sub3A_636 = arith.subi %add3A_634, %sub3A_635 : vector<16xi32>
    %jit3A_637 = arith.constant 224 : i32
    %div3A_638 = vector.broadcast %jit3A_637 : i32 to vector<16xi32>
    %div3A_639 = arith.divsi %sub3A_636, %div3A_638 : vector<16xi32>
    %sign3A_640 = arith.constant 0 : i32
    %sign3A_641 = vector.broadcast %sign3A_640 : i32 to vector<16xi32>
    %sign3A_642 = arith.cmpi sgt, %sub3A_636, %sign3A_641 : vector<16xi32>
    %sign3A_643 = arith.extui %sign3A_642 : vector<16xi1> to vector<16xi32>
    %sign3A_644 = arith.constant 0 : i32
    %sign3A_645 = vector.broadcast %sign3A_644 : i32 to vector<16xi32>
    %sign3A_646 = arith.cmpi slt, %sub3A_636, %sign3A_645 : vector<16xi32>
    %sign3A_647 = arith.extui %sign3A_646 : vector<16xi1> to vector<16xi32>
    %sign3A_648 = arith.subi %sign3A_643, %sign3A_647 : vector<16xi32>
    %sign3A_649 = arith.constant 0 : i32
    %sign3A_650 = arith.cmpi sgt, %jit3A_637, %sign3A_649 : i32
    %sign3A_651 = arith.extui %sign3A_650 : i1 to i32
    %sign3A_652 = arith.constant 0 : i32
    %sign3A_653 = arith.cmpi slt, %jit3A_637, %sign3A_652 : i32
    %sign3A_654 = arith.extui %sign3A_653 : i1 to i32
    %sign3A_655 = arith.subi %sign3A_651, %sign3A_654 : i32
    %ne3A_656 = vector.broadcast %sign3A_655 : i32 to vector<16xi32>
    %ne3A_657 = arith.cmpi ne, %sign3A_648, %ne3A_656 : vector<16xi32>
    %rem3A_658 = vector.broadcast %jit3A_637 : i32 to vector<16xi32>
    %rem3A_659 = arith.remsi %sub3A_636, %rem3A_658 : vector<16xi32>
    %ne3A_660 = arith.constant 0 : i32
    %ne3A_661 = vector.broadcast %ne3A_660 : i32 to vector<16xi32>
    %ne3A_662 = arith.cmpi ne, %rem3A_659, %ne3A_661 : vector<16xi32>
    %and3A_663 = arith.andi %ne3A_657, %ne3A_662 : vector<16xi1>
    %sub3A_664 = arith.constant 1 : i32
    %sub3A_665 = vector.broadcast %sub3A_664 : i32 to vector<16xi32>
    %sub3A_666 = arith.subi %div3A_639, %sub3A_665 : vector<16xi32>
    %select_n3A_667 = arith.select %and3A_663, %sub3A_666, %div3A_639 : vector<16xi1>, vector<16xi32>
    %mul3A_668 = arith.constant 224 : i32
    %mul3A_669 = vector.broadcast %mul3A_668 : i32 to vector<16xi32>
    %mul3A_670 = arith.muli %select_n3A_667, %mul3A_669 : vector<16xi32>
    %sub3A_671 = arith.subi %sub3A_636, %mul3A_670 : vector<16xi32>
    %gather3A_672 = tpu.vector_load_idx %arg8[%sub3A_671] : memref<224xf32, #tpu.memory_space<vmem>>[vector<16xi32>], vector<16xf32>,
    %gather3A_673 = tpu.vector_load_idx %arg9[%select_n3A_667] : memref<224xf32, #tpu.memory_space<vmem>>[vector<16xi32>], vector<16xf32>,
    %mul3A_674 = arith.mulf %gather3A, %gather3A_672 : vector<16xf32>
    %mul3A_675 = arith.mulf %gather3A_30, %gather3A_673 : vector<16xf32>
    %add3A_676 = arith.addf %mul3A_674, %mul3A_675 : vector<16xf32>
    %add3A_677 = arith.addf %add3A_676, %gather3A_36 : vector<16xf32>
    %mul3A_678 = arith.mulf %gather3A_42, %gather3A_672 : vector<16xf32>
    %mul3A_679 = arith.mulf %gather3A_48, %gather3A_673 : vector<16xf32>
    %add3A_680 = arith.addf %mul3A_678, %mul3A_679 : vector<16xf32>
    %add3A_681 = arith.addf %add3A_680, %gather3A_54 : vector<16xf32>
    %add3A_682 = arith.constant 1.000000e+00 : f32
    %add3A_683 = vector.broadcast %add3A_682 : f32 to vector<16xf32>
    %add3A_684 = arith.addf %add3A_677, %add3A_683 : vector<16xf32>
    %mul3A_685 = arith.constant 2.240000e+02 : f32
    %mul3A_686 = vector.broadcast %mul3A_685 : f32 to vector<16xf32>
    %mul3A_687 = arith.mulf %add3A_684, %mul3A_686 : vector<16xf32>
    %sub3A_688 = arith.constant 1.000000e+00 : f32
    %sub3A_689 = vector.broadcast %sub3A_688 : f32 to vector<16xf32>
    %sub3A_690 = arith.subf %mul3A_687, %sub3A_689 : vector<16xf32>
    %mul3A_691 = arith.constant 5.000000e-01 : f32
    %mul3A_692 = vector.broadcast %mul3A_691 : f32 to vector<16xf32>
    %mul3A_693 = arith.mulf %mul3A_692, %sub3A_690 : vector<16xf32>
    %add3A_694 = arith.constant 1.000000e+00 : f32
    %add3A_695 = vector.broadcast %add3A_694 : f32 to vector<16xf32>
    %add3A_696 = arith.addf %add3A_681, %add3A_695 : vector<16xf32>
    %mul3A_697 = arith.constant 2.240000e+02 : f32
    %mul3A_698 = vector.broadcast %mul3A_697 : f32 to vector<16xf32>
    %mul3A_699 = arith.mulf %add3A_696, %mul3A_698 : vector<16xf32>
    %sub3A_700 = arith.constant 1.000000e+00 : f32
    %sub3A_701 = vector.broadcast %sub3A_700 : f32 to vector<16xf32>
    %sub3A_702 = arith.subf %mul3A_699, %sub3A_701 : vector<16xf32>
    %mul3A_703 = arith.constant 5.000000e-01 : f32
    %mul3A_704 = vector.broadcast %mul3A_703 : f32 to vector<16xf32>
    %mul3A_705 = arith.mulf %mul3A_704, %sub3A_702 : vector<16xf32>
    %max3A_706 = arith.constant -4.000000e+00 : f32
    %max3A_707 = vector.broadcast %max3A_706 : f32 to vector<16xf32>
    %max3A_708 = arith.maximumf %mul3A_693, %max3A_707 : vector<16xf32>
    %min3A_709 = arith.constant 2.280000e+02 : f32
    %min3A_710 = vector.broadcast %min3A_709 : f32 to vector<16xf32>
    %min3A_711 = arith.minimumf %max3A_708, %min3A_710 : vector<16xf32>
    %max3A_712 = arith.constant -4.000000e+00 : f32
    %max3A_713 = vector.broadcast %max3A_712 : f32 to vector<16xf32>
    %max3A_714 = arith.maximumf %mul3A_705, %max3A_713 : vector<16xf32>
    %min3A_715 = arith.constant 2.280000e+02 : f32
    %min3A_716 = vector.broadcast %min3A_715 : f32 to vector<16xf32>
    %min3A_717 = arith.minimumf %max3A_714, %min3A_716 : vector<16xf32>
    %convert_element_type3A_718 = arith.fptosi %min3A_711 : vector<16xf32> to vector<16xi32>
    %convert_element_type3A_719 = arith.sitofp %convert_element_type3A_718 : vector<16xi32> to vector<16xf32>
    %gt3A_720 = arith.cmpf ogt, %convert_element_type3A_719, %min3A_711 : vector<16xf32>
    %sub3A_721 = arith.constant 1.000000e+00 : f32
    %sub3A_722 = vector.broadcast %sub3A_721 : f32 to vector<16xf32>
    %sub3A_723 = arith.subf %convert_element_type3A_719, %sub3A_722 : vector<16xf32>
    %select_n3A_724 = arith.select %gt3A_720, %sub3A_723, %convert_element_type3A_719 : vector<16xi1>, vector<16xf32>
    %convert_element_type3A_725 = arith.fptosi %min3A_717 : vector<16xf32> to vector<16xi32>
    %convert_element_type3A_726 = arith.sitofp %convert_element_type3A_725 : vector<16xi32> to vector<16xf32>
    %gt3A_727 = arith.cmpf ogt, %convert_element_type3A_726, %min3A_717 : vector<16xf32>
    %sub3A_728 = arith.constant 1.000000e+00 : f32
    %sub3A_729 = vector.broadcast %sub3A_728 : f32 to vector<16xf32>
    %sub3A_730 = arith.subf %convert_element_type3A_726, %sub3A_729 : vector<16xf32>
    %select_n3A_731 = arith.select %gt3A_727, %sub3A_730, %convert_element_type3A_726 : vector<16xi1>, vector<16xf32>
    %add3A_732 = arith.constant 1.000000e+00 : f32
    %add3A_733 = vector.broadcast %add3A_732 : f32 to vector<16xf32>
    %add3A_734 = arith.addf %select_n3A_724, %add3A_733 : vector<16xf32>
    %sub3A_735 = arith.subf %add3A_734, %min3A_711 : vector<16xf32>
    %add3A_736 = arith.constant 1.000000e+00 : f32
    %add3A_737 = vector.broadcast %add3A_736 : f32 to vector<16xf32>
    %add3A_738 = arith.addf %select_n3A_731, %add3A_737 : vector<16xf32>
    %sub3A_739 = arith.subf %add3A_738, %min3A_717 : vector<16xf32>
    %sub3A_740 = arith.subf %min3A_711, %select_n3A_724 : vector<16xf32>
    %sub3A_741 = arith.subf %min3A_717, %select_n3A_731 : vector<16xf32>
    %mul3A_742 = arith.mulf %sub3A_735, %sub3A_739 : vector<16xf32>
    %swap3A_743 = arith.constant 48 : index
    %swap3A_744 = tpu.vector_load %arg11[%swap3A_743] {strides = array<i32>} : memref<512xf32, #tpu.memory_space<vmem>>, vector<16xf32>,
    tpu.vector_store %arg11[%swap3A_743], %mul3A_742 {strides = array<i32>} : memref<512xf32, #tpu.memory_space<vmem>>, vector<16xf32>,
    %mul3A_745 = arith.mulf %sub3A_735, %sub3A_741 : vector<16xf32>
    %swap3A_746 = arith.constant 112 : index
    %swap3A_747 = tpu.vector_load %arg11[%swap3A_746] {strides = array<i32>} : memref<512xf32, #tpu.memory_space<vmem>>, vector<16xf32>,
    tpu.vector_store %arg11[%swap3A_746], %mul3A_745 {strides = array<i32>} : memref<512xf32, #tpu.memory_space<vmem>>, vector<16xf32>,
    %mul3A_748 = arith.mulf %sub3A_740, %sub3A_739 : vector<16xf32>
    %swap3A_749 = arith.constant 176 : index
    %swap3A_750 = tpu.vector_load %arg11[%swap3A_749] {strides = array<i32>} : memref<512xf32, #tpu.memory_space<vmem>>, vector<16xf32>,
    tpu.vector_store %arg11[%swap3A_749], %mul3A_748 {strides = array<i32>} : memref<512xf32, #tpu.memory_space<vmem>>, vector<16xf32>,
    %mul3A_751 = arith.mulf %sub3A_740, %sub3A_741 : vector<16xf32>
    %swap3A_752 = arith.constant 240 : index
    %swap3A_753 = tpu.vector_load %arg11[%swap3A_752] {strides = array<i32>} : memref<512xf32, #tpu.memory_space<vmem>>, vector<16xf32>,
    tpu.vector_store %arg11[%swap3A_752], %mul3A_751 {strides = array<i32>} : memref<512xf32, #tpu.memory_space<vmem>>, vector<16xf32>,
    %convert_element_type3A_754 = arith.fptosi %select_n3A_724 : vector<16xf32> to vector<16xi32>
    %convert_element_type3A_755 = arith.fptosi %select_n3A_731 : vector<16xf32> to vector<16xi32>
    %max3A_756 = arith.constant 0 : i32
    %max3A_757 = vector.broadcast %max3A_756 : i32 to vector<16xi32>
    %max3A_758 = arith.maxsi %convert_element_type3A_754, %max3A_757 : vector<16xi32>
    %min3A_759 = arith.constant 223 : i32
    %min3A_760 = vector.broadcast %min3A_759 : i32 to vector<16xi32>
    %min3A_761 = arith.minsi %max3A_758, %min3A_760 : vector<16xi32>
    %add3A_762 = arith.constant 1 : i32
    %add3A_763 = vector.broadcast %add3A_762 : i32 to vector<16xi32>
    %add3A_764 = arith.addi %convert_element_type3A_754, %add3A_763 : vector<16xi32>
    %max3A_765 = arith.constant 0 : i32
    %max3A_766 = vector.broadcast %max3A_765 : i32 to vector<16xi32>
    %max3A_767 = arith.maxsi %add3A_764, %max3A_766 : vector<16xi32>
    %min3A_768 = arith.constant 223 : i32
    %min3A_769 = vector.broadcast %min3A_768 : i32 to vector<16xi32>
    %min3A_770 = arith.minsi %max3A_767, %min3A_769 : vector<16xi32>
    %max3A_771 = arith.constant 0 : i32
    %max3A_772 = vector.broadcast %max3A_771 : i32 to vector<16xi32>
    %max3A_773 = arith.maxsi %convert_element_type3A_755, %max3A_772 : vector<16xi32>
    %min3A_774 = arith.constant 223 : i32
    %min3A_775 = vector.broadcast %min3A_774 : i32 to vector<16xi32>
    %min3A_776 = arith.minsi %max3A_773, %min3A_775 : vector<16xi32>
    %add3A_777 = arith.constant 1 : i32
    %add3A_778 = vector.broadcast %add3A_777 : i32 to vector<16xi32>
    %add3A_779 = arith.addi %convert_element_type3A_755, %add3A_778 : vector<16xi32>
    %max3A_780 = arith.constant 0 : i32
    %max3A_781 = vector.broadcast %max3A_780 : i32 to vector<16xi32>
    %max3A_782 = arith.maxsi %add3A_779, %max3A_781 : vector<16xi32>
    %min3A_783 = arith.constant 223 : i32
    %min3A_784 = vector.broadcast %min3A_783 : i32 to vector<16xi32>
    %min3A_785 = arith.minsi %max3A_782, %min3A_784 : vector<16xi32>
    %mul3A_786 = arith.constant 224 : i32
    %mul3A_787 = vector.broadcast %mul3A_786 : i32 to vector<16xi32>
    %mul3A_788 = arith.muli %min3A_776, %mul3A_787 : vector<16xi32>
    %add3A_789 = vector.broadcast %mul3A_20 : i32 to vector<16xi32>
    %add3A_790 = arith.addi %add3A_789, %mul3A_788 : vector<16xi32>
    %mul3A_791 = arith.constant 224 : i32
    %mul3A_792 = vector.broadcast %mul3A_791 : i32 to vector<16xi32>
    %mul3A_793 = arith.muli %min3A_785, %mul3A_792 : vector<16xi32>
    %add3A_794 = vector.broadcast %mul3A_20 : i32 to vector<16xi32>
    %add3A_795 = arith.addi %add3A_794, %mul3A_793 : vector<16xi32>
    %add3A_796 = arith.addi %add3A_790, %min3A_761 : vector<16xi32>
    %swap3A_797 = arith.constant 0 : i32
    %swap3A_798 = arith.constant 0 : i32
    %swap3A_799 = arith.index_cast %swap3A_797 : i32 to index
    %swap3A_800 = arith.index_cast %swap3A_798 : i32 to index
    %swap3A_801 = arith.constant 48 : index
    %swap3A_802 = tpu.vector_load %arg10[%swap3A_799, %swap3A_800, %swap3A_801] {strides = array<i32>} : memref<2x2x128xi32, #tpu.memory_space<vmem>>, vector<16xi32>,
    tpu.vector_store %arg10[%swap3A_799, %swap3A_800, %swap3A_801], %add3A_796 {strides = array<i32>} : memref<2x2x128xi32, #tpu.memory_space<vmem>>, vector<16xi32>,
    %add3A_803 = arith.addi %add3A_795, %min3A_761 : vector<16xi32>
    %swap3A_804 = arith.constant 0 : i32
    %swap3A_805 = arith.constant 0 : i32
    %swap3A_806 = arith.index_cast %swap3A_804 : i32 to index
    %swap3A_807 = arith.index_cast %swap3A_805 : i32 to index
    %swap3A_808 = arith.constant 112 : index
    %swap3A_809 = tpu.vector_load %arg10[%swap3A_806, %swap3A_807, %swap3A_808] {strides = array<i32>} : memref<2x2x128xi32, #tpu.memory_space<vmem>>, vector<16xi32>,
    tpu.vector_store %arg10[%swap3A_806, %swap3A_807, %swap3A_808], %add3A_803 {strides = array<i32>} : memref<2x2x128xi32, #tpu.memory_space<vmem>>, vector<16xi32>,
    %add3A_810 = arith.addi %add3A_790, %min3A_770 : vector<16xi32>
    %swap3A_811 = arith.constant 0 : i32
    %swap3A_812 = arith.constant 1 : i32
    %swap3A_813 = arith.index_cast %swap3A_811 : i32 to index
    %swap3A_814 = arith.index_cast %swap3A_812 : i32 to index
    %swap3A_815 = arith.constant 48 : index
    %swap3A_816 = tpu.vector_load %arg10[%swap3A_813, %swap3A_814, %swap3A_815] {strides = array<i32>} : memref<2x2x128xi32, #tpu.memory_space<vmem>>, vector<16xi32>,
    tpu.vector_store %arg10[%swap3A_813, %swap3A_814, %swap3A_815], %add3A_810 {strides = array<i32>} : memref<2x2x128xi32, #tpu.memory_space<vmem>>, vector<16xi32>,
    %add3A_817 = arith.addi %add3A_795, %min3A_770 : vector<16xi32>
    %swap3A_818 = arith.constant 0 : i32
    %swap3A_819 = arith.constant 1 : i32
    %swap3A_820 = arith.index_cast %swap3A_818 : i32 to index
    %swap3A_821 = arith.index_cast %swap3A_819 : i32 to index
    %swap3A_822 = arith.constant 112 : index
    %swap3A_823 = tpu.vector_load %arg10[%swap3A_820, %swap3A_821, %swap3A_822] {strides = array<i32>} : memref<2x2x128xi32, #tpu.memory_space<vmem>>, vector<16xi32>,
    tpu.vector_store %arg10[%swap3A_820, %swap3A_821, %swap3A_822], %add3A_817 {strides = array<i32>} : memref<2x2x128xi32, #tpu.memory_space<vmem>>, vector<16xi32>,
    %dma_start3A = arith.constant 0 : i32
    %dma_start3A_824 = arith.constant 0 : i32
    %dma_start3A_825 = arith.constant 0 : i32
    %dma_start3A_826 = arith.constant 0 : i32
    %dma_start3A_827 = arith.constant 0 : i32
    %dma_start3A_828 = arith.constant 0 : i32
    %dma_start3A_829 = tpu.memref_slice %arg12[%dma_start3A_825, %dma_start3A_826, %dma_start3A_827, %dma_start3A_828] : memref<2x2x128x192xf32, #tpu.memory_space<vmem>> -> memref<1x1x128x192xf32, #tpu.memory_space<vmem>>
    %dma_start3A_830 = tpu.memref_squeeze %dma_start3A_829 : memref<1x1x128x192xf32, #tpu.memory_space<vmem>> -> memref<128x192xf32, #tpu.memory_space<vmem>>
    %dma_start3A_831 = arith.constant 0 : i32
    %dma_start3A_832 = tpu.memref_slice %arg10[%dma_start3A, %dma_start3A_824, %dma_start3A_831] : memref<2x2x128xi32, #tpu.memory_space<vmem>> -> memref<1x1x128xi32, #tpu.memory_space<vmem>>
    %dma_start3A_833 = tpu.memref_squeeze %dma_start3A_832 : memref<1x1x128xi32, #tpu.memory_space<vmem>> -> memref<128xi32, #tpu.memory_space<vmem>>
    %dma_start3A_834 = arith.constant 0 : i32
    %dma_start3A_835 = arith.constant 0 : i32
    %dma_start3A_836 = tpu.memref_slice %arg2[%dma_start3A_834, %dma_start3A_835] : memref<401408x192xf32, #tpu.memory_space<hbm>> -> memref<401408x192xf32, #tpu.memory_space<hbm>>
    tpu.enqueue_indirect_dma source(%dma_start3A_836 : memref<401408x192xf32, #tpu.memory_space<hbm>>) target(%dma_start3A_830 : memref<128x192xf32, #tpu.memory_space<vmem>>) offsets(%dma_start3A_833 : memref<128xi32, #tpu.memory_space<vmem>>) semaphore(%arg14 : memref<!tpu.dma_semaphore, #tpu.memory_space<semaphore_mem>>)
    %dma_start3A_837 = arith.constant 0 : i32
    %dma_start3A_838 = arith.constant 1 : i32
    %dma_start3A_839 = arith.constant 0 : i32
    %dma_start3A_840 = arith.constant 1 : i32
    %dma_start3A_841 = arith.constant 0 : i32
    %dma_start3A_842 = arith.constant 0 : i32
    %dma_start3A_843 = tpu.memref_slice %arg12[%dma_start3A_839, %dma_start3A_840, %dma_start3A_841, %dma_start3A_842] : memref<2x2x128x192xf32, #tpu.memory_space<vmem>> -> memref<1x1x128x192xf32, #tpu.memory_space<vmem>>
    %dma_start3A_844 = tpu.memref_squeeze %dma_start3A_843 : memref<1x1x128x192xf32, #tpu.memory_space<vmem>> -> memref<128x192xf32, #tpu.memory_space<vmem>>
    %dma_start3A_845 = arith.constant 0 : i32
    %dma_start3A_846 = tpu.memref_slice %arg10[%dma_start3A_837, %dma_start3A_838, %dma_start3A_845] : memref<2x2x128xi32, #tpu.memory_space<vmem>> -> memref<1x1x128xi32, #tpu.memory_space<vmem>>
    %dma_start3A_847 = tpu.memref_squeeze %dma_start3A_846 : memref<1x1x128xi32, #tpu.memory_space<vmem>> -> memref<128xi32, #tpu.memory_space<vmem>>
    %dma_start3A_848 = arith.constant 0 : i32
    %dma_start3A_849 = arith.constant 0 : i32
    %dma_start3A_850 = tpu.memref_slice %arg2[%dma_start3A_848, %dma_start3A_849] : memref<401408x192xf32, #tpu.memory_space<hbm>> -> memref<401408x192xf32, #tpu.memory_space<hbm>>
    tpu.enqueue_indirect_dma source(%dma_start3A_850 : memref<401408x192xf32, #tpu.memory_space<hbm>>) target(%dma_start3A_844 : memref<128x192xf32, #tpu.memory_space<vmem>>) offsets(%dma_start3A_847 : memref<128xi32, #tpu.memory_space<vmem>>) semaphore(%arg14 : memref<!tpu.dma_semaphore, #tpu.memory_space<semaphore_mem>>)
    %scan3A = arith.constant 0 : i32
    %scan3A_851 = arith.constant 0 : i32
    %scan3A_852 = arith.constant 98 : i32
    %scan3A_853 = arith.addi %scan3A_851, %scan3A_852 : i32
    %scan3A_854 = arith.constant 1 : i32
    scf.for %scan3A_877 = %scan3A_851 to %scan3A_853 step %scan3A_854  : i32 {
      %mul3A_878 = arith.constant 2 : i32
      %mul3A_879 = arith.muli %mul3A_878, %scan3A_877 : i32
      %add3A_880 = arith.constant 1 : i32
      %add3A_881 = arith.addi %mul3A_879, %add3A_880 : i32
      %mul3A_882 = arith.constant 64 : i32
      %mul3A_883 = arith.muli %add3A_881, %mul3A_882 : i32
      %add3A_884 = arith.addi %mul3A_2, %mul3A_883 : i32
      %add3A_885 = arith.constant 0 : i32
      %add3A_886 = arith.addi %add3A_884, %add3A_885 : i32
      %add3A_887 = vector.broadcast %add3A_886 : i32 to vector<16xi32>
      %add3A_888 = arith.addi %add3A_887, %iota3A : vector<16xi32>
      %sub3A_889 = vector.broadcast %mul3A_20 : i32 to vector<16xi32>
      %sub3A_890 = arith.subi %add3A_888, %sub3A_889 : vector<16xi32>
      %jit3A_891 = arith.constant 224 : i32
      %div3A_892 = vector.broadcast %jit3A_891 : i32 to vector<16xi32>
      %div3A_893 = arith.divsi %sub3A_890, %div3A_892 : vector<16xi32>
      %sign3A_894 = arith.constant 0 : i32
      %sign3A_895 = vector.broadcast %sign3A_894 : i32 to vector<16xi32>
      %sign3A_896 = arith.cmpi sgt, %sub3A_890, %sign3A_895 : vector<16xi32>
      %sign3A_897 = arith.extui %sign3A_896 : vector<16xi1> to vector<16xi32>
      %sign3A_898 = arith.constant 0 : i32
      %sign3A_899 = vector.broadcast %sign3A_898 : i32 to vector<16xi32>
      %sign3A_900 = arith.cmpi slt, %sub3A_890, %sign3A_899 : vector<16xi32>
      %sign3A_901 = arith.extui %sign3A_900 : vector<16xi1> to vector<16xi32>
      %sign3A_902 = arith.subi %sign3A_897, %sign3A_901 : vector<16xi32>
      %sign3A_903 = arith.constant 0 : i32
      %sign3A_904 = arith.cmpi sgt, %jit3A_891, %sign3A_903 : i32
      %sign3A_905 = arith.extui %sign3A_904 : i1 to i32
      %sign3A_906 = arith.constant 0 : i32
      %sign3A_907 = arith.cmpi slt, %jit3A_891, %sign3A_906 : i32
      %sign3A_908 = arith.extui %sign3A_907 : i1 to i32
      %sign3A_909 = arith.subi %sign3A_905, %sign3A_908 : i32
      %ne3A_910 = vector.broadcast %sign3A_909 : i32 to vector<16xi32>
      %ne3A_911 = arith.cmpi ne, %sign3A_902, %ne3A_910 : vector<16xi32>
      %rem3A_912 = vector.broadcast %jit3A_891 : i32 to vector<16xi32>
      %rem3A_913 = arith.remsi %sub3A_890, %rem3A_912 : vector<16xi32>
      %ne3A_914 = arith.constant 0 : i32
      %ne3A_915 = vector.broadcast %ne3A_914 : i32 to vector<16xi32>
      %ne3A_916 = arith.cmpi ne, %rem3A_913, %ne3A_915 : vector<16xi32>
      %and3A_917 = arith.andi %ne3A_911, %ne3A_916 : vector<16xi1>
      %sub3A_918 = arith.constant 1 : i32
      %sub3A_919 = vector.broadcast %sub3A_918 : i32 to vector<16xi32>
      %sub3A_920 = arith.subi %div3A_893, %sub3A_919 : vector<16xi32>
      %select_n3A_921 = arith.select %and3A_917, %sub3A_920, %div3A_893 : vector<16xi1>, vector<16xi32>
      %mul3A_922 = arith.constant 224 : i32
      %mul3A_923 = vector.broadcast %mul3A_922 : i32 to vector<16xi32>
      %mul3A_924 = arith.muli %select_n3A_921, %mul3A_923 : vector<16xi32>
      %sub3A_925 = arith.subi %sub3A_890, %mul3A_924 : vector<16xi32>
      %gather3A_926 = tpu.vector_load_idx %arg8[%sub3A_925] : memref<224xf32, #tpu.memory_space<vmem>>[vector<16xi32>], vector<16xf32>,
      %gather3A_927 = tpu.vector_load_idx %arg9[%select_n3A_921] : memref<224xf32, #tpu.memory_space<vmem>>[vector<16xi32>], vector<16xf32>,
      %mul3A_928 = arith.mulf %gather3A, %gather3A_926 : vector<16xf32>
      %mul3A_929 = arith.mulf %gather3A_30, %gather3A_927 : vector<16xf32>
      %add3A_930 = arith.addf %mul3A_928, %mul3A_929 : vector<16xf32>
      %add3A_931 = arith.addf %add3A_930, %gather3A_36 : vector<16xf32>
      %mul3A_932 = arith.mulf %gather3A_42, %gather3A_926 : vector<16xf32>
      %mul3A_933 = arith.mulf %gather3A_48, %gather3A_927 : vector<16xf32>
      %add3A_934 = arith.addf %mul3A_932, %mul3A_933 : vector<16xf32>
      %add3A_935 = arith.addf %add3A_934, %gather3A_54 : vector<16xf32>
      %add3A_936 = arith.constant 1.000000e+00 : f32
      %add3A_937 = vector.broadcast %add3A_936 : f32 to vector<16xf32>
      %add3A_938 = arith.addf %add3A_931, %add3A_937 : vector<16xf32>
      %mul3A_939 = arith.constant 2.240000e+02 : f32
      %mul3A_940 = vector.broadcast %mul3A_939 : f32 to vector<16xf32>
      %mul3A_941 = arith.mulf %add3A_938, %mul3A_940 : vector<16xf32>
      %sub3A_942 = arith.constant 1.000000e+00 : f32
      %sub3A_943 = vector.broadcast %sub3A_942 : f32 to vector<16xf32>
      %sub3A_944 = arith.subf %mul3A_941, %sub3A_943 : vector<16xf32>
      %mul3A_945 = arith.constant 5.000000e-01 : f32
      %mul3A_946 = vector.broadcast %mul3A_945 : f32 to vector<16xf32>
      %mul3A_947 = arith.mulf %mul3A_946, %sub3A_944 : vector<16xf32>
      %add3A_948 = arith.constant 1.000000e+00 : f32
      %add3A_949 = vector.broadcast %add3A_948 : f32 to vector<16xf32>
      %add3A_950 = arith.addf %add3A_935, %add3A_949 : vector<16xf32>
      %mul3A_951 = arith.constant 2.240000e+02 : f32
      %mul3A_952 = vector.broadcast %mul3A_951 : f32 to vector<16xf32>
      %mul3A_953 = arith.mulf %add3A_950, %mul3A_952 : vector<16xf32>
      %sub3A_954 = arith.constant 1.000000e+00 : f32
      %sub3A_955 = vector.broadcast %sub3A_954 : f32 to vector<16xf32>
      %sub3A_956 = arith.subf %mul3A_953, %sub3A_955 : vector<16xf32>
      %mul3A_957 = arith.constant 5.000000e-01 : f32
      %mul3A_958 = vector.broadcast %mul3A_957 : f32 to vector<16xf32>
      %mul3A_959 = arith.mulf %mul3A_958, %sub3A_956 : vector<16xf32>
      %max3A_960 = arith.constant -4.000000e+00 : f32
      %max3A_961 = vector.broadcast %max3A_960 : f32 to vector<16xf32>
      %max3A_962 = arith.maximumf %mul3A_947, %max3A_961 : vector<16xf32>
      %min3A_963 = arith.constant 2.280000e+02 : f32
      %min3A_964 = vector.broadcast %min3A_963 : f32 to vector<16xf32>
      %min3A_965 = arith.minimumf %max3A_962, %min3A_964 : vector<16xf32>
      %max3A_966 = arith.constant -4.000000e+00 : f32
      %max3A_967 = vector.broadcast %max3A_966 : f32 to vector<16xf32>
      %max3A_968 = arith.maximumf %mul3A_959, %max3A_967 : vector<16xf32>
      %min3A_969 = arith.constant 2.280000e+02 : f32
      %min3A_970 = vector.broadcast %min3A_969 : f32 to vector<16xf32>
      %min3A_971 = arith.minimumf %max3A_968, %min3A_970 : vector<16xf32>
      %convert_element_type3A_972 = arith.fptosi %min3A_965 : vector<16xf32> to vector<16xi32>
      %convert_element_type3A_973 = arith.sitofp %convert_element_type3A_972 : vector<16xi32> to vector<16xf32>
      %gt3A_974 = arith.cmpf ogt, %convert_element_type3A_973, %min3A_965 : vector<16xf32>
      %sub3A_975 = arith.constant 1.000000e+00 : f32
      %sub3A_976 = vector.broadcast %sub3A_975 : f32 to vector<16xf32>
      %sub3A_977 = arith.subf %convert_element_type3A_973, %sub3A_976 : vector<16xf32>
      %select_n3A_978 = arith.select %gt3A_974, %sub3A_977, %convert_element_type3A_973 : vector<16xi1>, vector<16xf32>
      %convert_element_type3A_979 = arith.fptosi %min3A_971 : vector<16xf32> to vector<16xi32>
      %convert_element_type3A_980 = arith.sitofp %convert_element_type3A_979 : vector<16xi32> to vector<16xf32>
      %gt3A_981 = arith.cmpf ogt, %convert_element_type3A_980, %min3A_971 : vector<16xf32>
      %sub3A_982 = arith.constant 1.000000e+00 : f32
      %sub3A_983 = vector.broadcast %sub3A_982 : f32 to vector<16xf32>
      %sub3A_984 = arith.subf %convert_element_type3A_980, %sub3A_983 : vector<16xf32>
      %select_n3A_985 = arith.select %gt3A_981, %sub3A_984, %convert_element_type3A_980 : vector<16xi1>, vector<16xf32>
      %add3A_986 = arith.constant 1.000000e+00 : f32
      %add3A_987 = vector.broadcast %add3A_986 : f32 to vector<16xf32>
      %add3A_988 = arith.addf %select_n3A_978, %add3A_987 : vector<16xf32>
      %sub3A_989 = arith.subf %add3A_988, %min3A_965 : vector<16xf32>
      %add3A_990 = arith.constant 1.000000e+00 : f32
      %add3A_991 = vector.broadcast %add3A_990 : f32 to vector<16xf32>
      %add3A_992 = arith.addf %select_n3A_985, %add3A_991 : vector<16xf32>
      %sub3A_993 = arith.subf %add3A_992, %min3A_971 : vector<16xf32>
      %sub3A_994 = arith.subf %min3A_965, %select_n3A_978 : vector<16xf32>
      %sub3A_995 = arith.subf %min3A_971, %select_n3A_985 : vector<16xf32>
      %mul3A_996 = arith.mulf %sub3A_989, %sub3A_993 : vector<16xf32>
      %swap3A_997 = arith.constant 256 : index
      %swap3A_998 = tpu.vector_load %arg11[%swap3A_997] {strides = array<i32>} : memref<512xf32, #tpu.memory_space<vmem>>, vector<16xf32>,
      tpu.vector_store %arg11[%swap3A_997], %mul3A_996 {strides = array<i32>} : memref<512xf32, #tpu.memory_space<vmem>>, vector<16xf32>,
      %mul3A_999 = arith.mulf %sub3A_989, %sub3A_995 : vector<16xf32>
      %swap3A_1000 = arith.constant 320 : index
      %swap3A_1001 = tpu.vector_load %arg11[%swap3A_1000] {strides = array<i32>} : memref<512xf32, #tpu.memory_space<vmem>>, vector<16xf32>,
      tpu.vector_store %arg11[%swap3A_1000], %mul3A_999 {strides = array<i32>} : memref<512xf32, #tpu.memory_space<vmem>>, vector<16xf32>,
      %mul3A_1002 = arith.mulf %sub3A_994, %sub3A_993 : vector<16xf32>
      %swap3A_1003 = arith.constant 384 : index
      %swap3A_1004 = tpu.vector_load %arg11[%swap3A_1003] {strides = array<i32>} : memref<512xf32, #tpu.memory_space<vmem>>, vector<16xf32>,
      tpu.vector_store %arg11[%swap3A_1003], %mul3A_1002 {strides = array<i32>} : memref<512xf32, #tpu.memory_space<vmem>>, vector<16xf32>,
      %mul3A_1005 = arith.mulf %sub3A_994, %sub3A_995 : vector<16xf32>
      %swap3A_1006 = arith.constant 448 : index
      %swap3A_1007 = tpu.vector_load %arg11[%swap3A_1006] {strides = array<i32>} : memref<512xf32, #tpu.memory_space<vmem>>, vector<16xf32>,
      tpu.vector_store %arg11[%swap3A_1006], %mul3A_1005 {strides = array<i32>} : memref<512xf32, #tpu.memory_space<vmem>>, vector<16xf32>,
      %convert_element_type3A_1008 = arith.fptosi %select_n3A_978 : vector<16xf32> to vector<16xi32>
      %convert_element_type3A_1009 = arith.fptosi %select_n3A_985 : vector<16xf32> to vector<16xi32>
      %max3A_1010 = arith.constant 0 : i32
      %max3A_1011 = vector.broadcast %max3A_1010 : i32 to vector<16xi32>
      %max3A_1012 = arith.maxsi %convert_element_type3A_1008, %max3A_1011 : vector<16xi32>
      %min3A_1013 = arith.constant 223 : i32
      %min3A_1014 = vector.broadcast %min3A_1013 : i32 to vector<16xi32>
      %min3A_1015 = arith.minsi %max3A_1012, %min3A_1014 : vector<16xi32>
      %add3A_1016 = arith.constant 1 : i32
      %add3A_1017 = vector.broadcast %add3A_1016 : i32 to vector<16xi32>
      %add3A_1018 = arith.addi %convert_element_type3A_1008, %add3A_1017 : vector<16xi32>
      %max3A_1019 = arith.constant 0 : i32
      %max3A_1020 = vector.broadcast %max3A_1019 : i32 to vector<16xi32>
      %max3A_1021 = arith.maxsi %add3A_1018, %max3A_1020 : vector<16xi32>
      %min3A_1022 = arith.constant 223 : i32
      %min3A_1023 = vector.broadcast %min3A_1022 : i32 to vector<16xi32>
      %min3A_1024 = arith.minsi %max3A_1021, %min3A_1023 : vector<16xi32>
      %max3A_1025 = arith.constant 0 : i32
      %max3A_1026 = vector.broadcast %max3A_1025 : i32 to vector<16xi32>
      %max3A_1027 = arith.maxsi %convert_element_type3A_1009, %max3A_1026 : vector<16xi32>
      %min3A_1028 = arith.constant 223 : i32
      %min3A_1029 = vector.broadcast %min3A_1028 : i32 to vector<16xi32>
      %min3A_1030 = arith.minsi %max3A_1027, %min3A_1029 : vector<16xi32>
      %add3A_1031 = arith.constant 1 : i32
      %add3A_1032 = vector.broadcast %add3A_1031 : i32 to vector<16xi32>
      %add3A_1033 = arith.addi %convert_element_type3A_1009, %add3A_1032 : vector<16xi32>
      %max3A_1034 = arith.constant 0 : i32
      %max3A_1035 = vector.broadcast %max3A_1034 : i32 to vector<16xi32>
      %max3A_1036 = arith.maxsi %add3A_1033, %max3A_1035 : vector<16xi32>
      %min3A_1037 = arith.constant 223 : i32
      %min3A_1038 = vector.broadcast %min3A_1037 : i32 to vector<16xi32>
      %min3A_1039 = arith.minsi %max3A_1036, %min3A_1038 : vector<16xi32>
      %mul3A_1040 = arith.constant 224 : i32
      %mul3A_1041 = vector.broadcast %mul3A_1040 : i32 to vector<16xi32>
      %mul3A_1042 = arith.muli %min3A_1030, %mul3A_1041 : vector<16xi32>
      %add3A_1043 = vector.broadcast %mul3A_20 : i32 to vector<16xi32>
      %add3A_1044 = arith.addi %add3A_1043, %mul3A_1042 : vector<16xi32>
      %mul3A_1045 = arith.constant 224 : i32
      %mul3A_1046 = vector.broadcast %mul3A_1045 : i32 to vector<16xi32>
      %mul3A_1047 = arith.muli %min3A_1039, %mul3A_1046 : vector<16xi32>
      %add3A_1048 = vector.broadcast %mul3A_20 : i32 to vector<16xi32>
      %add3A_1049 = arith.addi %add3A_1048, %mul3A_1047 : vector<16xi32>
      %add3A_1050 = arith.addi %add3A_1044, %min3A_1015 : vector<16xi32>
      %swap3A_1051 = arith.constant 1 : i32
      %swap3A_1052 = arith.constant 0 : i32
      %swap3A_1053 = arith.index_cast %swap3A_1051 : i32 to index
      %swap3A_1054 = arith.index_cast %swap3A_1052 : i32 to index
      %swap3A_1055 = arith.constant 0 : index
      %swap3A_1056 = tpu.vector_load %arg10[%swap3A_1053, %swap3A_1054, %swap3A_1055] {strides = array<i32>} : memref<2x2x128xi32, #tpu.memory_space<vmem>>, vector<16xi32>,
      tpu.vector_store %arg10[%swap3A_1053, %swap3A_1054, %swap3A_1055], %add3A_1050 {strides = array<i32>} : memref<2x2x128xi32, #tpu.memory_space<vmem>>, vector<16xi32>,
      %add3A_1057 = arith.addi %add3A_1049, %min3A_1015 : vector<16xi32>
      %swap3A_1058 = arith.constant 1 : i32
      %swap3A_1059 = arith.constant 0 : i32
      %swap3A_1060 = arith.index_cast %swap3A_1058 : i32 to index
      %swap3A_1061 = arith.index_cast %swap3A_1059 : i32 to index
      %swap3A_1062 = arith.constant 64 : index
      %swap3A_1063 = tpu.vector_load %arg10[%swap3A_1060, %swap3A_1061, %swap3A_1062] {strides = array<i32>} : memref<2x2x128xi32, #tpu.memory_space<vmem>>, vector<16xi32>,
      tpu.vector_store %arg10[%swap3A_1060, %swap3A_1061, %swap3A_1062], %add3A_1057 {strides = array<i32>} : memref<2x2x128xi32, #tpu.memory_space<vmem>>, vector<16xi32>,
      %add3A_1064 = arith.addi %add3A_1044, %min3A_1024 : vector<16xi32>
      %swap3A_1065 = arith.constant 1 : i32
      %swap3A_1066 = arith.constant 1 : i32
      %swap3A_1067 = arith.index_cast %swap3A_1065 : i32 to index
      %swap3A_1068 = arith.index_cast %swap3A_1066 : i32 to index
      %swap3A_1069 = arith.constant 0 : index
      %swap3A_1070 = tpu.vector_load %arg10[%swap3A_1067, %swap3A_1068, %swap3A_1069] {strides = array<i32>} : memref<2x2x128xi32, #tpu.memory_space<vmem>>, vector<16xi32>,
      tpu.vector_store %arg10[%swap3A_1067, %swap3A_1068, %swap3A_1069], %add3A_1064 {strides = array<i32>} : memref<2x2x128xi32, #tpu.memory_space<vmem>>, vector<16xi32>,
      %add3A_1071 = arith.addi %add3A_1049, %min3A_1024 : vector<16xi32>
      %swap3A_1072 = arith.constant 1 : i32
      %swap3A_1073 = arith.constant 1 : i32
      %swap3A_1074 = arith.index_cast %swap3A_1072 : i32 to index
      %swap3A_1075 = arith.index_cast %swap3A_1073 : i32 to index
      %swap3A_1076 = arith.constant 64 : index
      %swap3A_1077 = tpu.vector_load %arg10[%swap3A_1074, %swap3A_1075, %swap3A_1076] {strides = array<i32>} : memref<2x2x128xi32, #tpu.memory_space<vmem>>, vector<16xi32>,
      tpu.vector_store %arg10[%swap3A_1074, %swap3A_1075, %swap3A_1076], %add3A_1071 {strides = array<i32>} : memref<2x2x128xi32, #tpu.memory_space<vmem>>, vector<16xi32>,
      %add3A_1078 = arith.constant 16 : i32
      %add3A_1079 = arith.addi %add3A_884, %add3A_1078 : i32
      %add3A_1080 = vector.broadcast %add3A_1079 : i32 to vector<16xi32>
      %add3A_1081 = arith.addi %add3A_1080, %iota3A : vector<16xi32>
      %sub3A_1082 = vector.broadcast %mul3A_20 : i32 to vector<16xi32>
      %sub3A_1083 = arith.subi %add3A_1081, %sub3A_1082 : vector<16xi32>
      %jit3A_1084 = arith.constant 224 : i32
      %div3A_1085 = vector.broadcast %jit3A_1084 : i32 to vector<16xi32>
      %div3A_1086 = arith.divsi %sub3A_1083, %div3A_1085 : vector<16xi32>
      %sign3A_1087 = arith.constant 0 : i32
      %sign3A_1088 = vector.broadcast %sign3A_1087 : i32 to vector<16xi32>
      %sign3A_1089 = arith.cmpi sgt, %sub3A_1083, %sign3A_1088 : vector<16xi32>
      %sign3A_1090 = arith.extui %sign3A_1089 : vector<16xi1> to vector<16xi32>
      %sign3A_1091 = arith.constant 0 : i32
      %sign3A_1092 = vector.broadcast %sign3A_1091 : i32 to vector<16xi32>
      %sign3A_1093 = arith.cmpi slt, %sub3A_1083, %sign3A_1092 : vector<16xi32>
      %sign3A_1094 = arith.extui %sign3A_1093 : vector<16xi1> to vector<16xi32>
      %sign3A_1095 = arith.subi %sign3A_1090, %sign3A_1094 : vector<16xi32>
      %sign3A_1096 = arith.constant 0 : i32
      %sign3A_1097 = arith.cmpi sgt, %jit3A_1084, %sign3A_1096 : i32
      %sign3A_1098 = arith.extui %sign3A_1097 : i1 to i32
      %sign3A_1099 = arith.constant 0 : i32
      %sign3A_1100 = arith.cmpi slt, %jit3A_1084, %sign3A_1099 : i32
      %sign3A_1101 = arith.extui %sign3A_1100 : i1 to i32
      %sign3A_1102 = arith.subi %sign3A_1098, %sign3A_1101 : i32
      %ne3A_1103 = vector.broadcast %sign3A_1102 : i32 to vector<16xi32>
      %ne3A_1104 = arith.cmpi ne, %sign3A_1095, %ne3A_1103 : vector<16xi32>
      %rem3A_1105 = vector.broadcast %jit3A_1084 : i32 to vector<16xi32>
      %rem3A_1106 = arith.remsi %sub3A_1083, %rem3A_1105 : vector<16xi32>
      %ne3A_1107 = arith.constant 0 : i32
      %ne3A_1108 = vector.broadcast %ne3A_1107 : i32 to vector<16xi32>
      %ne3A_1109 = arith.cmpi ne, %rem3A_1106, %ne3A_1108 : vector<16xi32>
      %and3A_1110 = arith.andi %ne3A_1104, %ne3A_1109 : vector<16xi1>
      %sub3A_1111 = arith.constant 1 : i32
      %sub3A_1112 = vector.broadcast %sub3A_1111 : i32 to vector<16xi32>
      %sub3A_1113 = arith.subi %div3A_1086, %sub3A_1112 : vector<16xi32>
      %select_n3A_1114 = arith.select %and3A_1110, %sub3A_1113, %div3A_1086 : vector<16xi1>, vector<16xi32>
      %mul3A_1115 = arith.constant 224 : i32
      %mul3A_1116 = vector.broadcast %mul3A_1115 : i32 to vector<16xi32>
      %mul3A_1117 = arith.muli %select_n3A_1114, %mul3A_1116 : vector<16xi32>
      %sub3A_1118 = arith.subi %sub3A_1083, %mul3A_1117 : vector<16xi32>
      %gather3A_1119 = tpu.vector_load_idx %arg8[%sub3A_1118] : memref<224xf32, #tpu.memory_space<vmem>>[vector<16xi32>], vector<16xf32>,
      %gather3A_1120 = tpu.vector_load_idx %arg9[%select_n3A_1114] : memref<224xf32, #tpu.memory_space<vmem>>[vector<16xi32>], vector<16xf32>,
      %mul3A_1121 = arith.mulf %gather3A, %gather3A_1119 : vector<16xf32>
      %mul3A_1122 = arith.mulf %gather3A_30, %gather3A_1120 : vector<16xf32>
      %add3A_1123 = arith.addf %mul3A_1121, %mul3A_1122 : vector<16xf32>
      %add3A_1124 = arith.addf %add3A_1123, %gather3A_36 : vector<16xf32>
      %mul3A_1125 = arith.mulf %gather3A_42, %gather3A_1119 : vector<16xf32>
      %mul3A_1126 = arith.mulf %gather3A_48, %gather3A_1120 : vector<16xf32>
      %add3A_1127 = arith.addf %mul3A_1125, %mul3A_1126 : vector<16xf32>
      %add3A_1128 = arith.addf %add3A_1127, %gather3A_54 : vector<16xf32>
      %add3A_1129 = arith.constant 1.000000e+00 : f32
      %add3A_1130 = vector.broadcast %add3A_1129 : f32 to vector<16xf32>
      %add3A_1131 = arith.addf %add3A_1124, %add3A_1130 : vector<16xf32>
      %mul3A_1132 = arith.constant 2.240000e+02 : f32
      %mul3A_1133 = vector.broadcast %mul3A_1132 : f32 to vector<16xf32>
      %mul3A_1134 = arith.mulf %add3A_1131, %mul3A_1133 : vector<16xf32>
      %sub3A_1135 = arith.constant 1.000000e+00 : f32
      %sub3A_1136 = vector.broadcast %sub3A_1135 : f32 to vector<16xf32>
      %sub3A_1137 = arith.subf %mul3A_1134, %sub3A_1136 : vector<16xf32>
      %mul3A_1138 = arith.constant 5.000000e-01 : f32
      %mul3A_1139 = vector.broadcast %mul3A_1138 : f32 to vector<16xf32>
      %mul3A_1140 = arith.mulf %mul3A_1139, %sub3A_1137 : vector<16xf32>
      %add3A_1141 = arith.constant 1.000000e+00 : f32
      %add3A_1142 = vector.broadcast %add3A_1141 : f32 to vector<16xf32>
      %add3A_1143 = arith.addf %add3A_1128, %add3A_1142 : vector<16xf32>
      %mul3A_1144 = arith.constant 2.240000e+02 : f32
      %mul3A_1145 = vector.broadcast %mul3A_1144 : f32 to vector<16xf32>
      %mul3A_1146 = arith.mulf %add3A_1143, %mul3A_1145 : vector<16xf32>
      %sub3A_1147 = arith.constant 1.000000e+00 : f32
      %sub3A_1148 = vector.broadcast %sub3A_1147 : f32 to vector<16xf32>
      %sub3A_1149 = arith.subf %mul3A_1146, %sub3A_1148 : vector<16xf32>
      %mul3A_1150 = arith.constant 5.000000e-01 : f32
      %mul3A_1151 = vector.broadcast %mul3A_1150 : f32 to vector<16xf32>
      %mul3A_1152 = arith.mulf %mul3A_1151, %sub3A_1149 : vector<16xf32>
      %max3A_1153 = arith.constant -4.000000e+00 : f32
      %max3A_1154 = vector.broadcast %max3A_1153 : f32 to vector<16xf32>
      %max3A_1155 = arith.maximumf %mul3A_1140, %max3A_1154 : vector<16xf32>
      %min3A_1156 = arith.constant 2.280000e+02 : f32
      %min3A_1157 = vector.broadcast %min3A_1156 : f32 to vector<16xf32>
      %min3A_1158 = arith.minimumf %max3A_1155, %min3A_1157 : vector<16xf32>
      %max3A_1159 = arith.constant -4.000000e+00 : f32
      %max3A_1160 = vector.broadcast %max3A_1159 : f32 to vector<16xf32>
      %max3A_1161 = arith.maximumf %mul3A_1152, %max3A_1160 : vector<16xf32>
      %min3A_1162 = arith.constant 2.280000e+02 : f32
      %min3A_1163 = vector.broadcast %min3A_1162 : f32 to vector<16xf32>
      %min3A_1164 = arith.minimumf %max3A_1161, %min3A_1163 : vector<16xf32>
      %convert_element_type3A_1165 = arith.fptosi %min3A_1158 : vector<16xf32> to vector<16xi32>
      %convert_element_type3A_1166 = arith.sitofp %convert_element_type3A_1165 : vector<16xi32> to vector<16xf32>
      %gt3A_1167 = arith.cmpf ogt, %convert_element_type3A_1166, %min3A_1158 : vector<16xf32>
      %sub3A_1168 = arith.constant 1.000000e+00 : f32
      %sub3A_1169 = vector.broadcast %sub3A_1168 : f32 to vector<16xf32>
      %sub3A_1170 = arith.subf %convert_element_type3A_1166, %sub3A_1169 : vector<16xf32>
      %select_n3A_1171 = arith.select %gt3A_1167, %sub3A_1170, %convert_element_type3A_1166 : vector<16xi1>, vector<16xf32>
      %convert_element_type3A_1172 = arith.fptosi %min3A_1164 : vector<16xf32> to vector<16xi32>
      %convert_element_type3A_1173 = arith.sitofp %convert_element_type3A_1172 : vector<16xi32> to vector<16xf32>
      %gt3A_1174 = arith.cmpf ogt, %convert_element_type3A_1173, %min3A_1164 : vector<16xf32>
      %sub3A_1175 = arith.constant 1.000000e+00 : f32
      %sub3A_1176 = vector.broadcast %sub3A_1175 : f32 to vector<16xf32>
      %sub3A_1177 = arith.subf %convert_element_type3A_1173, %sub3A_1176 : vector<16xf32>
      %select_n3A_1178 = arith.select %gt3A_1174, %sub3A_1177, %convert_element_type3A_1173 : vector<16xi1>, vector<16xf32>
      %add3A_1179 = arith.constant 1.000000e+00 : f32
      %add3A_1180 = vector.broadcast %add3A_1179 : f32 to vector<16xf32>
      %add3A_1181 = arith.addf %select_n3A_1171, %add3A_1180 : vector<16xf32>
      %sub3A_1182 = arith.subf %add3A_1181, %min3A_1158 : vector<16xf32>
      %add3A_1183 = arith.constant 1.000000e+00 : f32
      %add3A_1184 = vector.broadcast %add3A_1183 : f32 to vector<16xf32>
      %add3A_1185 = arith.addf %select_n3A_1178, %add3A_1184 : vector<16xf32>
      %sub3A_1186 = arith.subf %add3A_1185, %min3A_1164 : vector<16xf32>
      %sub3A_1187 = arith.subf %min3A_1158, %select_n3A_1171 : vector<16xf32>
      %sub3A_1188 = arith.subf %min3A_1164, %select_n3A_1178 : vector<16xf32>
      %mul3A_1189 = arith.mulf %sub3A_1182, %sub3A_1186 : vector<16xf32>
      %swap3A_1190 = arith.constant 272 : index
      %swap3A_1191 = tpu.vector_load %arg11[%swap3A_1190] {strides = array<i32>} : memref<512xf32, #tpu.memory_space<vmem>>, vector<16xf32>,
      tpu.vector_store %arg11[%swap3A_1190], %mul3A_1189 {strides = array<i32>} : memref<512xf32, #tpu.memory_space<vmem>>, vector<16xf32>,
      %mul3A_1192 = arith.mulf %sub3A_1182, %sub3A_1188 : vector<16xf32>
      %swap3A_1193 = arith.constant 336 : index
      %swap3A_1194 = tpu.vector_load %arg11[%swap3A_1193] {strides = array<i32>} : memref<512xf32, #tpu.memory_space<vmem>>, vector<16xf32>,
      tpu.vector_store %arg11[%swap3A_1193], %mul3A_1192 {strides = array<i32>} : memref<512xf32, #tpu.memory_space<vmem>>, vector<16xf32>,
      %mul3A_1195 = arith.mulf %sub3A_1187, %sub3A_1186 : vector<16xf32>
      %swap3A_1196 = arith.constant 400 : index
      %swap3A_1197 = tpu.vector_load %arg11[%swap3A_1196] {strides = array<i32>} : memref<512xf32, #tpu.memory_space<vmem>>, vector<16xf32>,
      tpu.vector_store %arg11[%swap3A_1196], %mul3A_1195 {strides = array<i32>} : memref<512xf32, #tpu.memory_space<vmem>>, vector<16xf32>,
      %mul3A_1198 = arith.mulf %sub3A_1187, %sub3A_1188 : vector<16xf32>
      %swap3A_1199 = arith.constant 464 : index
      %swap3A_1200 = tpu.vector_load %arg11[%swap3A_1199] {strides = array<i32>} : memref<512xf32, #tpu.memory_space<vmem>>, vector<16xf32>,
      tpu.vector_store %arg11[%swap3A_1199], %mul3A_1198 {strides = array<i32>} : memref<512xf32, #tpu.memory_space<vmem>>, vector<16xf32>,
      %convert_element_type3A_1201 = arith.fptosi %select_n3A_1171 : vector<16xf32> to vector<16xi32>
      %convert_element_type3A_1202 = arith.fptosi %select_n3A_1178 : vector<16xf32> to vector<16xi32>
      %max3A_1203 = arith.constant 0 : i32
      %max3A_1204 = vector.broadcast %max3A_1203 : i32 to vector<16xi32>
      %max3A_1205 = arith.maxsi %convert_element_type3A_1201, %max3A_1204 : vector<16xi32>
      %min3A_1206 = arith.constant 223 : i32
      %min3A_1207 = vector.broadcast %min3A_1206 : i32 to vector<16xi32>
      %min3A_1208 = arith.minsi %max3A_1205, %min3A_1207 : vector<16xi32>
      %add3A_1209 = arith.constant 1 : i32
      %add3A_1210 = vector.broadcast %add3A_1209 : i32 to vector<16xi32>
      %add3A_1211 = arith.addi %convert_element_type3A_1201, %add3A_1210 : vector<16xi32>
      %max3A_1212 = arith.constant 0 : i32
      %max3A_1213 = vector.broadcast %max3A_1212 : i32 to vector<16xi32>
      %max3A_1214 = arith.maxsi %add3A_1211, %max3A_1213 : vector<16xi32>
      %min3A_1215 = arith.constant 223 : i32
      %min3A_1216 = vector.broadcast %min3A_1215 : i32 to vector<16xi32>
      %min3A_1217 = arith.minsi %max3A_1214, %min3A_1216 : vector<16xi32>
      %max3A_1218 = arith.constant 0 : i32
      %max3A_1219 = vector.broadcast %max3A_1218 : i32 to vector<16xi32>
      %max3A_1220 = arith.maxsi %convert_element_type3A_1202, %max3A_1219 : vector<16xi32>
      %min3A_1221 = arith.constant 223 : i32
      %min3A_1222 = vector.broadcast %min3A_1221 : i32 to vector<16xi32>
      %min3A_1223 = arith.minsi %max3A_1220, %min3A_1222 : vector<16xi32>
      %add3A_1224 = arith.constant 1 : i32
      %add3A_1225 = vector.broadcast %add3A_1224 : i32 to vector<16xi32>
      %add3A_1226 = arith.addi %convert_element_type3A_1202, %add3A_1225 : vector<16xi32>
      %max3A_1227 = arith.constant 0 : i32
      %max3A_1228 = vector.broadcast %max3A_1227 : i32 to vector<16xi32>
      %max3A_1229 = arith.maxsi %add3A_1226, %max3A_1228 : vector<16xi32>
      %min3A_1230 = arith.constant 223 : i32
      %min3A_1231 = vector.broadcast %min3A_1230 : i32 to vector<16xi32>
      %min3A_1232 = arith.minsi %max3A_1229, %min3A_1231 : vector<16xi32>
      %mul3A_1233 = arith.constant 224 : i32
      %mul3A_1234 = vector.broadcast %mul3A_1233 : i32 to vector<16xi32>
      %mul3A_1235 = arith.muli %min3A_1223, %mul3A_1234 : vector<16xi32>
      %add3A_1236 = vector.broadcast %mul3A_20 : i32 to vector<16xi32>
      %add3A_1237 = arith.addi %add3A_1236, %mul3A_1235 : vector<16xi32>
      %mul3A_1238 = arith.constant 224 : i32
      %mul3A_1239 = vector.broadcast %mul3A_1238 : i32 to vector<16xi32>
      %mul3A_1240 = arith.muli %min3A_1232, %mul3A_1239 : vector<16xi32>
      %add3A_1241 = vector.broadcast %mul3A_20 : i32 to vector<16xi32>
      %add3A_1242 = arith.addi %add3A_1241, %mul3A_1240 : vector<16xi32>
      %add3A_1243 = arith.addi %add3A_1237, %min3A_1208 : vector<16xi32>
      %swap3A_1244 = arith.constant 1 : i32
      %swap3A_1245 = arith.constant 0 : i32
      %swap3A_1246 = arith.index_cast %swap3A_1244 : i32 to index
      %swap3A_1247 = arith.index_cast %swap3A_1245 : i32 to index
      %swap3A_1248 = arith.constant 16 : index
      %swap3A_1249 = tpu.vector_load %arg10[%swap3A_1246, %swap3A_1247, %swap3A_1248] {strides = array<i32>} : memref<2x2x128xi32, #tpu.memory_space<vmem>>, vector<16xi32>,
      tpu.vector_store %arg10[%swap3A_1246, %swap3A_1247, %swap3A_1248], %add3A_1243 {strides = array<i32>} : memref<2x2x128xi32, #tpu.memory_space<vmem>>, vector<16xi32>,
      %add3A_1250 = arith.addi %add3A_1242, %min3A_1208 : vector<16xi32>
      %swap3A_1251 = arith.constant 1 : i32
      %swap3A_1252 = arith.constant 0 : i32
      %swap3A_1253 = arith.index_cast %swap3A_1251 : i32 to index
      %swap3A_1254 = arith.index_cast %swap3A_1252 : i32 to index
      %swap3A_1255 = arith.constant 80 : index
      %swap3A_1256 = tpu.vector_load %arg10[%swap3A_1253, %swap3A_1254, %swap3A_1255] {strides = array<i32>} : memref<2x2x128xi32, #tpu.memory_space<vmem>>, vector<16xi32>,
      tpu.vector_store %arg10[%swap3A_1253, %swap3A_1254, %swap3A_1255], %add3A_1250 {strides = array<i32>} : memref<2x2x128xi32, #tpu.memory_space<vmem>>, vector<16xi32>,
      %add3A_1257 = arith.addi %add3A_1237, %min3A_1217 : vector<16xi32>
      %swap3A_1258 = arith.constant 1 : i32
      %swap3A_1259 = arith.constant 1 : i32
      %swap3A_1260 = arith.index_cast %swap3A_1258 : i32 to index
      %swap3A_1261 = arith.index_cast %swap3A_1259 : i32 to index
      %swap3A_1262 = arith.constant 16 : index
      %swap3A_1263 = tpu.vector_load %arg10[%swap3A_1260, %swap3A_1261, %swap3A_1262] {strides = array<i32>} : memref<2x2x128xi32, #tpu.memory_space<vmem>>, vector<16xi32>,
      tpu.vector_store %arg10[%swap3A_1260, %swap3A_1261, %swap3A_1262], %add3A_1257 {strides = array<i32>} : memref<2x2x128xi32, #tpu.memory_space<vmem>>, vector<16xi32>,
      %add3A_1264 = arith.addi %add3A_1242, %min3A_1217 : vector<16xi32>
      %swap3A_1265 = arith.constant 1 : i32
      %swap3A_1266 = arith.constant 1 : i32
      %swap3A_1267 = arith.index_cast %swap3A_1265 : i32 to index
      %swap3A_1268 = arith.index_cast %swap3A_1266 : i32 to index
      %swap3A_1269 = arith.constant 80 : index
      %swap3A_1270 = tpu.vector_load %arg10[%swap3A_1267, %swap3A_1268, %swap3A_1269] {strides = array<i32>} : memref<2x2x128xi32, #tpu.memory_space<vmem>>, vector<16xi32>,
      tpu.vector_store %arg10[%swap3A_1267, %swap3A_1268, %swap3A_1269], %add3A_1264 {strides = array<i32>} : memref<2x2x128xi32, #tpu.memory_space<vmem>>, vector<16xi32>,
      %add3A_1271 = arith.constant 32 : i32
      %add3A_1272 = arith.addi %add3A_884, %add3A_1271 : i32
      %add3A_1273 = vector.broadcast %add3A_1272 : i32 to vector<16xi32>
      %add3A_1274 = arith.addi %add3A_1273, %iota3A : vector<16xi32>
      %sub3A_1275 = vector.broadcast %mul3A_20 : i32 to vector<16xi32>
      %sub3A_1276 = arith.subi %add3A_1274, %sub3A_1275 : vector<16xi32>
      %jit3A_1277 = arith.constant 224 : i32
      %div3A_1278 = vector.broadcast %jit3A_1277 : i32 to vector<16xi32>
      %div3A_1279 = arith.divsi %sub3A_1276, %div3A_1278 : vector<16xi32>
      %sign3A_1280 = arith.constant 0 : i32
      %sign3A_1281 = vector.broadcast %sign3A_1280 : i32 to vector<16xi32>
      %sign3A_1282 = arith.cmpi sgt, %sub3A_1276, %sign3A_1281 : vector<16xi32>
      %sign3A_1283 = arith.extui %sign3A_1282 : vector<16xi1> to vector<16xi32>
      %sign3A_1284 = arith.constant 0 : i32
      %sign3A_1285 = vector.broadcast %sign3A_1284 : i32 to vector<16xi32>
      %sign3A_1286 = arith.cmpi slt, %sub3A_1276, %sign3A_1285 : vector<16xi32>
      %sign3A_1287 = arith.extui %sign3A_1286 : vector<16xi1> to vector<16xi32>
      %sign3A_1288 = arith.subi %sign3A_1283, %sign3A_1287 : vector<16xi32>
      %sign3A_1289 = arith.constant 0 : i32
      %sign3A_1290 = arith.cmpi sgt, %jit3A_1277, %sign3A_1289 : i32
      %sign3A_1291 = arith.extui %sign3A_1290 : i1 to i32
      %sign3A_1292 = arith.constant 0 : i32
      %sign3A_1293 = arith.cmpi slt, %jit3A_1277, %sign3A_1292 : i32
      %sign3A_1294 = arith.extui %sign3A_1293 : i1 to i32
      %sign3A_1295 = arith.subi %sign3A_1291, %sign3A_1294 : i32
      %ne3A_1296 = vector.broadcast %sign3A_1295 : i32 to vector<16xi32>
      %ne3A_1297 = arith.cmpi ne, %sign3A_1288, %ne3A_1296 : vector<16xi32>
      %rem3A_1298 = vector.broadcast %jit3A_1277 : i32 to vector<16xi32>
      %rem3A_1299 = arith.remsi %sub3A_1276, %rem3A_1298 : vector<16xi32>
      %ne3A_1300 = arith.constant 0 : i32
      %ne3A_1301 = vector.broadcast %ne3A_1300 : i32 to vector<16xi32>
      %ne3A_1302 = arith.cmpi ne, %rem3A_1299, %ne3A_1301 : vector<16xi32>
      %and3A_1303 = arith.andi %ne3A_1297, %ne3A_1302 : vector<16xi1>
      %sub3A_1304 = arith.constant 1 : i32
      %sub3A_1305 = vector.broadcast %sub3A_1304 : i32 to vector<16xi32>
      %sub3A_1306 = arith.subi %div3A_1279, %sub3A_1305 : vector<16xi32>
      %select_n3A_1307 = arith.select %and3A_1303, %sub3A_1306, %div3A_1279 : vector<16xi1>, vector<16xi32>
      %mul3A_1308 = arith.constant 224 : i32
      %mul3A_1309 = vector.broadcast %mul3A_1308 : i32 to vector<16xi32>
      %mul3A_1310 = arith.muli %select_n3A_1307, %mul3A_1309 : vector<16xi32>
      %sub3A_1311 = arith.subi %sub3A_1276, %mul3A_1310 : vector<16xi32>
      %gather3A_1312 = tpu.vector_load_idx %arg8[%sub3A_1311] : memref<224xf32, #tpu.memory_space<vmem>>[vector<16xi32>], vector<16xf32>,
      %gather3A_1313 = tpu.vector_load_idx %arg9[%select_n3A_1307] : memref<224xf32, #tpu.memory_space<vmem>>[vector<16xi32>], vector<16xf32>,
      %mul3A_1314 = arith.mulf %gather3A, %gather3A_1312 : vector<16xf32>
      %mul3A_1315 = arith.mulf %gather3A_30, %gather3A_1313 : vector<16xf32>
      %add3A_1316 = arith.addf %mul3A_1314, %mul3A_1315 : vector<16xf32>
      %add3A_1317 = arith.addf %add3A_1316, %gather3A_36 : vector<16xf32>
      %mul3A_1318 = arith.mulf %gather3A_42, %gather3A_1312 : vector<16xf32>
      %mul3A_1319 = arith.mulf %gather3A_48, %gather3A_1313 : vector<16xf32>
      %add3A_1320 = arith.addf %mul3A_1318, %mul3A_1319 : vector<16xf32>
      %add3A_1321 = arith.addf %add3A_1320, %gather3A_54 : vector<16xf32>
      %add3A_1322 = arith.constant 1.000000e+00 : f32
      %add3A_1323 = vector.broadcast %add3A_1322 : f32 to vector<16xf32>
      %add3A_1324 = arith.addf %add3A_1317, %add3A_1323 : vector<16xf32>
      %mul3A_1325 = arith.constant 2.240000e+02 : f32
      %mul3A_1326 = vector.broadcast %mul3A_1325 : f32 to vector<16xf32>
      %mul3A_1327 = arith.mulf %add3A_1324, %mul3A_1326 : vector<16xf32>
      %sub3A_1328 = arith.constant 1.000000e+00 : f32
      %sub3A_1329 = vector.broadcast %sub3A_1328 : f32 to vector<16xf32>
      %sub3A_1330 = arith.subf %mul3A_1327, %sub3A_1329 : vector<16xf32>
      %mul3A_1331 = arith.constant 5.000000e-01 : f32
      %mul3A_1332 = vector.broadcast %mul3A_1331 : f32 to vector<16xf32>
      %mul3A_1333 = arith.mulf %mul3A_1332, %sub3A_1330 : vector<16xf32>
      %add3A_1334 = arith.constant 1.000000e+00 : f32
      %add3A_1335 = vector.broadcast %add3A_1334 : f32 to vector<16xf32>
      %add3A_1336 = arith.addf %add3A_1321, %add3A_1335 : vector<16xf32>
      %mul3A_1337 = arith.constant 2.240000e+02 : f32
      %mul3A_1338 = vector.broadcast %mul3A_1337 : f32 to vector<16xf32>
      %mul3A_1339 = arith.mulf %add3A_1336, %mul3A_1338 : vector<16xf32>
      %sub3A_1340 = arith.constant 1.000000e+00 : f32
      %sub3A_1341 = vector.broadcast %sub3A_1340 : f32 to vector<16xf32>
      %sub3A_1342 = arith.subf %mul3A_1339, %sub3A_1341 : vector<16xf32>
      %mul3A_1343 = arith.constant 5.000000e-01 : f32
      %mul3A_1344 = vector.broadcast %mul3A_1343 : f32 to vector<16xf32>
      %mul3A_1345 = arith.mulf %mul3A_1344, %sub3A_1342 : vector<16xf32>
      %max3A_1346 = arith.constant -4.000000e+00 : f32
      %max3A_1347 = vector.broadcast %max3A_1346 : f32 to vector<16xf32>
      %max3A_1348 = arith.maximumf %mul3A_1333, %max3A_1347 : vector<16xf32>
      %min3A_1349 = arith.constant 2.280000e+02 : f32
      %min3A_1350 = vector.broadcast %min3A_1349 : f32 to vector<16xf32>
      %min3A_1351 = arith.minimumf %max3A_1348, %min3A_1350 : vector<16xf32>
      %max3A_1352 = arith.constant -4.000000e+00 : f32
      %max3A_1353 = vector.broadcast %max3A_1352 : f32 to vector<16xf32>
      %max3A_1354 = arith.maximumf %mul3A_1345, %max3A_1353 : vector<16xf32>
      %min3A_1355 = arith.constant 2.280000e+02 : f32
      %min3A_1356 = vector.broadcast %min3A_1355 : f32 to vector<16xf32>
      %min3A_1357 = arith.minimumf %max3A_1354, %min3A_1356 : vector<16xf32>
      %convert_element_type3A_1358 = arith.fptosi %min3A_1351 : vector<16xf32> to vector<16xi32>
      %convert_element_type3A_1359 = arith.sitofp %convert_element_type3A_1358 : vector<16xi32> to vector<16xf32>
      %gt3A_1360 = arith.cmpf ogt, %convert_element_type3A_1359, %min3A_1351 : vector<16xf32>
      %sub3A_1361 = arith.constant 1.000000e+00 : f32
      %sub3A_1362 = vector.broadcast %sub3A_1361 : f32 to vector<16xf32>
      %sub3A_1363 = arith.subf %convert_element_type3A_1359, %sub3A_1362 : vector<16xf32>
      %select_n3A_1364 = arith.select %gt3A_1360, %sub3A_1363, %convert_element_type3A_1359 : vector<16xi1>, vector<16xf32>
      %convert_element_type3A_1365 = arith.fptosi %min3A_1357 : vector<16xf32> to vector<16xi32>
      %convert_element_type3A_1366 = arith.sitofp %convert_element_type3A_1365 : vector<16xi32> to vector<16xf32>
      %gt3A_1367 = arith.cmpf ogt, %convert_element_type3A_1366, %min3A_1357 : vector<16xf32>
      %sub3A_1368 = arith.constant 1.000000e+00 : f32
      %sub3A_1369 = vector.broadcast %sub3A_1368 : f32 to vector<16xf32>
      %sub3A_1370 = arith.subf %convert_element_type3A_1366, %sub3A_1369 : vector<16xf32>
      %select_n3A_1371 = arith.select %gt3A_1367, %sub3A_1370, %convert_element_type3A_1366 : vector<16xi1>, vector<16xf32>
      %add3A_1372 = arith.constant 1.000000e+00 : f32
      %add3A_1373 = vector.broadcast %add3A_1372 : f32 to vector<16xf32>
      %add3A_1374 = arith.addf %select_n3A_1364, %add3A_1373 : vector<16xf32>
      %sub3A_1375 = arith.subf %add3A_1374, %min3A_1351 : vector<16xf32>
      %add3A_1376 = arith.constant 1.000000e+00 : f32
      %add3A_1377 = vector.broadcast %add3A_1376 : f32 to vector<16xf32>
      %add3A_1378 = arith.addf %select_n3A_1371, %add3A_1377 : vector<16xf32>
      %sub3A_1379 = arith.subf %add3A_1378, %min3A_1357 : vector<16xf32>
      %sub3A_1380 = arith.subf %min3A_1351, %select_n3A_1364 : vector<16xf32>
      %sub3A_1381 = arith.subf %min3A_1357, %select_n3A_1371 : vector<16xf32>
      %mul3A_1382 = arith.mulf %sub3A_1375, %sub3A_1379 : vector<16xf32>
      %swap3A_1383 = arith.constant 288 : index
      %swap3A_1384 = tpu.vector_load %arg11[%swap3A_1383] {strides = array<i32>} : memref<512xf32, #tpu.memory_space<vmem>>, vector<16xf32>,
      tpu.vector_store %arg11[%swap3A_1383], %mul3A_1382 {strides = array<i32>} : memref<512xf32, #tpu.memory_space<vmem>>, vector<16xf32>,
      %mul3A_1385 = arith.mulf %sub3A_1375, %sub3A_1381 : vector<16xf32>
      %swap3A_1386 = arith.constant 352 : index
      %swap3A_1387 = tpu.vector_load %arg11[%swap3A_1386] {strides = array<i32>} : memref<512xf32, #tpu.memory_space<vmem>>, vector<16xf32>,
      tpu.vector_store %arg11[%swap3A_1386], %mul3A_1385 {strides = array<i32>} : memref<512xf32, #tpu.memory_space<vmem>>, vector<16xf32>,
      %mul3A_1388 = arith.mulf %sub3A_1380, %sub3A_1379 : vector<16xf32>
      %swap3A_1389 = arith.constant 416 : index
      %swap3A_1390 = tpu.vector_load %arg11[%swap3A_1389] {strides = array<i32>} : memref<512xf32, #tpu.memory_space<vmem>>, vector<16xf32>,
      tpu.vector_store %arg11[%swap3A_1389], %mul3A_1388 {strides = array<i32>} : memref<512xf32, #tpu.memory_space<vmem>>, vector<16xf32>,
      %mul3A_1391 = arith.mulf %sub3A_1380, %sub3A_1381 : vector<16xf32>
      %swap3A_1392 = arith.constant 480 : index
      %swap3A_1393 = tpu.vector_load %arg11[%swap3A_1392] {strides = array<i32>} : memref<512xf32, #tpu.memory_space<vmem>>, vector<16xf32>,
      tpu.vector_store %arg11[%swap3A_1392], %mul3A_1391 {strides = array<i32>} : memref<512xf32, #tpu.memory_space<vmem>>, vector<16xf32>,
      %convert_element_type3A_1394 = arith.fptosi %select_n3A_1364 : vector<16xf32> to vector<16xi32>
      %convert_element_type3A_1395 = arith.fptosi %select_n3A_1371 : vector<16xf32> to vector<16xi32>
      %max3A_1396 = arith.constant 0 : i32
      %max3A_1397 = vector.broadcast %max3A_1396 : i32 to vector<16xi32>
      %max3A_1398 = arith.maxsi %convert_element_type3A_1394, %max3A_1397 : vector<16xi32>
      %min3A_1399 = arith.constant 223 : i32
      %min3A_1400 = vector.broadcast %min3A_1399 : i32 to vector<16xi32>
      %min3A_1401 = arith.minsi %max3A_1398, %min3A_1400 : vector<16xi32>
      %add3A_1402 = arith.constant 1 : i32
      %add3A_1403 = vector.broadcast %add3A_1402 : i32 to vector<16xi32>
      %add3A_1404 = arith.addi %convert_element_type3A_1394, %add3A_1403 : vector<16xi32>
      %max3A_1405 = arith.constant 0 : i32
      %max3A_1406 = vector.broadcast %max3A_1405 : i32 to vector<16xi32>
      %max3A_1407 = arith.maxsi %add3A_1404, %max3A_1406 : vector<16xi32>
      %min3A_1408 = arith.constant 223 : i32
      %min3A_1409 = vector.broadcast %min3A_1408 : i32 to vector<16xi32>
      %min3A_1410 = arith.minsi %max3A_1407, %min3A_1409 : vector<16xi32>
      %max3A_1411 = arith.constant 0 : i32
      %max3A_1412 = vector.broadcast %max3A_1411 : i32 to vector<16xi32>
      %max3A_1413 = arith.maxsi %convert_element_type3A_1395, %max3A_1412 : vector<16xi32>
      %min3A_1414 = arith.constant 223 : i32
      %min3A_1415 = vector.broadcast %min3A_1414 : i32 to vector<16xi32>
      %min3A_1416 = arith.minsi %max3A_1413, %min3A_1415 : vector<16xi32>
      %add3A_1417 = arith.constant 1 : i32
      %add3A_1418 = vector.broadcast %add3A_1417 : i32 to vector<16xi32>
      %add3A_1419 = arith.addi %convert_element_type3A_1395, %add3A_1418 : vector<16xi32>
      %max3A_1420 = arith.constant 0 : i32
      %max3A_1421 = vector.broadcast %max3A_1420 : i32 to vector<16xi32>
      %max3A_1422 = arith.maxsi %add3A_1419, %max3A_1421 : vector<16xi32>
      %min3A_1423 = arith.constant 223 : i32
      %min3A_1424 = vector.broadcast %min3A_1423 : i32 to vector<16xi32>
      %min3A_1425 = arith.minsi %max3A_1422, %min3A_1424 : vector<16xi32>
      %mul3A_1426 = arith.constant 224 : i32
      %mul3A_1427 = vector.broadcast %mul3A_1426 : i32 to vector<16xi32>
      %mul3A_1428 = arith.muli %min3A_1416, %mul3A_1427 : vector<16xi32>
      %add3A_1429 = vector.broadcast %mul3A_20 : i32 to vector<16xi32>
      %add3A_1430 = arith.addi %add3A_1429, %mul3A_1428 : vector<16xi32>
      %mul3A_1431 = arith.constant 224 : i32
      %mul3A_1432 = vector.broadcast %mul3A_1431 : i32 to vector<16xi32>
      %mul3A_1433 = arith.muli %min3A_1425, %mul3A_1432 : vector<16xi32>
      %add3A_1434 = vector.broadcast %mul3A_20 : i32 to vector<16xi32>
      %add3A_1435 = arith.addi %add3A_1434, %mul3A_1433 : vector<16xi32>
      %add3A_1436 = arith.addi %add3A_1430, %min3A_1401 : vector<16xi32>
      %swap3A_1437 = arith.constant 1 : i32
      %swap3A_1438 = arith.constant 0 : i32
      %swap3A_1439 = arith.index_cast %swap3A_1437 : i32 to index
      %swap3A_1440 = arith.index_cast %swap3A_1438 : i32 to index
      %swap3A_1441 = arith.constant 32 : index
      %swap3A_1442 = tpu.vector_load %arg10[%swap3A_1439, %swap3A_1440, %swap3A_1441] {strides = array<i32>} : memref<2x2x128xi32, #tpu.memory_space<vmem>>, vector<16xi32>,
      tpu.vector_store %arg10[%swap3A_1439, %swap3A_1440, %swap3A_1441], %add3A_1436 {strides = array<i32>} : memref<2x2x128xi32, #tpu.memory_space<vmem>>, vector<16xi32>,
      %add3A_1443 = arith.addi %add3A_1435, %min3A_1401 : vector<16xi32>
      %swap3A_1444 = arith.constant 1 : i32
      %swap3A_1445 = arith.constant 0 : i32
      %swap3A_1446 = arith.index_cast %swap3A_1444 : i32 to index
      %swap3A_1447 = arith.index_cast %swap3A_1445 : i32 to index
      %swap3A_1448 = arith.constant 96 : index
      %swap3A_1449 = tpu.vector_load %arg10[%swap3A_1446, %swap3A_1447, %swap3A_1448] {strides = array<i32>} : memref<2x2x128xi32, #tpu.memory_space<vmem>>, vector<16xi32>,
      tpu.vector_store %arg10[%swap3A_1446, %swap3A_1447, %swap3A_1448], %add3A_1443 {strides = array<i32>} : memref<2x2x128xi32, #tpu.memory_space<vmem>>, vector<16xi32>,
      %add3A_1450 = arith.addi %add3A_1430, %min3A_1410 : vector<16xi32>
      %swap3A_1451 = arith.constant 1 : i32
      %swap3A_1452 = arith.constant 1 : i32
      %swap3A_1453 = arith.index_cast %swap3A_1451 : i32 to index
      %swap3A_1454 = arith.index_cast %swap3A_1452 : i32 to index
      %swap3A_1455 = arith.constant 32 : index
      %swap3A_1456 = tpu.vector_load %arg10[%swap3A_1453, %swap3A_1454, %swap3A_1455] {strides = array<i32>} : memref<2x2x128xi32, #tpu.memory_space<vmem>>, vector<16xi32>,
      tpu.vector_store %arg10[%swap3A_1453, %swap3A_1454, %swap3A_1455], %add3A_1450 {strides = array<i32>} : memref<2x2x128xi32, #tpu.memory_space<vmem>>, vector<16xi32>,
      %add3A_1457 = arith.addi %add3A_1435, %min3A_1410 : vector<16xi32>
      %swap3A_1458 = arith.constant 1 : i32
      %swap3A_1459 = arith.constant 1 : i32
      %swap3A_1460 = arith.index_cast %swap3A_1458 : i32 to index
      %swap3A_1461 = arith.index_cast %swap3A_1459 : i32 to index
      %swap3A_1462 = arith.constant 96 : index
      %swap3A_1463 = tpu.vector_load %arg10[%swap3A_1460, %swap3A_1461, %swap3A_1462] {strides = array<i32>} : memref<2x2x128xi32, #tpu.memory_space<vmem>>, vector<16xi32>,
      tpu.vector_store %arg10[%swap3A_1460, %swap3A_1461, %swap3A_1462], %add3A_1457 {strides = array<i32>} : memref<2x2x128xi32, #tpu.memory_space<vmem>>, vector<16xi32>,
      %add3A_1464 = arith.constant 48 : i32
      %add3A_1465 = arith.addi %add3A_884, %add3A_1464 : i32
      %add3A_1466 = vector.broadcast %add3A_1465 : i32 to vector<16xi32>
      %add3A_1467 = arith.addi %add3A_1466, %iota3A : vector<16xi32>
      %sub3A_1468 = vector.broadcast %mul3A_20 : i32 to vector<16xi32>
      %sub3A_1469 = arith.subi %add3A_1467, %sub3A_1468 : vector<16xi32>
      %jit3A_1470 = arith.constant 224 : i32
      %div3A_1471 = vector.broadcast %jit3A_1470 : i32 to vector<16xi32>
      %div3A_1472 = arith.divsi %sub3A_1469, %div3A_1471 : vector<16xi32>
      %sign3A_1473 = arith.constant 0 : i32
      %sign3A_1474 = vector.broadcast %sign3A_1473 : i32 to vector<16xi32>
      %sign3A_1475 = arith.cmpi sgt, %sub3A_1469, %sign3A_1474 : vector<16xi32>
      %sign3A_1476 = arith.extui %sign3A_1475 : vector<16xi1> to vector<16xi32>
      %sign3A_1477 = arith.constant 0 : i32
      %sign3A_1478 = vector.broadcast %sign3A_1477 : i32 to vector<16xi32>
      %sign3A_1479 = arith.cmpi slt, %sub3A_1469, %sign3A_1478 : vector<16xi32>
      %sign3A_1480 = arith.extui %sign3A_1479 : vector<16xi1> to vector<16xi32>
      %sign3A_1481 = arith.subi %sign3A_1476, %sign3A_1480 : vector<16xi32>
      %sign3A_1482 = arith.constant 0 : i32
      %sign3A_1483 = arith.cmpi sgt, %jit3A_1470, %sign3A_1482 : i32
      %sign3A_1484 = arith.extui %sign3A_1483 : i1 to i32
      %sign3A_1485 = arith.constant 0 : i32
      %sign3A_1486 = arith.cmpi slt, %jit3A_1470, %sign3A_1485 : i32
      %sign3A_1487 = arith.extui %sign3A_1486 : i1 to i32
      %sign3A_1488 = arith.subi %sign3A_1484, %sign3A_1487 : i32
      %ne3A_1489 = vector.broadcast %sign3A_1488 : i32 to vector<16xi32>
      %ne3A_1490 = arith.cmpi ne, %sign3A_1481, %ne3A_1489 : vector<16xi32>
      %rem3A_1491 = vector.broadcast %jit3A_1470 : i32 to vector<16xi32>
      %rem3A_1492 = arith.remsi %sub3A_1469, %rem3A_1491 : vector<16xi32>
      %ne3A_1493 = arith.constant 0 : i32
      %ne3A_1494 = vector.broadcast %ne3A_1493 : i32 to vector<16xi32>
      %ne3A_1495 = arith.cmpi ne, %rem3A_1492, %ne3A_1494 : vector<16xi32>
      %and3A_1496 = arith.andi %ne3A_1490, %ne3A_1495 : vector<16xi1>
      %sub3A_1497 = arith.constant 1 : i32
      %sub3A_1498 = vector.broadcast %sub3A_1497 : i32 to vector<16xi32>
      %sub3A_1499 = arith.subi %div3A_1472, %sub3A_1498 : vector<16xi32>
      %select_n3A_1500 = arith.select %and3A_1496, %sub3A_1499, %div3A_1472 : vector<16xi1>, vector<16xi32>
      %mul3A_1501 = arith.constant 224 : i32
      %mul3A_1502 = vector.broadcast %mul3A_1501 : i32 to vector<16xi32>
      %mul3A_1503 = arith.muli %select_n3A_1500, %mul3A_1502 : vector<16xi32>
      %sub3A_1504 = arith.subi %sub3A_1469, %mul3A_1503 : vector<16xi32>
      %gather3A_1505 = tpu.vector_load_idx %arg8[%sub3A_1504] : memref<224xf32, #tpu.memory_space<vmem>>[vector<16xi32>], vector<16xf32>,
      %gather3A_1506 = tpu.vector_load_idx %arg9[%select_n3A_1500] : memref<224xf32, #tpu.memory_space<vmem>>[vector<16xi32>], vector<16xf32>,
      %mul3A_1507 = arith.mulf %gather3A, %gather3A_1505 : vector<16xf32>
      %mul3A_1508 = arith.mulf %gather3A_30, %gather3A_1506 : vector<16xf32>
      %add3A_1509 = arith.addf %mul3A_1507, %mul3A_1508 : vector<16xf32>
      %add3A_1510 = arith.addf %add3A_1509, %gather3A_36 : vector<16xf32>
      %mul3A_1511 = arith.mulf %gather3A_42, %gather3A_1505 : vector<16xf32>
      %mul3A_1512 = arith.mulf %gather3A_48, %gather3A_1506 : vector<16xf32>
      %add3A_1513 = arith.addf %mul3A_1511, %mul3A_1512 : vector<16xf32>
      %add3A_1514 = arith.addf %add3A_1513, %gather3A_54 : vector<16xf32>
      %add3A_1515 = arith.constant 1.000000e+00 : f32
      %add3A_1516 = vector.broadcast %add3A_1515 : f32 to vector<16xf32>
      %add3A_1517 = arith.addf %add3A_1510, %add3A_1516 : vector<16xf32>
      %mul3A_1518 = arith.constant 2.240000e+02 : f32
      %mul3A_1519 = vector.broadcast %mul3A_1518 : f32 to vector<16xf32>
      %mul3A_1520 = arith.mulf %add3A_1517, %mul3A_1519 : vector<16xf32>
      %sub3A_1521 = arith.constant 1.000000e+00 : f32
      %sub3A_1522 = vector.broadcast %sub3A_1521 : f32 to vector<16xf32>
      %sub3A_1523 = arith.subf %mul3A_1520, %sub3A_1522 : vector<16xf32>
      %mul3A_1524 = arith.constant 5.000000e-01 : f32
      %mul3A_1525 = vector.broadcast %mul3A_1524 : f32 to vector<16xf32>
      %mul3A_1526 = arith.mulf %mul3A_1525, %sub3A_1523 : vector<16xf32>
      %add3A_1527 = arith.constant 1.000000e+00 : f32
      %add3A_1528 = vector.broadcast %add3A_1527 : f32 to vector<16xf32>
      %add3A_1529 = arith.addf %add3A_1514, %add3A_1528 : vector<16xf32>
      %mul3A_1530 = arith.constant 2.240000e+02 : f32
      %mul3A_1531 = vector.broadcast %mul3A_1530 : f32 to vector<16xf32>
      %mul3A_1532 = arith.mulf %add3A_1529, %mul3A_1531 : vector<16xf32>
      %sub3A_1533 = arith.constant 1.000000e+00 : f32
      %sub3A_1534 = vector.broadcast %sub3A_1533 : f32 to vector<16xf32>
      %sub3A_1535 = arith.subf %mul3A_1532, %sub3A_1534 : vector<16xf32>
      %mul3A_1536 = arith.constant 5.000000e-01 : f32
      %mul3A_1537 = vector.broadcast %mul3A_1536 : f32 to vector<16xf32>
      %mul3A_1538 = arith.mulf %mul3A_1537, %sub3A_1535 : vector<16xf32>
      %max3A_1539 = arith.constant -4.000000e+00 : f32
      %max3A_1540 = vector.broadcast %max3A_1539 : f32 to vector<16xf32>
      %max3A_1541 = arith.maximumf %mul3A_1526, %max3A_1540 : vector<16xf32>
      %min3A_1542 = arith.constant 2.280000e+02 : f32
      %min3A_1543 = vector.broadcast %min3A_1542 : f32 to vector<16xf32>
      %min3A_1544 = arith.minimumf %max3A_1541, %min3A_1543 : vector<16xf32>
      %max3A_1545 = arith.constant -4.000000e+00 : f32
      %max3A_1546 = vector.broadcast %max3A_1545 : f32 to vector<16xf32>
      %max3A_1547 = arith.maximumf %mul3A_1538, %max3A_1546 : vector<16xf32>
      %min3A_1548 = arith.constant 2.280000e+02 : f32
      %min3A_1549 = vector.broadcast %min3A_1548 : f32 to vector<16xf32>
      %min3A_1550 = arith.minimumf %max3A_1547, %min3A_1549 : vector<16xf32>
      %convert_element_type3A_1551 = arith.fptosi %min3A_1544 : vector<16xf32> to vector<16xi32>
      %convert_element_type3A_1552 = arith.sitofp %convert_element_type3A_1551 : vector<16xi32> to vector<16xf32>
      %gt3A_1553 = arith.cmpf ogt, %convert_element_type3A_1552, %min3A_1544 : vector<16xf32>
      %sub3A_1554 = arith.constant 1.000000e+00 : f32
      %sub3A_1555 = vector.broadcast %sub3A_1554 : f32 to vector<16xf32>
      %sub3A_1556 = arith.subf %convert_element_type3A_1552, %sub3A_1555 : vector<16xf32>
      %select_n3A_1557 = arith.select %gt3A_1553, %sub3A_1556, %convert_element_type3A_1552 : vector<16xi1>, vector<16xf32>
      %convert_element_type3A_1558 = arith.fptosi %min3A_1550 : vector<16xf32> to vector<16xi32>
      %convert_element_type3A_1559 = arith.sitofp %convert_element_type3A_1558 : vector<16xi32> to vector<16xf32>
      %gt3A_1560 = arith.cmpf ogt, %convert_element_type3A_1559, %min3A_1550 : vector<16xf32>
      %sub3A_1561 = arith.constant 1.000000e+00 : f32
      %sub3A_1562 = vector.broadcast %sub3A_1561 : f32 to vector<16xf32>
      %sub3A_1563 = arith.subf %convert_element_type3A_1559, %sub3A_1562 : vector<16xf32>
      %select_n3A_1564 = arith.select %gt3A_1560, %sub3A_1563, %convert_element_type3A_1559 : vector<16xi1>, vector<16xf32>
      %add3A_1565 = arith.constant 1.000000e+00 : f32
      %add3A_1566 = vector.broadcast %add3A_1565 : f32 to vector<16xf32>
      %add3A_1567 = arith.addf %select_n3A_1557, %add3A_1566 : vector<16xf32>
      %sub3A_1568 = arith.subf %add3A_1567, %min3A_1544 : vector<16xf32>
      %add3A_1569 = arith.constant 1.000000e+00 : f32
      %add3A_1570 = vector.broadcast %add3A_1569 : f32 to vector<16xf32>
      %add3A_1571 = arith.addf %select_n3A_1564, %add3A_1570 : vector<16xf32>
      %sub3A_1572 = arith.subf %add3A_1571, %min3A_1550 : vector<16xf32>
      %sub3A_1573 = arith.subf %min3A_1544, %select_n3A_1557 : vector<16xf32>
      %sub3A_1574 = arith.subf %min3A_1550, %select_n3A_1564 : vector<16xf32>
      %mul3A_1575 = arith.mulf %sub3A_1568, %sub3A_1572 : vector<16xf32>
      %swap3A_1576 = arith.constant 304 : index
      %swap3A_1577 = tpu.vector_load %arg11[%swap3A_1576] {strides = array<i32>} : memref<512xf32, #tpu.memory_space<vmem>>, vector<16xf32>,
      tpu.vector_store %arg11[%swap3A_1576], %mul3A_1575 {strides = array<i32>} : memref<512xf32, #tpu.memory_space<vmem>>, vector<16xf32>,
      %mul3A_1578 = arith.mulf %sub3A_1568, %sub3A_1574 : vector<16xf32>
      %swap3A_1579 = arith.constant 368 : index
      %swap3A_1580 = tpu.vector_load %arg11[%swap3A_1579] {strides = array<i32>} : memref<512xf32, #tpu.memory_space<vmem>>, vector<16xf32>,
      tpu.vector_store %arg11[%swap3A_1579], %mul3A_1578 {strides = array<i32>} : memref<512xf32, #tpu.memory_space<vmem>>, vector<16xf32>,
      %mul3A_1581 = arith.mulf %sub3A_1573, %sub3A_1572 : vector<16xf32>
      %swap3A_1582 = arith.constant 432 : index
      %swap3A_1583 = tpu.vector_load %arg11[%swap3A_1582] {strides = array<i32>} : memref<512xf32, #tpu.memory_space<vmem>>, vector<16xf32>,
      tpu.vector_store %arg11[%swap3A_1582], %mul3A_1581 {strides = array<i32>} : memref<512xf32, #tpu.memory_space<vmem>>, vector<16xf32>,
      %mul3A_1584 = arith.mulf %sub3A_1573, %sub3A_1574 : vector<16xf32>
      %swap3A_1585 = arith.constant 496 : index
      %swap3A_1586 = tpu.vector_load %arg11[%swap3A_1585] {strides = array<i32>} : memref<512xf32, #tpu.memory_space<vmem>>, vector<16xf32>,
      tpu.vector_store %arg11[%swap3A_1585], %mul3A_1584 {strides = array<i32>} : memref<512xf32, #tpu.memory_space<vmem>>, vector<16xf32>,
      %convert_element_type3A_1587 = arith.fptosi %select_n3A_1557 : vector<16xf32> to vector<16xi32>
      %convert_element_type3A_1588 = arith.fptosi %select_n3A_1564 : vector<16xf32> to vector<16xi32>
      %max3A_1589 = arith.constant 0 : i32
      %max3A_1590 = vector.broadcast %max3A_1589 : i32 to vector<16xi32>
      %max3A_1591 = arith.maxsi %convert_element_type3A_1587, %max3A_1590 : vector<16xi32>
      %min3A_1592 = arith.constant 223 : i32
      %min3A_1593 = vector.broadcast %min3A_1592 : i32 to vector<16xi32>
      %min3A_1594 = arith.minsi %max3A_1591, %min3A_1593 : vector<16xi32>
      %add3A_1595 = arith.constant 1 : i32
      %add3A_1596 = vector.broadcast %add3A_1595 : i32 to vector<16xi32>
      %add3A_1597 = arith.addi %convert_element_type3A_1587, %add3A_1596 : vector<16xi32>
      %max3A_1598 = arith.constant 0 : i32
      %max3A_1599 = vector.broadcast %max3A_1598 : i32 to vector<16xi32>
      %max3A_1600 = arith.maxsi %add3A_1597, %max3A_1599 : vector<16xi32>
      %min3A_1601 = arith.constant 223 : i32
      %min3A_1602 = vector.broadcast %min3A_1601 : i32 to vector<16xi32>
      %min3A_1603 = arith.minsi %max3A_1600, %min3A_1602 : vector<16xi32>
      %max3A_1604 = arith.constant 0 : i32
      %max3A_1605 = vector.broadcast %max3A_1604 : i32 to vector<16xi32>
      %max3A_1606 = arith.maxsi %convert_element_type3A_1588, %max3A_1605 : vector<16xi32>
      %min3A_1607 = arith.constant 223 : i32
      %min3A_1608 = vector.broadcast %min3A_1607 : i32 to vector<16xi32>
      %min3A_1609 = arith.minsi %max3A_1606, %min3A_1608 : vector<16xi32>
      %add3A_1610 = arith.constant 1 : i32
      %add3A_1611 = vector.broadcast %add3A_1610 : i32 to vector<16xi32>
      %add3A_1612 = arith.addi %convert_element_type3A_1588, %add3A_1611 : vector<16xi32>
      %max3A_1613 = arith.constant 0 : i32
      %max3A_1614 = vector.broadcast %max3A_1613 : i32 to vector<16xi32>
      %max3A_1615 = arith.maxsi %add3A_1612, %max3A_1614 : vector<16xi32>
      %min3A_1616 = arith.constant 223 : i32
      %min3A_1617 = vector.broadcast %min3A_1616 : i32 to vector<16xi32>
      %min3A_1618 = arith.minsi %max3A_1615, %min3A_1617 : vector<16xi32>
      %mul3A_1619 = arith.constant 224 : i32
      %mul3A_1620 = vector.broadcast %mul3A_1619 : i32 to vector<16xi32>
      %mul3A_1621 = arith.muli %min3A_1609, %mul3A_1620 : vector<16xi32>
      %add3A_1622 = vector.broadcast %mul3A_20 : i32 to vector<16xi32>
      %add3A_1623 = arith.addi %add3A_1622, %mul3A_1621 : vector<16xi32>
      %mul3A_1624 = arith.constant 224 : i32
      %mul3A_1625 = vector.broadcast %mul3A_1624 : i32 to vector<16xi32>
      %mul3A_1626 = arith.muli %min3A_1618, %mul3A_1625 : vector<16xi32>
      %add3A_1627 = vector.broadcast %mul3A_20 : i32 to vector<16xi32>
      %add3A_1628 = arith.addi %add3A_1627, %mul3A_1626 : vector<16xi32>
      %add3A_1629 = arith.addi %add3A_1623, %min3A_1594 : vector<16xi32>
      %swap3A_1630 = arith.constant 1 : i32
      %swap3A_1631 = arith.constant 0 : i32
      %swap3A_1632 = arith.index_cast %swap3A_1630 : i32 to index
      %swap3A_1633 = arith.index_cast %swap3A_1631 : i32 to index
      %swap3A_1634 = arith.constant 48 : index
      %swap3A_1635 = tpu.vector_load %arg10[%swap3A_1632, %swap3A_1633, %swap3A_1634] {strides = array<i32>} : memref<2x2x128xi32, #tpu.memory_space<vmem>>, vector<16xi32>,
      tpu.vector_store %arg10[%swap3A_1632, %swap3A_1633, %swap3A_1634], %add3A_1629 {strides = array<i32>} : memref<2x2x128xi32, #tpu.memory_space<vmem>>, vector<16xi32>,
      %add3A_1636 = arith.addi %add3A_1628, %min3A_1594 : vector<16xi32>
      %swap3A_1637 = arith.constant 1 : i32
      %swap3A_1638 = arith.constant 0 : i32
      %swap3A_1639 = arith.index_cast %swap3A_1637 : i32 to index
      %swap3A_1640 = arith.index_cast %swap3A_1638 : i32 to index
      %swap3A_1641 = arith.constant 112 : index
      %swap3A_1642 = tpu.vector_load %arg10[%swap3A_1639, %swap3A_1640, %swap3A_1641] {strides = array<i32>} : memref<2x2x128xi32, #tpu.memory_space<vmem>>, vector<16xi32>,
      tpu.vector_store %arg10[%swap3A_1639, %swap3A_1640, %swap3A_1641], %add3A_1636 {strides = array<i32>} : memref<2x2x128xi32, #tpu.memory_space<vmem>>, vector<16xi32>,
      %add3A_1643 = arith.addi %add3A_1623, %min3A_1603 : vector<16xi32>
      %swap3A_1644 = arith.constant 1 : i32
      %swap3A_1645 = arith.constant 1 : i32
      %swap3A_1646 = arith.index_cast %swap3A_1644 : i32 to index
      %swap3A_1647 = arith.index_cast %swap3A_1645 : i32 to index
      %swap3A_1648 = arith.constant 48 : index
      %swap3A_1649 = tpu.vector_load %arg10[%swap3A_1646, %swap3A_1647, %swap3A_1648] {strides = array<i32>} : memref<2x2x128xi32, #tpu.memory_space<vmem>>, vector<16xi32>,
      tpu.vector_store %arg10[%swap3A_1646, %swap3A_1647, %swap3A_1648], %add3A_1643 {strides = array<i32>} : memref<2x2x128xi32, #tpu.memory_space<vmem>>, vector<16xi32>,
      %add3A_1650 = arith.addi %add3A_1628, %min3A_1603 : vector<16xi32>
      %swap3A_1651 = arith.constant 1 : i32
      %swap3A_1652 = arith.constant 1 : i32
      %swap3A_1653 = arith.index_cast %swap3A_1651 : i32 to index
      %swap3A_1654 = arith.index_cast %swap3A_1652 : i32 to index
      %swap3A_1655 = arith.constant 112 : index
      %swap3A_1656 = tpu.vector_load %arg10[%swap3A_1653, %swap3A_1654, %swap3A_1655] {strides = array<i32>} : memref<2x2x128xi32, #tpu.memory_space<vmem>>, vector<16xi32>,
      tpu.vector_store %arg10[%swap3A_1653, %swap3A_1654, %swap3A_1655], %add3A_1650 {strides = array<i32>} : memref<2x2x128xi32, #tpu.memory_space<vmem>>, vector<16xi32>,
      %dma_start3A_1657 = arith.constant 1 : i32
      %dma_start3A_1658 = arith.constant 0 : i32
      %dma_start3A_1659 = arith.constant 1 : i32
      %dma_start3A_1660 = arith.constant 0 : i32
      %dma_start3A_1661 = arith.constant 0 : i32
      %dma_start3A_1662 = arith.constant 0 : i32
      %dma_start3A_1663 = tpu.memref_slice %arg12[%dma_start3A_1659, %dma_start3A_1660, %dma_start3A_1661, %dma_start3A_1662] : memref<2x2x128x192xf32, #tpu.memory_space<vmem>> -> memref<1x1x128x192xf32, #tpu.memory_space<vmem>>
      %dma_start3A_1664 = tpu.memref_squeeze %dma_start3A_1663 : memref<1x1x128x192xf32, #tpu.memory_space<vmem>> -> memref<128x192xf32, #tpu.memory_space<vmem>>
      %dma_start3A_1665 = arith.constant 0 : i32
      %dma_start3A_1666 = tpu.memref_slice %arg10[%dma_start3A_1657, %dma_start3A_1658, %dma_start3A_1665] : memref<2x2x128xi32, #tpu.memory_space<vmem>> -> memref<1x1x128xi32, #tpu.memory_space<vmem>>
      %dma_start3A_1667 = tpu.memref_squeeze %dma_start3A_1666 : memref<1x1x128xi32, #tpu.memory_space<vmem>> -> memref<128xi32, #tpu.memory_space<vmem>>
      %dma_start3A_1668 = arith.constant 0 : i32
      %dma_start3A_1669 = arith.constant 0 : i32
      %dma_start3A_1670 = tpu.memref_slice %arg2[%dma_start3A_1668, %dma_start3A_1669] : memref<401408x192xf32, #tpu.memory_space<hbm>> -> memref<401408x192xf32, #tpu.memory_space<hbm>>
      tpu.enqueue_indirect_dma source(%dma_start3A_1670 : memref<401408x192xf32, #tpu.memory_space<hbm>>) target(%dma_start3A_1664 : memref<128x192xf32, #tpu.memory_space<vmem>>) offsets(%dma_start3A_1667 : memref<128xi32, #tpu.memory_space<vmem>>) semaphore(%arg15 : memref<!tpu.dma_semaphore, #tpu.memory_space<semaphore_mem>>)
      %dma_start3A_1671 = arith.constant 1 : i32
      %dma_start3A_1672 = arith.constant 1 : i32
      %dma_start3A_1673 = arith.constant 1 : i32
      %dma_start3A_1674 = arith.constant 1 : i32
      %dma_start3A_1675 = arith.constant 0 : i32
      %dma_start3A_1676 = arith.constant 0 : i32
      %dma_start3A_1677 = tpu.memref_slice %arg12[%dma_start3A_1673, %dma_start3A_1674, %dma_start3A_1675, %dma_start3A_1676] : memref<2x2x128x192xf32, #tpu.memory_space<vmem>> -> memref<1x1x128x192xf32, #tpu.memory_space<vmem>>
      %dma_start3A_1678 = tpu.memref_squeeze %dma_start3A_1677 : memref<1x1x128x192xf32, #tpu.memory_space<vmem>> -> memref<128x192xf32, #tpu.memory_space<vmem>>
      %dma_start3A_1679 = arith.constant 0 : i32
      %dma_start3A_1680 = tpu.memref_slice %arg10[%dma_start3A_1671, %dma_start3A_1672, %dma_start3A_1679] : memref<2x2x128xi32, #tpu.memory_space<vmem>> -> memref<1x1x128xi32, #tpu.memory_space<vmem>>
      %dma_start3A_1681 = tpu.memref_squeeze %dma_start3A_1680 : memref<1x1x128xi32, #tpu.memory_space<vmem>> -> memref<128xi32, #tpu.memory_space<vmem>>
      %dma_start3A_1682 = arith.constant 0 : i32
      %dma_start3A_1683 = arith.constant 0 : i32
      %dma_start3A_1684 = tpu.memref_slice %arg2[%dma_start3A_1682, %dma_start3A_1683] : memref<401408x192xf32, #tpu.memory_space<hbm>> -> memref<401408x192xf32, #tpu.memory_space<hbm>>
      tpu.enqueue_indirect_dma source(%dma_start3A_1684 : memref<401408x192xf32, #tpu.memory_space<hbm>>) target(%dma_start3A_1678 : memref<128x192xf32, #tpu.memory_space<vmem>>) offsets(%dma_start3A_1681 : memref<128xi32, #tpu.memory_space<vmem>>) semaphore(%arg15 : memref<!tpu.dma_semaphore, #tpu.memory_space<semaphore_mem>>)
      %dma_wait3A_1685 = arith.constant 0 : i32
      %dma_wait3A_1686 = arith.constant 0 : i32
      %dma_wait3A_1687 = arith.constant 0 : i32
      %dma_wait3A_1688 = arith.constant 0 : i32
      %dma_wait3A_1689 = arith.constant 0 : i32
      %dma_wait3A_1690 = arith.constant 0 : i32
      %dma_wait3A_1691 = tpu.memref_slice %arg12[%dma_wait3A_1687, %dma_wait3A_1688, %dma_wait3A_1689, %dma_wait3A_1690] : memref<2x2x128x192xf32, #tpu.memory_space<vmem>> -> memref<1x1x128x192xf32, #tpu.memory_space<vmem>>
      %dma_wait3A_1692 = tpu.memref_squeeze %dma_wait3A_1691 : memref<1x1x128x192xf32, #tpu.memory_space<vmem>> -> memref<128x192xf32, #tpu.memory_space<vmem>>
      %dma_wait3A_1693 = arith.constant 0 : i32
      %dma_wait3A_1694 = tpu.memref_slice %arg10[%dma_wait3A_1685, %dma_wait3A_1686, %dma_wait3A_1693] : memref<2x2x128xi32, #tpu.memory_space<vmem>> -> memref<1x1x128xi32, #tpu.memory_space<vmem>>
      %dma_wait3A_1695 = tpu.memref_squeeze %dma_wait3A_1694 : memref<1x1x128xi32, #tpu.memory_space<vmem>> -> memref<128xi32, #tpu.memory_space<vmem>>
      %dma_wait3A_1696 = arith.constant 0 : i32
      %dma_wait3A_1697 = arith.constant 0 : i32
      %dma_wait3A_1698 = tpu.memref_slice %arg2[%dma_wait3A_1696, %dma_wait3A_1697] : memref<401408x192xf32, #tpu.memory_space<hbm>> -> memref<401408x192xf32, #tpu.memory_space<hbm>>
      tpu.wait_indirect_dma semaphore(%arg14 : memref<!tpu.dma_semaphore, #tpu.memory_space<semaphore_mem>>) src(%dma_wait3A_1698 : memref<401408x192xf32, #tpu.memory_space<hbm>>) dst(%dma_wait3A_1692 : memref<128x192xf32, #tpu.memory_space<vmem>>)
      %dma_wait3A_1699 = arith.constant 0 : i32
      %dma_wait3A_1700 = arith.constant 1 : i32
      %dma_wait3A_1701 = arith.constant 0 : i32
      %dma_wait3A_1702 = arith.constant 1 : i32
      %dma_wait3A_1703 = arith.constant 0 : i32
      %dma_wait3A_1704 = arith.constant 0 : i32
      %dma_wait3A_1705 = tpu.memref_slice %arg12[%dma_wait3A_1701, %dma_wait3A_1702, %dma_wait3A_1703, %dma_wait3A_1704] : memref<2x2x128x192xf32, #tpu.memory_space<vmem>> -> memref<1x1x128x192xf32, #tpu.memory_space<vmem>>
      %dma_wait3A_1706 = tpu.memref_squeeze %dma_wait3A_1705 : memref<1x1x128x192xf32, #tpu.memory_space<vmem>> -> memref<128x192xf32, #tpu.memory_space<vmem>>
      %dma_wait3A_1707 = arith.constant 0 : i32
      %dma_wait3A_1708 = tpu.memref_slice %arg10[%dma_wait3A_1699, %dma_wait3A_1700, %dma_wait3A_1707] : memref<2x2x128xi32, #tpu.memory_space<vmem>> -> memref<1x1x128xi32, #tpu.memory_space<vmem>>
      %dma_wait3A_1709 = tpu.memref_squeeze %dma_wait3A_1708 : memref<1x1x128xi32, #tpu.memory_space<vmem>> -> memref<128xi32, #tpu.memory_space<vmem>>
      %dma_wait3A_1710 = arith.constant 0 : i32
      %dma_wait3A_1711 = arith.constant 0 : i32
      %dma_wait3A_1712 = tpu.memref_slice %arg2[%dma_wait3A_1710, %dma_wait3A_1711] : memref<401408x192xf32, #tpu.memory_space<hbm>> -> memref<401408x192xf32, #tpu.memory_space<hbm>>
      tpu.wait_indirect_dma semaphore(%arg14 : memref<!tpu.dma_semaphore, #tpu.memory_space<semaphore_mem>>) src(%dma_wait3A_1712 : memref<401408x192xf32, #tpu.memory_space<hbm>>) dst(%dma_wait3A_1706 : memref<128x192xf32, #tpu.memory_space<vmem>>)
      %eq3A = arith.constant 0 : i32
      %eq3A_1713 = arith.cmpi eq, %scan3A_877, %eq3A : i32
      %mul3A_1714 = arith.constant 64 : i32
      %mul3A_1715 = arith.muli %mul3A_879, %mul3A_1714 : i32
      %add3A_1716 = arith.addi %mul3A_2, %mul3A_1715 : i32
      %not3A = arith.constant true
      %not3A_1717 = arith.xori %eq3A_1713, %not3A : i1
      %convert_element_type3A_1718 = arith.extui %not3A_1717 : i1 to i32
      %cond3A = arith.constant 0 : i32
      %cond3A_1719 = arith.cmpi ne, %convert_element_type3A_1718, %cond3A : i32
      scf.if %cond3A_1719 {
        %dma_wait3A_1798 = arith.constant 0 : i32
        %dma_wait3A_1799 = arith.constant 0 : i32
        %dma_wait3A_1800 = tpu.memref_slice %arg13[%dma_wait3A_1798, %dma_wait3A_1799] : memref<2x12288xf32, #tpu.memory_space<vmem>> -> memref<1x12288xf32, #tpu.memory_space<vmem>>
        %dma_wait3A_1801 = tpu.memref_squeeze %dma_wait3A_1800 : memref<1x12288xf32, #tpu.memory_space<vmem>> -> memref<12288xf32, #tpu.memory_space<vmem>>
        %dma_wait3A_1802 = arith.constant 0 : i32
        %dma_wait3A_1803 = tpu.memref_slice %arg6[%dma_wait3A_1802] : memref<77070336xf32, #tpu.memory_space<hbm>> -> memref<12288xf32, #tpu.memory_space<hbm>>
        %dma_wait3A_1804 = arith.constant 0 : i32
        %dma_wait3A_1805 = tpu.memref_slice %arg6[%dma_wait3A_1804] : memref<77070336xf32, #tpu.memory_space<hbm>> -> memref<12288xf32, #tpu.memory_space<hbm>>
        %dma_wait3A_1806 = arith.constant 0 : i32
        %dma_wait3A_1807 = tpu.memref_slice %arg13[%dma_wait3A_1798, %dma_wait3A_1806] : memref<2x12288xf32, #tpu.memory_space<vmem>> -> memref<1x12288xf32, #tpu.memory_space<vmem>>
        %dma_wait3A_1808 = tpu.memref_squeeze %dma_wait3A_1807 : memref<1x12288xf32, #tpu.memory_space<vmem>> -> memref<12288xf32, #tpu.memory_space<vmem>>
        tpu.wait_dma2 semaphore(%arg16 : memref<!tpu.dma_semaphore, #tpu.memory_space<semaphore_mem>>) src(%dma_wait3A_1808 : memref<12288xf32, #tpu.memory_space<vmem>>) dst(%dma_wait3A_1805 : memref<12288xf32, #tpu.memory_space<hbm>>)
      } else {
      }
      %scan3A_1720 = arith.constant 0 : i32
      %scan3A_1721 = arith.constant 0 : i32
      %scan3A_1722 = arith.constant 64 : i32
      %scan3A_1723 = arith.addi %scan3A_1721, %scan3A_1722 : i32
      %scan3A_1724 = arith.constant 1 : i32
      scf.for %scan3A_1798 = %scan3A_1721 to %scan3A_1723 step %scan3A_1724  : i32 {
        %add3A_1799 = arith.constant 0 : i32
        %add3A_1800 = arith.addi %add3A_1799, %scan3A_1798 : i32
        %broadcast_in_dim3A_1801 = vector.broadcast %add3A_1800 : i32 to vector<16xi32>
        %gather3A_1802 = tpu.vector_load_idx %arg11[%broadcast_in_dim3A_1801] : memref<512xf32, #tpu.memory_space<vmem>>[vector<16xi32>], vector<16xf32>,
        %add3A_1803 = arith.constant 0 : i32
        %add3A_1804 = arith.addi %add3A_1803, %scan3A_1798 : i32
        %add3A_1805 = arith.constant 64 : i32
        %add3A_1806 = arith.addi %add3A_1804, %add3A_1805 : i32
        %broadcast_in_dim3A_1807 = vector.broadcast %add3A_1806 : i32 to vector<16xi32>
        %gather3A_1808 = tpu.vector_load_idx %arg11[%broadcast_in_dim3A_1807] : memref<512xf32, #tpu.memory_space<vmem>>[vector<16xi32>], vector<16xf32>,
        %add3A_1809 = arith.constant 0 : i32
        %add3A_1810 = arith.addi %add3A_1809, %scan3A_1798 : i32
        %add3A_1811 = arith.constant 128 : i32
        %add3A_1812 = arith.addi %add3A_1810, %add3A_1811 : i32
        %broadcast_in_dim3A_1813 = vector.broadcast %add3A_1812 : i32 to vector<16xi32>
        %gather3A_1814 = tpu.vector_load_idx %arg11[%broadcast_in_dim3A_1813] : memref<512xf32, #tpu.memory_space<vmem>>[vector<16xi32>], vector<16xf32>,
        %add3A_1815 = arith.constant 0 : i32
        %add3A_1816 = arith.addi %add3A_1815, %scan3A_1798 : i32
        %add3A_1817 = arith.constant 192 : i32
        %add3A_1818 = arith.addi %add3A_1816, %add3A_1817 : i32
        %broadcast_in_dim3A_1819 = vector.broadcast %add3A_1818 : i32 to vector<16xi32>
        %gather3A_1820 = tpu.vector_load_idx %arg11[%broadcast_in_dim3A_1819] : memref<512xf32, #tpu.memory_space<vmem>>[vector<16xi32>], vector<16xf32>,
        %get3A = arith.constant 0 : i32
        %get3A_1821 = arith.constant 0 : i32
        %get3A_1822 = arith.index_cast %get3A : i32 to index
        %get3A_1823 = arith.index_cast %get3A_1821 : i32 to index
        %get3A_1824 = arith.index_cast %scan3A_1798 : i32 to index
        %get3A_1825 = arith.constant 0 : index
        %get3A_1826 = tpu.vector_load %arg12[%get3A_1822, %get3A_1823, %get3A_1824, %get3A_1825] {strides = array<i32>} : memref<2x2x128x192xf32, #tpu.memory_space<vmem>>, vector<16xf32>,
        %mul3A_1827 = arith.mulf %gather3A_1802, %get3A_1826 : vector<16xf32>
        %add3A_1828 = arith.constant 64 : i32
        %add3A_1829 = arith.addi %add3A_1828, %scan3A_1798 : i32
        %get3A_1830 = arith.constant 0 : i32
        %get3A_1831 = arith.constant 0 : i32
        %get3A_1832 = arith.index_cast %get3A_1830 : i32 to index
        %get3A_1833 = arith.index_cast %get3A_1831 : i32 to index
        %get3A_1834 = arith.index_cast %add3A_1829 : i32 to index
        %get3A_1835 = arith.constant 0 : index
        %get3A_1836 = tpu.vector_load %arg12[%get3A_1832, %get3A_1833, %get3A_1834, %get3A_1835] {strides = array<i32>} : memref<2x2x128x192xf32, #tpu.memory_space<vmem>>, vector<16xf32>,
        %mul3A_1837 = arith.mulf %gather3A_1808, %get3A_1836 : vector<16xf32>
        %add3A_1838 = arith.addf %mul3A_1827, %mul3A_1837 : vector<16xf32>
        %get3A_1839 = arith.constant 0 : i32
        %get3A_1840 = arith.constant 1 : i32
        %get3A_1841 = arith.index_cast %get3A_1839 : i32 to index
        %get3A_1842 = arith.index_cast %get3A_1840 : i32 to index
        %get3A_1843 = arith.index_cast %scan3A_1798 : i32 to index
        %get3A_1844 = arith.constant 0 : index
        %get3A_1845 = tpu.vector_load %arg12[%get3A_1841, %get3A_1842, %get3A_1843, %get3A_1844] {strides = array<i32>} : memref<2x2x128x192xf32, #tpu.memory_space<vmem>>, vector<16xf32>,
        %mul3A_1846 = arith.mulf %gather3A_1814, %get3A_1845 : vector<16xf32>
        %add3A_1847 = arith.addf %add3A_1838, %mul3A_1846 : vector<16xf32>
        %add3A_1848 = arith.constant 64 : i32
        %add3A_1849 = arith.addi %add3A_1848, %scan3A_1798 : i32
        %get3A_1850 = arith.constant 0 : i32
        %get3A_1851 = arith.constant 1 : i32
        %get3A_1852 = arith.index_cast %get3A_1850 : i32 to index
        %get3A_1853 = arith.index_cast %get3A_1851 : i32 to index
        %get3A_1854 = arith.index_cast %add3A_1849 : i32 to index
        %get3A_1855 = arith.constant 0 : index
        %get3A_1856 = tpu.vector_load %arg12[%get3A_1852, %get3A_1853, %get3A_1854, %get3A_1855] {strides = array<i32>} : memref<2x2x128x192xf32, #tpu.memory_space<vmem>>, vector<16xf32>,
        %mul3A_1857 = arith.mulf %gather3A_1820, %get3A_1856 : vector<16xf32>
        %add3A_1858 = arith.addf %add3A_1847, %mul3A_1857 : vector<16xf32>
        %mul3A_1859 = arith.constant 192 : i32
        %mul3A_1860 = arith.muli %scan3A_1798, %mul3A_1859 : i32
        %add3A_1861 = arith.constant 0 : i32
        %add3A_1862 = arith.addi %mul3A_1860, %add3A_1861 : i32
        %swap3A_1863 = arith.constant 0 : i32
        %swap3A_1864 = arith.index_cast %swap3A_1863 : i32 to index
        %swap3A_1865 = arith.index_cast %add3A_1862 : i32 to index
        %swap3A_1866 = tpu.vector_load %arg13[%swap3A_1864, %swap3A_1865] {strides = array<i32>} : memref<2x12288xf32, #tpu.memory_space<vmem>>, vector<16xf32>,
        tpu.vector_store %arg13[%swap3A_1864, %swap3A_1865], %add3A_1858 {strides = array<i32>} : memref<2x12288xf32, #tpu.memory_space<vmem>>, vector<16xf32>,
        %get3A_1867 = arith.constant 0 : i32
        %get3A_1868 = arith.constant 0 : i32
        %get3A_1869 = arith.index_cast %get3A_1867 : i32 to index
        %get3A_1870 = arith.index_cast %get3A_1868 : i32 to index
        %get3A_1871 = arith.index_cast %scan3A_1798 : i32 to index
        %get3A_1872 = arith.constant 16 : index
        %get3A_1873 = tpu.vector_load %arg12[%get3A_1869, %get3A_1870, %get3A_1871, %get3A_1872] {strides = array<i32>} : memref<2x2x128x192xf32, #tpu.memory_space<vmem>>, vector<16xf32>,
        %mul3A_1874 = arith.mulf %gather3A_1802, %get3A_1873 : vector<16xf32>
        %add3A_1875 = arith.constant 64 : i32
        %add3A_1876 = arith.addi %add3A_1875, %scan3A_1798 : i32
        %get3A_1877 = arith.constant 0 : i32
        %get3A_1878 = arith.constant 0 : i32
        %get3A_1879 = arith.index_cast %get3A_1877 : i32 to index
        %get3A_1880 = arith.index_cast %get3A_1878 : i32 to index
        %get3A_1881 = arith.index_cast %add3A_1876 : i32 to index
        %get3A_1882 = arith.constant 16 : index
        %get3A_1883 = tpu.vector_load %arg12[%get3A_1879, %get3A_1880, %get3A_1881, %get3A_1882] {strides = array<i32>} : memref<2x2x128x192xf32, #tpu.memory_space<vmem>>, vector<16xf32>,
        %mul3A_1884 = arith.mulf %gather3A_1808, %get3A_1883 : vector<16xf32>
        %add3A_1885 = arith.addf %mul3A_1874, %mul3A_1884 : vector<16xf32>
        %get3A_1886 = arith.constant 0 : i32
        %get3A_1887 = arith.constant 1 : i32
        %get3A_1888 = arith.index_cast %get3A_1886 : i32 to index
        %get3A_1889 = arith.index_cast %get3A_1887 : i32 to index
        %get3A_1890 = arith.index_cast %scan3A_1798 : i32 to index
        %get3A_1891 = arith.constant 16 : index
        %get3A_1892 = tpu.vector_load %arg12[%get3A_1888, %get3A_1889, %get3A_1890, %get3A_1891] {strides = array<i32>} : memref<2x2x128x192xf32, #tpu.memory_space<vmem>>, vector<16xf32>,
        %mul3A_1893 = arith.mulf %gather3A_1814, %get3A_1892 : vector<16xf32>
        %add3A_1894 = arith.addf %add3A_1885, %mul3A_1893 : vector<16xf32>
        %add3A_1895 = arith.constant 64 : i32
        %add3A_1896 = arith.addi %add3A_1895, %scan3A_1798 : i32
        %get3A_1897 = arith.constant 0 : i32
        %get3A_1898 = arith.constant 1 : i32
        %get3A_1899 = arith.index_cast %get3A_1897 : i32 to index
        %get3A_1900 = arith.index_cast %get3A_1898 : i32 to index
        %get3A_1901 = arith.index_cast %add3A_1896 : i32 to index
        %get3A_1902 = arith.constant 16 : index
        %get3A_1903 = tpu.vector_load %arg12[%get3A_1899, %get3A_1900, %get3A_1901, %get3A_1902] {strides = array<i32>} : memref<2x2x128x192xf32, #tpu.memory_space<vmem>>, vector<16xf32>,
        %mul3A_1904 = arith.mulf %gather3A_1820, %get3A_1903 : vector<16xf32>
        %add3A_1905 = arith.addf %add3A_1894, %mul3A_1904 : vector<16xf32>
        %mul3A_1906 = arith.constant 192 : i32
        %mul3A_1907 = arith.muli %scan3A_1798, %mul3A_1906 : i32
        %add3A_1908 = arith.constant 16 : i32
        %add3A_1909 = arith.addi %mul3A_1907, %add3A_1908 : i32
        %swap3A_1910 = arith.constant 0 : i32
        %swap3A_1911 = arith.index_cast %swap3A_1910 : i32 to index
        %swap3A_1912 = arith.index_cast %add3A_1909 : i32 to index
        %swap3A_1913 = tpu.vector_load %arg13[%swap3A_1911, %swap3A_1912] {strides = array<i32>} : memref<2x12288xf32, #tpu.memory_space<vmem>>, vector<16xf32>,
        tpu.vector_store %arg13[%swap3A_1911, %swap3A_1912], %add3A_1905 {strides = array<i32>} : memref<2x12288xf32, #tpu.memory_space<vmem>>, vector<16xf32>,
        %get3A_1914 = arith.constant 0 : i32
        %get3A_1915 = arith.constant 0 : i32
        %get3A_1916 = arith.index_cast %get3A_1914 : i32 to index
        %get3A_1917 = arith.index_cast %get3A_1915 : i32 to index
        %get3A_1918 = arith.index_cast %scan3A_1798 : i32 to index
        %get3A_1919 = arith.constant 32 : index
        %get3A_1920 = tpu.vector_load %arg12[%get3A_1916, %get3A_1917, %get3A_1918, %get3A_1919] {strides = array<i32>} : memref<2x2x128x192xf32, #tpu.memory_space<vmem>>, vector<16xf32>,
        %mul3A_1921 = arith.mulf %gather3A_1802, %get3A_1920 : vector<16xf32>
        %add3A_1922 = arith.constant 64 : i32
        %add3A_1923 = arith.addi %add3A_1922, %scan3A_1798 : i32
        %get3A_1924 = arith.constant 0 : i32
        %get3A_1925 = arith.constant 0 : i32
        %get3A_1926 = arith.index_cast %get3A_1924 : i32 to index
        %get3A_1927 = arith.index_cast %get3A_1925 : i32 to index
        %get3A_1928 = arith.index_cast %add3A_1923 : i32 to index
        %get3A_1929 = arith.constant 32 : index
        %get3A_1930 = tpu.vector_load %arg12[%get3A_1926, %get3A_1927, %get3A_1928, %get3A_1929] {strides = array<i32>} : memref<2x2x128x192xf32, #tpu.memory_space<vmem>>, vector<16xf32>,
        %mul3A_1931 = arith.mulf %gather3A_1808, %get3A_1930 : vector<16xf32>
        %add3A_1932 = arith.addf %mul3A_1921, %mul3A_1931 : vector<16xf32>
        %get3A_1933 = arith.constant 0 : i32
        %get3A_1934 = arith.constant 1 : i32
        %get3A_1935 = arith.index_cast %get3A_1933 : i32 to index
        %get3A_1936 = arith.index_cast %get3A_1934 : i32 to index
        %get3A_1937 = arith.index_cast %scan3A_1798 : i32 to index
        %get3A_1938 = arith.constant 32 : index
        %get3A_1939 = tpu.vector_load %arg12[%get3A_1935, %get3A_1936, %get3A_1937, %get3A_1938] {strides = array<i32>} : memref<2x2x128x192xf32, #tpu.memory_space<vmem>>, vector<16xf32>,
        %mul3A_1940 = arith.mulf %gather3A_1814, %get3A_1939 : vector<16xf32>
        %add3A_1941 = arith.addf %add3A_1932, %mul3A_1940 : vector<16xf32>
        %add3A_1942 = arith.constant 64 : i32
        %add3A_1943 = arith.addi %add3A_1942, %scan3A_1798 : i32
        %get3A_1944 = arith.constant 0 : i32
        %get3A_1945 = arith.constant 1 : i32
        %get3A_1946 = arith.index_cast %get3A_1944 : i32 to index
        %get3A_1947 = arith.index_cast %get3A_1945 : i32 to index
        %get3A_1948 = arith.index_cast %add3A_1943 : i32 to index
        %get3A_1949 = arith.constant 32 : index
        %get3A_1950 = tpu.vector_load %arg12[%get3A_1946, %get3A_1947, %get3A_1948, %get3A_1949] {strides = array<i32>} : memref<2x2x128x192xf32, #tpu.memory_space<vmem>>, vector<16xf32>,
        %mul3A_1951 = arith.mulf %gather3A_1820, %get3A_1950 : vector<16xf32>
        %add3A_1952 = arith.addf %add3A_1941, %mul3A_1951 : vector<16xf32>
        %mul3A_1953 = arith.constant 192 : i32
        %mul3A_1954 = arith.muli %scan3A_1798, %mul3A_1953 : i32
        %add3A_1955 = arith.constant 32 : i32
        %add3A_1956 = arith.addi %mul3A_1954, %add3A_1955 : i32
        %swap3A_1957 = arith.constant 0 : i32
        %swap3A_1958 = arith.index_cast %swap3A_1957 : i32 to index
        %swap3A_1959 = arith.index_cast %add3A_1956 : i32 to index
        %swap3A_1960 = tpu.vector_load %arg13[%swap3A_1958, %swap3A_1959] {strides = array<i32>} : memref<2x12288xf32, #tpu.memory_space<vmem>>, vector<16xf32>,
        tpu.vector_store %arg13[%swap3A_1958, %swap3A_1959], %add3A_1952 {strides = array<i32>} : memref<2x12288xf32, #tpu.memory_space<vmem>>, vector<16xf32>,
        %get3A_1961 = arith.constant 0 : i32
        %get3A_1962 = arith.constant 0 : i32
        %get3A_1963 = arith.index_cast %get3A_1961 : i32 to index
        %get3A_1964 = arith.index_cast %get3A_1962 : i32 to index
        %get3A_1965 = arith.index_cast %scan3A_1798 : i32 to index
        %get3A_1966 = arith.constant 48 : index
        %get3A_1967 = tpu.vector_load %arg12[%get3A_1963, %get3A_1964, %get3A_1965, %get3A_1966] {strides = array<i32>} : memref<2x2x128x192xf32, #tpu.memory_space<vmem>>, vector<16xf32>,
        %mul3A_1968 = arith.mulf %gather3A_1802, %get3A_1967 : vector<16xf32>
        %add3A_1969 = arith.constant 64 : i32
        %add3A_1970 = arith.addi %add3A_1969, %scan3A_1798 : i32
        %get3A_1971 = arith.constant 0 : i32
        %get3A_1972 = arith.constant 0 : i32
        %get3A_1973 = arith.index_cast %get3A_1971 : i32 to index
        %get3A_1974 = arith.index_cast %get3A_1972 : i32 to index
        %get3A_1975 = arith.index_cast %add3A_1970 : i32 to index
        %get3A_1976 = arith.constant 48 : index
        %get3A_1977 = tpu.vector_load %arg12[%get3A_1973, %get3A_1974, %get3A_1975, %get3A_1976] {strides = array<i32>} : memref<2x2x128x192xf32, #tpu.memory_space<vmem>>, vector<16xf32>,
        %mul3A_1978 = arith.mulf %gather3A_1808, %get3A_1977 : vector<16xf32>
        %add3A_1979 = arith.addf %mul3A_1968, %mul3A_1978 : vector<16xf32>
        %get3A_1980 = arith.constant 0 : i32
        %get3A_1981 = arith.constant 1 : i32
        %get3A_1982 = arith.index_cast %get3A_1980 : i32 to index
        %get3A_1983 = arith.index_cast %get3A_1981 : i32 to index
        %get3A_1984 = arith.index_cast %scan3A_1798 : i32 to index
        %get3A_1985 = arith.constant 48 : index
        %get3A_1986 = tpu.vector_load %arg12[%get3A_1982, %get3A_1983, %get3A_1984, %get3A_1985] {strides = array<i32>} : memref<2x2x128x192xf32, #tpu.memory_space<vmem>>, vector<16xf32>,
        %mul3A_1987 = arith.mulf %gather3A_1814, %get3A_1986 : vector<16xf32>
        %add3A_1988 = arith.addf %add3A_1979, %mul3A_1987 : vector<16xf32>
        %add3A_1989 = arith.constant 64 : i32
        %add3A_1990 = arith.addi %add3A_1989, %scan3A_1798 : i32
        %get3A_1991 = arith.constant 0 : i32
        %get3A_1992 = arith.constant 1 : i32
        %get3A_1993 = arith.index_cast %get3A_1991 : i32 to index
        %get3A_1994 = arith.index_cast %get3A_1992 : i32 to index
        %get3A_1995 = arith.index_cast %add3A_1990 : i32 to index
        %get3A_1996 = arith.constant 48 : index
        %get3A_1997 = tpu.vector_load %arg12[%get3A_1993, %get3A_1994, %get3A_1995, %get3A_1996] {strides = array<i32>} : memref<2x2x128x192xf32, #tpu.memory_space<vmem>>, vector<16xf32>,
        %mul3A_1998 = arith.mulf %gather3A_1820, %get3A_1997 : vector<16xf32>
        %add3A_1999 = arith.addf %add3A_1988, %mul3A_1998 : vector<16xf32>
        %mul3A_2000 = arith.constant 192 : i32
        %mul3A_2001 = arith.muli %scan3A_1798, %mul3A_2000 : i32
        %add3A_2002 = arith.constant 48 : i32
        %add3A_2003 = arith.addi %mul3A_2001, %add3A_2002 : i32
        %swap3A_2004 = arith.constant 0 : i32
        %swap3A_2005 = arith.index_cast %swap3A_2004 : i32 to index
        %swap3A_2006 = arith.index_cast %add3A_2003 : i32 to index
        %swap3A_2007 = tpu.vector_load %arg13[%swap3A_2005, %swap3A_2006] {strides = array<i32>} : memref<2x12288xf32, #tpu.memory_space<vmem>>, vector<16xf32>,
        tpu.vector_store %arg13[%swap3A_2005, %swap3A_2006], %add3A_1999 {strides = array<i32>} : memref<2x12288xf32, #tpu.memory_space<vmem>>, vector<16xf32>,
        %get3A_2008 = arith.constant 0 : i32
        %get3A_2009 = arith.constant 0 : i32
        %get3A_2010 = arith.index_cast %get3A_2008 : i32 to index
        %get3A_2011 = arith.index_cast %get3A_2009 : i32 to index
        %get3A_2012 = arith.index_cast %scan3A_1798 : i32 to index
        %get3A_2013 = arith.constant 64 : index
        %get3A_2014 = tpu.vector_load %arg12[%get3A_2010, %get3A_2011, %get3A_2012, %get3A_2013] {strides = array<i32>} : memref<2x2x128x192xf32, #tpu.memory_space<vmem>>, vector<16xf32>,
        %mul3A_2015 = arith.mulf %gather3A_1802, %get3A_2014 : vector<16xf32>
        %add3A_2016 = arith.constant 64 : i32
        %add3A_2017 = arith.addi %add3A_2016, %scan3A_1798 : i32
        %get3A_2018 = arith.constant 0 : i32
        %get3A_2019 = arith.constant 0 : i32
        %get3A_2020 = arith.index_cast %get3A_2018 : i32 to index
        %get3A_2021 = arith.index_cast %get3A_2019 : i32 to index
        %get3A_2022 = arith.index_cast %add3A_2017 : i32 to index
        %get3A_2023 = arith.constant 64 : index
        %get3A_2024 = tpu.vector_load %arg12[%get3A_2020, %get3A_2021, %get3A_2022, %get3A_2023] {strides = array<i32>} : memref<2x2x128x192xf32, #tpu.memory_space<vmem>>, vector<16xf32>,
        %mul3A_2025 = arith.mulf %gather3A_1808, %get3A_2024 : vector<16xf32>
        %add3A_2026 = arith.addf %mul3A_2015, %mul3A_2025 : vector<16xf32>
        %get3A_2027 = arith.constant 0 : i32
        %get3A_2028 = arith.constant 1 : i32
        %get3A_2029 = arith.index_cast %get3A_2027 : i32 to index
        %get3A_2030 = arith.index_cast %get3A_2028 : i32 to index
        %get3A_2031 = arith.index_cast %scan3A_1798 : i32 to index
        %get3A_2032 = arith.constant 64 : index
        %get3A_2033 = tpu.vector_load %arg12[%get3A_2029, %get3A_2030, %get3A_2031, %get3A_2032] {strides = array<i32>} : memref<2x2x128x192xf32, #tpu.memory_space<vmem>>, vector<16xf32>,
        %mul3A_2034 = arith.mulf %gather3A_1814, %get3A_2033 : vector<16xf32>
        %add3A_2035 = arith.addf %add3A_2026, %mul3A_2034 : vector<16xf32>
        %add3A_2036 = arith.constant 64 : i32
        %add3A_2037 = arith.addi %add3A_2036, %scan3A_1798 : i32
        %get3A_2038 = arith.constant 0 : i32
        %get3A_2039 = arith.constant 1 : i32
        %get3A_2040 = arith.index_cast %get3A_2038 : i32 to index
        %get3A_2041 = arith.index_cast %get3A_2039 : i32 to index
        %get3A_2042 = arith.index_cast %add3A_2037 : i32 to index
        %get3A_2043 = arith.constant 64 : index
        %get3A_2044 = tpu.vector_load %arg12[%get3A_2040, %get3A_2041, %get3A_2042, %get3A_2043] {strides = array<i32>} : memref<2x2x128x192xf32, #tpu.memory_space<vmem>>, vector<16xf32>,
        %mul3A_2045 = arith.mulf %gather3A_1820, %get3A_2044 : vector<16xf32>
        %add3A_2046 = arith.addf %add3A_2035, %mul3A_2045 : vector<16xf32>
        %mul3A_2047 = arith.constant 192 : i32
        %mul3A_2048 = arith.muli %scan3A_1798, %mul3A_2047 : i32
        %add3A_2049 = arith.constant 64 : i32
        %add3A_2050 = arith.addi %mul3A_2048, %add3A_2049 : i32
        %swap3A_2051 = arith.constant 0 : i32
        %swap3A_2052 = arith.index_cast %swap3A_2051 : i32 to index
        %swap3A_2053 = arith.index_cast %add3A_2050 : i32 to index
        %swap3A_2054 = tpu.vector_load %arg13[%swap3A_2052, %swap3A_2053] {strides = array<i32>} : memref<2x12288xf32, #tpu.memory_space<vmem>>, vector<16xf32>,
        tpu.vector_store %arg13[%swap3A_2052, %swap3A_2053], %add3A_2046 {strides = array<i32>} : memref<2x12288xf32, #tpu.memory_space<vmem>>, vector<16xf32>,
        %get3A_2055 = arith.constant 0 : i32
        %get3A_2056 = arith.constant 0 : i32
        %get3A_2057 = arith.index_cast %get3A_2055 : i32 to index
        %get3A_2058 = arith.index_cast %get3A_2056 : i32 to index
        %get3A_2059 = arith.index_cast %scan3A_1798 : i32 to index
        %get3A_2060 = arith.constant 80 : index
        %get3A_2061 = tpu.vector_load %arg12[%get3A_2057, %get3A_2058, %get3A_2059, %get3A_2060] {strides = array<i32>} : memref<2x2x128x192xf32, #tpu.memory_space<vmem>>, vector<16xf32>,
        %mul3A_2062 = arith.mulf %gather3A_1802, %get3A_2061 : vector<16xf32>
        %add3A_2063 = arith.constant 64 : i32
        %add3A_2064 = arith.addi %add3A_2063, %scan3A_1798 : i32
        %get3A_2065 = arith.constant 0 : i32
        %get3A_2066 = arith.constant 0 : i32
        %get3A_2067 = arith.index_cast %get3A_2065 : i32 to index
        %get3A_2068 = arith.index_cast %get3A_2066 : i32 to index
        %get3A_2069 = arith.index_cast %add3A_2064 : i32 to index
        %get3A_2070 = arith.constant 80 : index
        %get3A_2071 = tpu.vector_load %arg12[%get3A_2067, %get3A_2068, %get3A_2069, %get3A_2070] {strides = array<i32>} : memref<2x2x128x192xf32, #tpu.memory_space<vmem>>, vector<16xf32>,
        %mul3A_2072 = arith.mulf %gather3A_1808, %get3A_2071 : vector<16xf32>
        %add3A_2073 = arith.addf %mul3A_2062, %mul3A_2072 : vector<16xf32>
        %get3A_2074 = arith.constant 0 : i32
        %get3A_2075 = arith.constant 1 : i32
        %get3A_2076 = arith.index_cast %get3A_2074 : i32 to index
        %get3A_2077 = arith.index_cast %get3A_2075 : i32 to index
        %get3A_2078 = arith.index_cast %scan3A_1798 : i32 to index
        %get3A_2079 = arith.constant 80 : index
        %get3A_2080 = tpu.vector_load %arg12[%get3A_2076, %get3A_2077, %get3A_2078, %get3A_2079] {strides = array<i32>} : memref<2x2x128x192xf32, #tpu.memory_space<vmem>>, vector<16xf32>,
        %mul3A_2081 = arith.mulf %gather3A_1814, %get3A_2080 : vector<16xf32>
        %add3A_2082 = arith.addf %add3A_2073, %mul3A_2081 : vector<16xf32>
        %add3A_2083 = arith.constant 64 : i32
        %add3A_2084 = arith.addi %add3A_2083, %scan3A_1798 : i32
        %get3A_2085 = arith.constant 0 : i32
        %get3A_2086 = arith.constant 1 : i32
        %get3A_2087 = arith.index_cast %get3A_2085 : i32 to index
        %get3A_2088 = arith.index_cast %get3A_2086 : i32 to index
        %get3A_2089 = arith.index_cast %add3A_2084 : i32 to index
        %get3A_2090 = arith.constant 80 : index
        %get3A_2091 = tpu.vector_load %arg12[%get3A_2087, %get3A_2088, %get3A_2089, %get3A_2090] {strides = array<i32>} : memref<2x2x128x192xf32, #tpu.memory_space<vmem>>, vector<16xf32>,
        %mul3A_2092 = arith.mulf %gather3A_1820, %get3A_2091 : vector<16xf32>
        %add3A_2093 = arith.addf %add3A_2082, %mul3A_2092 : vector<16xf32>
        %mul3A_2094 = arith.constant 192 : i32
        %mul3A_2095 = arith.muli %scan3A_1798, %mul3A_2094 : i32
        %add3A_2096 = arith.constant 80 : i32
        %add3A_2097 = arith.addi %mul3A_2095, %add3A_2096 : i32
        %swap3A_2098 = arith.constant 0 : i32
        %swap3A_2099 = arith.index_cast %swap3A_2098 : i32 to index
        %swap3A_2100 = arith.index_cast %add3A_2097 : i32 to index
        %swap3A_2101 = tpu.vector_load %arg13[%swap3A_2099, %swap3A_2100] {strides = array<i32>} : memref<2x12288xf32, #tpu.memory_space<vmem>>, vector<16xf32>,
        tpu.vector_store %arg13[%swap3A_2099, %swap3A_2100], %add3A_2093 {strides = array<i32>} : memref<2x12288xf32, #tpu.memory_space<vmem>>, vector<16xf32>,
        %get3A_2102 = arith.constant 0 : i32
        %get3A_2103 = arith.constant 0 : i32
        %get3A_2104 = arith.index_cast %get3A_2102 : i32 to index
        %get3A_2105 = arith.index_cast %get3A_2103 : i32 to index
        %get3A_2106 = arith.index_cast %scan3A_1798 : i32 to index
        %get3A_2107 = arith.constant 96 : index
        %get3A_2108 = tpu.vector_load %arg12[%get3A_2104, %get3A_2105, %get3A_2106, %get3A_2107] {strides = array<i32>} : memref<2x2x128x192xf32, #tpu.memory_space<vmem>>, vector<16xf32>,
        %mul3A_2109 = arith.mulf %gather3A_1802, %get3A_2108 : vector<16xf32>
        %add3A_2110 = arith.constant 64 : i32
        %add3A_2111 = arith.addi %add3A_2110, %scan3A_1798 : i32
        %get3A_2112 = arith.constant 0 : i32
        %get3A_2113 = arith.constant 0 : i32
        %get3A_2114 = arith.index_cast %get3A_2112 : i32 to index
        %get3A_2115 = arith.index_cast %get3A_2113 : i32 to index
        %get3A_2116 = arith.index_cast %add3A_2111 : i32 to index
        %get3A_2117 = arith.constant 96 : index
        %get3A_2118 = tpu.vector_load %arg12[%get3A_2114, %get3A_2115, %get3A_2116, %get3A_2117] {strides = array<i32>} : memref<2x2x128x192xf32, #tpu.memory_space<vmem>>, vector<16xf32>,
        %mul3A_2119 = arith.mulf %gather3A_1808, %get3A_2118 : vector<16xf32>
        %add3A_2120 = arith.addf %mul3A_2109, %mul3A_2119 : vector<16xf32>
        %get3A_2121 = arith.constant 0 : i32
        %get3A_2122 = arith.constant 1 : i32
        %get3A_2123 = arith.index_cast %get3A_2121 : i32 to index
        %get3A_2124 = arith.index_cast %get3A_2122 : i32 to index
        %get3A_2125 = arith.index_cast %scan3A_1798 : i32 to index
        %get3A_2126 = arith.constant 96 : index
        %get3A_2127 = tpu.vector_load %arg12[%get3A_2123, %get3A_2124, %get3A_2125, %get3A_2126] {strides = array<i32>} : memref<2x2x128x192xf32, #tpu.memory_space<vmem>>, vector<16xf32>,
        %mul3A_2128 = arith.mulf %gather3A_1814, %get3A_2127 : vector<16xf32>
        %add3A_2129 = arith.addf %add3A_2120, %mul3A_2128 : vector<16xf32>
        %add3A_2130 = arith.constant 64 : i32
        %add3A_2131 = arith.addi %add3A_2130, %scan3A_1798 : i32
        %get3A_2132 = arith.constant 0 : i32
        %get3A_2133 = arith.constant 1 : i32
        %get3A_2134 = arith.index_cast %get3A_2132 : i32 to index
        %get3A_2135 = arith.index_cast %get3A_2133 : i32 to index
        %get3A_2136 = arith.index_cast %add3A_2131 : i32 to index
        %get3A_2137 = arith.constant 96 : index
        %get3A_2138 = tpu.vector_load %arg12[%get3A_2134, %get3A_2135, %get3A_2136, %get3A_2137] {strides = array<i32>} : memref<2x2x128x192xf32, #tpu.memory_space<vmem>>, vector<16xf32>,
        %mul3A_2139 = arith.mulf %gather3A_1820, %get3A_2138 : vector<16xf32>
        %add3A_2140 = arith.addf %add3A_2129, %mul3A_2139 : vector<16xf32>
        %mul3A_2141 = arith.constant 192 : i32
        %mul3A_2142 = arith.muli %scan3A_1798, %mul3A_2141 : i32
        %add3A_2143 = arith.constant 96 : i32
        %add3A_2144 = arith.addi %mul3A_2142, %add3A_2143 : i32
        %swap3A_2145 = arith.constant 0 : i32
        %swap3A_2146 = arith.index_cast %swap3A_2145 : i32 to index
        %swap3A_2147 = arith.index_cast %add3A_2144 : i32 to index
        %swap3A_2148 = tpu.vector_load %arg13[%swap3A_2146, %swap3A_2147] {strides = array<i32>} : memref<2x12288xf32, #tpu.memory_space<vmem>>, vector<16xf32>,
        tpu.vector_store %arg13[%swap3A_2146, %swap3A_2147], %add3A_2140 {strides = array<i32>} : memref<2x12288xf32, #tpu.memory_space<vmem>>, vector<16xf32>,
        %get3A_2149 = arith.constant 0 : i32
        %get3A_2150 = arith.constant 0 : i32
        %get3A_2151 = arith.index_cast %get3A_2149 : i32 to index
        %get3A_2152 = arith.index_cast %get3A_2150 : i32 to index
        %get3A_2153 = arith.index_cast %scan3A_1798 : i32 to index
        %get3A_2154 = arith.constant 112 : index
        %get3A_2155 = tpu.vector_load %arg12[%get3A_2151, %get3A_2152, %get3A_2153, %get3A_2154] {strides = array<i32>} : memref<2x2x128x192xf32, #tpu.memory_space<vmem>>, vector<16xf32>,
        %mul3A_2156 = arith.mulf %gather3A_1802, %get3A_2155 : vector<16xf32>
        %add3A_2157 = arith.constant 64 : i32
        %add3A_2158 = arith.addi %add3A_2157, %scan3A_1798 : i32
        %get3A_2159 = arith.constant 0 : i32
        %get3A_2160 = arith.constant 0 : i32
        %get3A_2161 = arith.index_cast %get3A_2159 : i32 to index
        %get3A_2162 = arith.index_cast %get3A_2160 : i32 to index
        %get3A_2163 = arith.index_cast %add3A_2158 : i32 to index
        %get3A_2164 = arith.constant 112 : index
        %get3A_2165 = tpu.vector_load %arg12[%get3A_2161, %get3A_2162, %get3A_2163, %get3A_2164] {strides = array<i32>} : memref<2x2x128x192xf32, #tpu.memory_space<vmem>>, vector<16xf32>,
        %mul3A_2166 = arith.mulf %gather3A_1808, %get3A_2165 : vector<16xf32>
        %add3A_2167 = arith.addf %mul3A_2156, %mul3A_2166 : vector<16xf32>
        %get3A_2168 = arith.constant 0 : i32
        %get3A_2169 = arith.constant 1 : i32
        %get3A_2170 = arith.index_cast %get3A_2168 : i32 to index
        %get3A_2171 = arith.index_cast %get3A_2169 : i32 to index
        %get3A_2172 = arith.index_cast %scan3A_1798 : i32 to index
        %get3A_2173 = arith.constant 112 : index
        %get3A_2174 = tpu.vector_load %arg12[%get3A_2170, %get3A_2171, %get3A_2172, %get3A_2173] {strides = array<i32>} : memref<2x2x128x192xf32, #tpu.memory_space<vmem>>, vector<16xf32>,
        %mul3A_2175 = arith.mulf %gather3A_1814, %get3A_2174 : vector<16xf32>
        %add3A_2176 = arith.addf %add3A_2167, %mul3A_2175 : vector<16xf32>
        %add3A_2177 = arith.constant 64 : i32
        %add3A_2178 = arith.addi %add3A_2177, %scan3A_1798 : i32
        %get3A_2179 = arith.constant 0 : i32
        %get3A_2180 = arith.constant 1 : i32
        %get3A_2181 = arith.index_cast %get3A_2179 : i32 to index
        %get3A_2182 = arith.index_cast %get3A_2180 : i32 to index
        %get3A_2183 = arith.index_cast %add3A_2178 : i32 to index
        %get3A_2184 = arith.constant 112 : index
        %get3A_2185 = tpu.vector_load %arg12[%get3A_2181, %get3A_2182, %get3A_2183, %get3A_2184] {strides = array<i32>} : memref<2x2x128x192xf32, #tpu.memory_space<vmem>>, vector<16xf32>,
        %mul3A_2186 = arith.mulf %gather3A_1820, %get3A_2185 : vector<16xf32>
        %add3A_2187 = arith.addf %add3A_2176, %mul3A_2186 : vector<16xf32>
        %mul3A_2188 = arith.constant 192 : i32
        %mul3A_2189 = arith.muli %scan3A_1798, %mul3A_2188 : i32
        %add3A_2190 = arith.constant 112 : i32
        %add3A_2191 = arith.addi %mul3A_2189, %add3A_2190 : i32
        %swap3A_2192 = arith.constant 0 : i32
        %swap3A_2193 = arith.index_cast %swap3A_2192 : i32 to index
        %swap3A_2194 = arith.index_cast %add3A_2191 : i32 to index
        %swap3A_2195 = tpu.vector_load %arg13[%swap3A_2193, %swap3A_2194] {strides = array<i32>} : memref<2x12288xf32, #tpu.memory_space<vmem>>, vector<16xf32>,
        tpu.vector_store %arg13[%swap3A_2193, %swap3A_2194], %add3A_2187 {strides = array<i32>} : memref<2x12288xf32, #tpu.memory_space<vmem>>, vector<16xf32>,
        %get3A_2196 = arith.constant 0 : i32
        %get3A_2197 = arith.constant 0 : i32
        %get3A_2198 = arith.index_cast %get3A_2196 : i32 to index
        %get3A_2199 = arith.index_cast %get3A_2197 : i32 to index
        %get3A_2200 = arith.index_cast %scan3A_1798 : i32 to index
        %get3A_2201 = arith.constant 128 : index
        %get3A_2202 = tpu.vector_load %arg12[%get3A_2198, %get3A_2199, %get3A_2200, %get3A_2201] {strides = array<i32>} : memref<2x2x128x192xf32, #tpu.memory_space<vmem>>, vector<16xf32>,
        %mul3A_2203 = arith.mulf %gather3A_1802, %get3A_2202 : vector<16xf32>
        %add3A_2204 = arith.constant 64 : i32
        %add3A_2205 = arith.addi %add3A_2204, %scan3A_1798 : i32
        %get3A_2206 = arith.constant 0 : i32
        %get3A_2207 = arith.constant 0 : i32
        %get3A_2208 = arith.index_cast %get3A_2206 : i32 to index
        %get3A_2209 = arith.index_cast %get3A_2207 : i32 to index
        %get3A_2210 = arith.index_cast %add3A_2205 : i32 to index
        %get3A_2211 = arith.constant 128 : index
        %get3A_2212 = tpu.vector_load %arg12[%get3A_2208, %get3A_2209, %get3A_2210, %get3A_2211] {strides = array<i32>} : memref<2x2x128x192xf32, #tpu.memory_space<vmem>>, vector<16xf32>,
        %mul3A_2213 = arith.mulf %gather3A_1808, %get3A_2212 : vector<16xf32>
        %add3A_2214 = arith.addf %mul3A_2203, %mul3A_2213 : vector<16xf32>
        %get3A_2215 = arith.constant 0 : i32
        %get3A_2216 = arith.constant 1 : i32
        %get3A_2217 = arith.index_cast %get3A_2215 : i32 to index
        %get3A_2218 = arith.index_cast %get3A_2216 : i32 to index
        %get3A_2219 = arith.index_cast %scan3A_1798 : i32 to index
        %get3A_2220 = arith.constant 128 : index
        %get3A_2221 = tpu.vector_load %arg12[%get3A_2217, %get3A_2218, %get3A_2219, %get3A_2220] {strides = array<i32>} : memref<2x2x128x192xf32, #tpu.memory_space<vmem>>, vector<16xf32>,
        %mul3A_2222 = arith.mulf %gather3A_1814, %get3A_2221 : vector<16xf32>
        %add3A_2223 = arith.addf %add3A_2214, %mul3A_2222 : vector<16xf32>
        %add3A_2224 = arith.constant 64 : i32
        %add3A_2225 = arith.addi %add3A_2224, %scan3A_1798 : i32
        %get3A_2226 = arith.constant 0 : i32
        %get3A_2227 = arith.constant 1 : i32
        %get3A_2228 = arith.index_cast %get3A_2226 : i32 to index
        %get3A_2229 = arith.index_cast %get3A_2227 : i32 to index
        %get3A_2230 = arith.index_cast %add3A_2225 : i32 to index
        %get3A_2231 = arith.constant 128 : index
        %get3A_2232 = tpu.vector_load %arg12[%get3A_2228, %get3A_2229, %get3A_2230, %get3A_2231] {strides = array<i32>} : memref<2x2x128x192xf32, #tpu.memory_space<vmem>>, vector<16xf32>,
        %mul3A_2233 = arith.mulf %gather3A_1820, %get3A_2232 : vector<16xf32>
        %add3A_2234 = arith.addf %add3A_2223, %mul3A_2233 : vector<16xf32>
        %mul3A_2235 = arith.constant 192 : i32
        %mul3A_2236 = arith.muli %scan3A_1798, %mul3A_2235 : i32
        %add3A_2237 = arith.constant 128 : i32
        %add3A_2238 = arith.addi %mul3A_2236, %add3A_2237 : i32
        %swap3A_2239 = arith.constant 0 : i32
        %swap3A_2240 = arith.index_cast %swap3A_2239 : i32 to index
        %swap3A_2241 = arith.index_cast %add3A_2238 : i32 to index
        %swap3A_2242 = tpu.vector_load %arg13[%swap3A_2240, %swap3A_2241] {strides = array<i32>} : memref<2x12288xf32, #tpu.memory_space<vmem>>, vector<16xf32>,
        tpu.vector_store %arg13[%swap3A_2240, %swap3A_2241], %add3A_2234 {strides = array<i32>} : memref<2x12288xf32, #tpu.memory_space<vmem>>, vector<16xf32>,
        %get3A_2243 = arith.constant 0 : i32
        %get3A_2244 = arith.constant 0 : i32
        %get3A_2245 = arith.index_cast %get3A_2243 : i32 to index
        %get3A_2246 = arith.index_cast %get3A_2244 : i32 to index
        %get3A_2247 = arith.index_cast %scan3A_1798 : i32 to index
        %get3A_2248 = arith.constant 144 : index
        %get3A_2249 = tpu.vector_load %arg12[%get3A_2245, %get3A_2246, %get3A_2247, %get3A_2248] {strides = array<i32>} : memref<2x2x128x192xf32, #tpu.memory_space<vmem>>, vector<16xf32>,
        %mul3A_2250 = arith.mulf %gather3A_1802, %get3A_2249 : vector<16xf32>
        %add3A_2251 = arith.constant 64 : i32
        %add3A_2252 = arith.addi %add3A_2251, %scan3A_1798 : i32
        %get3A_2253 = arith.constant 0 : i32
        %get3A_2254 = arith.constant 0 : i32
        %get3A_2255 = arith.index_cast %get3A_2253 : i32 to index
        %get3A_2256 = arith.index_cast %get3A_2254 : i32 to index
        %get3A_2257 = arith.index_cast %add3A_2252 : i32 to index
        %get3A_2258 = arith.constant 144 : index
        %get3A_2259 = tpu.vector_load %arg12[%get3A_2255, %get3A_2256, %get3A_2257, %get3A_2258] {strides = array<i32>} : memref<2x2x128x192xf32, #tpu.memory_space<vmem>>, vector<16xf32>,
        %mul3A_2260 = arith.mulf %gather3A_1808, %get3A_2259 : vector<16xf32>
        %add3A_2261 = arith.addf %mul3A_2250, %mul3A_2260 : vector<16xf32>
        %get3A_2262 = arith.constant 0 : i32
        %get3A_2263 = arith.constant 1 : i32
        %get3A_2264 = arith.index_cast %get3A_2262 : i32 to index
        %get3A_2265 = arith.index_cast %get3A_2263 : i32 to index
        %get3A_2266 = arith.index_cast %scan3A_1798 : i32 to index
        %get3A_2267 = arith.constant 144 : index
        %get3A_2268 = tpu.vector_load %arg12[%get3A_2264, %get3A_2265, %get3A_2266, %get3A_2267] {strides = array<i32>} : memref<2x2x128x192xf32, #tpu.memory_space<vmem>>, vector<16xf32>,
        %mul3A_2269 = arith.mulf %gather3A_1814, %get3A_2268 : vector<16xf32>
        %add3A_2270 = arith.addf %add3A_2261, %mul3A_2269 : vector<16xf32>
        %add3A_2271 = arith.constant 64 : i32
        %add3A_2272 = arith.addi %add3A_2271, %scan3A_1798 : i32
        %get3A_2273 = arith.constant 0 : i32
        %get3A_2274 = arith.constant 1 : i32
        %get3A_2275 = arith.index_cast %get3A_2273 : i32 to index
        %get3A_2276 = arith.index_cast %get3A_2274 : i32 to index
        %get3A_2277 = arith.index_cast %add3A_2272 : i32 to index
        %get3A_2278 = arith.constant 144 : index
        %get3A_2279 = tpu.vector_load %arg12[%get3A_2275, %get3A_2276, %get3A_2277, %get3A_2278] {strides = array<i32>} : memref<2x2x128x192xf32, #tpu.memory_space<vmem>>, vector<16xf32>,
        %mul3A_2280 = arith.mulf %gather3A_1820, %get3A_2279 : vector<16xf32>
        %add3A_2281 = arith.addf %add3A_2270, %mul3A_2280 : vector<16xf32>
        %mul3A_2282 = arith.constant 192 : i32
        %mul3A_2283 = arith.muli %scan3A_1798, %mul3A_2282 : i32
        %add3A_2284 = arith.constant 144 : i32
        %add3A_2285 = arith.addi %mul3A_2283, %add3A_2284 : i32
        %swap3A_2286 = arith.constant 0 : i32
        %swap3A_2287 = arith.index_cast %swap3A_2286 : i32 to index
        %swap3A_2288 = arith.index_cast %add3A_2285 : i32 to index
        %swap3A_2289 = tpu.vector_load %arg13[%swap3A_2287, %swap3A_2288] {strides = array<i32>} : memref<2x12288xf32, #tpu.memory_space<vmem>>, vector<16xf32>,
        tpu.vector_store %arg13[%swap3A_2287, %swap3A_2288], %add3A_2281 {strides = array<i32>} : memref<2x12288xf32, #tpu.memory_space<vmem>>, vector<16xf32>,
        %get3A_2290 = arith.constant 0 : i32
        %get3A_2291 = arith.constant 0 : i32
        %get3A_2292 = arith.index_cast %get3A_2290 : i32 to index
        %get3A_2293 = arith.index_cast %get3A_2291 : i32 to index
        %get3A_2294 = arith.index_cast %scan3A_1798 : i32 to index
        %get3A_2295 = arith.constant 160 : index
        %get3A_2296 = tpu.vector_load %arg12[%get3A_2292, %get3A_2293, %get3A_2294, %get3A_2295] {strides = array<i32>} : memref<2x2x128x192xf32, #tpu.memory_space<vmem>>, vector<16xf32>,
        %mul3A_2297 = arith.mulf %gather3A_1802, %get3A_2296 : vector<16xf32>
        %add3A_2298 = arith.constant 64 : i32
        %add3A_2299 = arith.addi %add3A_2298, %scan3A_1798 : i32
        %get3A_2300 = arith.constant 0 : i32
        %get3A_2301 = arith.constant 0 : i32
        %get3A_2302 = arith.index_cast %get3A_2300 : i32 to index
        %get3A_2303 = arith.index_cast %get3A_2301 : i32 to index
        %get3A_2304 = arith.index_cast %add3A_2299 : i32 to index
        %get3A_2305 = arith.constant 160 : index
        %get3A_2306 = tpu.vector_load %arg12[%get3A_2302, %get3A_2303, %get3A_2304, %get3A_2305] {strides = array<i32>} : memref<2x2x128x192xf32, #tpu.memory_space<vmem>>, vector<16xf32>,
        %mul3A_2307 = arith.mulf %gather3A_1808, %get3A_2306 : vector<16xf32>
        %add3A_2308 = arith.addf %mul3A_2297, %mul3A_2307 : vector<16xf32>
        %get3A_2309 = arith.constant 0 : i32
        %get3A_2310 = arith.constant 1 : i32
        %get3A_2311 = arith.index_cast %get3A_2309 : i32 to index
        %get3A_2312 = arith.index_cast %get3A_2310 : i32 to index
        %get3A_2313 = arith.index_cast %scan3A_1798 : i32 to index
        %get3A_2314 = arith.constant 160 : index
        %get3A_2315 = tpu.vector_load %arg12[%get3A_2311, %get3A_2312, %get3A_2313, %get3A_2314] {strides = array<i32>} : memref<2x2x128x192xf32, #tpu.memory_space<vmem>>, vector<16xf32>,
        %mul3A_2316 = arith.mulf %gather3A_1814, %get3A_2315 : vector<16xf32>
        %add3A_2317 = arith.addf %add3A_2308, %mul3A_2316 : vector<16xf32>
        %add3A_2318 = arith.constant 64 : i32
        %add3A_2319 = arith.addi %add3A_2318, %scan3A_1798 : i32
        %get3A_2320 = arith.constant 0 : i32
        %get3A_2321 = arith.constant 1 : i32
        %get3A_2322 = arith.index_cast %get3A_2320 : i32 to index
        %get3A_2323 = arith.index_cast %get3A_2321 : i32 to index
        %get3A_2324 = arith.index_cast %add3A_2319 : i32 to index
        %get3A_2325 = arith.constant 160 : index
        %get3A_2326 = tpu.vector_load %arg12[%get3A_2322, %get3A_2323, %get3A_2324, %get3A_2325] {strides = array<i32>} : memref<2x2x128x192xf32, #tpu.memory_space<vmem>>, vector<16xf32>,
        %mul3A_2327 = arith.mulf %gather3A_1820, %get3A_2326 : vector<16xf32>
        %add3A_2328 = arith.addf %add3A_2317, %mul3A_2327 : vector<16xf32>
        %mul3A_2329 = arith.constant 192 : i32
        %mul3A_2330 = arith.muli %scan3A_1798, %mul3A_2329 : i32
        %add3A_2331 = arith.constant 160 : i32
        %add3A_2332 = arith.addi %mul3A_2330, %add3A_2331 : i32
        %swap3A_2333 = arith.constant 0 : i32
        %swap3A_2334 = arith.index_cast %swap3A_2333 : i32 to index
        %swap3A_2335 = arith.index_cast %add3A_2332 : i32 to index
        %swap3A_2336 = tpu.vector_load %arg13[%swap3A_2334, %swap3A_2335] {strides = array<i32>} : memref<2x12288xf32, #tpu.memory_space<vmem>>, vector<16xf32>,
        tpu.vector_store %arg13[%swap3A_2334, %swap3A_2335], %add3A_2328 {strides = array<i32>} : memref<2x12288xf32, #tpu.memory_space<vmem>>, vector<16xf32>,
        %get3A_2337 = arith.constant 0 : i32
        %get3A_2338 = arith.constant 0 : i32
        %get3A_2339 = arith.index_cast %get3A_2337 : i32 to index
        %get3A_2340 = arith.index_cast %get3A_2338 : i32 to index
        %get3A_2341 = arith.index_cast %scan3A_1798 : i32 to index
        %get3A_2342 = arith.constant 176 : index
        %get3A_2343 = tpu.vector_load %arg12[%get3A_2339, %get3A_2340, %get3A_2341, %get3A_2342] {strides = array<i32>} : memref<2x2x128x192xf32, #tpu.memory_space<vmem>>, vector<16xf32>,
        %mul3A_2344 = arith.mulf %gather3A_1802, %get3A_2343 : vector<16xf32>
        %add3A_2345 = arith.constant 64 : i32
        %add3A_2346 = arith.addi %add3A_2345, %scan3A_1798 : i32
        %get3A_2347 = arith.constant 0 : i32
        %get3A_2348 = arith.constant 0 : i32
        %get3A_2349 = arith.index_cast %get3A_2347 : i32 to index
        %get3A_2350 = arith.index_cast %get3A_2348 : i32 to index
        %get3A_2351 = arith.index_cast %add3A_2346 : i32 to index
        %get3A_2352 = arith.constant 176 : index
        %get3A_2353 = tpu.vector_load %arg12[%get3A_2349, %get3A_2350, %get3A_2351, %get3A_2352] {strides = array<i32>} : memref<2x2x128x192xf32, #tpu.memory_space<vmem>>, vector<16xf32>,
        %mul3A_2354 = arith.mulf %gather3A_1808, %get3A_2353 : vector<16xf32>
        %add3A_2355 = arith.addf %mul3A_2344, %mul3A_2354 : vector<16xf32>
        %get3A_2356 = arith.constant 0 : i32
        %get3A_2357 = arith.constant 1 : i32
        %get3A_2358 = arith.index_cast %get3A_2356 : i32 to index
        %get3A_2359 = arith.index_cast %get3A_2357 : i32 to index
        %get3A_2360 = arith.index_cast %scan3A_1798 : i32 to index
        %get3A_2361 = arith.constant 176 : index
        %get3A_2362 = tpu.vector_load %arg12[%get3A_2358, %get3A_2359, %get3A_2360, %get3A_2361] {strides = array<i32>} : memref<2x2x128x192xf32, #tpu.memory_space<vmem>>, vector<16xf32>,
        %mul3A_2363 = arith.mulf %gather3A_1814, %get3A_2362 : vector<16xf32>
        %add3A_2364 = arith.addf %add3A_2355, %mul3A_2363 : vector<16xf32>
        %add3A_2365 = arith.constant 64 : i32
        %add3A_2366 = arith.addi %add3A_2365, %scan3A_1798 : i32
        %get3A_2367 = arith.constant 0 : i32
        %get3A_2368 = arith.constant 1 : i32
        %get3A_2369 = arith.index_cast %get3A_2367 : i32 to index
        %get3A_2370 = arith.index_cast %get3A_2368 : i32 to index
        %get3A_2371 = arith.index_cast %add3A_2366 : i32 to index
        %get3A_2372 = arith.constant 176 : index
        %get3A_2373 = tpu.vector_load %arg12[%get3A_2369, %get3A_2370, %get3A_2371, %get3A_2372] {strides = array<i32>} : memref<2x2x128x192xf32, #tpu.memory_space<vmem>>, vector<16xf32>,
        %mul3A_2374 = arith.mulf %gather3A_1820, %get3A_2373 : vector<16xf32>
        %add3A_2375 = arith.addf %add3A_2364, %mul3A_2374 : vector<16xf32>
        %mul3A_2376 = arith.constant 192 : i32
        %mul3A_2377 = arith.muli %scan3A_1798, %mul3A_2376 : i32
        %add3A_2378 = arith.constant 176 : i32
        %add3A_2379 = arith.addi %mul3A_2377, %add3A_2378 : i32
        %swap3A_2380 = arith.constant 0 : i32
        %swap3A_2381 = arith.index_cast %swap3A_2380 : i32 to index
        %swap3A_2382 = arith.index_cast %add3A_2379 : i32 to index
        %swap3A_2383 = tpu.vector_load %arg13[%swap3A_2381, %swap3A_2382] {strides = array<i32>} : memref<2x12288xf32, #tpu.memory_space<vmem>>, vector<16xf32>,
        tpu.vector_store %arg13[%swap3A_2381, %swap3A_2382], %add3A_2375 {strides = array<i32>} : memref<2x12288xf32, #tpu.memory_space<vmem>>, vector<16xf32>,
      }
      %scan3A_1725 = arith.constant 64 : i32
      %mul3A_1726 = arith.constant 192 : i32
      %mul3A_1727 = arith.muli %add3A_1716, %mul3A_1726 : i32
      %dma_start3A_1728 = arith.constant 0 : i32
      %dma_start3A_1729 = arith.constant 0 : i32
      %dma_start3A_1730 = tpu.memref_slice %arg13[%dma_start3A_1728, %dma_start3A_1729] : memref<2x12288xf32, #tpu.memory_space<vmem>> -> memref<1x12288xf32, #tpu.memory_space<vmem>>
      %dma_start3A_1731 = tpu.memref_squeeze %dma_start3A_1730 : memref<1x12288xf32, #tpu.memory_space<vmem>> -> memref<12288xf32, #tpu.memory_space<vmem>>
      %dma_start3A_1732 = tpu.memref_slice %arg6[%mul3A_1727] : memref<77070336xf32, #tpu.memory_space<hbm>> -> memref<12288xf32, #tpu.memory_space<hbm>>
      %dma_start3A_1733 = tpu.memref_slice %arg6[%mul3A_1727] : memref<77070336xf32, #tpu.memory_space<hbm>> -> memref<12288xf32, #tpu.memory_space<hbm>>
      %dma_start3A_1734 = arith.constant 0 : i32
      %dma_start3A_1735 = tpu.memref_slice %arg13[%dma_start3A_1728, %dma_start3A_1734] : memref<2x12288xf32, #tpu.memory_space<vmem>> -> memref<1x12288xf32, #tpu.memory_space<vmem>>
      %dma_start3A_1736 = tpu.memref_squeeze %dma_start3A_1735 : memref<1x12288xf32, #tpu.memory_space<vmem>> -> memref<12288xf32, #tpu.memory_space<vmem>>
      tpu.enqueue_dma source(%dma_start3A_1736 : memref<12288xf32, #tpu.memory_space<vmem>>) target(%dma_start3A_1733 : memref<12288xf32, #tpu.memory_space<hbm>>) target_semaphore(%arg16 : memref<!tpu.dma_semaphore, #tpu.memory_space<semaphore_mem>>)
      %lt3A = arith.constant 97 : i32
      %lt3A_1737 = arith.cmpi slt, %scan3A_877, %lt3A : i32
      %convert_element_type3A_1738 = arith.extui %lt3A_1737 : i1 to i32
      %cond3A_1739 = arith.constant 0 : i32
      %cond3A_1740 = arith.cmpi ne, %convert_element_type3A_1738, %cond3A_1739 : i32
      scf.if %cond3A_1740 {
        %add3A_1798 = arith.constant 2 : i32
        %add3A_1799 = arith.addi %mul3A_879, %add3A_1798 : i32
        %mul3A_1800 = arith.constant 64 : i32
        %mul3A_1801 = arith.muli %add3A_1799, %mul3A_1800 : i32
        %add3A_1802 = arith.addi %mul3A_2, %mul3A_1801 : i32
        %add3A_1803 = arith.constant 0 : i32
        %add3A_1804 = arith.addi %add3A_1802, %add3A_1803 : i32
        %add3A_1805 = vector.broadcast %add3A_1804 : i32 to vector<16xi32>
        %add3A_1806 = arith.addi %add3A_1805, %iota3A : vector<16xi32>
        %sub3A_1807 = vector.broadcast %mul3A_20 : i32 to vector<16xi32>
        %sub3A_1808 = arith.subi %add3A_1806, %sub3A_1807 : vector<16xi32>
        %jit3A_1809 = arith.constant 224 : i32
        %div3A_1810 = vector.broadcast %jit3A_1809 : i32 to vector<16xi32>
        %div3A_1811 = arith.divsi %sub3A_1808, %div3A_1810 : vector<16xi32>
        %sign3A_1812 = arith.constant 0 : i32
        %sign3A_1813 = vector.broadcast %sign3A_1812 : i32 to vector<16xi32>
        %sign3A_1814 = arith.cmpi sgt, %sub3A_1808, %sign3A_1813 : vector<16xi32>
        %sign3A_1815 = arith.extui %sign3A_1814 : vector<16xi1> to vector<16xi32>
        %sign3A_1816 = arith.constant 0 : i32
        %sign3A_1817 = vector.broadcast %sign3A_1816 : i32 to vector<16xi32>
        %sign3A_1818 = arith.cmpi slt, %sub3A_1808, %sign3A_1817 : vector<16xi32>
        %sign3A_1819 = arith.extui %sign3A_1818 : vector<16xi1> to vector<16xi32>
        %sign3A_1820 = arith.subi %sign3A_1815, %sign3A_1819 : vector<16xi32>
        %sign3A_1821 = arith.constant 0 : i32
        %sign3A_1822 = arith.cmpi sgt, %jit3A_1809, %sign3A_1821 : i32
        %sign3A_1823 = arith.extui %sign3A_1822 : i1 to i32
        %sign3A_1824 = arith.constant 0 : i32
        %sign3A_1825 = arith.cmpi slt, %jit3A_1809, %sign3A_1824 : i32
        %sign3A_1826 = arith.extui %sign3A_1825 : i1 to i32
        %sign3A_1827 = arith.subi %sign3A_1823, %sign3A_1826 : i32
        %ne3A_1828 = vector.broadcast %sign3A_1827 : i32 to vector<16xi32>
        %ne3A_1829 = arith.cmpi ne, %sign3A_1820, %ne3A_1828 : vector<16xi32>
        %rem3A_1830 = vector.broadcast %jit3A_1809 : i32 to vector<16xi32>
        %rem3A_1831 = arith.remsi %sub3A_1808, %rem3A_1830 : vector<16xi32>
        %ne3A_1832 = arith.constant 0 : i32
        %ne3A_1833 = vector.broadcast %ne3A_1832 : i32 to vector<16xi32>
        %ne3A_1834 = arith.cmpi ne, %rem3A_1831, %ne3A_1833 : vector<16xi32>
        %and3A_1835 = arith.andi %ne3A_1829, %ne3A_1834 : vector<16xi1>
        %sub3A_1836 = arith.constant 1 : i32
        %sub3A_1837 = vector.broadcast %sub3A_1836 : i32 to vector<16xi32>
        %sub3A_1838 = arith.subi %div3A_1811, %sub3A_1837 : vector<16xi32>
        %select_n3A_1839 = arith.select %and3A_1835, %sub3A_1838, %div3A_1811 : vector<16xi1>, vector<16xi32>
        %mul3A_1840 = arith.constant 224 : i32
        %mul3A_1841 = vector.broadcast %mul3A_1840 : i32 to vector<16xi32>
        %mul3A_1842 = arith.muli %select_n3A_1839, %mul3A_1841 : vector<16xi32>
        %sub3A_1843 = arith.subi %sub3A_1808, %mul3A_1842 : vector<16xi32>
        %gather3A_1844 = tpu.vector_load_idx %arg8[%sub3A_1843] : memref<224xf32, #tpu.memory_space<vmem>>[vector<16xi32>], vector<16xf32>,
        %gather3A_1845 = tpu.vector_load_idx %arg9[%select_n3A_1839] : memref<224xf32, #tpu.memory_space<vmem>>[vector<16xi32>], vector<16xf32>,
        %mul3A_1846 = arith.mulf %gather3A, %gather3A_1844 : vector<16xf32>
        %mul3A_1847 = arith.mulf %gather3A_30, %gather3A_1845 : vector<16xf32>
        %add3A_1848 = arith.addf %mul3A_1846, %mul3A_1847 : vector<16xf32>
        %add3A_1849 = arith.addf %add3A_1848, %gather3A_36 : vector<16xf32>
        %mul3A_1850 = arith.mulf %gather3A_42, %gather3A_1844 : vector<16xf32>
        %mul3A_1851 = arith.mulf %gather3A_48, %gather3A_1845 : vector<16xf32>
        %add3A_1852 = arith.addf %mul3A_1850, %mul3A_1851 : vector<16xf32>
        %add3A_1853 = arith.addf %add3A_1852, %gather3A_54 : vector<16xf32>
        %add3A_1854 = arith.constant 1.000000e+00 : f32
        %add3A_1855 = vector.broadcast %add3A_1854 : f32 to vector<16xf32>
        %add3A_1856 = arith.addf %add3A_1849, %add3A_1855 : vector<16xf32>
        %mul3A_1857 = arith.constant 2.240000e+02 : f32
        %mul3A_1858 = vector.broadcast %mul3A_1857 : f32 to vector<16xf32>
        %mul3A_1859 = arith.mulf %add3A_1856, %mul3A_1858 : vector<16xf32>
        %sub3A_1860 = arith.constant 1.000000e+00 : f32
        %sub3A_1861 = vector.broadcast %sub3A_1860 : f32 to vector<16xf32>
        %sub3A_1862 = arith.subf %mul3A_1859, %sub3A_1861 : vector<16xf32>
        %mul3A_1863 = arith.constant 5.000000e-01 : f32
        %mul3A_1864 = vector.broadcast %mul3A_1863 : f32 to vector<16xf32>
        %mul3A_1865 = arith.mulf %mul3A_1864, %sub3A_1862 : vector<16xf32>
        %add3A_1866 = arith.constant 1.000000e+00 : f32
        %add3A_1867 = vector.broadcast %add3A_1866 : f32 to vector<16xf32>
        %add3A_1868 = arith.addf %add3A_1853, %add3A_1867 : vector<16xf32>
        %mul3A_1869 = arith.constant 2.240000e+02 : f32
        %mul3A_1870 = vector.broadcast %mul3A_1869 : f32 to vector<16xf32>
        %mul3A_1871 = arith.mulf %add3A_1868, %mul3A_1870 : vector<16xf32>
        %sub3A_1872 = arith.constant 1.000000e+00 : f32
        %sub3A_1873 = vector.broadcast %sub3A_1872 : f32 to vector<16xf32>
        %sub3A_1874 = arith.subf %mul3A_1871, %sub3A_1873 : vector<16xf32>
        %mul3A_1875 = arith.constant 5.000000e-01 : f32
        %mul3A_1876 = vector.broadcast %mul3A_1875 : f32 to vector<16xf32>
        %mul3A_1877 = arith.mulf %mul3A_1876, %sub3A_1874 : vector<16xf32>
        %max3A_1878 = arith.constant -4.000000e+00 : f32
        %max3A_1879 = vector.broadcast %max3A_1878 : f32 to vector<16xf32>
        %max3A_1880 = arith.maximumf %mul3A_1865, %max3A_1879 : vector<16xf32>
        %min3A_1881 = arith.constant 2.280000e+02 : f32
        %min3A_1882 = vector.broadcast %min3A_1881 : f32 to vector<16xf32>
        %min3A_1883 = arith.minimumf %max3A_1880, %min3A_1882 : vector<16xf32>
        %max3A_1884 = arith.constant -4.000000e+00 : f32
        %max3A_1885 = vector.broadcast %max3A_1884 : f32 to vector<16xf32>
        %max3A_1886 = arith.maximumf %mul3A_1877, %max3A_1885 : vector<16xf32>
        %min3A_1887 = arith.constant 2.280000e+02 : f32
        %min3A_1888 = vector.broadcast %min3A_1887 : f32 to vector<16xf32>
        %min3A_1889 = arith.minimumf %max3A_1886, %min3A_1888 : vector<16xf32>
        %convert_element_type3A_1890 = arith.fptosi %min3A_1883 : vector<16xf32> to vector<16xi32>
        %convert_element_type3A_1891 = arith.sitofp %convert_element_type3A_1890 : vector<16xi32> to vector<16xf32>
        %gt3A_1892 = arith.cmpf ogt, %convert_element_type3A_1891, %min3A_1883 : vector<16xf32>
        %sub3A_1893 = arith.constant 1.000000e+00 : f32
        %sub3A_1894 = vector.broadcast %sub3A_1893 : f32 to vector<16xf32>
        %sub3A_1895 = arith.subf %convert_element_type3A_1891, %sub3A_1894 : vector<16xf32>
        %select_n3A_1896 = arith.select %gt3A_1892, %sub3A_1895, %convert_element_type3A_1891 : vector<16xi1>, vector<16xf32>
        %convert_element_type3A_1897 = arith.fptosi %min3A_1889 : vector<16xf32> to vector<16xi32>
        %convert_element_type3A_1898 = arith.sitofp %convert_element_type3A_1897 : vector<16xi32> to vector<16xf32>
        %gt3A_1899 = arith.cmpf ogt, %convert_element_type3A_1898, %min3A_1889 : vector<16xf32>
        %sub3A_1900 = arith.constant 1.000000e+00 : f32
        %sub3A_1901 = vector.broadcast %sub3A_1900 : f32 to vector<16xf32>
        %sub3A_1902 = arith.subf %convert_element_type3A_1898, %sub3A_1901 : vector<16xf32>
        %select_n3A_1903 = arith.select %gt3A_1899, %sub3A_1902, %convert_element_type3A_1898 : vector<16xi1>, vector<16xf32>
        %add3A_1904 = arith.constant 1.000000e+00 : f32
        %add3A_1905 = vector.broadcast %add3A_1904 : f32 to vector<16xf32>
        %add3A_1906 = arith.addf %select_n3A_1896, %add3A_1905 : vector<16xf32>
        %sub3A_1907 = arith.subf %add3A_1906, %min3A_1883 : vector<16xf32>
        %add3A_1908 = arith.constant 1.000000e+00 : f32
        %add3A_1909 = vector.broadcast %add3A_1908 : f32 to vector<16xf32>
        %add3A_1910 = arith.addf %select_n3A_1903, %add3A_1909 : vector<16xf32>
        %sub3A_1911 = arith.subf %add3A_1910, %min3A_1889 : vector<16xf32>
        %sub3A_1912 = arith.subf %min3A_1883, %select_n3A_1896 : vector<16xf32>
        %sub3A_1913 = arith.subf %min3A_1889, %select_n3A_1903 : vector<16xf32>
        %mul3A_1914 = arith.mulf %sub3A_1907, %sub3A_1911 : vector<16xf32>
        %swap3A_1915 = arith.constant 0 : index
        %swap3A_1916 = tpu.vector_load %arg11[%swap3A_1915] {strides = array<i32>} : memref<512xf32, #tpu.memory_space<vmem>>, vector<16xf32>,
        tpu.vector_store %arg11[%swap3A_1915], %mul3A_1914 {strides = array<i32>} : memref<512xf32, #tpu.memory_space<vmem>>, vector<16xf32>,
        %mul3A_1917 = arith.mulf %sub3A_1907, %sub3A_1913 : vector<16xf32>
        %swap3A_1918 = arith.constant 64 : index
        %swap3A_1919 = tpu.vector_load %arg11[%swap3A_1918] {strides = array<i32>} : memref<512xf32, #tpu.memory_space<vmem>>, vector<16xf32>,
        tpu.vector_store %arg11[%swap3A_1918], %mul3A_1917 {strides = array<i32>} : memref<512xf32, #tpu.memory_space<vmem>>, vector<16xf32>,
        %mul3A_1920 = arith.mulf %sub3A_1912, %sub3A_1911 : vector<16xf32>
        %swap3A_1921 = arith.constant 128 : index
        %swap3A_1922 = tpu.vector_load %arg11[%swap3A_1921] {strides = array<i32>} : memref<512xf32, #tpu.memory_space<vmem>>, vector<16xf32>,
        tpu.vector_store %arg11[%swap3A_1921], %mul3A_1920 {strides = array<i32>} : memref<512xf32, #tpu.memory_space<vmem>>, vector<16xf32>,
        %mul3A_1923 = arith.mulf %sub3A_1912, %sub3A_1913 : vector<16xf32>
        %swap3A_1924 = arith.constant 192 : index
        %swap3A_1925 = tpu.vector_load %arg11[%swap3A_1924] {strides = array<i32>} : memref<512xf32, #tpu.memory_space<vmem>>, vector<16xf32>,
        tpu.vector_store %arg11[%swap3A_1924], %mul3A_1923 {strides = array<i32>} : memref<512xf32, #tpu.memory_space<vmem>>, vector<16xf32>,
        %convert_element_type3A_1926 = arith.fptosi %select_n3A_1896 : vector<16xf32> to vector<16xi32>
        %convert_element_type3A_1927 = arith.fptosi %select_n3A_1903 : vector<16xf32> to vector<16xi32>
        %max3A_1928 = arith.constant 0 : i32
        %max3A_1929 = vector.broadcast %max3A_1928 : i32 to vector<16xi32>
        %max3A_1930 = arith.maxsi %convert_element_type3A_1926, %max3A_1929 : vector<16xi32>
        %min3A_1931 = arith.constant 223 : i32
        %min3A_1932 = vector.broadcast %min3A_1931 : i32 to vector<16xi32>
        %min3A_1933 = arith.minsi %max3A_1930, %min3A_1932 : vector<16xi32>
        %add3A_1934 = arith.constant 1 : i32
        %add3A_1935 = vector.broadcast %add3A_1934 : i32 to vector<16xi32>
        %add3A_1936 = arith.addi %convert_element_type3A_1926, %add3A_1935 : vector<16xi32>
        %max3A_1937 = arith.constant 0 : i32
        %max3A_1938 = vector.broadcast %max3A_1937 : i32 to vector<16xi32>
        %max3A_1939 = arith.maxsi %add3A_1936, %max3A_1938 : vector<16xi32>
        %min3A_1940 = arith.constant 223 : i32
        %min3A_1941 = vector.broadcast %min3A_1940 : i32 to vector<16xi32>
        %min3A_1942 = arith.minsi %max3A_1939, %min3A_1941 : vector<16xi32>
        %max3A_1943 = arith.constant 0 : i32
        %max3A_1944 = vector.broadcast %max3A_1943 : i32 to vector<16xi32>
        %max3A_1945 = arith.maxsi %convert_element_type3A_1927, %max3A_1944 : vector<16xi32>
        %min3A_1946 = arith.constant 223 : i32
        %min3A_1947 = vector.broadcast %min3A_1946 : i32 to vector<16xi32>
        %min3A_1948 = arith.minsi %max3A_1945, %min3A_1947 : vector<16xi32>
        %add3A_1949 = arith.constant 1 : i32
        %add3A_1950 = vector.broadcast %add3A_1949 : i32 to vector<16xi32>
        %add3A_1951 = arith.addi %convert_element_type3A_1927, %add3A_1950 : vector<16xi32>
        %max3A_1952 = arith.constant 0 : i32
        %max3A_1953 = vector.broadcast %max3A_1952 : i32 to vector<16xi32>
        %max3A_1954 = arith.maxsi %add3A_1951, %max3A_1953 : vector<16xi32>
        %min3A_1955 = arith.constant 223 : i32
        %min3A_1956 = vector.broadcast %min3A_1955 : i32 to vector<16xi32>
        %min3A_1957 = arith.minsi %max3A_1954, %min3A_1956 : vector<16xi32>
        %mul3A_1958 = arith.constant 224 : i32
        %mul3A_1959 = vector.broadcast %mul3A_1958 : i32 to vector<16xi32>
        %mul3A_1960 = arith.muli %min3A_1948, %mul3A_1959 : vector<16xi32>
        %add3A_1961 = vector.broadcast %mul3A_20 : i32 to vector<16xi32>
        %add3A_1962 = arith.addi %add3A_1961, %mul3A_1960 : vector<16xi32>
        %mul3A_1963 = arith.constant 224 : i32
        %mul3A_1964 = vector.broadcast %mul3A_1963 : i32 to vector<16xi32>
        %mul3A_1965 = arith.muli %min3A_1957, %mul3A_1964 : vector<16xi32>
        %add3A_1966 = vector.broadcast %mul3A_20 : i32 to vector<16xi32>
        %add3A_1967 = arith.addi %add3A_1966, %mul3A_1965 : vector<16xi32>
        %add3A_1968 = arith.addi %add3A_1962, %min3A_1933 : vector<16xi32>
        %swap3A_1969 = arith.constant 0 : i32
        %swap3A_1970 = arith.constant 0 : i32
        %swap3A_1971 = arith.index_cast %swap3A_1969 : i32 to index
        %swap3A_1972 = arith.index_cast %swap3A_1970 : i32 to index
        %swap3A_1973 = arith.constant 0 : index
        %swap3A_1974 = tpu.vector_load %arg10[%swap3A_1971, %swap3A_1972, %swap3A_1973] {strides = array<i32>} : memref<2x2x128xi32, #tpu.memory_space<vmem>>, vector<16xi32>,
        tpu.vector_store %arg10[%swap3A_1971, %swap3A_1972, %swap3A_1973], %add3A_1968 {strides = array<i32>} : memref<2x2x128xi32, #tpu.memory_space<vmem>>, vector<16xi32>,
        %add3A_1975 = arith.addi %add3A_1967, %min3A_1933 : vector<16xi32>
        %swap3A_1976 = arith.constant 0 : i32
        %swap3A_1977 = arith.constant 0 : i32
        %swap3A_1978 = arith.index_cast %swap3A_1976 : i32 to index
        %swap3A_1979 = arith.index_cast %swap3A_1977 : i32 to index
        %swap3A_1980 = arith.constant 64 : index
        %swap3A_1981 = tpu.vector_load %arg10[%swap3A_1978, %swap3A_1979, %swap3A_1980] {strides = array<i32>} : memref<2x2x128xi32, #tpu.memory_space<vmem>>, vector<16xi32>,
        tpu.vector_store %arg10[%swap3A_1978, %swap3A_1979, %swap3A_1980], %add3A_1975 {strides = array<i32>} : memref<2x2x128xi32, #tpu.memory_space<vmem>>, vector<16xi32>,
        %add3A_1982 = arith.addi %add3A_1962, %min3A_1942 : vector<16xi32>
        %swap3A_1983 = arith.constant 0 : i32
        %swap3A_1984 = arith.constant 1 : i32
        %swap3A_1985 = arith.index_cast %swap3A_1983 : i32 to index
        %swap3A_1986 = arith.index_cast %swap3A_1984 : i32 to index
        %swap3A_1987 = arith.constant 0 : index
        %swap3A_1988 = tpu.vector_load %arg10[%swap3A_1985, %swap3A_1986, %swap3A_1987] {strides = array<i32>} : memref<2x2x128xi32, #tpu.memory_space<vmem>>, vector<16xi32>,
        tpu.vector_store %arg10[%swap3A_1985, %swap3A_1986, %swap3A_1987], %add3A_1982 {strides = array<i32>} : memref<2x2x128xi32, #tpu.memory_space<vmem>>, vector<16xi32>,
        %add3A_1989 = arith.addi %add3A_1967, %min3A_1942 : vector<16xi32>
        %swap3A_1990 = arith.constant 0 : i32
        %swap3A_1991 = arith.constant 1 : i32
        %swap3A_1992 = arith.index_cast %swap3A_1990 : i32 to index
        %swap3A_1993 = arith.index_cast %swap3A_1991 : i32 to index
        %swap3A_1994 = arith.constant 64 : index
        %swap3A_1995 = tpu.vector_load %arg10[%swap3A_1992, %swap3A_1993, %swap3A_1994] {strides = array<i32>} : memref<2x2x128xi32, #tpu.memory_space<vmem>>, vector<16xi32>,
        tpu.vector_store %arg10[%swap3A_1992, %swap3A_1993, %swap3A_1994], %add3A_1989 {strides = array<i32>} : memref<2x2x128xi32, #tpu.memory_space<vmem>>, vector<16xi32>,
        %add3A_1996 = arith.constant 16 : i32
        %add3A_1997 = arith.addi %add3A_1802, %add3A_1996 : i32
        %add3A_1998 = vector.broadcast %add3A_1997 : i32 to vector<16xi32>
        %add3A_1999 = arith.addi %add3A_1998, %iota3A : vector<16xi32>
        %sub3A_2000 = vector.broadcast %mul3A_20 : i32 to vector<16xi32>
        %sub3A_2001 = arith.subi %add3A_1999, %sub3A_2000 : vector<16xi32>
        %jit3A_2002 = arith.constant 224 : i32
        %div3A_2003 = vector.broadcast %jit3A_2002 : i32 to vector<16xi32>
        %div3A_2004 = arith.divsi %sub3A_2001, %div3A_2003 : vector<16xi32>
        %sign3A_2005 = arith.constant 0 : i32
        %sign3A_2006 = vector.broadcast %sign3A_2005 : i32 to vector<16xi32>
        %sign3A_2007 = arith.cmpi sgt, %sub3A_2001, %sign3A_2006 : vector<16xi32>
        %sign3A_2008 = arith.extui %sign3A_2007 : vector<16xi1> to vector<16xi32>
        %sign3A_2009 = arith.constant 0 : i32
        %sign3A_2010 = vector.broadcast %sign3A_2009 : i32 to vector<16xi32>
        %sign3A_2011 = arith.cmpi slt, %sub3A_2001, %sign3A_2010 : vector<16xi32>
        %sign3A_2012 = arith.extui %sign3A_2011 : vector<16xi1> to vector<16xi32>
        %sign3A_2013 = arith.subi %sign3A_2008, %sign3A_2012 : vector<16xi32>
        %sign3A_2014 = arith.constant 0 : i32
        %sign3A_2015 = arith.cmpi sgt, %jit3A_2002, %sign3A_2014 : i32
        %sign3A_2016 = arith.extui %sign3A_2015 : i1 to i32
        %sign3A_2017 = arith.constant 0 : i32
        %sign3A_2018 = arith.cmpi slt, %jit3A_2002, %sign3A_2017 : i32
        %sign3A_2019 = arith.extui %sign3A_2018 : i1 to i32
        %sign3A_2020 = arith.subi %sign3A_2016, %sign3A_2019 : i32
        %ne3A_2021 = vector.broadcast %sign3A_2020 : i32 to vector<16xi32>
        %ne3A_2022 = arith.cmpi ne, %sign3A_2013, %ne3A_2021 : vector<16xi32>
        %rem3A_2023 = vector.broadcast %jit3A_2002 : i32 to vector<16xi32>
        %rem3A_2024 = arith.remsi %sub3A_2001, %rem3A_2023 : vector<16xi32>
        %ne3A_2025 = arith.constant 0 : i32
        %ne3A_2026 = vector.broadcast %ne3A_2025 : i32 to vector<16xi32>
        %ne3A_2027 = arith.cmpi ne, %rem3A_2024, %ne3A_2026 : vector<16xi32>
        %and3A_2028 = arith.andi %ne3A_2022, %ne3A_2027 : vector<16xi1>
        %sub3A_2029 = arith.constant 1 : i32
        %sub3A_2030 = vector.broadcast %sub3A_2029 : i32 to vector<16xi32>
        %sub3A_2031 = arith.subi %div3A_2004, %sub3A_2030 : vector<16xi32>
        %select_n3A_2032 = arith.select %and3A_2028, %sub3A_2031, %div3A_2004 : vector<16xi1>, vector<16xi32>
        %mul3A_2033 = arith.constant 224 : i32
        %mul3A_2034 = vector.broadcast %mul3A_2033 : i32 to vector<16xi32>
        %mul3A_2035 = arith.muli %select_n3A_2032, %mul3A_2034 : vector<16xi32>
        %sub3A_2036 = arith.subi %sub3A_2001, %mul3A_2035 : vector<16xi32>
        %gather3A_2037 = tpu.vector_load_idx %arg8[%sub3A_2036] : memref<224xf32, #tpu.memory_space<vmem>>[vector<16xi32>], vector<16xf32>,
        %gather3A_2038 = tpu.vector_load_idx %arg9[%select_n3A_2032] : memref<224xf32, #tpu.memory_space<vmem>>[vector<16xi32>], vector<16xf32>,
        %mul3A_2039 = arith.mulf %gather3A, %gather3A_2037 : vector<16xf32>
        %mul3A_2040 = arith.mulf %gather3A_30, %gather3A_2038 : vector<16xf32>
        %add3A_2041 = arith.addf %mul3A_2039, %mul3A_2040 : vector<16xf32>
        %add3A_2042 = arith.addf %add3A_2041, %gather3A_36 : vector<16xf32>
        %mul3A_2043 = arith.mulf %gather3A_42, %gather3A_2037 : vector<16xf32>
        %mul3A_2044 = arith.mulf %gather3A_48, %gather3A_2038 : vector<16xf32>
        %add3A_2045 = arith.addf %mul3A_2043, %mul3A_2044 : vector<16xf32>
        %add3A_2046 = arith.addf %add3A_2045, %gather3A_54 : vector<16xf32>
        %add3A_2047 = arith.constant 1.000000e+00 : f32
        %add3A_2048 = vector.broadcast %add3A_2047 : f32 to vector<16xf32>
        %add3A_2049 = arith.addf %add3A_2042, %add3A_2048 : vector<16xf32>
        %mul3A_2050 = arith.constant 2.240000e+02 : f32
        %mul3A_2051 = vector.broadcast %mul3A_2050 : f32 to vector<16xf32>
        %mul3A_2052 = arith.mulf %add3A_2049, %mul3A_2051 : vector<16xf32>
        %sub3A_2053 = arith.constant 1.000000e+00 : f32
        %sub3A_2054 = vector.broadcast %sub3A_2053 : f32 to vector<16xf32>
        %sub3A_2055 = arith.subf %mul3A_2052, %sub3A_2054 : vector<16xf32>
        %mul3A_2056 = arith.constant 5.000000e-01 : f32
        %mul3A_2057 = vector.broadcast %mul3A_2056 : f32 to vector<16xf32>
        %mul3A_2058 = arith.mulf %mul3A_2057, %sub3A_2055 : vector<16xf32>
        %add3A_2059 = arith.constant 1.000000e+00 : f32
        %add3A_2060 = vector.broadcast %add3A_2059 : f32 to vector<16xf32>
        %add3A_2061 = arith.addf %add3A_2046, %add3A_2060 : vector<16xf32>
        %mul3A_2062 = arith.constant 2.240000e+02 : f32
        %mul3A_2063 = vector.broadcast %mul3A_2062 : f32 to vector<16xf32>
        %mul3A_2064 = arith.mulf %add3A_2061, %mul3A_2063 : vector<16xf32>
        %sub3A_2065 = arith.constant 1.000000e+00 : f32
        %sub3A_2066 = vector.broadcast %sub3A_2065 : f32 to vector<16xf32>
        %sub3A_2067 = arith.subf %mul3A_2064, %sub3A_2066 : vector<16xf32>
        %mul3A_2068 = arith.constant 5.000000e-01 : f32
        %mul3A_2069 = vector.broadcast %mul3A_2068 : f32 to vector<16xf32>
        %mul3A_2070 = arith.mulf %mul3A_2069, %sub3A_2067 : vector<16xf32>
        %max3A_2071 = arith.constant -4.000000e+00 : f32
        %max3A_2072 = vector.broadcast %max3A_2071 : f32 to vector<16xf32>
        %max3A_2073 = arith.maximumf %mul3A_2058, %max3A_2072 : vector<16xf32>
        %min3A_2074 = arith.constant 2.280000e+02 : f32
        %min3A_2075 = vector.broadcast %min3A_2074 : f32 to vector<16xf32>
        %min3A_2076 = arith.minimumf %max3A_2073, %min3A_2075 : vector<16xf32>
        %max3A_2077 = arith.constant -4.000000e+00 : f32
        %max3A_2078 = vector.broadcast %max3A_2077 : f32 to vector<16xf32>
        %max3A_2079 = arith.maximumf %mul3A_2070, %max3A_2078 : vector<16xf32>
        %min3A_2080 = arith.constant 2.280000e+02 : f32
        %min3A_2081 = vector.broadcast %min3A_2080 : f32 to vector<16xf32>
        %min3A_2082 = arith.minimumf %max3A_2079, %min3A_2081 : vector<16xf32>
        %convert_element_type3A_2083 = arith.fptosi %min3A_2076 : vector<16xf32> to vector<16xi32>
        %convert_element_type3A_2084 = arith.sitofp %convert_element_type3A_2083 : vector<16xi32> to vector<16xf32>
        %gt3A_2085 = arith.cmpf ogt, %convert_element_type3A_2084, %min3A_2076 : vector<16xf32>
        %sub3A_2086 = arith.constant 1.000000e+00 : f32
        %sub3A_2087 = vector.broadcast %sub3A_2086 : f32 to vector<16xf32>
        %sub3A_2088 = arith.subf %convert_element_type3A_2084, %sub3A_2087 : vector<16xf32>
        %select_n3A_2089 = arith.select %gt3A_2085, %sub3A_2088, %convert_element_type3A_2084 : vector<16xi1>, vector<16xf32>
        %convert_element_type3A_2090 = arith.fptosi %min3A_2082 : vector<16xf32> to vector<16xi32>
        %convert_element_type3A_2091 = arith.sitofp %convert_element_type3A_2090 : vector<16xi32> to vector<16xf32>
        %gt3A_2092 = arith.cmpf ogt, %convert_element_type3A_2091, %min3A_2082 : vector<16xf32>
        %sub3A_2093 = arith.constant 1.000000e+00 : f32
        %sub3A_2094 = vector.broadcast %sub3A_2093 : f32 to vector<16xf32>
        %sub3A_2095 = arith.subf %convert_element_type3A_2091, %sub3A_2094 : vector<16xf32>
        %select_n3A_2096 = arith.select %gt3A_2092, %sub3A_2095, %convert_element_type3A_2091 : vector<16xi1>, vector<16xf32>
        %add3A_2097 = arith.constant 1.000000e+00 : f32
        %add3A_2098 = vector.broadcast %add3A_2097 : f32 to vector<16xf32>
        %add3A_2099 = arith.addf %select_n3A_2089, %add3A_2098 : vector<16xf32>
        %sub3A_2100 = arith.subf %add3A_2099, %min3A_2076 : vector<16xf32>
        %add3A_2101 = arith.constant 1.000000e+00 : f32
        %add3A_2102 = vector.broadcast %add3A_2101 : f32 to vector<16xf32>
        %add3A_2103 = arith.addf %select_n3A_2096, %add3A_2102 : vector<16xf32>
        %sub3A_2104 = arith.subf %add3A_2103, %min3A_2082 : vector<16xf32>
        %sub3A_2105 = arith.subf %min3A_2076, %select_n3A_2089 : vector<16xf32>
        %sub3A_2106 = arith.subf %min3A_2082, %select_n3A_2096 : vector<16xf32>
        %mul3A_2107 = arith.mulf %sub3A_2100, %sub3A_2104 : vector<16xf32>
        %swap3A_2108 = arith.constant 16 : index
        %swap3A_2109 = tpu.vector_load %arg11[%swap3A_2108] {strides = array<i32>} : memref<512xf32, #tpu.memory_space<vmem>>, vector<16xf32>,
        tpu.vector_store %arg11[%swap3A_2108], %mul3A_2107 {strides = array<i32>} : memref<512xf32, #tpu.memory_space<vmem>>, vector<16xf32>,
        %mul3A_2110 = arith.mulf %sub3A_2100, %sub3A_2106 : vector<16xf32>
        %swap3A_2111 = arith.constant 80 : index
        %swap3A_2112 = tpu.vector_load %arg11[%swap3A_2111] {strides = array<i32>} : memref<512xf32, #tpu.memory_space<vmem>>, vector<16xf32>,
        tpu.vector_store %arg11[%swap3A_2111], %mul3A_2110 {strides = array<i32>} : memref<512xf32, #tpu.memory_space<vmem>>, vector<16xf32>,
        %mul3A_2113 = arith.mulf %sub3A_2105, %sub3A_2104 : vector<16xf32>
        %swap3A_2114 = arith.constant 144 : index
        %swap3A_2115 = tpu.vector_load %arg11[%swap3A_2114] {strides = array<i32>} : memref<512xf32, #tpu.memory_space<vmem>>, vector<16xf32>,
        tpu.vector_store %arg11[%swap3A_2114], %mul3A_2113 {strides = array<i32>} : memref<512xf32, #tpu.memory_space<vmem>>, vector<16xf32>,
        %mul3A_2116 = arith.mulf %sub3A_2105, %sub3A_2106 : vector<16xf32>
        %swap3A_2117 = arith.constant 208 : index
        %swap3A_2118 = tpu.vector_load %arg11[%swap3A_2117] {strides = array<i32>} : memref<512xf32, #tpu.memory_space<vmem>>, vector<16xf32>,
        tpu.vector_store %arg11[%swap3A_2117], %mul3A_2116 {strides = array<i32>} : memref<512xf32, #tpu.memory_space<vmem>>, vector<16xf32>,
        %convert_element_type3A_2119 = arith.fptosi %select_n3A_2089 : vector<16xf32> to vector<16xi32>
        %convert_element_type3A_2120 = arith.fptosi %select_n3A_2096 : vector<16xf32> to vector<16xi32>
        %max3A_2121 = arith.constant 0 : i32
        %max3A_2122 = vector.broadcast %max3A_2121 : i32 to vector<16xi32>
        %max3A_2123 = arith.maxsi %convert_element_type3A_2119, %max3A_2122 : vector<16xi32>
        %min3A_2124 = arith.constant 223 : i32
        %min3A_2125 = vector.broadcast %min3A_2124 : i32 to vector<16xi32>
        %min3A_2126 = arith.minsi %max3A_2123, %min3A_2125 : vector<16xi32>
        %add3A_2127 = arith.constant 1 : i32
        %add3A_2128 = vector.broadcast %add3A_2127 : i32 to vector<16xi32>
        %add3A_2129 = arith.addi %convert_element_type3A_2119, %add3A_2128 : vector<16xi32>
        %max3A_2130 = arith.constant 0 : i32
        %max3A_2131 = vector.broadcast %max3A_2130 : i32 to vector<16xi32>
        %max3A_2132 = arith.maxsi %add3A_2129, %max3A_2131 : vector<16xi32>
        %min3A_2133 = arith.constant 223 : i32
        %min3A_2134 = vector.broadcast %min3A_2133 : i32 to vector<16xi32>
        %min3A_2135 = arith.minsi %max3A_2132, %min3A_2134 : vector<16xi32>
        %max3A_2136 = arith.constant 0 : i32
        %max3A_2137 = vector.broadcast %max3A_2136 : i32 to vector<16xi32>
        %max3A_2138 = arith.maxsi %convert_element_type3A_2120, %max3A_2137 : vector<16xi32>
        %min3A_2139 = arith.constant 223 : i32
        %min3A_2140 = vector.broadcast %min3A_2139 : i32 to vector<16xi32>
        %min3A_2141 = arith.minsi %max3A_2138, %min3A_2140 : vector<16xi32>
        %add3A_2142 = arith.constant 1 : i32
        %add3A_2143 = vector.broadcast %add3A_2142 : i32 to vector<16xi32>
        %add3A_2144 = arith.addi %convert_element_type3A_2120, %add3A_2143 : vector<16xi32>
        %max3A_2145 = arith.constant 0 : i32
        %max3A_2146 = vector.broadcast %max3A_2145 : i32 to vector<16xi32>
        %max3A_2147 = arith.maxsi %add3A_2144, %max3A_2146 : vector<16xi32>
        %min3A_2148 = arith.constant 223 : i32
        %min3A_2149 = vector.broadcast %min3A_2148 : i32 to vector<16xi32>
        %min3A_2150 = arith.minsi %max3A_2147, %min3A_2149 : vector<16xi32>
        %mul3A_2151 = arith.constant 224 : i32
        %mul3A_2152 = vector.broadcast %mul3A_2151 : i32 to vector<16xi32>
        %mul3A_2153 = arith.muli %min3A_2141, %mul3A_2152 : vector<16xi32>
        %add3A_2154 = vector.broadcast %mul3A_20 : i32 to vector<16xi32>
        %add3A_2155 = arith.addi %add3A_2154, %mul3A_2153 : vector<16xi32>
        %mul3A_2156 = arith.constant 224 : i32
        %mul3A_2157 = vector.broadcast %mul3A_2156 : i32 to vector<16xi32>
        %mul3A_2158 = arith.muli %min3A_2150, %mul3A_2157 : vector<16xi32>
        %add3A_2159 = vector.broadcast %mul3A_20 : i32 to vector<16xi32>
        %add3A_2160 = arith.addi %add3A_2159, %mul3A_2158 : vector<16xi32>
        %add3A_2161 = arith.addi %add3A_2155, %min3A_2126 : vector<16xi32>
        %swap3A_2162 = arith.constant 0 : i32
        %swap3A_2163 = arith.constant 0 : i32
        %swap3A_2164 = arith.index_cast %swap3A_2162 : i32 to index
        %swap3A_2165 = arith.index_cast %swap3A_2163 : i32 to index
        %swap3A_2166 = arith.constant 16 : index
        %swap3A_2167 = tpu.vector_load %arg10[%swap3A_2164, %swap3A_2165, %swap3A_2166] {strides = array<i32>} : memref<2x2x128xi32, #tpu.memory_space<vmem>>, vector<16xi32>,
        tpu.vector_store %arg10[%swap3A_2164, %swap3A_2165, %swap3A_2166], %add3A_2161 {strides = array<i32>} : memref<2x2x128xi32, #tpu.memory_space<vmem>>, vector<16xi32>,
        %add3A_2168 = arith.addi %add3A_2160, %min3A_2126 : vector<16xi32>
        %swap3A_2169 = arith.constant 0 : i32
        %swap3A_2170 = arith.constant 0 : i32
        %swap3A_2171 = arith.index_cast %swap3A_2169 : i32 to index
        %swap3A_2172 = arith.index_cast %swap3A_2170 : i32 to index
        %swap3A_2173 = arith.constant 80 : index
        %swap3A_2174 = tpu.vector_load %arg10[%swap3A_2171, %swap3A_2172, %swap3A_2173] {strides = array<i32>} : memref<2x2x128xi32, #tpu.memory_space<vmem>>, vector<16xi32>,
        tpu.vector_store %arg10[%swap3A_2171, %swap3A_2172, %swap3A_2173], %add3A_2168 {strides = array<i32>} : memref<2x2x128xi32, #tpu.memory_space<vmem>>, vector<16xi32>,
        %add3A_2175 = arith.addi %add3A_2155, %min3A_2135 : vector<16xi32>
        %swap3A_2176 = arith.constant 0 : i32
        %swap3A_2177 = arith.constant 1 : i32
        %swap3A_2178 = arith.index_cast %swap3A_2176 : i32 to index
        %swap3A_2179 = arith.index_cast %swap3A_2177 : i32 to index
        %swap3A_2180 = arith.constant 16 : index
        %swap3A_2181 = tpu.vector_load %arg10[%swap3A_2178, %swap3A_2179, %swap3A_2180] {strides = array<i32>} : memref<2x2x128xi32, #tpu.memory_space<vmem>>, vector<16xi32>,
        tpu.vector_store %arg10[%swap3A_2178, %swap3A_2179, %swap3A_2180], %add3A_2175 {strides = array<i32>} : memref<2x2x128xi32, #tpu.memory_space<vmem>>, vector<16xi32>,
        %add3A_2182 = arith.addi %add3A_2160, %min3A_2135 : vector<16xi32>
        %swap3A_2183 = arith.constant 0 : i32
        %swap3A_2184 = arith.constant 1 : i32
        %swap3A_2185 = arith.index_cast %swap3A_2183 : i32 to index
        %swap3A_2186 = arith.index_cast %swap3A_2184 : i32 to index
        %swap3A_2187 = arith.constant 80 : index
        %swap3A_2188 = tpu.vector_load %arg10[%swap3A_2185, %swap3A_2186, %swap3A_2187] {strides = array<i32>} : memref<2x2x128xi32, #tpu.memory_space<vmem>>, vector<16xi32>,
        tpu.vector_store %arg10[%swap3A_2185, %swap3A_2186, %swap3A_2187], %add3A_2182 {strides = array<i32>} : memref<2x2x128xi32, #tpu.memory_space<vmem>>, vector<16xi32>,
        %add3A_2189 = arith.constant 32 : i32
        %add3A_2190 = arith.addi %add3A_1802, %add3A_2189 : i32
        %add3A_2191 = vector.broadcast %add3A_2190 : i32 to vector<16xi32>
        %add3A_2192 = arith.addi %add3A_2191, %iota3A : vector<16xi32>
        %sub3A_2193 = vector.broadcast %mul3A_20 : i32 to vector<16xi32>
        %sub3A_2194 = arith.subi %add3A_2192, %sub3A_2193 : vector<16xi32>
        %jit3A_2195 = arith.constant 224 : i32
        %div3A_2196 = vector.broadcast %jit3A_2195 : i32 to vector<16xi32>
        %div3A_2197 = arith.divsi %sub3A_2194, %div3A_2196 : vector<16xi32>
        %sign3A_2198 = arith.constant 0 : i32
        %sign3A_2199 = vector.broadcast %sign3A_2198 : i32 to vector<16xi32>
        %sign3A_2200 = arith.cmpi sgt, %sub3A_2194, %sign3A_2199 : vector<16xi32>
        %sign3A_2201 = arith.extui %sign3A_2200 : vector<16xi1> to vector<16xi32>
        %sign3A_2202 = arith.constant 0 : i32
        %sign3A_2203 = vector.broadcast %sign3A_2202 : i32 to vector<16xi32>
        %sign3A_2204 = arith.cmpi slt, %sub3A_2194, %sign3A_2203 : vector<16xi32>
        %sign3A_2205 = arith.extui %sign3A_2204 : vector<16xi1> to vector<16xi32>
        %sign3A_2206 = arith.subi %sign3A_2201, %sign3A_2205 : vector<16xi32>
        %sign3A_2207 = arith.constant 0 : i32
        %sign3A_2208 = arith.cmpi sgt, %jit3A_2195, %sign3A_2207 : i32
        %sign3A_2209 = arith.extui %sign3A_2208 : i1 to i32
        %sign3A_2210 = arith.constant 0 : i32
        %sign3A_2211 = arith.cmpi slt, %jit3A_2195, %sign3A_2210 : i32
        %sign3A_2212 = arith.extui %sign3A_2211 : i1 to i32
        %sign3A_2213 = arith.subi %sign3A_2209, %sign3A_2212 : i32
        %ne3A_2214 = vector.broadcast %sign3A_2213 : i32 to vector<16xi32>
        %ne3A_2215 = arith.cmpi ne, %sign3A_2206, %ne3A_2214 : vector<16xi32>
        %rem3A_2216 = vector.broadcast %jit3A_2195 : i32 to vector<16xi32>
        %rem3A_2217 = arith.remsi %sub3A_2194, %rem3A_2216 : vector<16xi32>
        %ne3A_2218 = arith.constant 0 : i32
        %ne3A_2219 = vector.broadcast %ne3A_2218 : i32 to vector<16xi32>
        %ne3A_2220 = arith.cmpi ne, %rem3A_2217, %ne3A_2219 : vector<16xi32>
        %and3A_2221 = arith.andi %ne3A_2215, %ne3A_2220 : vector<16xi1>
        %sub3A_2222 = arith.constant 1 : i32
        %sub3A_2223 = vector.broadcast %sub3A_2222 : i32 to vector<16xi32>
        %sub3A_2224 = arith.subi %div3A_2197, %sub3A_2223 : vector<16xi32>
        %select_n3A_2225 = arith.select %and3A_2221, %sub3A_2224, %div3A_2197 : vector<16xi1>, vector<16xi32>
        %mul3A_2226 = arith.constant 224 : i32
        %mul3A_2227 = vector.broadcast %mul3A_2226 : i32 to vector<16xi32>
        %mul3A_2228 = arith.muli %select_n3A_2225, %mul3A_2227 : vector<16xi32>
        %sub3A_2229 = arith.subi %sub3A_2194, %mul3A_2228 : vector<16xi32>
        %gather3A_2230 = tpu.vector_load_idx %arg8[%sub3A_2229] : memref<224xf32, #tpu.memory_space<vmem>>[vector<16xi32>], vector<16xf32>,
        %gather3A_2231 = tpu.vector_load_idx %arg9[%select_n3A_2225] : memref<224xf32, #tpu.memory_space<vmem>>[vector<16xi32>], vector<16xf32>,
        %mul3A_2232 = arith.mulf %gather3A, %gather3A_2230 : vector<16xf32>
        %mul3A_2233 = arith.mulf %gather3A_30, %gather3A_2231 : vector<16xf32>
        %add3A_2234 = arith.addf %mul3A_2232, %mul3A_2233 : vector<16xf32>
        %add3A_2235 = arith.addf %add3A_2234, %gather3A_36 : vector<16xf32>
        %mul3A_2236 = arith.mulf %gather3A_42, %gather3A_2230 : vector<16xf32>
        %mul3A_2237 = arith.mulf %gather3A_48, %gather3A_2231 : vector<16xf32>
        %add3A_2238 = arith.addf %mul3A_2236, %mul3A_2237 : vector<16xf32>
        %add3A_2239 = arith.addf %add3A_2238, %gather3A_54 : vector<16xf32>
        %add3A_2240 = arith.constant 1.000000e+00 : f32
        %add3A_2241 = vector.broadcast %add3A_2240 : f32 to vector<16xf32>
        %add3A_2242 = arith.addf %add3A_2235, %add3A_2241 : vector<16xf32>
        %mul3A_2243 = arith.constant 2.240000e+02 : f32
        %mul3A_2244 = vector.broadcast %mul3A_2243 : f32 to vector<16xf32>
        %mul3A_2245 = arith.mulf %add3A_2242, %mul3A_2244 : vector<16xf32>
        %sub3A_2246 = arith.constant 1.000000e+00 : f32
        %sub3A_2247 = vector.broadcast %sub3A_2246 : f32 to vector<16xf32>
        %sub3A_2248 = arith.subf %mul3A_2245, %sub3A_2247 : vector<16xf32>
        %mul3A_2249 = arith.constant 5.000000e-01 : f32
        %mul3A_2250 = vector.broadcast %mul3A_2249 : f32 to vector<16xf32>
        %mul3A_2251 = arith.mulf %mul3A_2250, %sub3A_2248 : vector<16xf32>
        %add3A_2252 = arith.constant 1.000000e+00 : f32
        %add3A_2253 = vector.broadcast %add3A_2252 : f32 to vector<16xf32>
        %add3A_2254 = arith.addf %add3A_2239, %add3A_2253 : vector<16xf32>
        %mul3A_2255 = arith.constant 2.240000e+02 : f32
        %mul3A_2256 = vector.broadcast %mul3A_2255 : f32 to vector<16xf32>
        %mul3A_2257 = arith.mulf %add3A_2254, %mul3A_2256 : vector<16xf32>
        %sub3A_2258 = arith.constant 1.000000e+00 : f32
        %sub3A_2259 = vector.broadcast %sub3A_2258 : f32 to vector<16xf32>
        %sub3A_2260 = arith.subf %mul3A_2257, %sub3A_2259 : vector<16xf32>
        %mul3A_2261 = arith.constant 5.000000e-01 : f32
        %mul3A_2262 = vector.broadcast %mul3A_2261 : f32 to vector<16xf32>
        %mul3A_2263 = arith.mulf %mul3A_2262, %sub3A_2260 : vector<16xf32>
        %max3A_2264 = arith.constant -4.000000e+00 : f32
        %max3A_2265 = vector.broadcast %max3A_2264 : f32 to vector<16xf32>
        %max3A_2266 = arith.maximumf %mul3A_2251, %max3A_2265 : vector<16xf32>
        %min3A_2267 = arith.constant 2.280000e+02 : f32
        %min3A_2268 = vector.broadcast %min3A_2267 : f32 to vector<16xf32>
        %min3A_2269 = arith.minimumf %max3A_2266, %min3A_2268 : vector<16xf32>
        %max3A_2270 = arith.constant -4.000000e+00 : f32
        %max3A_2271 = vector.broadcast %max3A_2270 : f32 to vector<16xf32>
        %max3A_2272 = arith.maximumf %mul3A_2263, %max3A_2271 : vector<16xf32>
        %min3A_2273 = arith.constant 2.280000e+02 : f32
        %min3A_2274 = vector.broadcast %min3A_2273 : f32 to vector<16xf32>
        %min3A_2275 = arith.minimumf %max3A_2272, %min3A_2274 : vector<16xf32>
        %convert_element_type3A_2276 = arith.fptosi %min3A_2269 : vector<16xf32> to vector<16xi32>
        %convert_element_type3A_2277 = arith.sitofp %convert_element_type3A_2276 : vector<16xi32> to vector<16xf32>
        %gt3A_2278 = arith.cmpf ogt, %convert_element_type3A_2277, %min3A_2269 : vector<16xf32>
        %sub3A_2279 = arith.constant 1.000000e+00 : f32
        %sub3A_2280 = vector.broadcast %sub3A_2279 : f32 to vector<16xf32>
        %sub3A_2281 = arith.subf %convert_element_type3A_2277, %sub3A_2280 : vector<16xf32>
        %select_n3A_2282 = arith.select %gt3A_2278, %sub3A_2281, %convert_element_type3A_2277 : vector<16xi1>, vector<16xf32>
        %convert_element_type3A_2283 = arith.fptosi %min3A_2275 : vector<16xf32> to vector<16xi32>
        %convert_element_type3A_2284 = arith.sitofp %convert_element_type3A_2283 : vector<16xi32> to vector<16xf32>
        %gt3A_2285 = arith.cmpf ogt, %convert_element_type3A_2284, %min3A_2275 : vector<16xf32>
        %sub3A_2286 = arith.constant 1.000000e+00 : f32
        %sub3A_2287 = vector.broadcast %sub3A_2286 : f32 to vector<16xf32>
        %sub3A_2288 = arith.subf %convert_element_type3A_2284, %sub3A_2287 : vector<16xf32>
        %select_n3A_2289 = arith.select %gt3A_2285, %sub3A_2288, %convert_element_type3A_2284 : vector<16xi1>, vector<16xf32>
        %add3A_2290 = arith.constant 1.000000e+00 : f32
        %add3A_2291 = vector.broadcast %add3A_2290 : f32 to vector<16xf32>
        %add3A_2292 = arith.addf %select_n3A_2282, %add3A_2291 : vector<16xf32>
        %sub3A_2293 = arith.subf %add3A_2292, %min3A_2269 : vector<16xf32>
        %add3A_2294 = arith.constant 1.000000e+00 : f32
        %add3A_2295 = vector.broadcast %add3A_2294 : f32 to vector<16xf32>
        %add3A_2296 = arith.addf %select_n3A_2289, %add3A_2295 : vector<16xf32>
        %sub3A_2297 = arith.subf %add3A_2296, %min3A_2275 : vector<16xf32>
        %sub3A_2298 = arith.subf %min3A_2269, %select_n3A_2282 : vector<16xf32>
        %sub3A_2299 = arith.subf %min3A_2275, %select_n3A_2289 : vector<16xf32>
        %mul3A_2300 = arith.mulf %sub3A_2293, %sub3A_2297 : vector<16xf32>
        %swap3A_2301 = arith.constant 32 : index
        %swap3A_2302 = tpu.vector_load %arg11[%swap3A_2301] {strides = array<i32>} : memref<512xf32, #tpu.memory_space<vmem>>, vector<16xf32>,
        tpu.vector_store %arg11[%swap3A_2301], %mul3A_2300 {strides = array<i32>} : memref<512xf32, #tpu.memory_space<vmem>>, vector<16xf32>,
        %mul3A_2303 = arith.mulf %sub3A_2293, %sub3A_2299 : vector<16xf32>
        %swap3A_2304 = arith.constant 96 : index
        %swap3A_2305 = tpu.vector_load %arg11[%swap3A_2304] {strides = array<i32>} : memref<512xf32, #tpu.memory_space<vmem>>, vector<16xf32>,
        tpu.vector_store %arg11[%swap3A_2304], %mul3A_2303 {strides = array<i32>} : memref<512xf32, #tpu.memory_space<vmem>>, vector<16xf32>,
        %mul3A_2306 = arith.mulf %sub3A_2298, %sub3A_2297 : vector<16xf32>
        %swap3A_2307 = arith.constant 160 : index
        %swap3A_2308 = tpu.vector_load %arg11[%swap3A_2307] {strides = array<i32>} : memref<512xf32, #tpu.memory_space<vmem>>, vector<16xf32>,
        tpu.vector_store %arg11[%swap3A_2307], %mul3A_2306 {strides = array<i32>} : memref<512xf32, #tpu.memory_space<vmem>>, vector<16xf32>,
        %mul3A_2309 = arith.mulf %sub3A_2298, %sub3A_2299 : vector<16xf32>
        %swap3A_2310 = arith.constant 224 : index
        %swap3A_2311 = tpu.vector_load %arg11[%swap3A_2310] {strides = array<i32>} : memref<512xf32, #tpu.memory_space<vmem>>, vector<16xf32>,
        tpu.vector_store %arg11[%swap3A_2310], %mul3A_2309 {strides = array<i32>} : memref<512xf32, #tpu.memory_space<vmem>>, vector<16xf32>,
        %convert_element_type3A_2312 = arith.fptosi %select_n3A_2282 : vector<16xf32> to vector<16xi32>
        %convert_element_type3A_2313 = arith.fptosi %select_n3A_2289 : vector<16xf32> to vector<16xi32>
        %max3A_2314 = arith.constant 0 : i32
        %max3A_2315 = vector.broadcast %max3A_2314 : i32 to vector<16xi32>
        %max3A_2316 = arith.maxsi %convert_element_type3A_2312, %max3A_2315 : vector<16xi32>
        %min3A_2317 = arith.constant 223 : i32
        %min3A_2318 = vector.broadcast %min3A_2317 : i32 to vector<16xi32>
        %min3A_2319 = arith.minsi %max3A_2316, %min3A_2318 : vector<16xi32>
        %add3A_2320 = arith.constant 1 : i32
        %add3A_2321 = vector.broadcast %add3A_2320 : i32 to vector<16xi32>
        %add3A_2322 = arith.addi %convert_element_type3A_2312, %add3A_2321 : vector<16xi32>
        %max3A_2323 = arith.constant 0 : i32
        %max3A_2324 = vector.broadcast %max3A_2323 : i32 to vector<16xi32>
        %max3A_2325 = arith.maxsi %add3A_2322, %max3A_2324 : vector<16xi32>
        %min3A_2326 = arith.constant 223 : i32
        %min3A_2327 = vector.broadcast %min3A_2326 : i32 to vector<16xi32>
        %min3A_2328 = arith.minsi %max3A_2325, %min3A_2327 : vector<16xi32>
        %max3A_2329 = arith.constant 0 : i32
        %max3A_2330 = vector.broadcast %max3A_2329 : i32 to vector<16xi32>
        %max3A_2331 = arith.maxsi %convert_element_type3A_2313, %max3A_2330 : vector<16xi32>
        %min3A_2332 = arith.constant 223 : i32
        %min3A_2333 = vector.broadcast %min3A_2332 : i32 to vector<16xi32>
        %min3A_2334 = arith.minsi %max3A_2331, %min3A_2333 : vector<16xi32>
        %add3A_2335 = arith.constant 1 : i32
        %add3A_2336 = vector.broadcast %add3A_2335 : i32 to vector<16xi32>
        %add3A_2337 = arith.addi %convert_element_type3A_2313, %add3A_2336 : vector<16xi32>
        %max3A_2338 = arith.constant 0 : i32
        %max3A_2339 = vector.broadcast %max3A_2338 : i32 to vector<16xi32>
        %max3A_2340 = arith.maxsi %add3A_2337, %max3A_2339 : vector<16xi32>
        %min3A_2341 = arith.constant 223 : i32
        %min3A_2342 = vector.broadcast %min3A_2341 : i32 to vector<16xi32>
        %min3A_2343 = arith.minsi %max3A_2340, %min3A_2342 : vector<16xi32>
        %mul3A_2344 = arith.constant 224 : i32
        %mul3A_2345 = vector.broadcast %mul3A_2344 : i32 to vector<16xi32>
        %mul3A_2346 = arith.muli %min3A_2334, %mul3A_2345 : vector<16xi32>
        %add3A_2347 = vector.broadcast %mul3A_20 : i32 to vector<16xi32>
        %add3A_2348 = arith.addi %add3A_2347, %mul3A_2346 : vector<16xi32>
        %mul3A_2349 = arith.constant 224 : i32
        %mul3A_2350 = vector.broadcast %mul3A_2349 : i32 to vector<16xi32>
        %mul3A_2351 = arith.muli %min3A_2343, %mul3A_2350 : vector<16xi32>
        %add3A_2352 = vector.broadcast %mul3A_20 : i32 to vector<16xi32>
        %add3A_2353 = arith.addi %add3A_2352, %mul3A_2351 : vector<16xi32>
        %add3A_2354 = arith.addi %add3A_2348, %min3A_2319 : vector<16xi32>
        %swap3A_2355 = arith.constant 0 : i32
        %swap3A_2356 = arith.constant 0 : i32
        %swap3A_2357 = arith.index_cast %swap3A_2355 : i32 to index
        %swap3A_2358 = arith.index_cast %swap3A_2356 : i32 to index
        %swap3A_2359 = arith.constant 32 : index
        %swap3A_2360 = tpu.vector_load %arg10[%swap3A_2357, %swap3A_2358, %swap3A_2359] {strides = array<i32>} : memref<2x2x128xi32, #tpu.memory_space<vmem>>, vector<16xi32>,
        tpu.vector_store %arg10[%swap3A_2357, %swap3A_2358, %swap3A_2359], %add3A_2354 {strides = array<i32>} : memref<2x2x128xi32, #tpu.memory_space<vmem>>, vector<16xi32>,
        %add3A_2361 = arith.addi %add3A_2353, %min3A_2319 : vector<16xi32>
        %swap3A_2362 = arith.constant 0 : i32
        %swap3A_2363 = arith.constant 0 : i32
        %swap3A_2364 = arith.index_cast %swap3A_2362 : i32 to index
        %swap3A_2365 = arith.index_cast %swap3A_2363 : i32 to index
        %swap3A_2366 = arith.constant 96 : index
        %swap3A_2367 = tpu.vector_load %arg10[%swap3A_2364, %swap3A_2365, %swap3A_2366] {strides = array<i32>} : memref<2x2x128xi32, #tpu.memory_space<vmem>>, vector<16xi32>,
        tpu.vector_store %arg10[%swap3A_2364, %swap3A_2365, %swap3A_2366], %add3A_2361 {strides = array<i32>} : memref<2x2x128xi32, #tpu.memory_space<vmem>>, vector<16xi32>,
        %add3A_2368 = arith.addi %add3A_2348, %min3A_2328 : vector<16xi32>
        %swap3A_2369 = arith.constant 0 : i32
        %swap3A_2370 = arith.constant 1 : i32
        %swap3A_2371 = arith.index_cast %swap3A_2369 : i32 to index
        %swap3A_2372 = arith.index_cast %swap3A_2370 : i32 to index
        %swap3A_2373 = arith.constant 32 : index
        %swap3A_2374 = tpu.vector_load %arg10[%swap3A_2371, %swap3A_2372, %swap3A_2373] {strides = array<i32>} : memref<2x2x128xi32, #tpu.memory_space<vmem>>, vector<16xi32>,
        tpu.vector_store %arg10[%swap3A_2371, %swap3A_2372, %swap3A_2373], %add3A_2368 {strides = array<i32>} : memref<2x2x128xi32, #tpu.memory_space<vmem>>, vector<16xi32>,
        %add3A_2375 = arith.addi %add3A_2353, %min3A_2328 : vector<16xi32>
        %swap3A_2376 = arith.constant 0 : i32
        %swap3A_2377 = arith.constant 1 : i32
        %swap3A_2378 = arith.index_cast %swap3A_2376 : i32 to index
        %swap3A_2379 = arith.index_cast %swap3A_2377 : i32 to index
        %swap3A_2380 = arith.constant 96 : index
        %swap3A_2381 = tpu.vector_load %arg10[%swap3A_2378, %swap3A_2379, %swap3A_2380] {strides = array<i32>} : memref<2x2x128xi32, #tpu.memory_space<vmem>>, vector<16xi32>,
        tpu.vector_store %arg10[%swap3A_2378, %swap3A_2379, %swap3A_2380], %add3A_2375 {strides = array<i32>} : memref<2x2x128xi32, #tpu.memory_space<vmem>>, vector<16xi32>,
        %add3A_2382 = arith.constant 48 : i32
        %add3A_2383 = arith.addi %add3A_1802, %add3A_2382 : i32
        %add3A_2384 = vector.broadcast %add3A_2383 : i32 to vector<16xi32>
        %add3A_2385 = arith.addi %add3A_2384, %iota3A : vector<16xi32>
        %sub3A_2386 = vector.broadcast %mul3A_20 : i32 to vector<16xi32>
        %sub3A_2387 = arith.subi %add3A_2385, %sub3A_2386 : vector<16xi32>
        %jit3A_2388 = arith.constant 224 : i32
        %div3A_2389 = vector.broadcast %jit3A_2388 : i32 to vector<16xi32>
        %div3A_2390 = arith.divsi %sub3A_2387, %div3A_2389 : vector<16xi32>
        %sign3A_2391 = arith.constant 0 : i32
        %sign3A_2392 = vector.broadcast %sign3A_2391 : i32 to vector<16xi32>
        %sign3A_2393 = arith.cmpi sgt, %sub3A_2387, %sign3A_2392 : vector<16xi32>
        %sign3A_2394 = arith.extui %sign3A_2393 : vector<16xi1> to vector<16xi32>
        %sign3A_2395 = arith.constant 0 : i32
        %sign3A_2396 = vector.broadcast %sign3A_2395 : i32 to vector<16xi32>
        %sign3A_2397 = arith.cmpi slt, %sub3A_2387, %sign3A_2396 : vector<16xi32>
        %sign3A_2398 = arith.extui %sign3A_2397 : vector<16xi1> to vector<16xi32>
        %sign3A_2399 = arith.subi %sign3A_2394, %sign3A_2398 : vector<16xi32>
        %sign3A_2400 = arith.constant 0 : i32
        %sign3A_2401 = arith.cmpi sgt, %jit3A_2388, %sign3A_2400 : i32
        %sign3A_2402 = arith.extui %sign3A_2401 : i1 to i32
        %sign3A_2403 = arith.constant 0 : i32
        %sign3A_2404 = arith.cmpi slt, %jit3A_2388, %sign3A_2403 : i32
        %sign3A_2405 = arith.extui %sign3A_2404 : i1 to i32
        %sign3A_2406 = arith.subi %sign3A_2402, %sign3A_2405 : i32
        %ne3A_2407 = vector.broadcast %sign3A_2406 : i32 to vector<16xi32>
        %ne3A_2408 = arith.cmpi ne, %sign3A_2399, %ne3A_2407 : vector<16xi32>
        %rem3A_2409 = vector.broadcast %jit3A_2388 : i32 to vector<16xi32>
        %rem3A_2410 = arith.remsi %sub3A_2387, %rem3A_2409 : vector<16xi32>
        %ne3A_2411 = arith.constant 0 : i32
        %ne3A_2412 = vector.broadcast %ne3A_2411 : i32 to vector<16xi32>
        %ne3A_2413 = arith.cmpi ne, %rem3A_2410, %ne3A_2412 : vector<16xi32>
        %and3A_2414 = arith.andi %ne3A_2408, %ne3A_2413 : vector<16xi1>
        %sub3A_2415 = arith.constant 1 : i32
        %sub3A_2416 = vector.broadcast %sub3A_2415 : i32 to vector<16xi32>
        %sub3A_2417 = arith.subi %div3A_2390, %sub3A_2416 : vector<16xi32>
        %select_n3A_2418 = arith.select %and3A_2414, %sub3A_2417, %div3A_2390 : vector<16xi1>, vector<16xi32>
        %mul3A_2419 = arith.constant 224 : i32
        %mul3A_2420 = vector.broadcast %mul3A_2419 : i32 to vector<16xi32>
        %mul3A_2421 = arith.muli %select_n3A_2418, %mul3A_2420 : vector<16xi32>
        %sub3A_2422 = arith.subi %sub3A_2387, %mul3A_2421 : vector<16xi32>
        %gather3A_2423 = tpu.vector_load_idx %arg8[%sub3A_2422] : memref<224xf32, #tpu.memory_space<vmem>>[vector<16xi32>], vector<16xf32>,
        %gather3A_2424 = tpu.vector_load_idx %arg9[%select_n3A_2418] : memref<224xf32, #tpu.memory_space<vmem>>[vector<16xi32>], vector<16xf32>,
        %mul3A_2425 = arith.mulf %gather3A, %gather3A_2423 : vector<16xf32>
        %mul3A_2426 = arith.mulf %gather3A_30, %gather3A_2424 : vector<16xf32>
        %add3A_2427 = arith.addf %mul3A_2425, %mul3A_2426 : vector<16xf32>
        %add3A_2428 = arith.addf %add3A_2427, %gather3A_36 : vector<16xf32>
        %mul3A_2429 = arith.mulf %gather3A_42, %gather3A_2423 : vector<16xf32>
        %mul3A_2430 = arith.mulf %gather3A_48, %gather3A_2424 : vector<16xf32>
        %add3A_2431 = arith.addf %mul3A_2429, %mul3A_2430 : vector<16xf32>
        %add3A_2432 = arith.addf %add3A_2431, %gather3A_54 : vector<16xf32>
        %add3A_2433 = arith.constant 1.000000e+00 : f32
        %add3A_2434 = vector.broadcast %add3A_2433 : f32 to vector<16xf32>
        %add3A_2435 = arith.addf %add3A_2428, %add3A_2434 : vector<16xf32>
        %mul3A_2436 = arith.constant 2.240000e+02 : f32
        %mul3A_2437 = vector.broadcast %mul3A_2436 : f32 to vector<16xf32>
        %mul3A_2438 = arith.mulf %add3A_2435, %mul3A_2437 : vector<16xf32>
        %sub3A_2439 = arith.constant 1.000000e+00 : f32
        %sub3A_2440 = vector.broadcast %sub3A_2439 : f32 to vector<16xf32>
        %sub3A_2441 = arith.subf %mul3A_2438, %sub3A_2440 : vector<16xf32>
        %mul3A_2442 = arith.constant 5.000000e-01 : f32
        %mul3A_2443 = vector.broadcast %mul3A_2442 : f32 to vector<16xf32>
        %mul3A_2444 = arith.mulf %mul3A_2443, %sub3A_2441 : vector<16xf32>
        %add3A_2445 = arith.constant 1.000000e+00 : f32
        %add3A_2446 = vector.broadcast %add3A_2445 : f32 to vector<16xf32>
        %add3A_2447 = arith.addf %add3A_2432, %add3A_2446 : vector<16xf32>
        %mul3A_2448 = arith.constant 2.240000e+02 : f32
        %mul3A_2449 = vector.broadcast %mul3A_2448 : f32 to vector<16xf32>
        %mul3A_2450 = arith.mulf %add3A_2447, %mul3A_2449 : vector<16xf32>
        %sub3A_2451 = arith.constant 1.000000e+00 : f32
        %sub3A_2452 = vector.broadcast %sub3A_2451 : f32 to vector<16xf32>
        %sub3A_2453 = arith.subf %mul3A_2450, %sub3A_2452 : vector<16xf32>
        %mul3A_2454 = arith.constant 5.000000e-01 : f32
        %mul3A_2455 = vector.broadcast %mul3A_2454 : f32 to vector<16xf32>
        %mul3A_2456 = arith.mulf %mul3A_2455, %sub3A_2453 : vector<16xf32>
        %max3A_2457 = arith.constant -4.000000e+00 : f32
        %max3A_2458 = vector.broadcast %max3A_2457 : f32 to vector<16xf32>
        %max3A_2459 = arith.maximumf %mul3A_2444, %max3A_2458 : vector<16xf32>
        %min3A_2460 = arith.constant 2.280000e+02 : f32
        %min3A_2461 = vector.broadcast %min3A_2460 : f32 to vector<16xf32>
        %min3A_2462 = arith.minimumf %max3A_2459, %min3A_2461 : vector<16xf32>
        %max3A_2463 = arith.constant -4.000000e+00 : f32
        %max3A_2464 = vector.broadcast %max3A_2463 : f32 to vector<16xf32>
        %max3A_2465 = arith.maximumf %mul3A_2456, %max3A_2464 : vector<16xf32>
        %min3A_2466 = arith.constant 2.280000e+02 : f32
        %min3A_2467 = vector.broadcast %min3A_2466 : f32 to vector<16xf32>
        %min3A_2468 = arith.minimumf %max3A_2465, %min3A_2467 : vector<16xf32>
        %convert_element_type3A_2469 = arith.fptosi %min3A_2462 : vector<16xf32> to vector<16xi32>
        %convert_element_type3A_2470 = arith.sitofp %convert_element_type3A_2469 : vector<16xi32> to vector<16xf32>
        %gt3A_2471 = arith.cmpf ogt, %convert_element_type3A_2470, %min3A_2462 : vector<16xf32>
        %sub3A_2472 = arith.constant 1.000000e+00 : f32
        %sub3A_2473 = vector.broadcast %sub3A_2472 : f32 to vector<16xf32>
        %sub3A_2474 = arith.subf %convert_element_type3A_2470, %sub3A_2473 : vector<16xf32>
        %select_n3A_2475 = arith.select %gt3A_2471, %sub3A_2474, %convert_element_type3A_2470 : vector<16xi1>, vector<16xf32>
        %convert_element_type3A_2476 = arith.fptosi %min3A_2468 : vector<16xf32> to vector<16xi32>
        %convert_element_type3A_2477 = arith.sitofp %convert_element_type3A_2476 : vector<16xi32> to vector<16xf32>
        %gt3A_2478 = arith.cmpf ogt, %convert_element_type3A_2477, %min3A_2468 : vector<16xf32>
        %sub3A_2479 = arith.constant 1.000000e+00 : f32
        %sub3A_2480 = vector.broadcast %sub3A_2479 : f32 to vector<16xf32>
        %sub3A_2481 = arith.subf %convert_element_type3A_2477, %sub3A_2480 : vector<16xf32>
        %select_n3A_2482 = arith.select %gt3A_2478, %sub3A_2481, %convert_element_type3A_2477 : vector<16xi1>, vector<16xf32>
        %add3A_2483 = arith.constant 1.000000e+00 : f32
        %add3A_2484 = vector.broadcast %add3A_2483 : f32 to vector<16xf32>
        %add3A_2485 = arith.addf %select_n3A_2475, %add3A_2484 : vector<16xf32>
        %sub3A_2486 = arith.subf %add3A_2485, %min3A_2462 : vector<16xf32>
        %add3A_2487 = arith.constant 1.000000e+00 : f32
        %add3A_2488 = vector.broadcast %add3A_2487 : f32 to vector<16xf32>
        %add3A_2489 = arith.addf %select_n3A_2482, %add3A_2488 : vector<16xf32>
        %sub3A_2490 = arith.subf %add3A_2489, %min3A_2468 : vector<16xf32>
        %sub3A_2491 = arith.subf %min3A_2462, %select_n3A_2475 : vector<16xf32>
        %sub3A_2492 = arith.subf %min3A_2468, %select_n3A_2482 : vector<16xf32>
        %mul3A_2493 = arith.mulf %sub3A_2486, %sub3A_2490 : vector<16xf32>
        %swap3A_2494 = arith.constant 48 : index
        %swap3A_2495 = tpu.vector_load %arg11[%swap3A_2494] {strides = array<i32>} : memref<512xf32, #tpu.memory_space<vmem>>, vector<16xf32>,
        tpu.vector_store %arg11[%swap3A_2494], %mul3A_2493 {strides = array<i32>} : memref<512xf32, #tpu.memory_space<vmem>>, vector<16xf32>,
        %mul3A_2496 = arith.mulf %sub3A_2486, %sub3A_2492 : vector<16xf32>
        %swap3A_2497 = arith.constant 112 : index
        %swap3A_2498 = tpu.vector_load %arg11[%swap3A_2497] {strides = array<i32>} : memref<512xf32, #tpu.memory_space<vmem>>, vector<16xf32>,
        tpu.vector_store %arg11[%swap3A_2497], %mul3A_2496 {strides = array<i32>} : memref<512xf32, #tpu.memory_space<vmem>>, vector<16xf32>,
        %mul3A_2499 = arith.mulf %sub3A_2491, %sub3A_2490 : vector<16xf32>
        %swap3A_2500 = arith.constant 176 : index
        %swap3A_2501 = tpu.vector_load %arg11[%swap3A_2500] {strides = array<i32>} : memref<512xf32, #tpu.memory_space<vmem>>, vector<16xf32>,
        tpu.vector_store %arg11[%swap3A_2500], %mul3A_2499 {strides = array<i32>} : memref<512xf32, #tpu.memory_space<vmem>>, vector<16xf32>,
        %mul3A_2502 = arith.mulf %sub3A_2491, %sub3A_2492 : vector<16xf32>
        %swap3A_2503 = arith.constant 240 : index
        %swap3A_2504 = tpu.vector_load %arg11[%swap3A_2503] {strides = array<i32>} : memref<512xf32, #tpu.memory_space<vmem>>, vector<16xf32>,
        tpu.vector_store %arg11[%swap3A_2503], %mul3A_2502 {strides = array<i32>} : memref<512xf32, #tpu.memory_space<vmem>>, vector<16xf32>,
        %convert_element_type3A_2505 = arith.fptosi %select_n3A_2475 : vector<16xf32> to vector<16xi32>
        %convert_element_type3A_2506 = arith.fptosi %select_n3A_2482 : vector<16xf32> to vector<16xi32>
        %max3A_2507 = arith.constant 0 : i32
        %max3A_2508 = vector.broadcast %max3A_2507 : i32 to vector<16xi32>
        %max3A_2509 = arith.maxsi %convert_element_type3A_2505, %max3A_2508 : vector<16xi32>
        %min3A_2510 = arith.constant 223 : i32
        %min3A_2511 = vector.broadcast %min3A_2510 : i32 to vector<16xi32>
        %min3A_2512 = arith.minsi %max3A_2509, %min3A_2511 : vector<16xi32>
        %add3A_2513 = arith.constant 1 : i32
        %add3A_2514 = vector.broadcast %add3A_2513 : i32 to vector<16xi32>
        %add3A_2515 = arith.addi %convert_element_type3A_2505, %add3A_2514 : vector<16xi32>
        %max3A_2516 = arith.constant 0 : i32
        %max3A_2517 = vector.broadcast %max3A_2516 : i32 to vector<16xi32>
        %max3A_2518 = arith.maxsi %add3A_2515, %max3A_2517 : vector<16xi32>
        %min3A_2519 = arith.constant 223 : i32
        %min3A_2520 = vector.broadcast %min3A_2519 : i32 to vector<16xi32>
        %min3A_2521 = arith.minsi %max3A_2518, %min3A_2520 : vector<16xi32>
        %max3A_2522 = arith.constant 0 : i32
        %max3A_2523 = vector.broadcast %max3A_2522 : i32 to vector<16xi32>
        %max3A_2524 = arith.maxsi %convert_element_type3A_2506, %max3A_2523 : vector<16xi32>
        %min3A_2525 = arith.constant 223 : i32
        %min3A_2526 = vector.broadcast %min3A_2525 : i32 to vector<16xi32>
        %min3A_2527 = arith.minsi %max3A_2524, %min3A_2526 : vector<16xi32>
        %add3A_2528 = arith.constant 1 : i32
        %add3A_2529 = vector.broadcast %add3A_2528 : i32 to vector<16xi32>
        %add3A_2530 = arith.addi %convert_element_type3A_2506, %add3A_2529 : vector<16xi32>
        %max3A_2531 = arith.constant 0 : i32
        %max3A_2532 = vector.broadcast %max3A_2531 : i32 to vector<16xi32>
        %max3A_2533 = arith.maxsi %add3A_2530, %max3A_2532 : vector<16xi32>
        %min3A_2534 = arith.constant 223 : i32
        %min3A_2535 = vector.broadcast %min3A_2534 : i32 to vector<16xi32>
        %min3A_2536 = arith.minsi %max3A_2533, %min3A_2535 : vector<16xi32>
        %mul3A_2537 = arith.constant 224 : i32
        %mul3A_2538 = vector.broadcast %mul3A_2537 : i32 to vector<16xi32>
        %mul3A_2539 = arith.muli %min3A_2527, %mul3A_2538 : vector<16xi32>
        %add3A_2540 = vector.broadcast %mul3A_20 : i32 to vector<16xi32>
        %add3A_2541 = arith.addi %add3A_2540, %mul3A_2539 : vector<16xi32>
        %mul3A_2542 = arith.constant 224 : i32
        %mul3A_2543 = vector.broadcast %mul3A_2542 : i32 to vector<16xi32>
        %mul3A_2544 = arith.muli %min3A_2536, %mul3A_2543 : vector<16xi32>
        %add3A_2545 = vector.broadcast %mul3A_20 : i32 to vector<16xi32>
        %add3A_2546 = arith.addi %add3A_2545, %mul3A_2544 : vector<16xi32>
        %add3A_2547 = arith.addi %add3A_2541, %min3A_2512 : vector<16xi32>
        %swap3A_2548 = arith.constant 0 : i32
        %swap3A_2549 = arith.constant 0 : i32
        %swap3A_2550 = arith.index_cast %swap3A_2548 : i32 to index
        %swap3A_2551 = arith.index_cast %swap3A_2549 : i32 to index
        %swap3A_2552 = arith.constant 48 : index
        %swap3A_2553 = tpu.vector_load %arg10[%swap3A_2550, %swap3A_2551, %swap3A_2552] {strides = array<i32>} : memref<2x2x128xi32, #tpu.memory_space<vmem>>, vector<16xi32>,
        tpu.vector_store %arg10[%swap3A_2550, %swap3A_2551, %swap3A_2552], %add3A_2547 {strides = array<i32>} : memref<2x2x128xi32, #tpu.memory_space<vmem>>, vector<16xi32>,
        %add3A_2554 = arith.addi %add3A_2546, %min3A_2512 : vector<16xi32>
        %swap3A_2555 = arith.constant 0 : i32
        %swap3A_2556 = arith.constant 0 : i32
        %swap3A_2557 = arith.index_cast %swap3A_2555 : i32 to index
        %swap3A_2558 = arith.index_cast %swap3A_2556 : i32 to index
        %swap3A_2559 = arith.constant 112 : index
        %swap3A_2560 = tpu.vector_load %arg10[%swap3A_2557, %swap3A_2558, %swap3A_2559] {strides = array<i32>} : memref<2x2x128xi32, #tpu.memory_space<vmem>>, vector<16xi32>,
        tpu.vector_store %arg10[%swap3A_2557, %swap3A_2558, %swap3A_2559], %add3A_2554 {strides = array<i32>} : memref<2x2x128xi32, #tpu.memory_space<vmem>>, vector<16xi32>,
        %add3A_2561 = arith.addi %add3A_2541, %min3A_2521 : vector<16xi32>
        %swap3A_2562 = arith.constant 0 : i32
        %swap3A_2563 = arith.constant 1 : i32
        %swap3A_2564 = arith.index_cast %swap3A_2562 : i32 to index
        %swap3A_2565 = arith.index_cast %swap3A_2563 : i32 to index
        %swap3A_2566 = arith.constant 48 : index
        %swap3A_2567 = tpu.vector_load %arg10[%swap3A_2564, %swap3A_2565, %swap3A_2566] {strides = array<i32>} : memref<2x2x128xi32, #tpu.memory_space<vmem>>, vector<16xi32>,
        tpu.vector_store %arg10[%swap3A_2564, %swap3A_2565, %swap3A_2566], %add3A_2561 {strides = array<i32>} : memref<2x2x128xi32, #tpu.memory_space<vmem>>, vector<16xi32>,
        %add3A_2568 = arith.addi %add3A_2546, %min3A_2521 : vector<16xi32>
        %swap3A_2569 = arith.constant 0 : i32
        %swap3A_2570 = arith.constant 1 : i32
        %swap3A_2571 = arith.index_cast %swap3A_2569 : i32 to index
        %swap3A_2572 = arith.index_cast %swap3A_2570 : i32 to index
        %swap3A_2573 = arith.constant 112 : index
        %swap3A_2574 = tpu.vector_load %arg10[%swap3A_2571, %swap3A_2572, %swap3A_2573] {strides = array<i32>} : memref<2x2x128xi32, #tpu.memory_space<vmem>>, vector<16xi32>,
        tpu.vector_store %arg10[%swap3A_2571, %swap3A_2572, %swap3A_2573], %add3A_2568 {strides = array<i32>} : memref<2x2x128xi32, #tpu.memory_space<vmem>>, vector<16xi32>,
        %dma_start3A_2575 = arith.constant 0 : i32
        %dma_start3A_2576 = arith.constant 0 : i32
        %dma_start3A_2577 = arith.constant 0 : i32
        %dma_start3A_2578 = arith.constant 0 : i32
        %dma_start3A_2579 = arith.constant 0 : i32
        %dma_start3A_2580 = arith.constant 0 : i32
        %dma_start3A_2581 = tpu.memref_slice %arg12[%dma_start3A_2577, %dma_start3A_2578, %dma_start3A_2579, %dma_start3A_2580] : memref<2x2x128x192xf32, #tpu.memory_space<vmem>> -> memref<1x1x128x192xf32, #tpu.memory_space<vmem>>
        %dma_start3A_2582 = tpu.memref_squeeze %dma_start3A_2581 : memref<1x1x128x192xf32, #tpu.memory_space<vmem>> -> memref<128x192xf32, #tpu.memory_space<vmem>>
        %dma_start3A_2583 = arith.constant 0 : i32
        %dma_start3A_2584 = tpu.memref_slice %arg10[%dma_start3A_2575, %dma_start3A_2576, %dma_start3A_2583] : memref<2x2x128xi32, #tpu.memory_space<vmem>> -> memref<1x1x128xi32, #tpu.memory_space<vmem>>
        %dma_start3A_2585 = tpu.memref_squeeze %dma_start3A_2584 : memref<1x1x128xi32, #tpu.memory_space<vmem>> -> memref<128xi32, #tpu.memory_space<vmem>>
        %dma_start3A_2586 = arith.constant 0 : i32
        %dma_start3A_2587 = arith.constant 0 : i32
        %dma_start3A_2588 = tpu.memref_slice %arg2[%dma_start3A_2586, %dma_start3A_2587] : memref<401408x192xf32, #tpu.memory_space<hbm>> -> memref<401408x192xf32, #tpu.memory_space<hbm>>
        tpu.enqueue_indirect_dma source(%dma_start3A_2588 : memref<401408x192xf32, #tpu.memory_space<hbm>>) target(%dma_start3A_2582 : memref<128x192xf32, #tpu.memory_space<vmem>>) offsets(%dma_start3A_2585 : memref<128xi32, #tpu.memory_space<vmem>>) semaphore(%arg14 : memref<!tpu.dma_semaphore, #tpu.memory_space<semaphore_mem>>)
        %dma_start3A_2589 = arith.constant 0 : i32
        %dma_start3A_2590 = arith.constant 1 : i32
        %dma_start3A_2591 = arith.constant 0 : i32
        %dma_start3A_2592 = arith.constant 1 : i32
        %dma_start3A_2593 = arith.constant 0 : i32
        %dma_start3A_2594 = arith.constant 0 : i32
        %dma_start3A_2595 = tpu.memref_slice %arg12[%dma_start3A_2591, %dma_start3A_2592, %dma_start3A_2593, %dma_start3A_2594] : memref<2x2x128x192xf32, #tpu.memory_space<vmem>> -> memref<1x1x128x192xf32, #tpu.memory_space<vmem>>
        %dma_start3A_2596 = tpu.memref_squeeze %dma_start3A_2595 : memref<1x1x128x192xf32, #tpu.memory_space<vmem>> -> memref<128x192xf32, #tpu.memory_space<vmem>>
        %dma_start3A_2597 = arith.constant 0 : i32
        %dma_start3A_2598 = tpu.memref_slice %arg10[%dma_start3A_2589, %dma_start3A_2590, %dma_start3A_2597] : memref<2x2x128xi32, #tpu.memory_space<vmem>> -> memref<1x1x128xi32, #tpu.memory_space<vmem>>
        %dma_start3A_2599 = tpu.memref_squeeze %dma_start3A_2598 : memref<1x1x128xi32, #tpu.memory_space<vmem>> -> memref<128xi32, #tpu.memory_space<vmem>>
        %dma_start3A_2600 = arith.constant 0 : i32
        %dma_start3A_2601 = arith.constant 0 : i32
        %dma_start3A_2602 = tpu.memref_slice %arg2[%dma_start3A_2600, %dma_start3A_2601] : memref<401408x192xf32, #tpu.memory_space<hbm>> -> memref<401408x192xf32, #tpu.memory_space<hbm>>
        tpu.enqueue_indirect_dma source(%dma_start3A_2602 : memref<401408x192xf32, #tpu.memory_space<hbm>>) target(%dma_start3A_2596 : memref<128x192xf32, #tpu.memory_space<vmem>>) offsets(%dma_start3A_2599 : memref<128xi32, #tpu.memory_space<vmem>>) semaphore(%arg14 : memref<!tpu.dma_semaphore, #tpu.memory_space<semaphore_mem>>)
      } else {
      }
      %dma_wait3A_1741 = arith.constant 1 : i32
      %dma_wait3A_1742 = arith.constant 0 : i32
      %dma_wait3A_1743 = arith.constant 1 : i32
      %dma_wait3A_1744 = arith.constant 0 : i32
      %dma_wait3A_1745 = arith.constant 0 : i32
      %dma_wait3A_1746 = arith.constant 0 : i32
      %dma_wait3A_1747 = tpu.memref_slice %arg12[%dma_wait3A_1743, %dma_wait3A_1744, %dma_wait3A_1745, %dma_wait3A_1746] : memref<2x2x128x192xf32, #tpu.memory_space<vmem>> -> memref<1x1x128x192xf32, #tpu.memory_space<vmem>>
      %dma_wait3A_1748 = tpu.memref_squeeze %dma_wait3A_1747 : memref<1x1x128x192xf32, #tpu.memory_space<vmem>> -> memref<128x192xf32, #tpu.memory_space<vmem>>
      %dma_wait3A_1749 = arith.constant 0 : i32
      %dma_wait3A_1750 = tpu.memref_slice %arg10[%dma_wait3A_1741, %dma_wait3A_1742, %dma_wait3A_1749] : memref<2x2x128xi32, #tpu.memory_space<vmem>> -> memref<1x1x128xi32, #tpu.memory_space<vmem>>
      %dma_wait3A_1751 = tpu.memref_squeeze %dma_wait3A_1750 : memref<1x1x128xi32, #tpu.memory_space<vmem>> -> memref<128xi32, #tpu.memory_space<vmem>>
      %dma_wait3A_1752 = arith.constant 0 : i32
      %dma_wait3A_1753 = arith.constant 0 : i32
      %dma_wait3A_1754 = tpu.memref_slice %arg2[%dma_wait3A_1752, %dma_wait3A_1753] : memref<401408x192xf32, #tpu.memory_space<hbm>> -> memref<401408x192xf32, #tpu.memory_space<hbm>>
      tpu.wait_indirect_dma semaphore(%arg15 : memref<!tpu.dma_semaphore, #tpu.memory_space<semaphore_mem>>) src(%dma_wait3A_1754 : memref<401408x192xf32, #tpu.memory_space<hbm>>) dst(%dma_wait3A_1748 : memref<128x192xf32, #tpu.memory_space<vmem>>)
      %dma_wait3A_1755 = arith.constant 1 : i32
      %dma_wait3A_1756 = arith.constant 1 : i32
      %dma_wait3A_1757 = arith.constant 1 : i32
      %dma_wait3A_1758 = arith.constant 1 : i32
      %dma_wait3A_1759 = arith.constant 0 : i32
      %dma_wait3A_1760 = arith.constant 0 : i32
      %dma_wait3A_1761 = tpu.memref_slice %arg12[%dma_wait3A_1757, %dma_wait3A_1758, %dma_wait3A_1759, %dma_wait3A_1760] : memref<2x2x128x192xf32, #tpu.memory_space<vmem>> -> memref<1x1x128x192xf32, #tpu.memory_space<vmem>>
      %dma_wait3A_1762 = tpu.memref_squeeze %dma_wait3A_1761 : memref<1x1x128x192xf32, #tpu.memory_space<vmem>> -> memref<128x192xf32, #tpu.memory_space<vmem>>
      %dma_wait3A_1763 = arith.constant 0 : i32
      %dma_wait3A_1764 = tpu.memref_slice %arg10[%dma_wait3A_1755, %dma_wait3A_1756, %dma_wait3A_1763] : memref<2x2x128xi32, #tpu.memory_space<vmem>> -> memref<1x1x128xi32, #tpu.memory_space<vmem>>
      %dma_wait3A_1765 = tpu.memref_squeeze %dma_wait3A_1764 : memref<1x1x128xi32, #tpu.memory_space<vmem>> -> memref<128xi32, #tpu.memory_space<vmem>>
      %dma_wait3A_1766 = arith.constant 0 : i32
      %dma_wait3A_1767 = arith.constant 0 : i32
      %dma_wait3A_1768 = tpu.memref_slice %arg2[%dma_wait3A_1766, %dma_wait3A_1767] : memref<401408x192xf32, #tpu.memory_space<hbm>> -> memref<401408x192xf32, #tpu.memory_space<hbm>>
      tpu.wait_indirect_dma semaphore(%arg15 : memref<!tpu.dma_semaphore, #tpu.memory_space<semaphore_mem>>) src(%dma_wait3A_1768 : memref<401408x192xf32, #tpu.memory_space<hbm>>) dst(%dma_wait3A_1762 : memref<128x192xf32, #tpu.memory_space<vmem>>)
      %add3A_1769 = arith.constant 1 : i32
      %add3A_1770 = arith.addi %mul3A_879, %add3A_1769 : i32
      %eq3A_1771 = arith.constant 0 : i32
      %eq3A_1772 = arith.cmpi eq, %scan3A_877, %eq3A_1771 : i32
      %mul3A_1773 = arith.constant 64 : i32
      %mul3A_1774 = arith.muli %add3A_1770, %mul3A_1773 : i32
      %add3A_1775 = arith.addi %mul3A_2, %mul3A_1774 : i32
      %not3A_1776 = arith.constant true
      %not3A_1777 = arith.xori %eq3A_1772, %not3A_1776 : i1
      %convert_element_type3A_1778 = arith.extui %not3A_1777 : i1 to i32
      %cond3A_1779 = arith.constant 0 : i32
      %cond3A_1780 = arith.cmpi ne, %convert_element_type3A_1778, %cond3A_1779 : i32
      scf.if %cond3A_1780 {
        %dma_wait3A_1798 = arith.constant 1 : i32
        %dma_wait3A_1799 = arith.constant 0 : i32
        %dma_wait3A_1800 = tpu.memref_slice %arg13[%dma_wait3A_1798, %dma_wait3A_1799] : memref<2x12288xf32, #tpu.memory_space<vmem>> -> memref<1x12288xf32, #tpu.memory_space<vmem>>
        %dma_wait3A_1801 = tpu.memref_squeeze %dma_wait3A_1800 : memref<1x12288xf32, #tpu.memory_space<vmem>> -> memref<12288xf32, #tpu.memory_space<vmem>>
        %dma_wait3A_1802 = arith.constant 0 : i32
        %dma_wait3A_1803 = tpu.memref_slice %arg6[%dma_wait3A_1802] : memref<77070336xf32, #tpu.memory_space<hbm>> -> memref<12288xf32, #tpu.memory_space<hbm>>
        %dma_wait3A_1804 = arith.constant 0 : i32
        %dma_wait3A_1805 = tpu.memref_slice %arg6[%dma_wait3A_1804] : memref<77070336xf32, #tpu.memory_space<hbm>> -> memref<12288xf32, #tpu.memory_space<hbm>>
        %dma_wait3A_1806 = arith.constant 0 : i32
        %dma_wait3A_1807 = tpu.memref_slice %arg13[%dma_wait3A_1798, %dma_wait3A_1806] : memref<2x12288xf32, #tpu.memory_space<vmem>> -> memref<1x12288xf32, #tpu.memory_space<vmem>>
        %dma_wait3A_1808 = tpu.memref_squeeze %dma_wait3A_1807 : memref<1x12288xf32, #tpu.memory_space<vmem>> -> memref<12288xf32, #tpu.memory_space<vmem>>
        tpu.wait_dma2 semaphore(%arg17 : memref<!tpu.dma_semaphore, #tpu.memory_space<semaphore_mem>>) src(%dma_wait3A_1808 : memref<12288xf32, #tpu.memory_space<vmem>>) dst(%dma_wait3A_1805 : memref<12288xf32, #tpu.memory_space<hbm>>)
      } else {
      }
      %scan3A_1781 = arith.constant 0 : i32
      %scan3A_1782 = arith.constant 0 : i32
      %scan3A_1783 = arith.constant 64 : i32
      %scan3A_1784 = arith.addi %scan3A_1782, %scan3A_1783 : i32
      %scan3A_1785 = arith.constant 1 : i32
      scf.for %scan3A_1798 = %scan3A_1782 to %scan3A_1784 step %scan3A_1785  : i32 {
        %add3A_1799 = arith.constant 256 : i32
        %add3A_1800 = arith.addi %add3A_1799, %scan3A_1798 : i32
        %broadcast_in_dim3A_1801 = vector.broadcast %add3A_1800 : i32 to vector<16xi32>
        %gather3A_1802 = tpu.vector_load_idx %arg11[%broadcast_in_dim3A_1801] : memref<512xf32, #tpu.memory_space<vmem>>[vector<16xi32>], vector<16xf32>,
        %add3A_1803 = arith.constant 256 : i32
        %add3A_1804 = arith.addi %add3A_1803, %scan3A_1798 : i32
        %add3A_1805 = arith.constant 64 : i32
        %add3A_1806 = arith.addi %add3A_1804, %add3A_1805 : i32
        %broadcast_in_dim3A_1807 = vector.broadcast %add3A_1806 : i32 to vector<16xi32>
        %gather3A_1808 = tpu.vector_load_idx %arg11[%broadcast_in_dim3A_1807] : memref<512xf32, #tpu.memory_space<vmem>>[vector<16xi32>], vector<16xf32>,
        %add3A_1809 = arith.constant 256 : i32
        %add3A_1810 = arith.addi %add3A_1809, %scan3A_1798 : i32
        %add3A_1811 = arith.constant 128 : i32
        %add3A_1812 = arith.addi %add3A_1810, %add3A_1811 : i32
        %broadcast_in_dim3A_1813 = vector.broadcast %add3A_1812 : i32 to vector<16xi32>
        %gather3A_1814 = tpu.vector_load_idx %arg11[%broadcast_in_dim3A_1813] : memref<512xf32, #tpu.memory_space<vmem>>[vector<16xi32>], vector<16xf32>,
        %add3A_1815 = arith.constant 256 : i32
        %add3A_1816 = arith.addi %add3A_1815, %scan3A_1798 : i32
        %add3A_1817 = arith.constant 192 : i32
        %add3A_1818 = arith.addi %add3A_1816, %add3A_1817 : i32
        %broadcast_in_dim3A_1819 = vector.broadcast %add3A_1818 : i32 to vector<16xi32>
        %gather3A_1820 = tpu.vector_load_idx %arg11[%broadcast_in_dim3A_1819] : memref<512xf32, #tpu.memory_space<vmem>>[vector<16xi32>], vector<16xf32>,
        %get3A = arith.constant 1 : i32
        %get3A_1821 = arith.constant 0 : i32
        %get3A_1822 = arith.index_cast %get3A : i32 to index
        %get3A_1823 = arith.index_cast %get3A_1821 : i32 to index
        %get3A_1824 = arith.index_cast %scan3A_1798 : i32 to index
        %get3A_1825 = arith.constant 0 : index
        %get3A_1826 = tpu.vector_load %arg12[%get3A_1822, %get3A_1823, %get3A_1824, %get3A_1825] {strides = array<i32>} : memref<2x2x128x192xf32, #tpu.memory_space<vmem>>, vector<16xf32>,
        %mul3A_1827 = arith.mulf %gather3A_1802, %get3A_1826 : vector<16xf32>
        %add3A_1828 = arith.constant 64 : i32
        %add3A_1829 = arith.addi %add3A_1828, %scan3A_1798 : i32
        %get3A_1830 = arith.constant 1 : i32
        %get3A_1831 = arith.constant 0 : i32
        %get3A_1832 = arith.index_cast %get3A_1830 : i32 to index
        %get3A_1833 = arith.index_cast %get3A_1831 : i32 to index
        %get3A_1834 = arith.index_cast %add3A_1829 : i32 to index
        %get3A_1835 = arith.constant 0 : index
        %get3A_1836 = tpu.vector_load %arg12[%get3A_1832, %get3A_1833, %get3A_1834, %get3A_1835] {strides = array<i32>} : memref<2x2x128x192xf32, #tpu.memory_space<vmem>>, vector<16xf32>,
        %mul3A_1837 = arith.mulf %gather3A_1808, %get3A_1836 : vector<16xf32>
        %add3A_1838 = arith.addf %mul3A_1827, %mul3A_1837 : vector<16xf32>
        %get3A_1839 = arith.constant 1 : i32
        %get3A_1840 = arith.constant 1 : i32
        %get3A_1841 = arith.index_cast %get3A_1839 : i32 to index
        %get3A_1842 = arith.index_cast %get3A_1840 : i32 to index
        %get3A_1843 = arith.index_cast %scan3A_1798 : i32 to index
        %get3A_1844 = arith.constant 0 : index
        %get3A_1845 = tpu.vector_load %arg12[%get3A_1841, %get3A_1842, %get3A_1843, %get3A_1844] {strides = array<i32>} : memref<2x2x128x192xf32, #tpu.memory_space<vmem>>, vector<16xf32>,
        %mul3A_1846 = arith.mulf %gather3A_1814, %get3A_1845 : vector<16xf32>
        %add3A_1847 = arith.addf %add3A_1838, %mul3A_1846 : vector<16xf32>
        %add3A_1848 = arith.constant 64 : i32
        %add3A_1849 = arith.addi %add3A_1848, %scan3A_1798 : i32
        %get3A_1850 = arith.constant 1 : i32
        %get3A_1851 = arith.constant 1 : i32
        %get3A_1852 = arith.index_cast %get3A_1850 : i32 to index
        %get3A_1853 = arith.index_cast %get3A_1851 : i32 to index
        %get3A_1854 = arith.index_cast %add3A_1849 : i32 to index
        %get3A_1855 = arith.constant 0 : index
        %get3A_1856 = tpu.vector_load %arg12[%get3A_1852, %get3A_1853, %get3A_1854, %get3A_1855] {strides = array<i32>} : memref<2x2x128x192xf32, #tpu.memory_space<vmem>>, vector<16xf32>,
        %mul3A_1857 = arith.mulf %gather3A_1820, %get3A_1856 : vector<16xf32>
        %add3A_1858 = arith.addf %add3A_1847, %mul3A_1857 : vector<16xf32>
        %mul3A_1859 = arith.constant 192 : i32
        %mul3A_1860 = arith.muli %scan3A_1798, %mul3A_1859 : i32
        %add3A_1861 = arith.constant 0 : i32
        %add3A_1862 = arith.addi %mul3A_1860, %add3A_1861 : i32
        %swap3A_1863 = arith.constant 1 : i32
        %swap3A_1864 = arith.index_cast %swap3A_1863 : i32 to index
        %swap3A_1865 = arith.index_cast %add3A_1862 : i32 to index
        %swap3A_1866 = tpu.vector_load %arg13[%swap3A_1864, %swap3A_1865] {strides = array<i32>} : memref<2x12288xf32, #tpu.memory_space<vmem>>, vector<16xf32>,
        tpu.vector_store %arg13[%swap3A_1864, %swap3A_1865], %add3A_1858 {strides = array<i32>} : memref<2x12288xf32, #tpu.memory_space<vmem>>, vector<16xf32>,
        %get3A_1867 = arith.constant 1 : i32
        %get3A_1868 = arith.constant 0 : i32
        %get3A_1869 = arith.index_cast %get3A_1867 : i32 to index
        %get3A_1870 = arith.index_cast %get3A_1868 : i32 to index
        %get3A_1871 = arith.index_cast %scan3A_1798 : i32 to index
        %get3A_1872 = arith.constant 16 : index
        %get3A_1873 = tpu.vector_load %arg12[%get3A_1869, %get3A_1870, %get3A_1871, %get3A_1872] {strides = array<i32>} : memref<2x2x128x192xf32, #tpu.memory_space<vmem>>, vector<16xf32>,
        %mul3A_1874 = arith.mulf %gather3A_1802, %get3A_1873 : vector<16xf32>
        %add3A_1875 = arith.constant 64 : i32
        %add3A_1876 = arith.addi %add3A_1875, %scan3A_1798 : i32
        %get3A_1877 = arith.constant 1 : i32
        %get3A_1878 = arith.constant 0 : i32
        %get3A_1879 = arith.index_cast %get3A_1877 : i32 to index
        %get3A_1880 = arith.index_cast %get3A_1878 : i32 to index
        %get3A_1881 = arith.index_cast %add3A_1876 : i32 to index
        %get3A_1882 = arith.constant 16 : index
        %get3A_1883 = tpu.vector_load %arg12[%get3A_1879, %get3A_1880, %get3A_1881, %get3A_1882] {strides = array<i32>} : memref<2x2x128x192xf32, #tpu.memory_space<vmem>>, vector<16xf32>,
        %mul3A_1884 = arith.mulf %gather3A_1808, %get3A_1883 : vector<16xf32>
        %add3A_1885 = arith.addf %mul3A_1874, %mul3A_1884 : vector<16xf32>
        %get3A_1886 = arith.constant 1 : i32
        %get3A_1887 = arith.constant 1 : i32
        %get3A_1888 = arith.index_cast %get3A_1886 : i32 to index
        %get3A_1889 = arith.index_cast %get3A_1887 : i32 to index
        %get3A_1890 = arith.index_cast %scan3A_1798 : i32 to index
        %get3A_1891 = arith.constant 16 : index
        %get3A_1892 = tpu.vector_load %arg12[%get3A_1888, %get3A_1889, %get3A_1890, %get3A_1891] {strides = array<i32>} : memref<2x2x128x192xf32, #tpu.memory_space<vmem>>, vector<16xf32>,
        %mul3A_1893 = arith.mulf %gather3A_1814, %get3A_1892 : vector<16xf32>
        %add3A_1894 = arith.addf %add3A_1885, %mul3A_1893 : vector<16xf32>
        %add3A_1895 = arith.constant 64 : i32
        %add3A_1896 = arith.addi %add3A_1895, %scan3A_1798 : i32
        %get3A_1897 = arith.constant 1 : i32
        %get3A_1898 = arith.constant 1 : i32
        %get3A_1899 = arith.index_cast %get3A_1897 : i32 to index
        %get3A_1900 = arith.index_cast %get3A_1898 : i32 to index
        %get3A_1901 = arith.index_cast %add3A_1896 : i32 to index
        %get3A_1902 = arith.constant 16 : index
        %get3A_1903 = tpu.vector_load %arg12[%get3A_1899, %get3A_1900, %get3A_1901, %get3A_1902] {strides = array<i32>} : memref<2x2x128x192xf32, #tpu.memory_space<vmem>>, vector<16xf32>,
        %mul3A_1904 = arith.mulf %gather3A_1820, %get3A_1903 : vector<16xf32>
        %add3A_1905 = arith.addf %add3A_1894, %mul3A_1904 : vector<16xf32>
        %mul3A_1906 = arith.constant 192 : i32
        %mul3A_1907 = arith.muli %scan3A_1798, %mul3A_1906 : i32
        %add3A_1908 = arith.constant 16 : i32
        %add3A_1909 = arith.addi %mul3A_1907, %add3A_1908 : i32
        %swap3A_1910 = arith.constant 1 : i32
        %swap3A_1911 = arith.index_cast %swap3A_1910 : i32 to index
        %swap3A_1912 = arith.index_cast %add3A_1909 : i32 to index
        %swap3A_1913 = tpu.vector_load %arg13[%swap3A_1911, %swap3A_1912] {strides = array<i32>} : memref<2x12288xf32, #tpu.memory_space<vmem>>, vector<16xf32>,
        tpu.vector_store %arg13[%swap3A_1911, %swap3A_1912], %add3A_1905 {strides = array<i32>} : memref<2x12288xf32, #tpu.memory_space<vmem>>, vector<16xf32>,
        %get3A_1914 = arith.constant 1 : i32
        %get3A_1915 = arith.constant 0 : i32
        %get3A_1916 = arith.index_cast %get3A_1914 : i32 to index
        %get3A_1917 = arith.index_cast %get3A_1915 : i32 to index
        %get3A_1918 = arith.index_cast %scan3A_1798 : i32 to index
        %get3A_1919 = arith.constant 32 : index
        %get3A_1920 = tpu.vector_load %arg12[%get3A_1916, %get3A_1917, %get3A_1918, %get3A_1919] {strides = array<i32>} : memref<2x2x128x192xf32, #tpu.memory_space<vmem>>, vector<16xf32>,
        %mul3A_1921 = arith.mulf %gather3A_1802, %get3A_1920 : vector<16xf32>
        %add3A_1922 = arith.constant 64 : i32
        %add3A_1923 = arith.addi %add3A_1922, %scan3A_1798 : i32
        %get3A_1924 = arith.constant 1 : i32
        %get3A_1925 = arith.constant 0 : i32
        %get3A_1926 = arith.index_cast %get3A_1924 : i32 to index
        %get3A_1927 = arith.index_cast %get3A_1925 : i32 to index
        %get3A_1928 = arith.index_cast %add3A_1923 : i32 to index
        %get3A_1929 = arith.constant 32 : index
        %get3A_1930 = tpu.vector_load %arg12[%get3A_1926, %get3A_1927, %get3A_1928, %get3A_1929] {strides = array<i32>} : memref<2x2x128x192xf32, #tpu.memory_space<vmem>>, vector<16xf32>,
        %mul3A_1931 = arith.mulf %gather3A_1808, %get3A_1930 : vector<16xf32>
        %add3A_1932 = arith.addf %mul3A_1921, %mul3A_1931 : vector<16xf32>
        %get3A_1933 = arith.constant 1 : i32
        %get3A_1934 = arith.constant 1 : i32
        %get3A_1935 = arith.index_cast %get3A_1933 : i32 to index
        %get3A_1936 = arith.index_cast %get3A_1934 : i32 to index
        %get3A_1937 = arith.index_cast %scan3A_1798 : i32 to index
        %get3A_1938 = arith.constant 32 : index
        %get3A_1939 = tpu.vector_load %arg12[%get3A_1935, %get3A_1936, %get3A_1937, %get3A_1938] {strides = array<i32>} : memref<2x2x128x192xf32, #tpu.memory_space<vmem>>, vector<16xf32>,
        %mul3A_1940 = arith.mulf %gather3A_1814, %get3A_1939 : vector<16xf32>
        %add3A_1941 = arith.addf %add3A_1932, %mul3A_1940 : vector<16xf32>
        %add3A_1942 = arith.constant 64 : i32
        %add3A_1943 = arith.addi %add3A_1942, %scan3A_1798 : i32
        %get3A_1944 = arith.constant 1 : i32
        %get3A_1945 = arith.constant 1 : i32
        %get3A_1946 = arith.index_cast %get3A_1944 : i32 to index
        %get3A_1947 = arith.index_cast %get3A_1945 : i32 to index
        %get3A_1948 = arith.index_cast %add3A_1943 : i32 to index
        %get3A_1949 = arith.constant 32 : index
        %get3A_1950 = tpu.vector_load %arg12[%get3A_1946, %get3A_1947, %get3A_1948, %get3A_1949] {strides = array<i32>} : memref<2x2x128x192xf32, #tpu.memory_space<vmem>>, vector<16xf32>,
        %mul3A_1951 = arith.mulf %gather3A_1820, %get3A_1950 : vector<16xf32>
        %add3A_1952 = arith.addf %add3A_1941, %mul3A_1951 : vector<16xf32>
        %mul3A_1953 = arith.constant 192 : i32
        %mul3A_1954 = arith.muli %scan3A_1798, %mul3A_1953 : i32
        %add3A_1955 = arith.constant 32 : i32
        %add3A_1956 = arith.addi %mul3A_1954, %add3A_1955 : i32
        %swap3A_1957 = arith.constant 1 : i32
        %swap3A_1958 = arith.index_cast %swap3A_1957 : i32 to index
        %swap3A_1959 = arith.index_cast %add3A_1956 : i32 to index
        %swap3A_1960 = tpu.vector_load %arg13[%swap3A_1958, %swap3A_1959] {strides = array<i32>} : memref<2x12288xf32, #tpu.memory_space<vmem>>, vector<16xf32>,
        tpu.vector_store %arg13[%swap3A_1958, %swap3A_1959], %add3A_1952 {strides = array<i32>} : memref<2x12288xf32, #tpu.memory_space<vmem>>, vector<16xf32>,
        %get3A_1961 = arith.constant 1 : i32
        %get3A_1962 = arith.constant 0 : i32
        %get3A_1963 = arith.index_cast %get3A_1961 : i32 to index
        %get3A_1964 = arith.index_cast %get3A_1962 : i32 to index
        %get3A_1965 = arith.index_cast %scan3A_1798 : i32 to index
        %get3A_1966 = arith.constant 48 : index
        %get3A_1967 = tpu.vector_load %arg12[%get3A_1963, %get3A_1964, %get3A_1965, %get3A_1966] {strides = array<i32>} : memref<2x2x128x192xf32, #tpu.memory_space<vmem>>, vector<16xf32>,
        %mul3A_1968 = arith.mulf %gather3A_1802, %get3A_1967 : vector<16xf32>
        %add3A_1969 = arith.constant 64 : i32
        %add3A_1970 = arith.addi %add3A_1969, %scan3A_1798 : i32
        %get3A_1971 = arith.constant 1 : i32
        %get3A_1972 = arith.constant 0 : i32
        %get3A_1973 = arith.index_cast %get3A_1971 : i32 to index
        %get3A_1974 = arith.index_cast %get3A_1972 : i32 to index
        %get3A_1975 = arith.index_cast %add3A_1970 : i32 to index
        %get3A_1976 = arith.constant 48 : index
        %get3A_1977 = tpu.vector_load %arg12[%get3A_1973, %get3A_1974, %get3A_1975, %get3A_1976] {strides = array<i32>} : memref<2x2x128x192xf32, #tpu.memory_space<vmem>>, vector<16xf32>,
        %mul3A_1978 = arith.mulf %gather3A_1808, %get3A_1977 : vector<16xf32>
        %add3A_1979 = arith.addf %mul3A_1968, %mul3A_1978 : vector<16xf32>
        %get3A_1980 = arith.constant 1 : i32
        %get3A_1981 = arith.constant 1 : i32
        %get3A_1982 = arith.index_cast %get3A_1980 : i32 to index
        %get3A_1983 = arith.index_cast %get3A_1981 : i32 to index
        %get3A_1984 = arith.index_cast %scan3A_1798 : i32 to index
        %get3A_1985 = arith.constant 48 : index
        %get3A_1986 = tpu.vector_load %arg12[%get3A_1982, %get3A_1983, %get3A_1984, %get3A_1985] {strides = array<i32>} : memref<2x2x128x192xf32, #tpu.memory_space<vmem>>, vector<16xf32>,
        %mul3A_1987 = arith.mulf %gather3A_1814, %get3A_1986 : vector<16xf32>
        %add3A_1988 = arith.addf %add3A_1979, %mul3A_1987 : vector<16xf32>
        %add3A_1989 = arith.constant 64 : i32
        %add3A_1990 = arith.addi %add3A_1989, %scan3A_1798 : i32
        %get3A_1991 = arith.constant 1 : i32
        %get3A_1992 = arith.constant 1 : i32
        %get3A_1993 = arith.index_cast %get3A_1991 : i32 to index
        %get3A_1994 = arith.index_cast %get3A_1992 : i32 to index
        %get3A_1995 = arith.index_cast %add3A_1990 : i32 to index
        %get3A_1996 = arith.constant 48 : index
        %get3A_1997 = tpu.vector_load %arg12[%get3A_1993, %get3A_1994, %get3A_1995, %get3A_1996] {strides = array<i32>} : memref<2x2x128x192xf32, #tpu.memory_space<vmem>>, vector<16xf32>,
        %mul3A_1998 = arith.mulf %gather3A_1820, %get3A_1997 : vector<16xf32>
        %add3A_1999 = arith.addf %add3A_1988, %mul3A_1998 : vector<16xf32>
        %mul3A_2000 = arith.constant 192 : i32
        %mul3A_2001 = arith.muli %scan3A_1798, %mul3A_2000 : i32
        %add3A_2002 = arith.constant 48 : i32
        %add3A_2003 = arith.addi %mul3A_2001, %add3A_2002 : i32
        %swap3A_2004 = arith.constant 1 : i32
        %swap3A_2005 = arith.index_cast %swap3A_2004 : i32 to index
        %swap3A_2006 = arith.index_cast %add3A_2003 : i32 to index
        %swap3A_2007 = tpu.vector_load %arg13[%swap3A_2005, %swap3A_2006] {strides = array<i32>} : memref<2x12288xf32, #tpu.memory_space<vmem>>, vector<16xf32>,
        tpu.vector_store %arg13[%swap3A_2005, %swap3A_2006], %add3A_1999 {strides = array<i32>} : memref<2x12288xf32, #tpu.memory_space<vmem>>, vector<16xf32>,
        %get3A_2008 = arith.constant 1 : i32
        %get3A_2009 = arith.constant 0 : i32
        %get3A_2010 = arith.index_cast %get3A_2008 : i32 to index
        %get3A_2011 = arith.index_cast %get3A_2009 : i32 to index
        %get3A_2012 = arith.index_cast %scan3A_1798 : i32 to index
        %get3A_2013 = arith.constant 64 : index
        %get3A_2014 = tpu.vector_load %arg12[%get3A_2010, %get3A_2011, %get3A_2012, %get3A_2013] {strides = array<i32>} : memref<2x2x128x192xf32, #tpu.memory_space<vmem>>, vector<16xf32>,
        %mul3A_2015 = arith.mulf %gather3A_1802, %get3A_2014 : vector<16xf32>
        %add3A_2016 = arith.constant 64 : i32
        %add3A_2017 = arith.addi %add3A_2016, %scan3A_1798 : i32
        %get3A_2018 = arith.constant 1 : i32
        %get3A_2019 = arith.constant 0 : i32
        %get3A_2020 = arith.index_cast %get3A_2018 : i32 to index
        %get3A_2021 = arith.index_cast %get3A_2019 : i32 to index
        %get3A_2022 = arith.index_cast %add3A_2017 : i32 to index
        %get3A_2023 = arith.constant 64 : index
        %get3A_2024 = tpu.vector_load %arg12[%get3A_2020, %get3A_2021, %get3A_2022, %get3A_2023] {strides = array<i32>} : memref<2x2x128x192xf32, #tpu.memory_space<vmem>>, vector<16xf32>,
        %mul3A_2025 = arith.mulf %gather3A_1808, %get3A_2024 : vector<16xf32>
        %add3A_2026 = arith.addf %mul3A_2015, %mul3A_2025 : vector<16xf32>
        %get3A_2027 = arith.constant 1 : i32
        %get3A_2028 = arith.constant 1 : i32
        %get3A_2029 = arith.index_cast %get3A_2027 : i32 to index
        %get3A_2030 = arith.index_cast %get3A_2028 : i32 to index
        %get3A_2031 = arith.index_cast %scan3A_1798 : i32 to index
        %get3A_2032 = arith.constant 64 : index
        %get3A_2033 = tpu.vector_load %arg12[%get3A_2029, %get3A_2030, %get3A_2031, %get3A_2032] {strides = array<i32>} : memref<2x2x128x192xf32, #tpu.memory_space<vmem>>, vector<16xf32>,
        %mul3A_2034 = arith.mulf %gather3A_1814, %get3A_2033 : vector<16xf32>
        %add3A_2035 = arith.addf %add3A_2026, %mul3A_2034 : vector<16xf32>
        %add3A_2036 = arith.constant 64 : i32
        %add3A_2037 = arith.addi %add3A_2036, %scan3A_1798 : i32
        %get3A_2038 = arith.constant 1 : i32
        %get3A_2039 = arith.constant 1 : i32
        %get3A_2040 = arith.index_cast %get3A_2038 : i32 to index
        %get3A_2041 = arith.index_cast %get3A_2039 : i32 to index
        %get3A_2042 = arith.index_cast %add3A_2037 : i32 to index
        %get3A_2043 = arith.constant 64 : index
        %get3A_2044 = tpu.vector_load %arg12[%get3A_2040, %get3A_2041, %get3A_2042, %get3A_2043] {strides = array<i32>} : memref<2x2x128x192xf32, #tpu.memory_space<vmem>>, vector<16xf32>,
        %mul3A_2045 = arith.mulf %gather3A_1820, %get3A_2044 : vector<16xf32>
        %add3A_2046 = arith.addf %add3A_2035, %mul3A_2045 : vector<16xf32>
        %mul3A_2047 = arith.constant 192 : i32
        %mul3A_2048 = arith.muli %scan3A_1798, %mul3A_2047 : i32
        %add3A_2049 = arith.constant 64 : i32
        %add3A_2050 = arith.addi %mul3A_2048, %add3A_2049 : i32
        %swap3A_2051 = arith.constant 1 : i32
        %swap3A_2052 = arith.index_cast %swap3A_2051 : i32 to index
        %swap3A_2053 = arith.index_cast %add3A_2050 : i32 to index
        %swap3A_2054 = tpu.vector_load %arg13[%swap3A_2052, %swap3A_2053] {strides = array<i32>} : memref<2x12288xf32, #tpu.memory_space<vmem>>, vector<16xf32>,
        tpu.vector_store %arg13[%swap3A_2052, %swap3A_2053], %add3A_2046 {strides = array<i32>} : memref<2x12288xf32, #tpu.memory_space<vmem>>, vector<16xf32>,
        %get3A_2055 = arith.constant 1 : i32
        %get3A_2056 = arith.constant 0 : i32
        %get3A_2057 = arith.index_cast %get3A_2055 : i32 to index
        %get3A_2058 = arith.index_cast %get3A_2056 : i32 to index
        %get3A_2059 = arith.index_cast %scan3A_1798 : i32 to index
        %get3A_2060 = arith.constant 80 : index
        %get3A_2061 = tpu.vector_load %arg12[%get3A_2057, %get3A_2058, %get3A_2059, %get3A_2060] {strides = array<i32>} : memref<2x2x128x192xf32, #tpu.memory_space<vmem>>, vector<16xf32>,
        %mul3A_2062 = arith.mulf %gather3A_1802, %get3A_2061 : vector<16xf32>
        %add3A_2063 = arith.constant 64 : i32
        %add3A_2064 = arith.addi %add3A_2063, %scan3A_1798 : i32
        %get3A_2065 = arith.constant 1 : i32
        %get3A_2066 = arith.constant 0 : i32
        %get3A_2067 = arith.index_cast %get3A_2065 : i32 to index
        %get3A_2068 = arith.index_cast %get3A_2066 : i32 to index
        %get3A_2069 = arith.index_cast %add3A_2064 : i32 to index
        %get3A_2070 = arith.constant 80 : index
        %get3A_2071 = tpu.vector_load %arg12[%get3A_2067, %get3A_2068, %get3A_2069, %get3A_2070] {strides = array<i32>} : memref<2x2x128x192xf32, #tpu.memory_space<vmem>>, vector<16xf32>,
        %mul3A_2072 = arith.mulf %gather3A_1808, %get3A_2071 : vector<16xf32>
        %add3A_2073 = arith.addf %mul3A_2062, %mul3A_2072 : vector<16xf32>
        %get3A_2074 = arith.constant 1 : i32
        %get3A_2075 = arith.constant 1 : i32
        %get3A_2076 = arith.index_cast %get3A_2074 : i32 to index
        %get3A_2077 = arith.index_cast %get3A_2075 : i32 to index
        %get3A_2078 = arith.index_cast %scan3A_1798 : i32 to index
        %get3A_2079 = arith.constant 80 : index
        %get3A_2080 = tpu.vector_load %arg12[%get3A_2076, %get3A_2077, %get3A_2078, %get3A_2079] {strides = array<i32>} : memref<2x2x128x192xf32, #tpu.memory_space<vmem>>, vector<16xf32>,
        %mul3A_2081 = arith.mulf %gather3A_1814, %get3A_2080 : vector<16xf32>
        %add3A_2082 = arith.addf %add3A_2073, %mul3A_2081 : vector<16xf32>
        %add3A_2083 = arith.constant 64 : i32
        %add3A_2084 = arith.addi %add3A_2083, %scan3A_1798 : i32
        %get3A_2085 = arith.constant 1 : i32
        %get3A_2086 = arith.constant 1 : i32
        %get3A_2087 = arith.index_cast %get3A_2085 : i32 to index
        %get3A_2088 = arith.index_cast %get3A_2086 : i32 to index
        %get3A_2089 = arith.index_cast %add3A_2084 : i32 to index
        %get3A_2090 = arith.constant 80 : index
        %get3A_2091 = tpu.vector_load %arg12[%get3A_2087, %get3A_2088, %get3A_2089, %get3A_2090] {strides = array<i32>} : memref<2x2x128x192xf32, #tpu.memory_space<vmem>>, vector<16xf32>,
        %mul3A_2092 = arith.mulf %gather3A_1820, %get3A_2091 : vector<16xf32>
        %add3A_2093 = arith.addf %add3A_2082, %mul3A_2092 : vector<16xf32>
        %mul3A_2094 = arith.constant 192 : i32
        %mul3A_2095 = arith.muli %scan3A_1798, %mul3A_2094 : i32
        %add3A_2096 = arith.constant 80 : i32
        %add3A_2097 = arith.addi %mul3A_2095, %add3A_2096 : i32
        %swap3A_2098 = arith.constant 1 : i32
        %swap3A_2099 = arith.index_cast %swap3A_2098 : i32 to index
        %swap3A_2100 = arith.index_cast %add3A_2097 : i32 to index
        %swap3A_2101 = tpu.vector_load %arg13[%swap3A_2099, %swap3A_2100] {strides = array<i32>} : memref<2x12288xf32, #tpu.memory_space<vmem>>, vector<16xf32>,
        tpu.vector_store %arg13[%swap3A_2099, %swap3A_2100], %add3A_2093 {strides = array<i32>} : memref<2x12288xf32, #tpu.memory_space<vmem>>, vector<16xf32>,
        %get3A_2102 = arith.constant 1 : i32
        %get3A_2103 = arith.constant 0 : i32
        %get3A_2104 = arith.index_cast %get3A_2102 : i32 to index
        %get3A_2105 = arith.index_cast %get3A_2103 : i32 to index
        %get3A_2106 = arith.index_cast %scan3A_1798 : i32 to index
        %get3A_2107 = arith.constant 96 : index
        %get3A_2108 = tpu.vector_load %arg12[%get3A_2104, %get3A_2105, %get3A_2106, %get3A_2107] {strides = array<i32>} : memref<2x2x128x192xf32, #tpu.memory_space<vmem>>, vector<16xf32>,
        %mul3A_2109 = arith.mulf %gather3A_1802, %get3A_2108 : vector<16xf32>
        %add3A_2110 = arith.constant 64 : i32
        %add3A_2111 = arith.addi %add3A_2110, %scan3A_1798 : i32
        %get3A_2112 = arith.constant 1 : i32
        %get3A_2113 = arith.constant 0 : i32
        %get3A_2114 = arith.index_cast %get3A_2112 : i32 to index
        %get3A_2115 = arith.index_cast %get3A_2113 : i32 to index
        %get3A_2116 = arith.index_cast %add3A_2111 : i32 to index
        %get3A_2117 = arith.constant 96 : index
        %get3A_2118 = tpu.vector_load %arg12[%get3A_2114, %get3A_2115, %get3A_2116, %get3A_2117] {strides = array<i32>} : memref<2x2x128x192xf32, #tpu.memory_space<vmem>>, vector<16xf32>,
        %mul3A_2119 = arith.mulf %gather3A_1808, %get3A_2118 : vector<16xf32>
        %add3A_2120 = arith.addf %mul3A_2109, %mul3A_2119 : vector<16xf32>
        %get3A_2121 = arith.constant 1 : i32
        %get3A_2122 = arith.constant 1 : i32
        %get3A_2123 = arith.index_cast %get3A_2121 : i32 to index
        %get3A_2124 = arith.index_cast %get3A_2122 : i32 to index
        %get3A_2125 = arith.index_cast %scan3A_1798 : i32 to index
        %get3A_2126 = arith.constant 96 : index
        %get3A_2127 = tpu.vector_load %arg12[%get3A_2123, %get3A_2124, %get3A_2125, %get3A_2126] {strides = array<i32>} : memref<2x2x128x192xf32, #tpu.memory_space<vmem>>, vector<16xf32>,
        %mul3A_2128 = arith.mulf %gather3A_1814, %get3A_2127 : vector<16xf32>
        %add3A_2129 = arith.addf %add3A_2120, %mul3A_2128 : vector<16xf32>
        %add3A_2130 = arith.constant 64 : i32
        %add3A_2131 = arith.addi %add3A_2130, %scan3A_1798 : i32
        %get3A_2132 = arith.constant 1 : i32
        %get3A_2133 = arith.constant 1 : i32
        %get3A_2134 = arith.index_cast %get3A_2132 : i32 to index
        %get3A_2135 = arith.index_cast %get3A_2133 : i32 to index
        %get3A_2136 = arith.index_cast %add3A_2131 : i32 to index
        %get3A_2137 = arith.constant 96 : index
        %get3A_2138 = tpu.vector_load %arg12[%get3A_2134, %get3A_2135, %get3A_2136, %get3A_2137] {strides = array<i32>} : memref<2x2x128x192xf32, #tpu.memory_space<vmem>>, vector<16xf32>,
        %mul3A_2139 = arith.mulf %gather3A_1820, %get3A_2138 : vector<16xf32>
        %add3A_2140 = arith.addf %add3A_2129, %mul3A_2139 : vector<16xf32>
        %mul3A_2141 = arith.constant 192 : i32
        %mul3A_2142 = arith.muli %scan3A_1798, %mul3A_2141 : i32
        %add3A_2143 = arith.constant 96 : i32
        %add3A_2144 = arith.addi %mul3A_2142, %add3A_2143 : i32
        %swap3A_2145 = arith.constant 1 : i32
        %swap3A_2146 = arith.index_cast %swap3A_2145 : i32 to index
        %swap3A_2147 = arith.index_cast %add3A_2144 : i32 to index
        %swap3A_2148 = tpu.vector_load %arg13[%swap3A_2146, %swap3A_2147] {strides = array<i32>} : memref<2x12288xf32, #tpu.memory_space<vmem>>, vector<16xf32>,
        tpu.vector_store %arg13[%swap3A_2146, %swap3A_2147], %add3A_2140 {strides = array<i32>} : memref<2x12288xf32, #tpu.memory_space<vmem>>, vector<16xf32>,
        %get3A_2149 = arith.constant 1 : i32
        %get3A_2150 = arith.constant 0 : i32
        %get3A_2151 = arith.index_cast %get3A_2149 : i32 to index
        %get3A_2152 = arith.index_cast %get3A_2150 : i32 to index
        %get3A_2153 = arith.index_cast %scan3A_1798 : i32 to index
        %get3A_2154 = arith.constant 112 : index
        %get3A_2155 = tpu.vector_load %arg12[%get3A_2151, %get3A_2152, %get3A_2153, %get3A_2154] {strides = array<i32>} : memref<2x2x128x192xf32, #tpu.memory_space<vmem>>, vector<16xf32>,
        %mul3A_2156 = arith.mulf %gather3A_1802, %get3A_2155 : vector<16xf32>
        %add3A_2157 = arith.constant 64 : i32
        %add3A_2158 = arith.addi %add3A_2157, %scan3A_1798 : i32
        %get3A_2159 = arith.constant 1 : i32
        %get3A_2160 = arith.constant 0 : i32
        %get3A_2161 = arith.index_cast %get3A_2159 : i32 to index
        %get3A_2162 = arith.index_cast %get3A_2160 : i32 to index
        %get3A_2163 = arith.index_cast %add3A_2158 : i32 to index
        %get3A_2164 = arith.constant 112 : index
        %get3A_2165 = tpu.vector_load %arg12[%get3A_2161, %get3A_2162, %get3A_2163, %get3A_2164] {strides = array<i32>} : memref<2x2x128x192xf32, #tpu.memory_space<vmem>>, vector<16xf32>,
        %mul3A_2166 = arith.mulf %gather3A_1808, %get3A_2165 : vector<16xf32>
        %add3A_2167 = arith.addf %mul3A_2156, %mul3A_2166 : vector<16xf32>
        %get3A_2168 = arith.constant 1 : i32
        %get3A_2169 = arith.constant 1 : i32
        %get3A_2170 = arith.index_cast %get3A_2168 : i32 to index
        %get3A_2171 = arith.index_cast %get3A_2169 : i32 to index
        %get3A_2172 = arith.index_cast %scan3A_1798 : i32 to index
        %get3A_2173 = arith.constant 112 : index
        %get3A_2174 = tpu.vector_load %arg12[%get3A_2170, %get3A_2171, %get3A_2172, %get3A_2173] {strides = array<i32>} : memref<2x2x128x192xf32, #tpu.memory_space<vmem>>, vector<16xf32>,
        %mul3A_2175 = arith.mulf %gather3A_1814, %get3A_2174 : vector<16xf32>
        %add3A_2176 = arith.addf %add3A_2167, %mul3A_2175 : vector<16xf32>
        %add3A_2177 = arith.constant 64 : i32
        %add3A_2178 = arith.addi %add3A_2177, %scan3A_1798 : i32
        %get3A_2179 = arith.constant 1 : i32
        %get3A_2180 = arith.constant 1 : i32
        %get3A_2181 = arith.index_cast %get3A_2179 : i32 to index
        %get3A_2182 = arith.index_cast %get3A_2180 : i32 to index
        %get3A_2183 = arith.index_cast %add3A_2178 : i32 to index
        %get3A_2184 = arith.constant 112 : index
        %get3A_2185 = tpu.vector_load %arg12[%get3A_2181, %get3A_2182, %get3A_2183, %get3A_2184] {strides = array<i32>} : memref<2x2x128x192xf32, #tpu.memory_space<vmem>>, vector<16xf32>,
        %mul3A_2186 = arith.mulf %gather3A_1820, %get3A_2185 : vector<16xf32>
        %add3A_2187 = arith.addf %add3A_2176, %mul3A_2186 : vector<16xf32>
        %mul3A_2188 = arith.constant 192 : i32
        %mul3A_2189 = arith.muli %scan3A_1798, %mul3A_2188 : i32
        %add3A_2190 = arith.constant 112 : i32
        %add3A_2191 = arith.addi %mul3A_2189, %add3A_2190 : i32
        %swap3A_2192 = arith.constant 1 : i32
        %swap3A_2193 = arith.index_cast %swap3A_2192 : i32 to index
        %swap3A_2194 = arith.index_cast %add3A_2191 : i32 to index
        %swap3A_2195 = tpu.vector_load %arg13[%swap3A_2193, %swap3A_2194] {strides = array<i32>} : memref<2x12288xf32, #tpu.memory_space<vmem>>, vector<16xf32>,
        tpu.vector_store %arg13[%swap3A_2193, %swap3A_2194], %add3A_2187 {strides = array<i32>} : memref<2x12288xf32, #tpu.memory_space<vmem>>, vector<16xf32>,
        %get3A_2196 = arith.constant 1 : i32
        %get3A_2197 = arith.constant 0 : i32
        %get3A_2198 = arith.index_cast %get3A_2196 : i32 to index
        %get3A_2199 = arith.index_cast %get3A_2197 : i32 to index
        %get3A_2200 = arith.index_cast %scan3A_1798 : i32 to index
        %get3A_2201 = arith.constant 128 : index
        %get3A_2202 = tpu.vector_load %arg12[%get3A_2198, %get3A_2199, %get3A_2200, %get3A_2201] {strides = array<i32>} : memref<2x2x128x192xf32, #tpu.memory_space<vmem>>, vector<16xf32>,
        %mul3A_2203 = arith.mulf %gather3A_1802, %get3A_2202 : vector<16xf32>
        %add3A_2204 = arith.constant 64 : i32
        %add3A_2205 = arith.addi %add3A_2204, %scan3A_1798 : i32
        %get3A_2206 = arith.constant 1 : i32
        %get3A_2207 = arith.constant 0 : i32
        %get3A_2208 = arith.index_cast %get3A_2206 : i32 to index
        %get3A_2209 = arith.index_cast %get3A_2207 : i32 to index
        %get3A_2210 = arith.index_cast %add3A_2205 : i32 to index
        %get3A_2211 = arith.constant 128 : index
        %get3A_2212 = tpu.vector_load %arg12[%get3A_2208, %get3A_2209, %get3A_2210, %get3A_2211] {strides = array<i32>} : memref<2x2x128x192xf32, #tpu.memory_space<vmem>>, vector<16xf32>,
        %mul3A_2213 = arith.mulf %gather3A_1808, %get3A_2212 : vector<16xf32>
        %add3A_2214 = arith.addf %mul3A_2203, %mul3A_2213 : vector<16xf32>
        %get3A_2215 = arith.constant 1 : i32
        %get3A_2216 = arith.constant 1 : i32
        %get3A_2217 = arith.index_cast %get3A_2215 : i32 to index
        %get3A_2218 = arith.index_cast %get3A_2216 : i32 to index
        %get3A_2219 = arith.index_cast %scan3A_1798 : i32 to index
        %get3A_2220 = arith.constant 128 : index
        %get3A_2221 = tpu.vector_load %arg12[%get3A_2217, %get3A_2218, %get3A_2219, %get3A_2220] {strides = array<i32>} : memref<2x2x128x192xf32, #tpu.memory_space<vmem>>, vector<16xf32>,
        %mul3A_2222 = arith.mulf %gather3A_1814, %get3A_2221 : vector<16xf32>
        %add3A_2223 = arith.addf %add3A_2214, %mul3A_2222 : vector<16xf32>
        %add3A_2224 = arith.constant 64 : i32
        %add3A_2225 = arith.addi %add3A_2224, %scan3A_1798 : i32
        %get3A_2226 = arith.constant 1 : i32
        %get3A_2227 = arith.constant 1 : i32
        %get3A_2228 = arith.index_cast %get3A_2226 : i32 to index
        %get3A_2229 = arith.index_cast %get3A_2227 : i32 to index
        %get3A_2230 = arith.index_cast %add3A_2225 : i32 to index
        %get3A_2231 = arith.constant 128 : index
        %get3A_2232 = tpu.vector_load %arg12[%get3A_2228, %get3A_2229, %get3A_2230, %get3A_2231] {strides = array<i32>} : memref<2x2x128x192xf32, #tpu.memory_space<vmem>>, vector<16xf32>,
        %mul3A_2233 = arith.mulf %gather3A_1820, %get3A_2232 : vector<16xf32>
        %add3A_2234 = arith.addf %add3A_2223, %mul3A_2233 : vector<16xf32>
        %mul3A_2235 = arith.constant 192 : i32
        %mul3A_2236 = arith.muli %scan3A_1798, %mul3A_2235 : i32
        %add3A_2237 = arith.constant 128 : i32
        %add3A_2238 = arith.addi %mul3A_2236, %add3A_2237 : i32
        %swap3A_2239 = arith.constant 1 : i32
        %swap3A_2240 = arith.index_cast %swap3A_2239 : i32 to index
        %swap3A_2241 = arith.index_cast %add3A_2238 : i32 to index
        %swap3A_2242 = tpu.vector_load %arg13[%swap3A_2240, %swap3A_2241] {strides = array<i32>} : memref<2x12288xf32, #tpu.memory_space<vmem>>, vector<16xf32>,
        tpu.vector_store %arg13[%swap3A_2240, %swap3A_2241], %add3A_2234 {strides = array<i32>} : memref<2x12288xf32, #tpu.memory_space<vmem>>, vector<16xf32>,
        %get3A_2243 = arith.constant 1 : i32
        %get3A_2244 = arith.constant 0 : i32
        %get3A_2245 = arith.index_cast %get3A_2243 : i32 to index
        %get3A_2246 = arith.index_cast %get3A_2244 : i32 to index
        %get3A_2247 = arith.index_cast %scan3A_1798 : i32 to index
        %get3A_2248 = arith.constant 144 : index
        %get3A_2249 = tpu.vector_load %arg12[%get3A_2245, %get3A_2246, %get3A_2247, %get3A_2248] {strides = array<i32>} : memref<2x2x128x192xf32, #tpu.memory_space<vmem>>, vector<16xf32>,
        %mul3A_2250 = arith.mulf %gather3A_1802, %get3A_2249 : vector<16xf32>
        %add3A_2251 = arith.constant 64 : i32
        %add3A_2252 = arith.addi %add3A_2251, %scan3A_1798 : i32
        %get3A_2253 = arith.constant 1 : i32
        %get3A_2254 = arith.constant 0 : i32
        %get3A_2255 = arith.index_cast %get3A_2253 : i32 to index
        %get3A_2256 = arith.index_cast %get3A_2254 : i32 to index
        %get3A_2257 = arith.index_cast %add3A_2252 : i32 to index
        %get3A_2258 = arith.constant 144 : index
        %get3A_2259 = tpu.vector_load %arg12[%get3A_2255, %get3A_2256, %get3A_2257, %get3A_2258] {strides = array<i32>} : memref<2x2x128x192xf32, #tpu.memory_space<vmem>>, vector<16xf32>,
        %mul3A_2260 = arith.mulf %gather3A_1808, %get3A_2259 : vector<16xf32>
        %add3A_2261 = arith.addf %mul3A_2250, %mul3A_2260 : vector<16xf32>
        %get3A_2262 = arith.constant 1 : i32
        %get3A_2263 = arith.constant 1 : i32
        %get3A_2264 = arith.index_cast %get3A_2262 : i32 to index
        %get3A_2265 = arith.index_cast %get3A_2263 : i32 to index
        %get3A_2266 = arith.index_cast %scan3A_1798 : i32 to index
        %get3A_2267 = arith.constant 144 : index
        %get3A_2268 = tpu.vector_load %arg12[%get3A_2264, %get3A_2265, %get3A_2266, %get3A_2267] {strides = array<i32>} : memref<2x2x128x192xf32, #tpu.memory_space<vmem>>, vector<16xf32>,
        %mul3A_2269 = arith.mulf %gather3A_1814, %get3A_2268 : vector<16xf32>
        %add3A_2270 = arith.addf %add3A_2261, %mul3A_2269 : vector<16xf32>
        %add3A_2271 = arith.constant 64 : i32
        %add3A_2272 = arith.addi %add3A_2271, %scan3A_1798 : i32
        %get3A_2273 = arith.constant 1 : i32
        %get3A_2274 = arith.constant 1 : i32
        %get3A_2275 = arith.index_cast %get3A_2273 : i32 to index
        %get3A_2276 = arith.index_cast %get3A_2274 : i32 to index
        %get3A_2277 = arith.index_cast %add3A_2272 : i32 to index
        %get3A_2278 = arith.constant 144 : index
        %get3A_2279 = tpu.vector_load %arg12[%get3A_2275, %get3A_2276, %get3A_2277, %get3A_2278] {strides = array<i32>} : memref<2x2x128x192xf32, #tpu.memory_space<vmem>>, vector<16xf32>,
        %mul3A_2280 = arith.mulf %gather3A_1820, %get3A_2279 : vector<16xf32>
        %add3A_2281 = arith.addf %add3A_2270, %mul3A_2280 : vector<16xf32>
        %mul3A_2282 = arith.constant 192 : i32
        %mul3A_2283 = arith.muli %scan3A_1798, %mul3A_2282 : i32
        %add3A_2284 = arith.constant 144 : i32
        %add3A_2285 = arith.addi %mul3A_2283, %add3A_2284 : i32
        %swap3A_2286 = arith.constant 1 : i32
        %swap3A_2287 = arith.index_cast %swap3A_2286 : i32 to index
        %swap3A_2288 = arith.index_cast %add3A_2285 : i32 to index
        %swap3A_2289 = tpu.vector_load %arg13[%swap3A_2287, %swap3A_2288] {strides = array<i32>} : memref<2x12288xf32, #tpu.memory_space<vmem>>, vector<16xf32>,
        tpu.vector_store %arg13[%swap3A_2287, %swap3A_2288], %add3A_2281 {strides = array<i32>} : memref<2x12288xf32, #tpu.memory_space<vmem>>, vector<16xf32>,
        %get3A_2290 = arith.constant 1 : i32
        %get3A_2291 = arith.constant 0 : i32
        %get3A_2292 = arith.index_cast %get3A_2290 : i32 to index
        %get3A_2293 = arith.index_cast %get3A_2291 : i32 to index
        %get3A_2294 = arith.index_cast %scan3A_1798 : i32 to index
        %get3A_2295 = arith.constant 160 : index
        %get3A_2296 = tpu.vector_load %arg12[%get3A_2292, %get3A_2293, %get3A_2294, %get3A_2295] {strides = array<i32>} : memref<2x2x128x192xf32, #tpu.memory_space<vmem>>, vector<16xf32>,
        %mul3A_2297 = arith.mulf %gather3A_1802, %get3A_2296 : vector<16xf32>
        %add3A_2298 = arith.constant 64 : i32
        %add3A_2299 = arith.addi %add3A_2298, %scan3A_1798 : i32
        %get3A_2300 = arith.constant 1 : i32
        %get3A_2301 = arith.constant 0 : i32
        %get3A_2302 = arith.index_cast %get3A_2300 : i32 to index
        %get3A_2303 = arith.index_cast %get3A_2301 : i32 to index
        %get3A_2304 = arith.index_cast %add3A_2299 : i32 to index
        %get3A_2305 = arith.constant 160 : index
        %get3A_2306 = tpu.vector_load %arg12[%get3A_2302, %get3A_2303, %get3A_2304, %get3A_2305] {strides = array<i32>} : memref<2x2x128x192xf32, #tpu.memory_space<vmem>>, vector<16xf32>,
        %mul3A_2307 = arith.mulf %gather3A_1808, %get3A_2306 : vector<16xf32>
        %add3A_2308 = arith.addf %mul3A_2297, %mul3A_2307 : vector<16xf32>
        %get3A_2309 = arith.constant 1 : i32
        %get3A_2310 = arith.constant 1 : i32
        %get3A_2311 = arith.index_cast %get3A_2309 : i32 to index
        %get3A_2312 = arith.index_cast %get3A_2310 : i32 to index
        %get3A_2313 = arith.index_cast %scan3A_1798 : i32 to index
        %get3A_2314 = arith.constant 160 : index
        %get3A_2315 = tpu.vector_load %arg12[%get3A_2311, %get3A_2312, %get3A_2313, %get3A_2314] {strides = array<i32>} : memref<2x2x128x192xf32, #tpu.memory_space<vmem>>, vector<16xf32>,
        %mul3A_2316 = arith.mulf %gather3A_1814, %get3A_2315 : vector<16xf32>
        %add3A_2317 = arith.addf %add3A_2308, %mul3A_2316 : vector<16xf32>
        %add3A_2318 = arith.constant 64 : i32
        %add3A_2319 = arith.addi %add3A_2318, %scan3A_1798 : i32
        %get3A_2320 = arith.constant 1 : i32
        %get3A_2321 = arith.constant 1 : i32
        %get3A_2322 = arith.index_cast %get3A_2320 : i32 to index
        %get3A_2323 = arith.index_cast %get3A_2321 : i32 to index
        %get3A_2324 = arith.index_cast %add3A_2319 : i32 to index
        %get3A_2325 = arith.constant 160 : index
        %get3A_2326 = tpu.vector_load %arg12[%get3A_2322, %get3A_2323, %get3A_2324, %get3A_2325] {strides = array<i32>} : memref<2x2x128x192xf32, #tpu.memory_space<vmem>>, vector<16xf32>,
        %mul3A_2327 = arith.mulf %gather3A_1820, %get3A_2326 : vector<16xf32>
        %add3A_2328 = arith.addf %add3A_2317, %mul3A_2327 : vector<16xf32>
        %mul3A_2329 = arith.constant 192 : i32
        %mul3A_2330 = arith.muli %scan3A_1798, %mul3A_2329 : i32
        %add3A_2331 = arith.constant 160 : i32
        %add3A_2332 = arith.addi %mul3A_2330, %add3A_2331 : i32
        %swap3A_2333 = arith.constant 1 : i32
        %swap3A_2334 = arith.index_cast %swap3A_2333 : i32 to index
        %swap3A_2335 = arith.index_cast %add3A_2332 : i32 to index
        %swap3A_2336 = tpu.vector_load %arg13[%swap3A_2334, %swap3A_2335] {strides = array<i32>} : memref<2x12288xf32, #tpu.memory_space<vmem>>, vector<16xf32>,
        tpu.vector_store %arg13[%swap3A_2334, %swap3A_2335], %add3A_2328 {strides = array<i32>} : memref<2x12288xf32, #tpu.memory_space<vmem>>, vector<16xf32>,
        %get3A_2337 = arith.constant 1 : i32
        %get3A_2338 = arith.constant 0 : i32
        %get3A_2339 = arith.index_cast %get3A_2337 : i32 to index
        %get3A_2340 = arith.index_cast %get3A_2338 : i32 to index
        %get3A_2341 = arith.index_cast %scan3A_1798 : i32 to index
        %get3A_2342 = arith.constant 176 : index
        %get3A_2343 = tpu.vector_load %arg12[%get3A_2339, %get3A_2340, %get3A_2341, %get3A_2342] {strides = array<i32>} : memref<2x2x128x192xf32, #tpu.memory_space<vmem>>, vector<16xf32>,
        %mul3A_2344 = arith.mulf %gather3A_1802, %get3A_2343 : vector<16xf32>
        %add3A_2345 = arith.constant 64 : i32
        %add3A_2346 = arith.addi %add3A_2345, %scan3A_1798 : i32
        %get3A_2347 = arith.constant 1 : i32
        %get3A_2348 = arith.constant 0 : i32
        %get3A_2349 = arith.index_cast %get3A_2347 : i32 to index
        %get3A_2350 = arith.index_cast %get3A_2348 : i32 to index
        %get3A_2351 = arith.index_cast %add3A_2346 : i32 to index
        %get3A_2352 = arith.constant 176 : index
        %get3A_2353 = tpu.vector_load %arg12[%get3A_2349, %get3A_2350, %get3A_2351, %get3A_2352] {strides = array<i32>} : memref<2x2x128x192xf32, #tpu.memory_space<vmem>>, vector<16xf32>,
        %mul3A_2354 = arith.mulf %gather3A_1808, %get3A_2353 : vector<16xf32>
        %add3A_2355 = arith.addf %mul3A_2344, %mul3A_2354 : vector<16xf32>
        %get3A_2356 = arith.constant 1 : i32
        %get3A_2357 = arith.constant 1 : i32
        %get3A_2358 = arith.index_cast %get3A_2356 : i32 to index
        %get3A_2359 = arith.index_cast %get3A_2357 : i32 to index
        %get3A_2360 = arith.index_cast %scan3A_1798 : i32 to index
        %get3A_2361 = arith.constant 176 : index
        %get3A_2362 = tpu.vector_load %arg12[%get3A_2358, %get3A_2359, %get3A_2360, %get3A_2361] {strides = array<i32>} : memref<2x2x128x192xf32, #tpu.memory_space<vmem>>, vector<16xf32>,
        %mul3A_2363 = arith.mulf %gather3A_1814, %get3A_2362 : vector<16xf32>
        %add3A_2364 = arith.addf %add3A_2355, %mul3A_2363 : vector<16xf32>
        %add3A_2365 = arith.constant 64 : i32
        %add3A_2366 = arith.addi %add3A_2365, %scan3A_1798 : i32
        %get3A_2367 = arith.constant 1 : i32
        %get3A_2368 = arith.constant 1 : i32
        %get3A_2369 = arith.index_cast %get3A_2367 : i32 to index
        %get3A_2370 = arith.index_cast %get3A_2368 : i32 to index
        %get3A_2371 = arith.index_cast %add3A_2366 : i32 to index
        %get3A_2372 = arith.constant 176 : index
        %get3A_2373 = tpu.vector_load %arg12[%get3A_2369, %get3A_2370, %get3A_2371, %get3A_2372] {strides = array<i32>} : memref<2x2x128x192xf32, #tpu.memory_space<vmem>>, vector<16xf32>,
        %mul3A_2374 = arith.mulf %gather3A_1820, %get3A_2373 : vector<16xf32>
        %add3A_2375 = arith.addf %add3A_2364, %mul3A_2374 : vector<16xf32>
        %mul3A_2376 = arith.constant 192 : i32
        %mul3A_2377 = arith.muli %scan3A_1798, %mul3A_2376 : i32
        %add3A_2378 = arith.constant 176 : i32
        %add3A_2379 = arith.addi %mul3A_2377, %add3A_2378 : i32
        %swap3A_2380 = arith.constant 1 : i32
        %swap3A_2381 = arith.index_cast %swap3A_2380 : i32 to index
        %swap3A_2382 = arith.index_cast %add3A_2379 : i32 to index
        %swap3A_2383 = tpu.vector_load %arg13[%swap3A_2381, %swap3A_2382] {strides = array<i32>} : memref<2x12288xf32, #tpu.memory_space<vmem>>, vector<16xf32>,
        tpu.vector_store %arg13[%swap3A_2381, %swap3A_2382], %add3A_2375 {strides = array<i32>} : memref<2x12288xf32, #tpu.memory_space<vmem>>, vector<16xf32>,
      }
      %scan3A_1786 = arith.constant 64 : i32
      %mul3A_1787 = arith.constant 192 : i32
      %mul3A_1788 = arith.muli %add3A_1775, %mul3A_1787 : i32
      %dma_start3A_1789 = arith.constant 1 : i32
      %dma_start3A_1790 = arith.constant 0 : i32
      %dma_start3A_1791 = tpu.memref_slice %arg13[%dma_start3A_1789, %dma_start3A_1790] : memref<2x12288xf32, #tpu.memory_space<vmem>> -> memref<1x12288xf32, #tpu.memory_space<vmem>>
      %dma_start3A_1792 = tpu.memref_squeeze %dma_start3A_1791 : memref<1x12288xf32, #tpu.memory_space<vmem>> -> memref<12288xf32, #tpu.memory_space<vmem>>
      %dma_start3A_1793 = tpu.memref_slice %arg6[%mul3A_1788] : memref<77070336xf32, #tpu.memory_space<hbm>> -> memref<12288xf32, #tpu.memory_space<hbm>>
      %dma_start3A_1794 = tpu.memref_slice %arg6[%mul3A_1788] : memref<77070336xf32, #tpu.memory_space<hbm>> -> memref<12288xf32, #tpu.memory_space<hbm>>
      %dma_start3A_1795 = arith.constant 0 : i32
      %dma_start3A_1796 = tpu.memref_slice %arg13[%dma_start3A_1789, %dma_start3A_1795] : memref<2x12288xf32, #tpu.memory_space<vmem>> -> memref<1x12288xf32, #tpu.memory_space<vmem>>
      %dma_start3A_1797 = tpu.memref_squeeze %dma_start3A_1796 : memref<1x12288xf32, #tpu.memory_space<vmem>> -> memref<12288xf32, #tpu.memory_space<vmem>>
      tpu.enqueue_dma source(%dma_start3A_1797 : memref<12288xf32, #tpu.memory_space<vmem>>) target(%dma_start3A_1794 : memref<12288xf32, #tpu.memory_space<hbm>>) target_semaphore(%arg17 : memref<!tpu.dma_semaphore, #tpu.memory_space<semaphore_mem>>)
    }
    %scan3A_855 = arith.constant 98 : i32
    %dma_wait3A = arith.constant 0 : i32
    %dma_wait3A_856 = arith.constant 0 : i32
    %dma_wait3A_857 = tpu.memref_slice %arg13[%dma_wait3A, %dma_wait3A_856] : memref<2x12288xf32, #tpu.memory_space<vmem>> -> memref<1x12288xf32, #tpu.memory_space<vmem>>
    %dma_wait3A_858 = tpu.memref_squeeze %dma_wait3A_857 : memref<1x12288xf32, #tpu.memory_space<vmem>> -> memref<12288xf32, #tpu.memory_space<vmem>>
    %dma_wait3A_859 = arith.constant 0 : i32
    %dma_wait3A_860 = tpu.memref_slice %arg6[%dma_wait3A_859] : memref<77070336xf32, #tpu.memory_space<hbm>> -> memref<12288xf32, #tpu.memory_space<hbm>>
    %dma_wait3A_861 = arith.constant 0 : i32
    %dma_wait3A_862 = tpu.memref_slice %arg6[%dma_wait3A_861] : memref<77070336xf32, #tpu.memory_space<hbm>> -> memref<12288xf32, #tpu.memory_space<hbm>>
    %dma_wait3A_863 = arith.constant 0 : i32
    %dma_wait3A_864 = tpu.memref_slice %arg13[%dma_wait3A, %dma_wait3A_863] : memref<2x12288xf32, #tpu.memory_space<vmem>> -> memref<1x12288xf32, #tpu.memory_space<vmem>>
    %dma_wait3A_865 = tpu.memref_squeeze %dma_wait3A_864 : memref<1x12288xf32, #tpu.memory_space<vmem>> -> memref<12288xf32, #tpu.memory_space<vmem>>
    tpu.wait_dma2 semaphore(%arg16 : memref<!tpu.dma_semaphore, #tpu.memory_space<semaphore_mem>>) src(%dma_wait3A_865 : memref<12288xf32, #tpu.memory_space<vmem>>) dst(%dma_wait3A_862 : memref<12288xf32, #tpu.memory_space<hbm>>)
    %dma_wait3A_866 = arith.constant 1 : i32
    %dma_wait3A_867 = arith.constant 0 : i32
    %dma_wait3A_868 = tpu.memref_slice %arg13[%dma_wait3A_866, %dma_wait3A_867] : memref<2x12288xf32, #tpu.memory_space<vmem>> -> memref<1x12288xf32, #tpu.memory_space<vmem>>
    %dma_wait3A_869 = tpu.memref_squeeze %dma_wait3A_868 : memref<1x12288xf32, #tpu.memory_space<vmem>> -> memref<12288xf32, #tpu.memory_space<vmem>>
    %dma_wait3A_870 = arith.constant 0 : i32
    %dma_wait3A_871 = tpu.memref_slice %arg6[%dma_wait3A_870] : memref<77070336xf32, #tpu.memory_space<hbm>> -> memref<12288xf32, #tpu.memory_space<hbm>>
    %dma_wait3A_872 = arith.constant 0 : i32
    %dma_wait3A_873 = tpu.memref_slice %arg6[%dma_wait3A_872] : memref<77070336xf32, #tpu.memory_space<hbm>> -> memref<12288xf32, #tpu.memory_space<hbm>>
    %dma_wait3A_874 = arith.constant 0 : i32
    %dma_wait3A_875 = tpu.memref_slice %arg13[%dma_wait3A_866, %dma_wait3A_874] : memref<2x12288xf32, #tpu.memory_space<vmem>> -> memref<1x12288xf32, #tpu.memory_space<vmem>>
    %dma_wait3A_876 = tpu.memref_squeeze %dma_wait3A_875 : memref<1x12288xf32, #tpu.memory_space<vmem>> -> memref<12288xf32, #tpu.memory_space<vmem>>
    tpu.wait_dma2 semaphore(%arg17 : memref<!tpu.dma_semaphore, #tpu.memory_space<semaphore_mem>>) src(%dma_wait3A_876 : memref<12288xf32, #tpu.memory_space<vmem>>) dst(%dma_wait3A_873 : memref<12288xf32, #tpu.memory_space<hbm>>)
    return
  }
}

</mosaic_0001>

<sc_bundles>
// kernel: _spatial_transform.3.cloned.1.call-start
scs
__scs_entry_jumppad:
0x0: {  	(pc) =	sbr.rel $0x88, $3  }
0x1: {  	(tag) =	ssettag $0x0;
	lr =	simm.s32 $0x1  }
0x2: {  	[smem:$0x3F9D] =	sst lr;
	_ =	strace $0xD0000000  }
0x3: {  	_ = 	snop  }
0x4: {  	_ = 	snop  }
0x5: {  	_ = 	snop  }
0x6: {  	_ = 	snop  }
0x7: {  	_ = 	snop  }
__scs_overlays_trampoline_lowered:
0x8: {  	[smem:$0x3FAC] =	sst s0  }
0x9: {  	[smem:$0x3FAD] =	sst s1  }
0xa: {  	[smem:$0x3FAE] =	sst s2  }
0xb: {  	[smem:$0x3FAF] =	sst s3  }
0xc: {  	[smem:$0x3FB0] =	sst s4  }
0xd: {  	[smem:$0x3FB1] =	sst s5  }
0xe: {  	[smem:$0x3FB2] =	sst s6  }
0xf: {  	[smem:$0x3FB3] =	sst s7  }
0x10: {  	[smem:$0x3FB4] =	sst s8  }
0x11: {  	[smem:$0x3FB5] =	sst s9;
	s0 =	simm.s32 @!p0 $0x0  }
0x12: {  	s1 =	sld [smem:$0x3F9B];
	s0 =	simm.s32 @p0 $0x1  }
0x13: {  	[smem:$0x3FB6] =	sst s0;
	s0 =	simm.s32 @!p1 $0x0  }
0x14: {  	s2 =	sld [smem:$0x3F9A];
	s0 =	simm.s32 @p1 $0x1  }
0x15: {  	[smem:$0x3FB7] =	sst s0;
	s0 =	simm.s32 @!p2 $0x0  }
0x16: {  	s3 =	sld [smem:$0x3FDB];
	s0 =	simm.s32 @p2 $0x1  }
0x17: {  	s4 =	simm.s32 $0x1BF5;
	[smem:$0x3FB9] =	sst s0  }
0x18: {  	s0 =	sld [smem:$0x3F9C];
	_ =	swait.ge [sflag:s4], $0x0  }
0x19: {  	s7 =	sld [smem:$0x3F9D]  }
0x1a: {  	s8 =	sadd.s32 $0xFFFFE003, lr  }
0x1b: {  	s9 =	sadd.s32 $0xFFFFFEF7, lr;
	s5 =	simm.s32 $0xFFFFFFFF;
	p2 =	slt.u32 s8, $0xFFFFF086  }
0x1c: {  	p1 =	slt.u32 s9, $0xF7A;
	s5 =	simm.s32 @!p2 $0x0  }
0x1d: {  	s5 =	simm.s32 @p1 $0x1;
	p0 =	seq.s32 s7, s2  }
0x1e: {  	s7 =	smul.u32 @!p0 $0xF7A, s2;
	p2 =	seq.s32 @!p0 s5, $0x0  }
0x1f: {  	s9 =	smul.u32 $0xF7A, s1;
	s8 =	simm.s32 @!p0 $0x1BF5;
	p2 =	por !p2, p0  }
0x20: {  	[sflag:s8] =	ssyncset.s32 @!p0 $0xFFFFF086;
	s6 =	sadd.s32 @!p0 s3, s7;
	s7 =	simm.s32 @!p0 $0x108  }
0x21: {  	s3 =	sadd.s32 s3, s9;
	s6 =	sadd.s32 @!p0 $0x88, s6;
	s7 =	simm.s32 @p2 $0x1082  }
0x22: {  	[simem:s7], [sflag:s8] =	dma.local @!p0 [hbm:s6], $0xF7A  }
0x23: {  	s9 =	sor.u32 $0xD0000000, s2;
	s6 =	simm.s32 $0x108;
	_ =	swait.ge @!p0 [sflag:s8], $0x0  }
0x24: {  	s3 =	sadd.s32 $0x88, s3;
	s6 =	simm.s32 @!p1 $0x1082;
	[sflag:s4] =	ssyncset.s32 $0xFFFFF086  }
0x25: {  	[simem:s6], [sflag:s4] =	dma.local [hbm:s3], $0xF7A  }
0x26: {  	[smem:$0x3F9D] =	sst s1;
	(tag) =	ssettag s2;
	_ =	strace s9  }
0x27: {  	s1 =	sld [smem:$0x3FAD]  }
0x28: {  	s2 =	sld [smem:$0x3FAE]  }
0x29: {  	s4 =	sld [smem:$0x3FB0]  }
0x2a: {  	p0 =	seq.s32 s5, $0x0;
	s5 =	sld [smem:$0x3FB1]  }
0x2b: {  	s6 =	sld [smem:$0x3FB2]  }
0x2c: {  	s7 =	sld [smem:$0x3FB3]  }
0x2d: {  	s3 =	simm.s32 $0x108;
	s8 =	sld [smem:$0x3FB4]  }
0x2e: {  	s3 =	simm.s32 @!p0 $0x1082;
	s9 =	sld [smem:$0x3FB5]  }
0x2f: {  	lr =	sadd.s32 s0, s3;
	s0 =	sld [smem:$0x3FAC]  }
0x30: {  	s3 =	sld [smem:$0x3FAF]  }
0x31: {  	[smem:$0x3FB8] =	sst s10  }
0x32: {  	s10 =	sld [smem:$0x3FB6];
	_ =	sdelay $0x3  }
0x33: {  	p0 =	seq.s32 s10, $0x1;
	s10 =	sld [smem:$0x3FB8];
	_ =	sdelay $0x3  }
0x34: {  	[smem:$0x3FB8] =	sst s10  }
0x35: {  	s10 =	sld [smem:$0x3FB7];
	_ =	sdelay $0x3  }
0x36: {  	p1 =	seq.s32 s10, $0x1;
	s10 =	sld [smem:$0x3FB8];
	_ =	sdelay $0x3  }
0x37: {  	[smem:$0x3FB8] =	sst s10  }
0x38: {  	s10 =	sld [smem:$0x3FB9]  }
0x39: {  	_ = 	snop;
	(pc) =	sbr.ind lr, $3  }
0x3a: {  	_ = 	snop  }
0x3b: {  	_ = 	snop  }
0x3c: {  	p2 =	seq.s32 s10, $0x1;
	s10 =	sld [smem:$0x3FB8]  }
0x3d: {  	_ =	shalt  }
0x3e: {  	_ =	shalt  }
0x3f: {  	_ =	shalt  }
0x40: {  	_ =	shalt  }
0x41: {  	_ =	shalt  }
0x42: {  	_ =	shalt  }
0x43: {  	_ =	shalt  }
0x44: {  	_ =	shalt  }
0x45: {  	_ =	shalt  }
0x46: {  	_ =	shalt  }
0x47: {  	_ =	shalt  }
0x48: {  	_ =	shalt  }
0x49: {  	_ =	shalt  }
0x4a: {  	_ =	shalt  }
0x4b: {  	_ =	shalt  }
0x4c: {  	_ =	shalt  }
0x4d: {  	_ =	shalt  }
0x4e: {  	_ =	shalt  }
0x4f: {  	_ =	shalt  }
0x50: {  	_ =	shalt  }
0x51: {  	_ =	shalt  }
0x52: {  	_ =	shalt  }
0x53: {  	_ =	shalt  }
0x54: {  	_ =	shalt  }
0x55: {  	_ =	shalt  }
0x56: {  	_ =	shalt  }
0x57: {  	_ =	shalt  }
0x58: {  	_ =	shalt  }
0x59: {  	_ =	shalt  }
0x5a: {  	_ =	shalt  }
0x5b: {  	_ =	shalt  }
0x5c: {  	_ =	shalt  }
0x5d: {  	_ =	shalt  }
0x5e: {  	_ =	shalt  }
0x5f: {  	_ =	shalt  }
0x60: {  	_ =	shalt  }
0x61: {  	_ =	shalt  }
0x62: {  	_ =	shalt  }
0x63: {  	_ =	shalt  }
0x64: {  	_ =	shalt  }
0x65: {  	_ =	shalt  }
0x66: {  	_ =	shalt  }
0x67: {  	_ =	shalt  }
0x68: {  	_ =	shalt  }
0x69: {  	_ =	shalt  }
0x6a: {  	_ =	shalt  }
0x6b: {  	_ =	shalt  }
0x6c: {  	_ =	shalt  }
0x6d: {  	_ =	shalt  }
0x6e: {  	_ =	shalt  }
0x6f: {  	_ =	shalt  }
0x70: {  	_ =	shalt  }
0x71: {  	_ =	shalt  }
0x72: {  	_ =	shalt  }
0x73: {  	_ =	shalt  }
0x74: {  	_ =	shalt  }
0x75: {  	_ =	shalt  }
0x76: {  	_ =	shalt  }
0x77: {  	_ =	shalt  }
0x78: {  	_ =	shalt  }
0x79: {  	_ =	shalt  }
0x7a: {  	_ =	shalt  }
0x7b: {  	_ =	shalt  }
0x7c: {  	_ =	shalt  }
0x7d: {  	_ =	shalt  }
0x7e: {  	_ =	shalt  }
0x7f: {  	_ =	shalt  }
0x80: {  	_ =	shalt  }
0x81: {  	_ =	shalt  }
0x82: {  	_ =	shalt  }
0x83: {  	_ =	shalt  }
0x84: {  	_ =	shalt  }
0x85: {  	_ =	shalt  }
0x86: {  	_ =	shalt  }
0x87: {  	_ =	shalt  }
.Lfunc_end0:
.L_simem_size_0:
called_computation_lowered:
.L_overlay_start_0:
0x88: {  	s2 =	sld [smem:$0x3FD9]  }
0x89: {  	s3 =	sld [smem:$0x3FFE];
	_ =	sdelay $0x1  }
0x8a: {  	s1 =	srdreg.scid  }
0x8b: {  	s0 =	sand.u32 $0x1, s1  }
0x8c: {  	s17 =	sshll.u32 s0, $0xA;
	s2 =	sadd.s32 s3, s2  }
0x8d: {  	s2 =	sadd.s32 s2, s17  }
0x8e: {  	[smem:$0x3FC4] =	sst s2  }
0x8f: {  	_ = 	snop  }
0x90: {  	s2 =	sld [smem:$0x3FC8]  }
0x91: {  	s18 =	sld [smem:$0x3FC7]  }
0x92: {  	s4 =	sld [smem:$0x3FC6]  }
0x93: {  	s5 =	sld [smem:$0x3FD0];
	(tm) =	ssettm $0x1  }
0x94: {  	s6 =	sld [smem:$0x3FFB];
	_ =	sdelay $0x3  }
0x95: {  	_ =	strace s6  }
0x96: {  	s6 =	sld [smem:$0x3FFC];
	_ =	sdelay $0x3  }
0x97: {  	_ =	strace s6  }
0x98: {  	s6 =	sld [smem:$0x3FFD];
	_ =	sdelay $0x3  }
0x99: {  	_ =	strace s6  }
0x9a: {  	_ =	strace $0x8FFFFFFF  }
0x9b: {  	s19 =	sld [smem:$0x3FDB];
	_ =	sdelay $0x1  }
0x9c: {  	s7 =	simm.s32 $_scs_section_size  }
0x9d: {  	s8 =	simm.s32 $_size__tile_overlayer_lowered;
	s9 =	simm.s32 $_tile_overlayer_lowered  }
0x9e: {  	s22 =	simm.s32 $0x1BFF;
	s21 =	sshll.u32 s9, $0x1;
	s6 =	sadd.s32 s7, s19  }
0x9f: {  	s10 =	simm.s32 $0x0;
	s20 =	sshll.u32 s8, $0x1;
	s8 =	sadd.s32 s21, s6  }
0xa0: {  	[timem:s10], [sflag:s22] =	dma.local [hbm:s8], s20  }
0xa1: {  	_ =	swait.ge [sflag:s22], s20  }
0xa2: {  	s7 =	ssub.s32 $0x0, s20;
	[sflag:s22] =	ssyncset.done $0x0  }
0xa3: {  	[sflag:s22] =	ssyncadd.s32 s7;
	_ =	sdelay $0x1  }
0xa4: {  	s23 =	simm.s32 $0x1B8B  }
0xa5: {  	_ =	swait.ge [sflag:s23], $0x1  }
0xa6: {  	[sflag:s23] =	ssyncset.done $0x0  }
0xa7: {  	s25 =	simm.s32 $0x1B8E;
	s24 =	sld [smem:$0x3FFE];
	[sflag:s23] =	ssyncadd.s32 $0xFFFFFFFF  }
0xa8: {  	s26 =	simm.s32 $execute0_lowered;
	[smem:$0x3FD2] =	sst s25  }
0xa9: {  	s8 =	sshll.u32 s26, $0x1;
	_ =	strace $0x80000046;
	[dreg:$0x1] =	wrdreg $0xFFFFFFFF  }
0xaa: {  	s28 =	simm.s32 $_size_execute0_lowered;
	s6 =	sadd.s32 s6, s8;
	[dreg:$0x0] =	wrdreg $0x0  }
0xab: {  	s8 =	sshll.u32 s28, $0x1;
	[dreg:$0x2] =	wrdreg s6  }
0xac: {  	[dreg:$0x3] =	wrdreg s8  }
0xad: {  	[dreg:$0x4] =	wrdreg $0xC0  }
0xae: {  	_ =	task [dreg:s10], $0x5FFFF  }
0xaf: {  	[dreg:$0x1] =	wrdreg $0xFFFFFFFF  }
0xb0: {  	[dreg:$0x0] =	wrdreg $0x60  }
0xb1: {  	[dreg:$0x2] =	wrdreg s24  }
0xb2: {  	[dreg:$0x3] =	wrdreg s2  }
0xb3: {  	[dreg:$0x4] =	wrdreg s18  }
0xb4: {  	[dreg:$0x5] =	wrdreg s4  }
0xb5: {  	[dreg:$0x6] =	wrdreg s5  }
0xb6: {  	[dreg:$0x7] =	wrdreg $0x9  }
0xb7: {  	_ =	task.clear_ibuf [dreg:s10], $0x8FFFF;
	_ =	strace $0x90000046  }
0xb8: {  	s29 =	simm.s32 $0x9;
	_ =	strace $0x80000048  }
0xb9: {  	_ =	swait.ge [sflag:s29], $0x1  }
0xba: {  	[sflag:s29] =	ssyncadd.s32 $0xFFFFFFFF  }
0xbb: {  	_ =	strace $0x90000048  }
0xbc: {  	_ =	sfence  }
0xbd: {  	s30 =	sld [smem:$0x0];
	_ =	sdelay $0x2  }
0xbe: {  	s31 =	sshll.u32 s1, $0xD;
	s1 =	sshrl.u32 s1, $0x2  }
0xbf: {  	s3 =	sand.u32 $0x4000, s31;
	s1 =	sadd.s32 s1, s30  }
0xc0: {  	s0 =	sor.u32 s3, s0;
	s1 =	sshll.u32 s1, $0x11  }
0xc1: {  	s0 =	sor.u32 s1, s0  }
0xc2: {  	s0 =	sadd.s32 $0x8F2B, s0  }
0xc3: {  	[sflag:s0] =	ssyncadd.remote.s32 $0x1  }
0xc4: {  	_ =	sfence.sel $0xFFFF  }
0xc5: {  	[dreg:$0x0] =	wrdreg $0xFFFFFFFF;
	(pc) =	sbr.abs _section_cstart, $3  }
0xc6: {  	[dreg:$0x1] =	wrdreg $0xFFFFFFFF  }
0xc7: {  	_ =	task.clear_ibuf [dreg:s10], $0x2FFFF;
	_ =	strace $0x9FFFFFFF  }
0xc8: {  	(tm) =	ssettm $0x7FFFFFFF  }
0xc9: {  	_ =	shalt  }
tec
execute0_lowered:
.L_overlay_start_1:
0x0: {  	(tag) =	ssettag $0x1  }
0x1: {  	s0 =	srdreg.scid;
	s1 =	stileid.u32  }
0x2: {  	s2 =	sand.u32 $0x1, s0;
	s20 =	sshll.u32 s1, $0x1;
	s21 =	sshrl.u32 s1, $0x1  }
0x3: {  	s7 =	simm.s32 $0x0;
	s0 =	sor.u32 s2, s20;
	s1 =	smul.u32 $0xC400, s21  }
0x4: {  	[smem:$0x7FF] =	sst s7;
	s5 =	smul.u32 $0x3100, s0  }
0x5: {  	v0 =	vlaneseq.u32;
	[dreg:$0x9] =	wrdreg s2  }
0x6: {  	[dreg:$0xa] =	wrdreg s1;
	v1 =	vmov s1;
	v4 =	vor.u32 s5, v0  }
0x7: {  	_ =	strace $0x80000047;
	v11 =	vsub.s32 v4, v1  }
0x8: {  	(v2sf) =	vpush v11, $0xD;
	_ =	sdelay $0x1  }
0x9: {  	(v2sf) =	vpush v11, $0xC  }
0xa: {  	(v2sf) =	vpush v11, $0xE;
	_ =	sdelay $0x1  }
0xb: {  	(v2sf) =	vpush v11, $0xF  }
0xc: {  	(v2sf) =	vpush v11, $0x9  }
0xd: {  	(v2sf) =	vpush v11, $0x8  }
0xe: {  	(v2sf) =	vpush v11, $0xA  }
0xf: {  	(v2sf) =	vpush v11, $0xB  }
0x10: {  	(v2sf) =	vpush v11, $0x5  }
0x11: {  	(v2sf) =	vpush v11, $0x4;
	_ =	sdelay $0x1  }
0x12: {  	(v2sf) =	vpush v11, $0x6  }
0x13: {  	(v2sf) =	vpush v11, $0x7  }
0x14: {  	s0 =	smul.u32 $0x6, s21;
	s4 =	spop (v2sf)  }
0x15: {  	s9 =	smulhi.u32 $0x92492493, s4;
	s22 =	sshra.s32 s4, $0x1F  }
0x16: {  	s13 =	spop (v2sf);
	s11 =	smul.u32 $0x92492493, s22  }
0x17: {  	(v2sf) =	vpush v11, $0x1;
	s24 =	sshra.s32 s13, $0x1F;
	s14 =	spop (v2sf);
	s20 =	smulhi.u32 $0x92492493, s13  }
0x18: {  	s23 =	sor.u32 $0x10, s5;
	(v2sf) =	vpush v11, $0x0;
	s16 =	smul.u32 $0x92492493, s24;
	s25 =	sshra.s32 s14, $0x1F  }
0x19: {  	s17 =	spop (v2sf);
	s4 =	ssub.s32 s9, s4;
	s18 =	smul.u32 $0x92492493, s25  }
0x1a: {  	v2 =	vor.u32 s23, v0;
	(v2sf) =	vpush v11, $0x2;
	s26 =	sshra.s32 s17, $0x1F;
	s3 =	spop (v2sf);
	s31 =	sadd.s32 s11, s4  }
0x1b: {  	v15 =	vsub.s32 v2, v1;
	(v2sf) =	vpush v11, $0x3;
	s8 =	smul.u32 $0x92492493, s26;
	s28 =	sshra.s32 s3, $0x1F;
	s10 =	spop (v2sf)  }
0x1c: {  	(v2sf) =	vpush v15, $0xD;
	s19 =	smul.u32 $0x92492493, s28;
	s29 =	sshra.s32 s10, $0x1F;
	s12 =	spop (v2sf)  }
0x1d: {  	s22 =	smul.u32 $0x92492493, s29;
	s15 =	sshra.s32 s12, $0x1F;
	s2 =	spop (v2sf)  }
0x1e: {  	(v2sf) =	vpush v15, $0xC;
	s15 =	smul.u32 $0x92492493, s15;
	s30 =	sshra.s32 s2, $0x1F;
	s4 =	spop (v2sf)  }
0x1f: {  	(v2sf) =	vpush v15, $0xE;
	s24 =	smul.u32 $0x92492493, s30;
	s1 =	sshra.s32 s4, $0x1F;
	s9 =	spop (v2sf)  }
0x20: {  	[smem:$0x7FD] =	sst s0;
	s26 =	smul.u32 $0x92492493, s1;
	s21 =	sshra.s32 s9, $0x1F  }
0x21: {  	s13 =	ssub.s32 s20, s13;
	s11 =	spop (v2sf);
	s29 =	smul.u32 $0x92492493, s21  }
0x22: {  	(v2sf) =	vpush v15, $0xF;
	s6 =	sshra.s32 s11, $0x1F;
	s23 =	spop (v2sf);
	s21 =	smulhi.u32 $0x92492493, s14  }
0x23: {  	[dreg:$0xb] =	wrdreg s31;
	s31 =	smul.u32 $0x92492493, s6;
	s25 =	sshra.s32 s23, $0x1F  }
0x24: {  	s16 =	sadd.s32 s16, s13;
	s28 =	smul.u32 $0x92492493, s25;
	s13 =	ssub.s32 s21, s14  }
0x25: {  	[dreg:$0xc] =	wrdreg s16;
	s13 =	sadd.s32 s18, s13;
	s18 =	smulhi.u32 $0x92492493, s17  }
0x26: {  	(v2sf) =	vpush v15, $0x9;
	s30 =	spop (v2sf);
	[smem:$0x7BF] =	sst s28  }
0x27: {  	[dreg:$0xd] =	wrdreg s13;
	s0 =	sshra.s32 s30, $0x1F;
	s28 =	spop (v2sf)  }
0x28: {  	(v2sf) =	vpush v15, $0x8;
	s13 =	ssub.s32 s18, s17;
	s1 =	smul.u32 $0x92492493, s0;
	s6 =	sshra.s32 s28, $0x1F  }
0x29: {  	s25 =	spop (v2sf);
	s18 =	sadd.s32 s8, s13;
	s16 =	smul.u32 $0x92492493, s6  }
0x2a: {  	(v2sf) =	vpush v15, $0xA;
	s21 =	spop (v2sf);
	[dreg:$0xe] =	wrdreg s18  }
0x2b: {  	(v2sf) =	vpush v15, $0xB;
	[smem:$0x7C0] =	sst s1;
	s1 =	sshra.s32 s25, $0x1F;
	s20 =	spop (v2sf)  }
0x2c: {  	s14 =	sshra.s32 s21, $0x1F;
	[smem:$0x7C1] =	sst s16;
	s6 =	smul.u32 $0x92492493, s1  }
0x2d: {  	s16 =	smul.u32 $0x92492493, s14;
	s17 =	sshra.s32 s20, $0x1F;
	s18 =	spop (v2sf)  }
0x2e: {  	s1 =	smul.u32 $0x92492493, s17;
	s17 =	spop (v2sf)  }
0x2f: {  	s14 =	sshra.s32 s18, $0x1F;
	[smem:$0x7C2] =	sst s6;
	s6 =	smulhi.u32 $0x92492493, s3  }
0x30: {  	(v2sf) =	vpush v15, $0x5;
	[smem:$0x7C3] =	sst s16;
	s16 =	smul.u32 $0x92492493, s14  }
0x31: {  	(v2sf) =	vpush v15, $0x4;
	s13 =	spop (v2sf);
	[smem:$0x7C4] =	sst s1;
	s1 =	sshra.s32 s17, $0x1F  }
0x32: {  	s14 =	sshra.s32 s13, $0x1F;
	s8 =	ssub.s32 s6, s3;
	s6 =	smul.u32 $0x92492493, s1  }
0x33: {  	(v2sf) =	vpush v15, $0x6;
	[smem:$0x7C5] =	sst s16;
	s16 =	smul.u32 $0x92492493, s14;
	s1 =	sor.u32 $0x20, s5  }
0x34: {  	v2 =	vor.u32 s1, v0;
	s1 =	smulhi.u32 $0x92492493, s10;
	[smem:$0x7C6] =	sst s6  }
0x35: {  	(v2sf) =	vpush v15, $0x7;
	s19 =	sadd.s32 s19, s8;
	[smem:$0x7C7] =	sst s16;
	s16 =	spop (v2sf)  }
0x36: {  	[dreg:$0xf] =	wrdreg s19;
	s6 =	sshra.s32 s16, $0x1F;
	s1 =	ssub.s32 s1, s10  }
0x37: {  	(v2sf) =	vpush v15, $0x1;
	s14 =	spop (v2sf);
	s0 =	smul.u32 $0x92492493, s6;
	s1 =	sadd.s32 s22, s1  }
0x38: {  	s10 =	smulhi.u32 $0x92492493, s12;
	[dreg:$0x10] =	wrdreg s1  }
0x39: {  	(v2sf) =	vpush v15, $0x0;
	s6 =	sshra.s32 s14, $0x1F;
	s3 =	spop (v2sf);
	[smem:$0x7C8] =	sst s0  }
0x3a: {  	(v2sf) =	vpush v15, $0x2;
	s12 =	ssub.s32 s10, s12;
	s0 =	smul.u32 $0x92492493, s6;
	s6 =	spop (v2sf)  }
0x3b: {  	(v2sf) =	vpush v15, $0x3;
	s8 =	sshra.s32 s3, $0x1F;
	s10 =	sadd.s32 s15, s12;
	[smem:$0x7CB] =	sst s6  }
0x3c: {  	s8 =	smul.u32 $0x92492493, s8;
	[dreg:$0x11] =	wrdreg s10  }
0x3d: {  	[smem:$0x7C9] =	sst s0  }
0x3e: {  	s19 =	sshra.s32 s6, $0x1F;
	[smem:$0x7CA] =	sst s8  }
0x3f: {  	v17 =	vsub.s32 v2, v1;
	s22 =	smul.u32 $0x92492493, s19;
	s8 =	spop (v2sf)  }
0x40: {  	(v2sf) =	vpush v17, $0xD;
	s19 =	smulhi.u32 $0x92492493, s2;
	s1 =	sshra.s32 s8, $0x1F;
	s6 =	spop (v2sf)  }
0x41: {  	[smem:$0x7CC] =	sst s22;
	s12 =	smul.u32 $0x92492493, s1;
	s15 =	sshra.s32 s6, $0x1F  }
0x42: {  	(v2sf) =	vpush v17, $0xC;
	s22 =	ssub.s32 s19, s2;
	s10 =	spop (v2sf);
	s19 =	smulhi.u32 $0x92492493, s4  }
0x43: {  	s1 =	smul.u32 $0x92492493, s15;
	s2 =	sshra.s32 s10, $0x1F;
	[smem:$0x7CD] =	sst s12  }
0x44: {  	(v2sf) =	vpush v17, $0xE;
	s15 =	sadd.s32 s24, s22;
	s12 =	spop (v2sf);
	s24 =	smul.u32 $0x92492493, s2  }
0x45: {  	[dreg:$0x12] =	wrdreg s15;
	s2 =	ssub.s32 s19, s4;
	s15 =	smulhi.u32 $0x92492493, s9  }
0x46: {  	[smem:$0x7CE] =	sst s1;
	s1 =	sshra.s32 s12, $0x1F;
	s4 =	spop (v2sf)  }
0x47: {  	s2 =	sadd.s32 s26, s2;
	[smem:$0x7CF] =	sst s24;
	s24 =	smul.u32 $0x92492493, s1  }
0x48: {  	(v2sf) =	vpush v17, $0xF;
	s19 =	spop (v2sf);
	s1 =	sshra.s32 s4, $0x1F;
	[dreg:$0x13] =	wrdreg s2  }
0x49: {  	s26 =	ssub.s32 s15, s9;
	s22 =	smul.u32 $0x92492493, s1;
	s9 =	spop (v2sf)  }
0x4a: {  	(v2sf) =	vpush v17, $0x9;
	[smem:$0x7D0] =	sst s24;
	s24 =	sshra.s32 s19, $0x1F;
	s15 =	spop (v2sf)  }
0x4b: {  	s2 =	sshra.s32 s9, $0x1F;
	[smem:$0x7D1] =	sst s22;
	s1 =	smul.u32 $0x92492493, s24  }
0x4c: {  	(v2sf) =	vpush v17, $0x8;
	s22 =	smulhi.u32 $0x92492493, s11;
	[smem:$0x7D4] =	sst s15;
	s24 =	sadd.s32 s29, s26  }
0x4d: {  	s29 =	smul.u32 $0x92492493, s2;
	[dreg:$0x15] =	wrdreg s24  }
0x4e: {  	(v2sf) =	vpush v17, $0xA;
	s2 =	smulhi.u32 $0x92492493, s23;
	[smem:$0x7D2] =	sst s1  }
0x4f: {  	s0 =	sshra.s32 s15, $0x1F;
	s15 =	spop (v2sf);
	[smem:$0x7D3] =	sst s29  }
0x50: {  	s26 =	ssub.s32 s22, s11;
	s1 =	smul.u32 $0x92492493, s0;
	s11 =	sshra.s32 s15, $0x1F  }
0x51: {  	(v2sf) =	vpush v17, $0xB;
	s22 =	spop (v2sf);
	s24 =	ssub.s32 s2, s23;
	s29 =	smulhi.u32 $0x92492493, s30  }
0x52: {  	s26 =	sadd.s32 s31, s26;
	s31 =	smul.u32 $0x92492493, s11;
	[smem:$0x7D5] =	sst s1  }
0x53: {  	s0 =	sshra.s32 s22, $0x1F;
	s23 =	spop (v2sf);
	[dreg:$0x14] =	wrdreg s26  }
0x54: {  	s1 =	smul.u32 $0x92492493, s0;
	s26 =	sld [smem:$0x7BF]  }
0x55: {  	s2 =	sshra.s32 s23, $0x1F;
	s29 =	ssub.s32 s29, s30;
	s30 =	sld [smem:$0x7C0]  }
0x56: {  	(v2sf) =	vpush v17, $0x5;
	[smem:$0x7D6] =	sst s31;
	s31 =	smul.u32 $0x92492493, s2  }
0x57: {  	[dreg:$0x1d] =	wrdreg s1;
	s11 =	spop (v2sf)  }
0x58: {  	[smem:$0x7D7] =	sst s11  }
0x59: {  	s0 =	sadd.s32 s26, s24;
	[dreg:$0x1f] =	wrdreg s31;
	s31 =	spop (v2sf)  }
0x5a: {  	s1 =	sshra.s32 s11, $0x1F;
	s24 =	smulhi.u32 $0x92492493, s28;
	[dreg:$0x16] =	wrdreg s0  }
0x5b: {  	(v2sf) =	vpush v17, $0x4;
	s2 =	smul.u32 $0x92492493, s1;
	s11 =	spop (v2sf);
	s26 =	sshra.s32 s31, $0x1F  }
0x5c: {  	[smem:$0x7D9] =	sst s11;
	s0 =	smul.u32 $0x92492493, s26;
	s11 =	sshra.s32 s11, $0x1F  }
0x5d: {  	[dreg:$0x19] =	wrdreg s2;
	s2 =	sadd.s32 s30, s29;
	s29 =	spop (v2sf)  }
0x5e: {  	(v2sf) =	vpush v17, $0x6;
	s24 =	ssub.s32 s24, s28;
	[dreg:$0x1e] =	wrdreg s0;
	s0 =	smul.u32 $0x92492493, s11  }
0x5f: {  	s28 =	sor.u32 $0x30, s5;
	[smem:$0x7DA] =	sst s2;
	s2 =	smulhi.u32 $0x92492493, s25  }
0x60: {  	s26 =	sshra.s32 s29, $0x1F;
	s30 =	spop (v2sf);
	[dreg:$0x18] =	wrdreg s0  }
0x61: {  	s1 =	sshra.s32 s30, $0x1F;
	s0 =	smul.u32 $0x92492493, s26;
	s26 =	sld [smem:$0x7C1]  }
0x62: {  	v2 =	vor.u32 s28, v0;
	s28 =	smul.u32 $0x92492493, s1;
	s1 =	sld [smem:$0x7C2]  }
0x63: {  	[dreg:$0x1a] =	wrdreg s0  }
0x64: {  	(v2sf) =	vpush v17, $0x7;
	s2 =	ssub.s32 s2, s25;
	[dreg:$0x1b] =	wrdreg s28  }
0x65: {  	s11 =	sadd.s32 s26, s24;
	s0 =	sadd.s32 s1, s2;
	s26 =	spop (v2sf)  }
0x66: {  	(v2sf) =	vpush v17, $0x1;
	[smem:$0x7D8] =	sst s11;
	s11 =	smulhi.u32 $0x92492493, s21;
	s24 =	sshra.s32 s26, $0x1F  }
0x67: {  	[smem:$0x7DB] =	sst s0;
	s2 =	smul.u32 $0x92492493, s24  }
0x68: {  	s0 =	ssub.s32 s11, s21;
	s21 =	sld [smem:$0x7C3]  }
0x69: {  	(v2sf) =	vpush v17, $0x0;
	s1 =	smulhi.u32 $0x92492493, s20;
	[smem:$0x7E5] =	sst s2  }
0x6a: {  	s28 =	spop (v2sf);
	s2 =	sld [smem:$0x7C4]  }
0x6b: {  	s25 =	sshra.s32 s28, $0x1F  }
0x6c: {  	(v2sf) =	vpush v17, $0x2;
	s24 =	ssub.s32 s1, s20;
	s25 =	smul.u32 $0x92492493, s25;
	s0 =	sadd.s32 s21, s0  }
0x6d: {  	[smem:$0x7DD] =	sst s0;
	s0 =	sadd.s32 s2, s24;
	s24 =	spop (v2sf)  }
0x6e: {  	s11 =	smulhi.u32 $0x92492493, s18;
	[smem:$0x7E9] =	sst s25;
	s20 =	sshra.s32 s24, $0x1F  }
0x6f: {  	[smem:$0x7DE] =	sst s0;
	s2 =	smul.u32 $0x92492493, s20  }
0x70: {  	s0 =	ssub.s32 s11, s18;
	s18 =	sld [smem:$0x7C5]  }
0x71: {  	(v2sf) =	vpush v17, $0x3;
	[smem:$0x7EC] =	sst s2  }
0x72: {  	s1 =	smulhi.u32 $0x92492493, s17;
	s2 =	sld [smem:$0x7C6]  }
0x73: {  	v18 =	vsub.s32 v2, v1;
	s25 =	spop (v2sf);
	s11 =	smulhi.u32 $0x92492493, s13  }
0x74: {  	(v2sf) =	vpush v18, $0xD;
	s21 =	sshra.s32 s25, $0x1F;
	s20 =	ssub.s32 s1, s17;
	s0 =	sadd.s32 s18, s0  }
0x75: {  	[smem:$0x7DC] =	sst s0;
	s0 =	sadd.s32 s2, s20;
	s20 =	spop (v2sf)  }
0x76: {  	(v2sf) =	vpush v18, $0xC;
	s21 =	smul.u32 $0x92492493, s21;
	[smem:$0x7DF] =	sst s0;
	s17 =	sshra.s32 s20, $0x1F  }
0x77: {  	s0 =	ssub.s32 s11, s13;
	s13 =	sld [smem:$0x7C7];
	s2 =	smul.u32 $0x92492493, s17  }
0x78: {  	[smem:$0x7EF] =	sst s21;
	s21 =	spop (v2sf)  }
0x79: {  	s1 =	smulhi.u32 $0x92492493, s16;
	s18 =	sshra.s32 s21, $0x1F;
	[smem:$0x7F0] =	sst s2  }
0x7a: {  	s18 =	smul.u32 $0x92492493, s18;
	s0 =	sadd.s32 s13, s0;
	s2 =	sld [smem:$0x7C8]  }
0x7b: {  	s17 =	ssub.s32 s1, s16;
	s16 =	spop (v2sf);
	[smem:$0x7E1] =	sst s0  }
0x7c: {  	(v2sf) =	vpush v18, $0xE;
	s13 =	sshra.s32 s16, $0x1F;
	[smem:$0x7F1] =	sst s18  }
0x7d: {  	s0 =	sadd.s32 s2, s17;
	s2 =	smul.u32 $0x92492493, s13;
	s17 =	sld [smem:$0x7C9]  }
0x7e: {  	s11 =	smulhi.u32 $0x92492493, s14;
	[smem:$0x7E2] =	sst s0  }
0x7f: {  	(v2sf) =	vpush v18, $0xF;
	s1 =	smulhi.u32 $0x92492493, s3;
	[smem:$0x7F2] =	sst s2  }
0x80: {  	s18 =	spop (v2sf);
	s0 =	ssub.s32 s11, s14;
	s2 =	sld [smem:$0x7CB]  }
0x81: {  	s14 =	sshra.s32 s18, $0x1F;
	s0 =	sadd.s32 s17, s0;
	s17 =	sld [smem:$0x7CA]  }
0x82: {  	s14 =	smul.u32 $0x92492493, s14  }
0x83: {  	(v2sf) =	vpush v18, $0x9;
	s13 =	ssub.s32 s1, s3;
	s11 =	spop (v2sf);
	[smem:$0x7E0] =	sst s0  }
0x84: {  	[smem:$0x7F3] =	sst s14;
	s0 =	sadd.s32 s17, s13;
	s13 =	smulhi.u32 $0x92492493, s2  }
0x85: {  	s14 =	sshra.s32 s11, $0x1F;
	s17 =	spop (v2sf);
	[smem:$0x7E6] =	sst s0  }
0x86: {  	s0 =	ssub.s32 s13, s2;
	s2 =	smul.u32 $0x92492493, s14;
	s14 =	sld [smem:$0x7CC]  }
0x87: {  	(v2sf) =	vpush v18, $0x8;
	s13 =	sshra.s32 s17, $0x1F  }
0x88: {  	s13 =	smul.u32 $0x92492493, s13;
	[smem:$0x7F4] =	sst s2  }
0x89: {  	s1 =	smulhi.u32 $0x92492493, s8;
	s0 =	sadd.s32 s14, s0;
	s14 =	sld [smem:$0x7CD]  }
0x8a: {  	[smem:$0x7F6] =	sst s13  }
0x8b: {  	(v2sf) =	vpush v18, $0xA;
	s8 =	ssub.s32 s1, s8;
	s13 =	spop (v2sf);
	[smem:$0x7ED] =	sst s0  }
0x8c: {  	s3 =	sshra.s32 s13, $0x1F;
	s0 =	sadd.s32 s14, s8;
	s8 =	smulhi.u32 $0x92492493, s10  }
0x8d: {  	(v2sf) =	vpush v18, $0xB;
	[smem:$0x7E7] =	sst s0;
	s0 =	smul.u32 $0x92492493, s3  }
0x8e: {  	s14 =	spop (v2sf);
	s8 =	ssub.s32 s8, s10;
	s10 =	sld [smem:$0x7CF]  }
0x8f: {  	s2 =	smulhi.u32 $0x92492493, s6;
	[smem:$0x7F7] =	sst s0;
	s0 =	sshra.s32 s14, $0x1F  }
0x90: {  	s0 =	smul.u32 $0x92492493, s0  }
0x91: {  	s1 =	ssub.s32 s2, s6;
	s6 =	sld [smem:$0x7CE];
	s2 =	smulhi.u32 $0x92492493, s4  }
0x92: {  	[smem:$0x7F8] =	sst s0;
	s0 =	sadd.s32 s10, s8;
	s8 =	spop (v2sf)  }
0x93: {  	[smem:$0x7EA] =	sst s0;
	s0 =	smulhi.u32 $0x92492493, s12  }
0x94: {  	s1 =	sadd.s32 s6, s1;
	s6 =	sld [smem:$0x7D0];
	s3 =	sshra.s32 s8, $0x1F  }
0x95: {  	(v2sf) =	vpush v18, $0x5;
	[smem:$0x7E3] =	sst s1;
	s1 =	ssub.s32 s0, s12;
	s0 =	smul.u32 $0x92492493, s3  }
0x96: {  	s10 =	spop (v2sf);
	s12 =	ssub.s32 s2, s4;
	s2 =	sld [smem:$0x7D1]  }
0x97: {  	[smem:$0x7F9] =	sst s0;
	s0 =	sshra.s32 s10, $0x1F  }
0x98: {  	s1 =	sadd.s32 s6, s1;
	s0 =	smul.u32 $0x92492493, s0  }
0x99: {  	s3 =	smulhi.u32 $0x92492493, s19;
	[smem:$0x7EE] =	sst s1  }
0x9a: {  	[smem:$0x7FB] =	sst s0;
	s0 =	sadd.s32 s2, s12;
	s12 =	spop (v2sf)  }
0x9b: {  	s1 =	smulhi.u32 $0x92492493, s9;
	[smem:$0x7E8] =	sst s0;
	s4 =	sshra.s32 s12, $0x1F  }
0x9c: {  	s6 =	spop (v2sf);
	s0 =	ssub.s32 s3, s19;
	s19 =	sld [smem:$0x7D3]  }
0x9d: {  	[smem:$0x7FA] =	sst s6;
	s2 =	smul.u32 $0x92492493, s4;
	s3 =	sshra.s32 s6, $0x1F  }
0x9e: {  	s4 =	sld [smem:$0x7D2];
	s6 =	ssub.s32 s1, s9;
	s9 =	smul.u32 $0x92492493, s3  }
0x9f: {  	[smem:$0x7FC] =	sst s2  }
0xa0: {  	[dreg:$0x1c] =	wrdreg s9  }
0xa1: {  	s0 =	sadd.s32 s4, s0;
	s4 =	sld [smem:$0x7D4]  }
0xa2: {  	[smem:$0x7E4] =	sst s0  }
0xa3: {  	s0 =	sadd.s32 s19, s6;
	s6 =	sld [smem:$0x7FD]  }
0xa4: {  	s19 =	spop (v2sf);
	s2 =	smulhi.u32 $0x92492493, s4  }
0xa5: {  	[smem:$0x7EB] =	sst s0;
	s9 =	sshra.s32 s19, $0x1F  }
0xa6: {  	s0 =	sor.u32 $0x1, s6;
	s1 =	ssub.s32 s2, s4;
	s4 =	rddreg [dreg:$0xc]  }
0xa7: {  	v2 =	vmov s0;
	s0 =	smul.u32 $0x92492493, s9;
	s9 =	sadd.s32 $0x3, s6;
	v5 =	vmov s4;
	s4 =	sld [smem:$0x7D5]  }
0xa8: {  	s2 =	sadd.s32 $0x2, s6;
	[tilespmem:$0x1FFE0] =	vst v2;
	v2 =	vmov s9;
	s9 =	sld [smem:$0x7D6]  }
0xa9: {  	s6 =	sadd.s32 $0x4, s6;
	v8 =	vmov s2;
	s2 =	rddreg [dreg:$0xd]  }
0xaa: {  	s3 =	smulhi.u32 $0x92492493, s15;
	v10 =	vmov s6;
	s6 =	rddreg [dreg:$0xf]  }
0xab: {  	[dreg:$0x17] =	wrdreg s0  }
0xac: {  	vm0 =	vcmask $0xB08;
	s0 =	ssub.s32 s3, s15;
	s3 =	smulhi.u32 $0x92492493, s22;
	s15 =	rddreg [dreg:$0xb]  }
0xad: {  	vm1 =	vcmask $0x1310;
	v5 =	vsel vm0, s15, v5;
	s15 =	sadd.s32 s4, s1;
	s4 =	rddreg [dreg:$0x10]  }
0xae: {  	v5 =	vsel vm1, s2, v5;
	s2 =	ssub.s32 s3, s22;
	s22 =	rddreg [dreg:$0xe]  }
0xaf: {  	v6 =	vmov s4;
	s4 =	sld [smem:$0x7D7]  }
0xb0: {  	v6 =	vsel vm0, s6, v6;
	s6 =	rddreg [dreg:$0x11]  }
0xb1: {  	vm2 =	vcmask $0x1B18;
	s1 =	smulhi.u32 $0x92492493, s23;
	v6 =	vsel vm1, s6, v6;
	s6 =	sld [smem:$0x7D8]  }
0xb2: {  	s9 =	sadd.s32 s9, s0;
	v5 =	vsel vm2, s22, v5;
	s22 =	rddreg [dreg:$0x1d];
	s0 =	smulhi.u32 $0x92492493, s4  }
0xb3: {  	s1 =	ssub.s32 s1, s23;
	s23 =	rddreg [dreg:$0x15]  }
0xb4: {  	v9 =	vmov s6;
	s6 =	ssub.s32 s0, s4;
	s4 =	rddreg [dreg:$0x12]  }
0xb5: {  	v7 =	vmov s23;
	v6 =	vsel vm2, s4, v6;
	s4 =	rddreg [dreg:$0x13]  }
0xb6: {  	v7 =	vsel vm0, s4, v7;
	s4 =	sld [smem:$0x7DA]  }
0xb7: {  	s23 =	rddreg [dreg:$0x1f]  }
0xb8: {  	s0 =	sld [smem:$0x7D9]  }
0xb9: {  	v9 =	vsel vm0, s4, v9;
	s4 =	rddreg [dreg:$0x19]  }
0xba: {  	s23 =	sadd.s32 s23, s1;
	s1 =	sadd.s32 s4, s6;
	s4 =	rddreg [dreg:$0x14]  }
0xbb: {  	s3 =	smulhi.u32 $0x92492493, s0;
	s6 =	sld [smem:$0x7DB]  }
0xbc: {  	s22 =	sadd.s32 s22, s2;
	s2 =	smulhi.u32 $0x92492493, s31;
	v7 =	vsel vm1, s4, v7;
	s4 =	sld [smem:$0x7DC]  }
0xbd: {  	s3 =	ssub.s32 s3, s0;
	s0 =	rddreg [dreg:$0x16]  }
0xbe: {  	s31 =	ssub.s32 s2, s31;
	v9 =	vsel vm1, s6, v9;
	s6 =	rddreg [dreg:$0x1e]  }
0xbf: {  	v12 =	vmov s4;
	s4 =	sadd.s32 s6, s31;
	s6 =	sld [smem:$0x7DE]  }
0xc0: {  	[smem:$0x7F5] =	sst s1  }
0xc1: {  	s1 =	sld [smem:$0x7DD]  }
0xc2: {  	v12 =	vsel vm0, s6, v12;
	s6 =	sld [smem:$0x7DF]  }
0xc3: {  	s2 =	smulhi.u32 $0x92492493, s29;
	v7 =	vsel vm2, s0, v7;
	s0 =	rddreg [dreg:$0x18]  }
0xc4: {  	v9 =	vsel vm2, s1, v9;
	s1 =	sld [smem:$0x7E0]  }
0xc5: {  	s2 =	ssub.s32 s2, s29;
	v12 =	vsel vm1, s6, v12;
	s6 =	rddreg [dreg:$0x1a]  }
0xc6: {  	s2 =	sadd.s32 s6, s2;
	s6 =	sld [smem:$0x7E2]  }
0xc7: {  	v13 =	vmov s1;
	s1 =	sld [smem:$0x7E1]  }
0xc8: {  	s3 =	sadd.s32 s0, s3;
	s0 =	rddreg [dreg:$0xa]  }
0xc9: {  	vm4 =	vne.s32 v4, s0;
	v4 =	vsel vm0, s6, v13;
	s6 =	sld [smem:$0x7E3]  }
0xca: {  	v12 =	vsel vm2, s1, v12;
	s1 =	sld [smem:$0x7E4]  }
0xcb: {  	s31 =	smulhi.u32 $0x92492493, s30  }
0xcc: {  	s29 =	smulhi.u32 $0x92492493, s26;
	v13 =	vmov s6;
	s6 =	sld [smem:$0x7E5]  }
0xcd: {  	s30 =	ssub.s32 s31, s30;
	s31 =	smulhi.u32 $0x92492493, s28;
	v14 =	vmov s1;
	s1 =	sld [smem:$0x7E6]  }
0xce: {  	s26 =	ssub.s32 s29, s26  }
0xcf: {  	s6 =	sadd.s32 s6, s26;
	s26 =	ssub.s32 s31, s28;
	s31 =	sld [smem:$0x7E7]  }
0xd0: {  	v4 =	vsel vm1, s1, v4;
	s1 =	sld [smem:$0x7E8];
	_ =	sdelay $0x1  }
0xd1: {  	s29 =	smulhi.u32 $0x92492493, s24;
	v13 =	vsel vm0, s31, v13;
	s31 =	sld [smem:$0x7E9]  }
0xd2: {  	v14 =	vsel vm0, s1, v14;
	s1 =	sld [smem:$0x7EA]  }
0xd3: {  	s24 =	ssub.s32 s29, s24;
	s29 =	smulhi.u32 $0x92492493, s20  }
0xd4: {  	s26 =	sadd.s32 s31, s26;
	s31 =	sld [smem:$0x7EB]  }
0xd5: {  	s20 =	ssub.s32 s29, s20;
	s29 =	smulhi.u32 $0x92492493, s16;
	v13 =	vsel vm1, s1, v13;
	s1 =	sld [smem:$0x7EC]  }
0xd6: {  	s0 =	rddreg [dreg:$0x1b]  }
0xd7: {  	s16 =	ssub.s32 s29, s16;
	v14 =	vsel vm1, s31, v14;
	s31 =	sld [smem:$0x7ED]  }
0xd8: {  	s29 =	smulhi.u32 $0x92492493, s17;
	s24 =	sadd.s32 s1, s24;
	s1 =	sld [smem:$0x7EE]  }
0xd9: {  	s28 =	smulhi.u32 $0x92492493, s25;
	v14 =	vsel vm2, s15, v14;
	s15 =	sld [smem:$0x7EF]  }
0xda: {  	(v2sf) =	vpush v18, $0x4;
	s17 =	ssub.s32 s29, s17;
	v16 =	vsel vm2, s31, v4;
	s31 =	sld [smem:$0x7F0]  }
0xdb: {  	s25 =	ssub.s32 s28, s25;
	s28 =	smulhi.u32 $0x92492493, s21;
	v4 =	vmov s22;
	s22 =	sld [smem:$0x7F6]  }
0xdc: {  	(v2sf) =	vpush v18, $0x6;
	v13 =	vsel vm2, s1, v13;
	s1 =	smulhi.u32 $0x92492493, s18;
	s15 =	sadd.s32 s15, s25;
	s25 =	sld [smem:$0x7F2]  }
0xdd: {  	v19 =	vimm.s32 $0xECA86420;
	s30 =	sadd.s32 s0, s30;
	s21 =	ssub.s32 s28, s21;
	v4 =	vsel vm0, s9, v4;
	s9 =	sld [smem:$0x7F1]  }
0xde: {  	v19 =	vunpack.c.l.s4.s8 v19;
	v20 =	vmov s3;
	s28 =	ssub.s32 s1, s18;
	s20 =	sadd.s32 s31, s20;
	s31 =	sld [smem:$0x7F3]  }
0xdf: {  	(v2sf) =	vpush v18, $0x7;
	v21 =	vsel vm1, s23, v4;
	v4 =	vsel vm0, s4, v20;
	s23 =	smulhi.u32 $0x92492493, s8;
	s0 =	sadd.s32 s25, s16;
	s16 =	sld [smem:$0x7F4]  }
0xe0: {  	(v2sf) =	vpush v18, $0x1;
	s18 =	smulhi.u32 $0x92492493, s14;
	v20 =	vsel vm1, s2, v4;
	s3 =	sadd.s32 s9, s21;
	s25 =	sld [smem:$0x7F7]  }
0xe1: {  	v4 =	vunpack.c.0.s8.s32 v19;
	s21 =	smulhi.u32 $0x92492493, s11;
	v19 =	vsel vm2, s30, v20;
	v20 =	vmov s26;
	s29 =	ssub.s32 s23, s8;
	s23 =	sld [smem:$0x7FC]  }
0xe2: {  	s4 =	smulhi.u32 $0x92492493, s13;
	v20 =	vsel vm0, s6, v20;
	s6 =	sld [smem:$0x7FD]  }
0xe3: {  	(v2sf) =	vpush v18, $0x0;
	s14 =	ssub.s32 s18, s14;
	s1 =	ssub.s32 s21, s11;
	s21 =	sld [smem:$0x7F5]  }
0xe4: {  	vm3 =	vmmov $0xff;
	s18 =	smulhi.u32 $0x92492493, s19;
	s2 =	sadd.s32 s31, s28;
	s28 =	sld [smem:$0x7F8]  }
0xe5: {  	vm6 =	vcmask $0x2B28;
	vm7 =	vcmask $0x3330;
	(v2sf) =	vpush v18, $0x2;
	s26 =	smulhi.u32 $0x92492493, s10;
	s31 =	sld [smem:$0x7F9]  }
0xe6: {  	v6 =	vcombine.low v6, v5;
	v5 =	vmul.u32 $0x2, v0;
	v7 =	vcombine.low v9, v7;
	s30 =	smulhi.u32 $0x92492493, s12;
	s11 =	ssub.s32 s4, s13;
	s13 =	sld [smem:$0x7FA]  }
0xe7: {  	vm8 =	vcmask $0x3B38;
	v24 =	vshra.s32 v11, $0x1F;
	(v2sf) =	vpush v18, $0x3;
	s10 =	ssub.s32 s26, s10;
	s9 =	sadd.s32 s16, s1;
	s1 =	sadd.s32 s22, s17  }
0xe8: {  	v26 =	vsub.s32 $0x0, v11;
	v7 =	vperm.xlane v7, v5;
	v53 =	vmov s3;
	s11 =	sadd.s32 s25, s11;
	s17 =	sld [smem:$0x7FB];
	s3 =	sadd.s32 s28, s14  }
0xe9: {  	v59 =	vshra.s32 v15, $0x1F;
	v13 =	vcombine.low v14, v13;
	v12 =	vcombine.low v16, v12;
	s4 =	sadd.s32 s31, s29;
	s16 =	smulhi.u32 $0x92492493, s13;
	s14 =	spop (v2sf)  }
0xea: {  	v6 =	vperm.xlane v6, v4;
	v9 =	vsel vm2, s21, v21;
	v21 =	vsel vm0, s20, v53;
	s20 =	ssub.s32 s30, s12;
	s29 =	rddreg [dreg:$0x1c];
	s30 =	ssub.s32 s18, s19  }
0xeb: {  	v13 =	vperm.xlane v13, v5;
	v12 =	vperm.xlane v12, v4;
	v20 =	vsel vm1, s24, v20;
	s21 =	smulhi.u32 $0x92492493, s14;
	s22 =	sshra.s32 s14, $0x1F;
	s24 =	spop (v2sf)  }
0xec: {  	v8 =	vbroadcast v8, $0x0;
	v6 =	vsel vm3, v7, v6;
	v7 =	vsel vm1, s0, v21;
	s10 =	sadd.s32 s17, s10;
	s17 =	rddreg [dreg:$0x17];
	s8 =	smul.u32 $0x92492493, s22  }
0xed: {  	v20 =	vsel vm2, s15, v20;
	v12 =	vsel vm3, v13, v12;
	v23 =	vsel vm2, s2, v7;
	s2 =	sadd.s32 s23, s20;
	s26 =	smulhi.u32 $0x92492493, s24;
	s28 =	sshra.s32 s24, $0x1F  }
0xee: {  	v6 =	vadd.s32 v11, v6;
	v54 =	vmov s1;
	v12 =	vadd.s32 v15, v12;
	s25 =	ssub.s32 s16, s13;
	s0 =	spop (v2sf);
	s12 =	smul.u32 $0x92492493, s28  }
0xef: {  	v22 =	vshrl.u32 v6, $0x1F;
	v6 =	vshra.s32 v6, $0x7;
	v7 =	vsel vm0, s9, v54;
	s13 =	sadd.s32 s29, s25;
	s15 =	smulhi.u32 $0x92492493, s0;
	s31 =	sshra.s32 s0, $0x1F  }
0xf0: {  	v58 =	vshrl.u32 v12, $0x1F;
	v12 =	vshra.s32 v12, $0x7;
	v7 =	vsel vm1, s11, v7;
	s18 =	spop (v2sf);
	s1 =	ssub.s32 s21, s14;
	s16 =	smul.u32 $0x92492493, s31  }
0xf1: {  	v55 =	vadd.s32 v22, v6;
	v6 =	vimm.s32 $0x0;
	v57 =	vsel vm2, s3, v7;
	s3 =	sadd.s32 s17, s30;
	s19 =	smulhi.u32 $0x92492493, s18;
	s20 =	sshra.s32 s18, $0x1F  }
0xf2: {  	v14 =	vcombine.low v19, v9;
	v22 =	vmul.u32 $0xFFFFFF20, v55;
	v25 =	vsel vm4, $0x1, v6;
	s1 =	sadd.s32 s8, s1;
	s21 =	spop (v2sf);
	s14 =	smul.u32 $0x92492493, s20  }
0xf3: {  	v9 =	vmov s10;
	v56 =	vor.u32 v25, v24;
	v16 =	vcombine.low v23, v20;
	s22 =	ssub.s32 s26, s24;
	s23 =	smulhi.u32 $0x92492493, s21;
	s24 =	sshra.s32 s21, $0x1F  }
0xf4: {  	v20 =	vsel vm0, s4, v9;
	vm4 =	vne.s32 v22, v26;
	vm5 =	vne.s32 v56, $0x1;
	s4 =	sadd.s32 s12, s22;
	s25 =	spop (v2sf);
	s11 =	smul.u32 $0x92492493, s24  }
0xf5: {  	v14 =	vperm.xlane v14, v4;
	vm4 =	vmand vm4, vm5;
	v16 =	vperm.xlane v16, v5;
	s26 =	ssub.s32 s19, s18;
	s28 =	smulhi.u32 $0x92492493, s25;
	s29 =	sshra.s32 s25, $0x1F  }
0xf6: {  	v10 =	vbroadcast v10, $0x0;
	v12 =	vadd.s32 v58, v12;
	v19 =	vsel vm4, $0xFFFFFFFF, v6;
	s31 =	spop (v2sf);
	s8 =	ssub.s32 s23, s21;
	s30 =	smul.u32 $0x92492493, s29  }
0xf7: {  	v9 =	vadd.s32 v19, v55;
	v19 =	vsel vm1, s2, v20;
	v13 =	vsel vm3, v16, v14;
	s18 =	smulhi.u32 $0x92492493, s31;
	s19 =	sshra.s32 s31, $0x1F;
	s8 =	sadd.s32 s11, s8  }
0xf8: {  	v16 =	vmov s1;
	s20 =	sadd.s32 s14, s26;
	v14 =	vsel vm2, s13, v19;
	s21 =	ssub.s32 s28, s25;
	s22 =	smul.u32 $0x92492493, s19;
	v19 =	vmov s8  }
0xf9: {  	v7 =	vmov s6;
	s0 =	ssub.s32 s15, s0;
	v16 =	vsel vm0, s3, v16;
	s23 =	sadd.s32 s30, s21;
	s24 =	ssub.s32 s18, s31;
	v19 =	vsel vm0, s20, v19  }
0xfa: {  	s0 =	sadd.s32 s16, s0;
	v13 =	vadd.s32 v17, v13;
	v16 =	vsel vm1, s4, v16;
	s25 =	sadd.s32 s22, s24;
	v19 =	vsel vm1, s23, v19  }
0xfb: {  	v14 =	vcombine.low v14, v57;
	v16 =	vsel vm2, s0, v16;
	v19 =	vsel vm2, s25, v19  }
0xfc: {  	v16 =	vcombine.low v19, v16;
	v19 =	vshrl.u32 v13, $0x1F;
	v13 =	vshra.s32 v13, $0x7  }
0xfd: {  	v7 =	vbroadcast v7, $0x0;
	v20 =	vmul.u32 $0xFFFFFF20, v9;
	v13 =	vadd.s32 v19, v13  }
0xfe: {  	v14 =	vperm.xlane v14, v4;
	v19 =	vmul.u32 $0xFFFFFF20, v13;
	v16 =	vperm.xlane v16, v5  }
0xff: {  	v20 =	vadd.s32 v11, v20;
	v11 =	vadd.s32 v59, v12;
	v12 =	vsub.s32 $0x0, v17  }
0x100: {  	vm4 =	vgt.s32 v6, v17;
	vm5 =	vne.s32 v19, v12;
	v12 =	vsel vm3, v16, v14  }
0x101: {  	v16 =	vmul.u32 $0xFFFFFF20, v11;
	vm4 =	vmand vm4, vm5;
	v12 =	vadd.s32 v18, v12  }
0x102: {  	v14 =	vsel vm4, $0xFFFFFFFF, v6;
	v19 =	vshrl.u32 v12, $0x1F;
	v60 =	vshra.s32 v12, $0x7  }
0x103: {  	v12 =	vadd.s32 v14, v13;
	v13 =	vadd.s32 v19, v60;
	v14 =	vshra.s32 v18, $0x1F  }
0x104: {  	s12 =	simm.s32 $0x40;
	s26 =	rddreg [dreg:$0x9];
	s14 =	simm.s32 $0x80;
	vm5 =	vcmask $0x2320;
	v19 =	vand.u32 $0xFFFFFFE8, v20;
	v13 =	vadd.s32 v14, v13  }
0x105: {  	s2 =	simm.s32 $0x0;
	s30 =	sadd.s32 $0x5, s6;
	s0 =	ssub.s32 $0x2, s26;
	v20 =	vmul.u32 $0xFFFFFF20, v12;
	v14 =	vand.u32 $0x7, v0;
	v62 =	vmul.u32 $0xFFFFFF20, v13  }
0x106: {  	s28 =	rddreg [dreg:$0x0];
	s13 =	simm.s32 $0x120;
	s29 =	sshrl.u32 s0, $0x1;
	v61 =	vadd.s32 v15, v16;
	v15 =	vmov s30;
	v16 =	vor.u32 v14, v19  }
0x107: {  	s8 =	sadd.s32 $0xC40400, s28;
	s31 =	sor.u32 $0x80, s5;
	s0 =	ssub.s32 s0, s29;
	v19 =	vand.u32 $0xFFFFFFF8, v61;
	v17 =	vadd.s32 v17, v20;
	v63 =	vadd.s32 v18, v62  }
0x108: {  	[dreg:$0x6] =	wrdreg s31;
	s24 =	simm.s32 $0x400;
	s0 =	smax.u32 s0, $0x1;
	v20 =	vand.u32 $0xFFFFFFF8, v17;
	v17 =	vor.u32 v14, v19;
	v19 =	vand.u32 $0xFFFFFFF8, v63  }
0x109: {  	[tilespmem:$0x1FFF0] =	vst v2;
	s26 =	simm.s32 $0x2;
	s23 =	simm.s32 $0x1;
	[dreg:$0x7] =	wrdreg s0;
	vm4 =	vcmask $0x300;
	v18 =	vor.u32 v14, v20;
	v19 =	vor.u32 v14, v19  }
.LBB2_1:
0x10a: {  	[dreg:$0x8] =	wrdreg s2  }
0x10b: {  	s0 =	rddreg [dreg:$0x1];
	s1 =	simm.s32 $0x5  }
0x10c: {  	[tilespmem:s7], [sflag:$0x5] =	stream.linear.gather [hbm4b:s0+s7], $0x30, $0x38;
	[tilespmem:$0x1E600] =	vst v63  }
0x10d: {  	_ =	swait.ge [sflag:s1], $0x30  }
0x10e: {  	[sflag:s1] =	ssyncset.done $0x0  }
0x10f: {  	[sflag:s1] =	ssyncadd.s32 $0xFFFFFFD0  }
0x110: {  	s22 =	rddreg [dreg:$0x2]  }
0x111: {  	[tilespmem:s12], [sflag:$0x5] =	stream.linear.gather [hbm4b:s22+s7], $0xE0, $0x38;
	[tilespmem:$0x1E600] =	vst v63  }
0x112: {  	_ =	swait.ge [sflag:s1], $0xE0  }
0x113: {  	[sflag:s1] =	ssyncset.done $0x0  }
0x114: {  	[sflag:s1] =	ssyncadd.s32 $0xFFFFFF20  }
0x115: {  	s25 =	rddreg [dreg:$0x3]  }
0x116: {  	[tilespmem:s13], [sflag:$0x5] =	stream.linear.gather [hbm4b:s25+s7], $0xE0, $0x38;
	[tilespmem:$0x1E600] =	vst v63  }
0x117: {  	_ =	swait.ge [sflag:s1], $0xE0  }
0x118: {  	v2 =	vld [tilespmem:$0x1FFE0];
	_ =	sdelay $0x5  }
0x119: {  	[sflag:s1] =	ssyncset.done $0x0  }
0x11a: {  	[sflag:s1] =	ssyncadd.s32 $0xFFFFFF20  }
0x11b: {  	v21 =	vld.idx.msk [tilespmem:v2+s7+$0x0], $0xffff  }
0x11c: {  	v2 =	vld [tilespmem:$0x1FFF0];
	_ =	sdelay $0x3  }
0x11d: {  	v20 =	vld.idx.msk [tilespmem:v7+s7+$0x0], $0xffff  }
0x11e: {  	v26 =	vld.idx.msk [tilespmem:v16+s12+$0x0], $0xffff  }
0x11f: {  	v27 =	vld.idx.msk [tilespmem:v9+s13+$0x0], $0xffff  }
0x120: {  	v23 =	vld.idx.msk [tilespmem:v10+s7+$0x0], $0xffff  }
0x121: {  	v22 =	vld.idx.msk [tilespmem:v2+s7+$0x0], $0xffff;
	_ =	sdelay $0x2  }
0x122: {  	v24 =	vld.idx.msk [tilespmem:v8+s7+$0x0], $0xffff  }
0x123: {  	v25 =	vld.idx.msk [tilespmem:v15+s7+$0x0], $0xffff;
	v28 =	vmul.f32 v26, v20;
	v29 =	vmul.f32 v27, v21  }
0x124: {  	v27 =	vmul.f32 v27, v23;
	v26 =	vmul.f32 v26, v22  }
0x125: {  	v28 =	vadd.f32 v29, v28  }
0x126: {  	v26 =	vadd.f32 v27, v26  }
0x127: {  	v27 =	vadd.f32 v28, v24  }
0x128: {  	v26 =	vadd.f32 v26, v25  }
0x129: {  	v27 =	vadd.f32 $1.000000000e+00, v27  }
0x12a: {  	v26 =	vadd.f32 $1.000000000e+00, v26  }
0x12b: {  	v27 =	vmul.f32 $2.240000000e+02, v27  }
0x12c: {  	v26 =	vmul.f32 $2.240000000e+02, v26  }
0x12d: {  	v27 =	vadd.f32 $-1.000000000e+00, v27  }
0x12e: {  	v26 =	vadd.f32 $-1.000000000e+00, v26  }
0x12f: {  	v27 =	vmul.f32 $5.000000000e-01, v27  }
0x130: {  	v26 =	vmul.f32 $5.000000000e-01, v26  }
0x131: {  	v27 =	vmax.f32 v27, $-4.000000000e+00  }
0x132: {  	v27 =	vmin.f32 v27, $2.280000000e+02;
	v26 =	vmax.f32 v26, $-4.000000000e+00  }
0x133: {  	v49 =	vtrunc.f32 v27;
	v26 =	vmin.f32 v26, $2.280000000e+02  }
0x134: {  	v28 =	vcvt.f32.s32 v49;
	v50 =	vtrunc.f32 v26  }
0x135: {  	v29 =	vcvt.f32.s32 v50  }
0x136: {  	v28 =	vcvt.s32.f32 v28  }
0x137: {  	v29 =	vcvt.s32.f32 v29  }
0x138: {  	v30 =	vadd.f32 $-1.000000000e+00, v28  }
0x139: {  	vm9 =	vlt.f32 v27, v28;
	v31 =	vadd.f32 $-1.000000000e+00, v29  }
0x13a: {  	vm10 =	vlt.f32 v26, v29;
	v28 =	vsel vm9, v30, v28  }
0x13b: {  	v30 =	vadd.f32 $1.000000000e+00, v28;
	v29 =	vsel vm10, v31, v29  }
0x13c: {  	v31 =	vadd.f32 $1.000000000e+00, v29  }
0x13d: {  	v30 =	vsub.f32 v30, v27  }
0x13e: {  	v31 =	vsub.f32 v31, v26;
	v26 =	vsub.f32 v26, v29;
	v29 =	vtrunc.f32 v29  }
0x13f: {  	v27 =	vsub.f32 v27, v28;
	v28 =	vtrunc.f32 v28;
	v29 =	vcvt.f32.s32 v29  }
0x140: {  	v28 =	vcvt.f32.s32 v28;
	v32 =	vmul.f32 v31, v30  }
0x141: {  	v30 =	vmul.f32 v30, v26;
	vm9 =	vgt.s32 v29, $0x0;
	v33 =	vadd.s32 $0x1, v29  }
0x142: {  	v31 =	vmul.f32 v31, v27;
	v29 =	vnsel vm9, $0x0, v29;
	vm9 =	vgt.s32 v33, $0x0  }
0x143: {  	v26 =	vmul.f32 v26, v27;
	v27 =	vmin.u32 v29, $0xDF;
	v51 =	vnsel vm9, $0x0, v33  }
0x144: {  	[tilespmem:$0x400] =	vst v32;
	vm9 =	vgt.s32 v28, $0x0;
	v29 =	vmin.u32 v51, $0xDF;
	v27 =	vmul.u32 $0xE0, v27  }
0x145: {  	[tilespmem:$0x440] =	vst v30;
	v52 =	vnsel vm9, $0x0, v28;
	v28 =	vadd.s32 $0x1, v28;
	v29 =	vmul.u32 $0xE0, v29  }
0x146: {  	[tilespmem:$0x480] =	vst v31;
	v30 =	vmin.u32 v52, $0xDF;
	vm9 =	vgt.s32 v28, $0x0;
	v27 =	vadd.s32 v1, v27  }
0x147: {  	[tilespmem:$0x4C0] =	vst v26;
	v26 =	vnsel vm9, $0x0, v28;
	v53 =	vadd.s32 v1, v29;
	v54 =	vadd.s32 v30, v27  }
0x148: {  	v26 =	vmin.u32 v26, $0xDF;
	[tilespmem:$0x200] =	vst v54;
	v55 =	vadd.s32 v30, v53  }
0x149: {  	v27 =	vadd.s32 v26, v27;
	[tilespmem:$0x240] =	vst v55  }
0x14a: {  	v26 =	vadd.s32 v26, v53;
	[tilespmem:$0x280] =	vst v27  }
0x14b: {  	[tilespmem:$0x2C0] =	vst v26  }
0x14c: {  	v26 =	vld.idx.msk [tilespmem:v17+s12+$0x0], $0xffff  }
0x14d: {  	v27 =	vld.idx.msk [tilespmem:v11+s13+$0x0], $0xffff;
	_ =	sdelay $0x4  }
0x14e: {  	v56 =	vmul.f32 v26, v20;
	v57 =	vmul.f32 v27, v21  }
0x14f: {  	v26 =	vmul.f32 v26, v22;
	v27 =	vmul.f32 v27, v23  }
0x150: {  	v28 =	vadd.f32 v57, v56  }
0x151: {  	v26 =	vadd.f32 v27, v26  }
0x152: {  	v27 =	vadd.f32 v28, v24  }
0x153: {  	v26 =	vadd.f32 v26, v25  }
0x154: {  	v27 =	vadd.f32 $1.000000000e+00, v27  }
0x155: {  	v26 =	vadd.f32 $1.000000000e+00, v26  }
0x156: {  	v27 =	vmul.f32 $2.240000000e+02, v27  }
0x157: {  	v26 =	vmul.f32 $2.240000000e+02, v26  }
0x158: {  	v27 =	vadd.f32 $-1.000000000e+00, v27  }
0x159: {  	v26 =	vadd.f32 $-1.000000000e+00, v26  }
0x15a: {  	v27 =	vmul.f32 $5.000000000e-01, v27  }
0x15b: {  	v26 =	vmul.f32 $5.000000000e-01, v26  }
0x15c: {  	v27 =	vmax.f32 v27, $-4.000000000e+00  }
0x15d: {  	v26 =	vmax.f32 v26, $-4.000000000e+00;
	v27 =	vmin.f32 v27, $2.280000000e+02  }
0x15e: {  	v26 =	vmin.f32 v26, $2.280000000e+02;
	v58 =	vtrunc.f32 v27  }
0x15f: {  	v59 =	vtrunc.f32 v26;
	v28 =	vcvt.f32.s32 v58  }
0x160: {  	v29 =	vcvt.f32.s32 v59  }
0x161: {  	v28 =	vcvt.s32.f32 v28  }
0x162: {  	v29 =	vcvt.s32.f32 v29  }
0x163: {  	v60 =	vadd.f32 $-1.000000000e+00, v28  }
0x164: {  	v61 =	vadd.f32 $-1.000000000e+00, v29;
	vm9 =	vlt.f32 v27, v28  }
0x165: {  	vm10 =	vlt.f32 v26, v29;
	v28 =	vsel vm9, v60, v28  }
0x166: {  	v29 =	vsel vm10, v61, v29;
	v30 =	vadd.f32 $1.000000000e+00, v28  }
0x167: {  	v31 =	vadd.f32 $1.000000000e+00, v29  }
0x168: {  	v30 =	vsub.f32 v30, v27  }
0x169: {  	v31 =	vsub.f32 v31, v26;
	v26 =	vsub.f32 v26, v29;
	v29 =	vtrunc.f32 v29  }
0x16a: {  	v27 =	vsub.f32 v27, v28;
	v28 =	vtrunc.f32 v28;
	v29 =	vcvt.f32.s32 v29  }
0x16b: {  	v28 =	vcvt.f32.s32 v28;
	v62 =	vmul.f32 v31, v30  }
0x16c: {  	v30 =	vmul.f32 v30, v26;
	vm9 =	vgt.s32 v29, $0x0;
	v63 =	vadd.s32 $0x1, v29  }
0x16d: {  	v31 =	vmul.f32 v31, v27;
	v29 =	vnsel vm9, $0x0, v29;
	vm9 =	vgt.s32 v63, $0x0  }
0x16e: {  	v26 =	vmul.f32 v26, v27;
	v27 =	vmin.u32 v29, $0xDF;
	v34 =	vnsel vm9, $0x0, v63  }
0x16f: {  	[tilespmem:$0x410] =	vst v62;
	vm9 =	vgt.s32 v28, $0x0;
	v29 =	vmin.u32 v34, $0xDF;
	v27 =	vmul.u32 $0xE0, v27  }
0x170: {  	[tilespmem:$0x450] =	vst v30;
	v35 =	vnsel vm9, $0x0, v28;
	v28 =	vadd.s32 $0x1, v28;
	v29 =	vmul.u32 $0xE0, v29  }
0x171: {  	[tilespmem:$0x490] =	vst v31;
	v30 =	vmin.u32 v35, $0xDF;
	vm9 =	vgt.s32 v28, $0x0;
	v27 =	vadd.s32 v1, v27  }
0x172: {  	[tilespmem:$0x4D0] =	vst v26;
	v26 =	vnsel vm9, $0x0, v28;
	v36 =	vadd.s32 v1, v29;
	v37 =	vadd.s32 v30, v27  }
0x173: {  	v26 =	vmin.u32 v26, $0xDF;
	[tilespmem:$0x210] =	vst v37;
	v38 =	vadd.s32 v30, v36  }
0x174: {  	v27 =	vadd.s32 v26, v27;
	[tilespmem:$0x250] =	vst v38  }
0x175: {  	v26 =	vadd.s32 v26, v36;
	[tilespmem:$0x290] =	vst v27  }
0x176: {  	[tilespmem:$0x2D0] =	vst v26  }
0x177: {  	v26 =	vld.idx.msk [tilespmem:v18+s12+$0x0], $0xffff  }
0x178: {  	v27 =	vld.idx.msk [tilespmem:v12+s13+$0x0], $0xffff;
	_ =	sdelay $0x4  }
0x179: {  	v39 =	vmul.f32 v26, v20;
	v40 =	vmul.f32 v27, v21  }
0x17a: {  	v26 =	vmul.f32 v26, v22;
	v27 =	vmul.f32 v27, v23  }
0x17b: {  	v28 =	vadd.f32 v40, v39  }
0x17c: {  	v26 =	vadd.f32 v27, v26  }
0x17d: {  	v27 =	vadd.f32 v28, v24  }
0x17e: {  	v26 =	vadd.f32 v26, v25  }
0x17f: {  	v27 =	vadd.f32 $1.000000000e+00, v27  }
0x180: {  	v26 =	vadd.f32 $1.000000000e+00, v26  }
0x181: {  	v27 =	vmul.f32 $2.240000000e+02, v27  }
0x182: {  	v26 =	vmul.f32 $2.240000000e+02, v26  }
0x183: {  	v27 =	vadd.f32 $-1.000000000e+00, v27  }
0x184: {  	v26 =	vadd.f32 $-1.000000000e+00, v26  }
0x185: {  	v27 =	vmul.f32 $5.000000000e-01, v27  }
0x186: {  	v26 =	vmul.f32 $5.000000000e-01, v26  }
0x187: {  	v27 =	vmax.f32 v27, $-4.000000000e+00  }
0x188: {  	v26 =	vmax.f32 v26, $-4.000000000e+00;
	v27 =	vmin.f32 v27, $2.280000000e+02  }
0x189: {  	v26 =	vmin.f32 v26, $2.280000000e+02;
	v41 =	vtrunc.f32 v27  }
0x18a: {  	v42 =	vtrunc.f32 v26;
	v28 =	vcvt.f32.s32 v41  }
0x18b: {  	v29 =	vcvt.f32.s32 v42  }
0x18c: {  	v28 =	vcvt.s32.f32 v28  }
0x18d: {  	v29 =	vcvt.s32.f32 v29  }
0x18e: {  	v43 =	vadd.f32 $-1.000000000e+00, v28  }
0x18f: {  	v44 =	vadd.f32 $-1.000000000e+00, v29;
	vm9 =	vlt.f32 v27, v28  }
0x190: {  	vm10 =	vlt.f32 v26, v29;
	v28 =	vsel vm9, v43, v28  }
0x191: {  	v29 =	vsel vm10, v44, v29;
	v30 =	vadd.f32 $1.000000000e+00, v28  }
0x192: {  	v31 =	vadd.f32 $1.000000000e+00, v29  }
0x193: {  	v30 =	vsub.f32 v30, v27  }
0x194: {  	v31 =	vsub.f32 v31, v26;
	v26 =	vsub.f32 v26, v29;
	v29 =	vtrunc.f32 v29  }
0x195: {  	v27 =	vsub.f32 v27, v28;
	v28 =	vtrunc.f32 v28;
	v29 =	vcvt.f32.s32 v29  }
0x196: {  	v28 =	vcvt.f32.s32 v28;
	v45 =	vmul.f32 v31, v30  }
0x197: {  	v30 =	vmul.f32 v30, v26;
	vm9 =	vgt.s32 v29, $0x0;
	v46 =	vadd.s32 $0x1, v29  }
0x198: {  	v31 =	vmul.f32 v31, v27;
	v29 =	vnsel vm9, $0x0, v29;
	vm9 =	vgt.s32 v46, $0x0  }
0x199: {  	v26 =	vmul.f32 v26, v27;
	v27 =	vmin.u32 v29, $0xDF;
	v47 =	vnsel vm9, $0x0, v46  }
0x19a: {  	[tilespmem:$0x420] =	vst v45;
	vm9 =	vgt.s32 v28, $0x0;
	v29 =	vmin.u32 v47, $0xDF;
	v27 =	vmul.u32 $0xE0, v27  }
0x19b: {  	[tilespmem:$0x460] =	vst v30;
	v48 =	vnsel vm9, $0x0, v28;
	v28 =	vadd.s32 $0x1, v28;
	v29 =	vmul.u32 $0xE0, v29  }
0x19c: {  	[tilespmem:$0x4A0] =	vst v31;
	v30 =	vmin.u32 v48, $0xDF;
	vm9 =	vgt.s32 v28, $0x0;
	v27 =	vadd.s32 v1, v27  }
0x19d: {  	[tilespmem:$0x4E0] =	vst v26;
	v26 =	vnsel vm9, $0x0, v28;
	v49 =	vadd.s32 v1, v29;
	v50 =	vadd.s32 v30, v27  }
0x19e: {  	v26 =	vmin.u32 v26, $0xDF;
	[tilespmem:$0x220] =	vst v50;
	v51 =	vadd.s32 v30, v49  }
0x19f: {  	v27 =	vadd.s32 v26, v27;
	[tilespmem:$0x260] =	vst v51  }
0x1a0: {  	v26 =	vadd.s32 v26, v49;
	[tilespmem:$0x2A0] =	vst v27  }
0x1a1: {  	[tilespmem:$0x2E0] =	vst v26  }
0x1a2: {  	v26 =	vld.idx.msk [tilespmem:v19+s12+$0x0], $0xffff  }
0x1a3: {  	v27 =	vld.idx.msk [tilespmem:v13+s13+$0x0], $0xffff;
	_ =	sdelay $0x4  }
0x1a4: {  	v52 =	vmul.f32 v26, v20;
	v53 =	vmul.f32 v27, v21  }
0x1a5: {  	v26 =	vmul.f32 v26, v22;
	v27 =	vmul.f32 v27, v23  }
0x1a6: {  	v28 =	vadd.f32 v53, v52  }
0x1a7: {  	v26 =	vadd.f32 v27, v26  }
0x1a8: {  	v27 =	vadd.f32 v28, v24  }
0x1a9: {  	v26 =	vadd.f32 v26, v25  }
0x1aa: {  	v27 =	vadd.f32 $1.000000000e+00, v27  }
0x1ab: {  	v26 =	vadd.f32 $1.000000000e+00, v26  }
0x1ac: {  	v27 =	vmul.f32 $2.240000000e+02, v27  }
0x1ad: {  	v26 =	vmul.f32 $2.240000000e+02, v26  }
0x1ae: {  	v27 =	vadd.f32 $-1.000000000e+00, v27  }
0x1af: {  	v26 =	vadd.f32 $-1.000000000e+00, v26  }
0x1b0: {  	v27 =	vmul.f32 $5.000000000e-01, v27  }
0x1b1: {  	v26 =	vmul.f32 $5.000000000e-01, v26  }
0x1b2: {  	v27 =	vmax.f32 v27, $-4.000000000e+00  }
0x1b3: {  	v26 =	vmax.f32 v26, $-4.000000000e+00;
	v27 =	vmin.f32 v27, $2.280000000e+02  }
0x1b4: {  	v26 =	vmin.f32 v26, $2.280000000e+02;
	v54 =	vtrunc.f32 v27  }
0x1b5: {  	v55 =	vtrunc.f32 v26;
	v28 =	vcvt.f32.s32 v54  }
0x1b6: {  	v29 =	vcvt.f32.s32 v55  }
0x1b7: {  	v28 =	vcvt.s32.f32 v28  }
0x1b8: {  	v29 =	vcvt.s32.f32 v29  }
0x1b9: {  	v56 =	vadd.f32 $-1.000000000e+00, v28  }
0x1ba: {  	v57 =	vadd.f32 $-1.000000000e+00, v29;
	vm9 =	vlt.f32 v27, v28  }
0x1bb: {  	vm10 =	vlt.f32 v26, v29;
	v28 =	vsel vm9, v56, v28  }
0x1bc: {  	v29 =	vsel vm10, v57, v29;
	v30 =	vadd.f32 $1.000000000e+00, v28  }
0x1bd: {  	v31 =	vadd.f32 $1.000000000e+00, v29  }
0x1be: {  	v30 =	vsub.f32 v30, v27  }
0x1bf: {  	v31 =	vsub.f32 v31, v26;
	v26 =	vsub.f32 v26, v29;
	v29 =	vtrunc.f32 v29  }
0x1c0: {  	v27 =	vsub.f32 v27, v28;
	v28 =	vtrunc.f32 v28;
	v29 =	vcvt.f32.s32 v29  }
0x1c1: {  	v28 =	vcvt.f32.s32 v28;
	v58 =	vmul.f32 v31, v30  }
0x1c2: {  	v30 =	vmul.f32 v30, v26;
	vm9 =	vgt.s32 v29, $0x0;
	v59 =	vadd.s32 $0x1, v29  }
0x1c3: {  	v31 =	vmul.f32 v31, v27;
	v29 =	vnsel vm9, $0x0, v29;
	vm9 =	vgt.s32 v59, $0x0  }
0x1c4: {  	v26 =	vmul.f32 v26, v27;
	v27 =	vnsel vm9, $0x0, v59;
	v29 =	vmin.u32 v29, $0xDF  }
0x1c5: {  	[tilespmem:$0x430] =	vst v58;
	vm9 =	vgt.s32 v28, $0x0;
	v27 =	vmin.u32 v27, $0xDF;
	v29 =	vmul.u32 $0xE0, v29  }
0x1c6: {  	[tilespmem:$0x470] =	vst v30;
	v60 =	vnsel vm9, $0x0, v28;
	v28 =	vadd.s32 $0x1, v28;
	v27 =	vmul.u32 $0xE0, v27  }
0x1c7: {  	[tilespmem:$0x4B0] =	vst v31;
	v30 =	vmin.u32 v60, $0xDF;
	vm9 =	vgt.s32 v28, $0x0;
	v29 =	vadd.s32 v1, v29  }
0x1c8: {  	[tilespmem:$0x4F0] =	vst v26;
	v26 =	vnsel vm9, $0x0, v28;
	v27 =	vadd.s32 v1, v27;
	v61 =	vadd.s32 v30, v29  }
0x1c9: {  	v26 =	vmin.u32 v26, $0xDF;
	[tilespmem:$0x230] =	vst v61;
	v62 =	vadd.s32 v30, v27  }
0x1ca: {  	v63 =	vadd.s32 v26, v29;
	[tilespmem:$0x270] =	vst v62  }
0x1cb: {  	v26 =	vadd.s32 v26, v27;
	[tilespmem:$0x2B0] =	vst v63  }
0x1cc: {  	s28 =	simm.s32 $0x200;
	s29 =	simm.s32 $0x600;
	[tilespmem:$0x2F0] =	vst v26  }
0x1cd: {  	[tilespmem:s29], [sflag:$0x1] =	stream.indirect.gather [hbm4b:s8+s14], $0xC0, s28, s14, $0xb8;
	[tilespmem:$0x1E600] =	vst v63  }
0x1ce: {  	s30 =	simm.s32 $0x280;
	s31 =	simm.s32 $0x6600;
	s3 =	simm.s32 $0x0  }
0x1cf: {  	[tilespmem:s31], [sflag:$0x1] =	stream.indirect.gather [hbm4b:s8+s14], $0xC0, s30, s14, $0xb8;
	[tilespmem:$0x1E600] =	vst v63  }
.LBB2_2:
0x1d0: {  	s1 =	sshll.u32 s3, $0x7  }
0x1d1: {  	s2 =	sadd.s32 s5, s1  }
0x1d2: {  	s0 =	sadd.s32 $0x40, s2  }
0x1d3: {  	v26 =	vor.u32 s0, v0  }
0x1d4: {  	v26 =	vsub.s32 v26, v1  }
0x1d5: {  	(v2sf) =	vpush v26, $0xD;
	_ =	sdelay $0x1  }
0x1d6: {  	(v2sf) =	vpush v26, $0xC;
	_ =	sdelay $0x1  }
0x1d7: {  	(v2sf) =	vpush v26, $0xE;
	_ =	sdelay $0x1  }
0x1d8: {  	(v2sf) =	vpush v26, $0xF;
	_ =	sdelay $0x1  }
0x1d9: {  	(v2sf) =	vpush v26, $0x9;
	_ =	sdelay $0x1  }
0x1da: {  	(v2sf) =	vpush v26, $0x8;
	_ =	sdelay $0x1  }
0x1db: {  	(v2sf) =	vpush v26, $0xA;
	_ =	sdelay $0x1  }
0x1dc: {  	(v2sf) =	vpush v26, $0xB  }
0x1dd: {  	s4 =	spop (v2sf)  }
0x1de: {  	(v2sf) =	vpush v26, $0x1;
	s10 =	smulhi.u32 $0x92492493, s4;
	s11 =	sshra.s32 s4, $0x1F  }
0x1df: {  	s15 =	spop (v2sf);
	s11 =	smul.u32 $0x92492493, s11  }
0x1e0: {  	(v2sf) =	vpush v26, $0x0;
	s16 =	smulhi.u32 $0x92492493, s15;
	s29 =	sshra.s32 s15, $0x1F  }
0x1e1: {  	s30 =	spop (v2sf);
	s29 =	smul.u32 $0x92492493, s29  }
0x1e2: {  	(v2sf) =	vpush v26, $0x2;
	s4 =	ssub.s32 s10, s4;
	s6 =	smulhi.u32 $0x92492493, s30;
	s31 =	sshra.s32 s30, $0x1F  }
0x1e3: {  	s19 =	spop (v2sf);
	s4 =	sadd.s32 s11, s4;
	s9 =	smul.u32 $0x92492493, s31  }
0x1e4: {  	(v2sf) =	vpush v26, $0x3;
	s15 =	ssub.s32 s16, s15;
	s20 =	smulhi.u32 $0x92492493, s19;
	s17 =	sshra.s32 s19, $0x1F  }
0x1e5: {  	s22 =	spop (v2sf);
	s29 =	sadd.s32 s29, s15;
	s21 =	smul.u32 $0x92492493, s17  }
0x1e6: {  	(v2sf) =	vpush v26, $0x4;
	s10 =	ssub.s32 s6, s30;
	s25 =	smulhi.u32 $0x92492493, s22;
	s18 =	sshra.s32 s22, $0x1F  }
0x1e7: {  	s10 =	sadd.s32 s9, s10;
	s18 =	smul.u32 $0x92492493, s18;
	s9 =	spop (v2sf)  }
0x1e8: {  	s19 =	ssub.s32 s20, s19;
	(v2sf) =	vpush v26, $0x5;
	s20 =	smulhi.u32 $0x92492493, s9;
	s28 =	sshra.s32 s9, $0x1F  }
0x1e9: {  	s11 =	sadd.s32 s21, s19;
	s21 =	spop (v2sf);
	s6 =	smul.u32 $0x92492493, s28  }
0x1ea: {  	s17 =	ssub.s32 s25, s22;
	(v2sf) =	vpush v26, $0x6;
	s25 =	smulhi.u32 $0x92492493, s21;
	s19 =	sshra.s32 s21, $0x1F  }
0x1eb: {  	s17 =	sadd.s32 s18, s17;
	s22 =	spop (v2sf);
	s19 =	smul.u32 $0x92492493, s19  }
0x1ec: {  	(v2sf) =	vpush v26, $0x7;
	s9 =	ssub.s32 s20, s9;
	s28 =	smulhi.u32 $0x92492493, s22;
	s20 =	sshra.s32 s22, $0x1F  }
0x1ed: {  	s9 =	sadd.s32 s6, s9;
	s20 =	smul.u32 $0x92492493, s20;
	s6 =	spop (v2sf)  }
0x1ee: {  	s30 =	ssub.s32 s25, s21;
	s25 =	smulhi.u32 $0x92492493, s6;
	s21 =	sshra.s32 s6, $0x1F  }
0x1ef: {  	s18 =	sadd.s32 s19, s30;
	s30 =	spop (v2sf);
	s21 =	smul.u32 $0x92492493, s21  }
0x1f0: {  	s16 =	ssub.s32 s28, s22;
	s28 =	smulhi.u32 $0x92492493, s30;
	s22 =	sshra.s32 s30, $0x1F  }
0x1f1: {  	s15 =	sadd.s32 s20, s16;
	s16 =	smul.u32 $0x92492493, s22;
	s22 =	spop (v2sf)  }
0x1f2: {  	s20 =	ssub.s32 s25, s6;
	s6 =	smulhi.u32 $0x92492493, s22;
	s25 =	sshra.s32 s22, $0x1F  }
0x1f3: {  	s20 =	sadd.s32 s21, s20;
	s21 =	smul.u32 $0x92492493, s25;
	s25 =	spop (v2sf)  }
0x1f4: {  	s19 =	ssub.s32 s28, s30;
	s30 =	smulhi.u32 $0x92492493, s25;
	s28 =	sshra.s32 s25, $0x1F  }
0x1f5: {  	s16 =	sadd.s32 s16, s19;
	s19 =	smul.u32 $0x92492493, s28;
	s28 =	spop (v2sf)  }
0x1f6: {  	s22 =	ssub.s32 s6, s22;
	s31 =	smulhi.u32 $0x92492493, s28;
	s6 =	sshra.s32 s28, $0x1F  }
0x1f7: {  	s21 =	sadd.s32 s21, s22;
	s22 =	spop (v2sf);
	s6 =	smul.u32 $0x92492493, s6  }
0x1f8: {  	v27 =	vmov s16;
	s16 =	ssub.s32 s30, s25;
	s25 =	smulhi.u32 $0x92492493, s22;
	s30 =	sshra.s32 s22, $0x1F  }
0x1f9: {  	v27 =	vnsel vm4, $0x0, v27;
	s16 =	sadd.s32 s19, s16;
	s19 =	smul.u32 $0x92492493, s30;
	s30 =	spop (v2sf)  }
0x1fa: {  	v27 =	vsel vm0, s20, v27;
	s20 =	ssub.s32 s31, s28;
	s28 =	smulhi.u32 $0x92492493, s30;
	s31 =	sshra.s32 s30, $0x1F  }
0x1fb: {  	v28 =	vmov s29;
	v29 =	vmov s9;
	v27 =	vsel vm1, s21, v27;
	s6 =	sadd.s32 s6, s20;
	s20 =	smul.u32 $0x92492493, s31;
	s31 =	spop (v2sf)  }
0x1fc: {  	v28 =	vsel vm0, s4, v28;
	v29 =	vsel vm0, s17, v29;
	v27 =	vsel vm2, s16, v27;
	s21 =	ssub.s32 s25, s22;
	s22 =	smulhi.u32 $0x92492493, s31;
	s25 =	sshra.s32 s31, $0x1F  }
0x1fd: {  	v28 =	vsel vm1, s10, v28;
	v29 =	vsel vm1, s18, v29;
	v27 =	vsel vm5, s6, v27;
	s4 =	sadd.s32 s19, s21;
	s28 =	ssub.s32 s28, s30;
	s29 =	smul.u32 $0x92492493, s25  }
0x1fe: {  	v28 =	vsel vm2, s11, v28;
	v29 =	vsel vm2, s15, v29;
	v27 =	vsel vm6, s4, v27;
	s30 =	sadd.s32 s20, s28;
	s31 =	ssub.s32 s22, s31  }
0x1ff: {  	v28 =	vcombine.low v29, v28;
	v27 =	vsel vm7, s30, v27;
	s9 =	sadd.s32 s29, s31  }
0x200: {  	v27 =	vsel vm8, s9, v27  }
0x201: {  	v28 =	vperm.xlane v28, v4;
	v27 =	vperm.xlane v27, v5;
	_ =	sdelay $0x1  }
0x202: {  	v27 =	vsel vm3, v27, v28  }
0x203: {  	v27 =	vadd.s32 v26, v27  }
0x204: {  	v28 =	vshrl.u32 v27, $0x1F;
	v27 =	vshra.s32 v27, $0x7  }
0x205: {  	v27 =	vadd.s32 v28, v27  }
0x206: {  	v28 =	vmul.u32 $0xFFFFFF20, v27  }
0x207: {  	v29 =	vsub.s32 $0x0, v26  }
0x208: {  	vm9 =	vgt.s32 v6, v26;
	vm10 =	vne.s32 v28, v29  }
0x209: {  	vm9 =	vmand vm9, vm10  }
0x20a: {  	v28 =	vsel vm9, $0xFFFFFFFF, v6  }
0x20b: {  	v27 =	vadd.s32 v28, v27  }
0x20c: {  	s10 =	sadd.s32 $0x50, s2;
	v29 =	vmul.u32 $0xFFFFFF20, v27  }
0x20d: {  	v28 =	vor.u32 s10, v0  }
0x20e: {  	v26 =	vadd.s32 v26, v29;
	v29 =	vsub.s32 v28, v1  }
0x20f: {  	(v2sf) =	vpush v29, $0xD;
	_ =	sdelay $0x1  }
0x210: {  	v26 =	vand.u32 $0xFFFFFFF8, v26;
	(v2sf) =	vpush v29, $0xC  }
0x211: {  	v26 =	vor.u32 v14, v26  }
0x212: {  	(v2sf) =	vpush v29, $0xE;
	_ =	sdelay $0x1  }
0x213: {  	(v2sf) =	vpush v29, $0xF  }
0x214: {  	v27 =	vld.idx.msk [tilespmem:v27+s13+$0x0], $0xffff  }
0x215: {  	(v2sf) =	vpush v29, $0x9;
	v26 =	vld.idx.msk [tilespmem:v26+s12+$0x0], $0xffff;
	_ =	sdelay $0x1  }
0x216: {  	(v2sf) =	vpush v29, $0x8;
	_ =	sdelay $0x1  }
0x217: {  	(v2sf) =	vpush v29, $0xA  }
0x218: {  	v31 =	vmul.f32 v27, v21;
	v30 =	vmul.f32 v26, v20  }
0x219: {  	v27 =	vmul.f32 v27, v23;
	(v2sf) =	vpush v29, $0xB;
	v26 =	vmul.f32 v26, v22  }
0x21a: {  	v30 =	vadd.f32 v31, v30;
	s11 =	spop (v2sf)  }
0x21b: {  	(v2sf) =	vpush v29, $0x1;
	v26 =	vadd.f32 v27, v26;
	s16 =	smulhi.u32 $0x92492493, s11;
	s17 =	sshra.s32 s11, $0x1F  }
0x21c: {  	v27 =	vadd.f32 v30, v24;
	s18 =	spop (v2sf);
	s9 =	smul.u32 $0x92492493, s17  }
0x21d: {  	v26 =	vadd.f32 v26, v25;
	(v2sf) =	vpush v29, $0x0;
	s19 =	smulhi.u32 $0x92492493, s18;
	s20 =	sshra.s32 s18, $0x1F  }
0x21e: {  	(v2sf) =	vpush v29, $0x2;
	s21 =	spop (v2sf);
	s15 =	smul.u32 $0x92492493, s20  }
0x21f: {  	v27 =	vadd.f32 $1.000000000e+00, v27;
	v26 =	vadd.f32 $1.000000000e+00, v26;
	s4 =	ssub.s32 s16, s11;
	s22 =	smulhi.u32 $0x92492493, s21;
	s25 =	sshra.s32 s21, $0x1F  }
0x220: {  	s30 =	spop (v2sf);
	s4 =	sadd.s32 s9, s4;
	s28 =	smul.u32 $0x92492493, s25  }
0x221: {  	(v2sf) =	vpush v29, $0x3;
	v27 =	vmul.f32 $2.240000000e+02, v27;
	v26 =	vmul.f32 $2.240000000e+02, v26;
	s10 =	ssub.s32 s19, s18;
	s31 =	smulhi.u32 $0x92492493, s30;
	s19 =	sshra.s32 s30, $0x1F  }
0x222: {  	(v2sf) =	vpush v29, $0x4;
	s18 =	spop (v2sf);
	s29 =	sadd.s32 s15, s10;
	s20 =	smul.u32 $0x92492493, s19  }
0x223: {  	s6 =	ssub.s32 s22, s21;
	s21 =	smulhi.u32 $0x92492493, s18;
	s22 =	sshra.s32 s18, $0x1F;
	v27 =	vadd.f32 $-1.000000000e+00, v27;
	v26 =	vadd.f32 $-1.000000000e+00, v26  }
0x224: {  	s9 =	spop (v2sf);
	s10 =	sadd.s32 s28, s6;
	s25 =	smul.u32 $0x92492493, s22  }
0x225: {  	(v2sf) =	vpush v29, $0x5;
	s11 =	ssub.s32 s31, s30;
	s28 =	smulhi.u32 $0x92492493, s9;
	s31 =	sshra.s32 s9, $0x1F;
	v27 =	vmul.f32 $5.000000000e-01, v27;
	v26 =	vmul.f32 $5.000000000e-01, v26  }
0x226: {  	s19 =	spop (v2sf);
	s30 =	sadd.s32 s20, s11;
	s20 =	smul.u32 $0x92492493, s31  }
0x227: {  	(v2sf) =	vpush v29, $0x6;
	s21 =	ssub.s32 s21, s18;
	s22 =	smulhi.u32 $0x92492493, s19;
	s31 =	sshra.s32 s19, $0x1F;
	v27 =	vmax.f32 v27, $-4.000000000e+00;
	v26 =	vmax.f32 v26, $-4.000000000e+00  }
0x228: {  	s11 =	sadd.s32 s25, s21;
	s18 =	smul.u32 $0x92492493, s31;
	s25 =	spop (v2sf);
	v27 =	vmin.f32 v27, $2.280000000e+02;
	v26 =	vmin.f32 v26, $2.280000000e+02  }
0x229: {  	s9 =	ssub.s32 s28, s9;
	(v2sf) =	vpush v29, $0x7;
	s28 =	smulhi.u32 $0x92492493, s25;
	s21 =	sshra.s32 s25, $0x1F;
	v30 =	vtrunc.f32 v27;
	v31 =	vtrunc.f32 v26  }
0x22a: {  	s15 =	sadd.s32 s20, s9;
	s20 =	spop (v2sf);
	s9 =	smul.u32 $0x92492493, s21;
	v30 =	vcvt.f32.s32 v30;
	v31 =	vcvt.f32.s32 v31  }
0x22b: {  	s16 =	ssub.s32 s22, s19;
	s19 =	smulhi.u32 $0x92492493, s20;
	s22 =	sshra.s32 s20, $0x1F  }
0x22c: {  	s31 =	sadd.s32 s18, s16;
	s6 =	smul.u32 $0x92492493, s22;
	v30 =	vcvt.s32.f32 v30;
	v31 =	vcvt.s32.f32 v31;
	s21 =	spop (v2sf)  }
0x22d: {  	s25 =	ssub.s32 s28, s25;
	s28 =	smulhi.u32 $0x92492493, s21;
	s22 =	sshra.s32 s21, $0x1F  }
0x22e: {  	s16 =	sadd.s32 s9, s25;
	s18 =	spop (v2sf);
	v32 =	vadd.f32 $-1.000000000e+00, v30;
	v33 =	vadd.f32 $-1.000000000e+00, v31;
	s9 =	smul.u32 $0x92492493, s22  }
0x22f: {  	s19 =	ssub.s32 s19, s20;
	vm9 =	vlt.f32 v27, v30;
	vm10 =	vlt.f32 v26, v31;
	s20 =	smulhi.u32 $0x92492493, s18;
	s25 =	sshra.s32 s18, $0x1F  }
0x230: {  	s6 =	sadd.s32 s6, s19;
	s22 =	spop (v2sf);
	s19 =	smul.u32 $0x92492493, s25;
	v30 =	vsel vm9, v32, v30;
	v31 =	vsel vm10, v33, v31  }
0x231: {  	s17 =	ssub.s32 s28, s21;
	s21 =	smulhi.u32 $0x92492493, s22;
	s28 =	sshra.s32 s22, $0x1F;
	v32 =	vadd.f32 $1.000000000e+00, v30;
	v33 =	vadd.f32 $1.000000000e+00, v31  }
0x232: {  	s25 =	spop (v2sf);
	s9 =	sadd.s32 s9, s17;
	s17 =	smul.u32 $0x92492493, s28  }
0x233: {  	s18 =	ssub.s32 s20, s18;
	s20 =	smulhi.u32 $0x92492493, s25;
	s28 =	sshra.s32 s25, $0x1F;
	v32 =	vsub.f32 v32, v27;
	v33 =	vsub.f32 v33, v26  }
0x234: {  	s18 =	sadd.s32 s19, s18;
	s19 =	smul.u32 $0x92492493, s28;
	s28 =	spop (v2sf);
	v26 =	vsub.f32 v26, v31;
	v27 =	vsub.f32 v27, v30  }
0x235: {  	v35 =	vmov s9;
	s9 =	ssub.s32 s21, s22;
	s21 =	smulhi.u32 $0x92492493, s28;
	s22 =	sshra.s32 s28, $0x1F;
	v34 =	vmul.f32 v33, v32  }
0x236: {  	s9 =	sadd.s32 s17, s9;
	s17 =	smul.u32 $0x92492493, s22;
	s22 =	spop (v2sf);
	v32 =	vmul.f32 v32, v26;
	v36 =	vmul.f32 v26, v27;
	v26 =	vnsel vm4, $0x0, v35  }
0x237: {  	v62 =	vmov s15;
	v33 =	vmul.f32 v33, v27;
	v26 =	vsel vm0, s6, v26;
	s6 =	ssub.s32 s20, s25;
	s20 =	smulhi.u32 $0x92492493, s22;
	s25 =	sshra.s32 s22, $0x1F  }
0x238: {  	v27 =	vtrunc.f32 v31;
	v31 =	vmov s29;
	v26 =	vsel vm1, s18, v26;
	s6 =	sadd.s32 s19, s6;
	s15 =	smul.u32 $0x92492493, s25;
	s18 =	spop (v2sf)  }
0x239: {  	v31 =	vsel vm0, s4, v31;
	s19 =	ssub.s32 s21, s28;
	v26 =	vsel vm2, s9, v26;
	s21 =	smulhi.u32 $0x92492493, s18;
	s25 =	sshra.s32 s18, $0x1F  }
0x23a: {  	v35 =	vsel vm0, s11, v62;
	v31 =	vsel vm1, s10, v31;
	s4 =	sadd.s32 s17, s19;
	s28 =	ssub.s32 s20, s22;
	v26 =	vsel vm5, s6, v26;
	s29 =	smul.u32 $0x92492493, s25  }
0x23b: {  	v35 =	vsel vm1, s31, v35;
	v31 =	vsel vm2, s30, v31;
	s30 =	sadd.s32 s15, s28;
	v26 =	vsel vm6, s4, v26;
	s31 =	ssub.s32 s21, s18  }
0x23c: {  	v26 =	vsel vm7, s30, v26;
	s9 =	sadd.s32 s29, s31  }
0x23d: {  	s10 =	sadd.s32 $0x60, s2;
	v26 =	vsel vm8, s9, v26  }
0x23e: {  	v38 =	vperm.xlane v26, v5;
	v26 =	vor.u32 s10, v0  }
0x23f: {  	v30 =	vtrunc.f32 v30;
	v63 =	vcvt.f32.s32 v27;
	v27 =	vsub.s32 v26, v1  }
0x240: {  	v30 =	vcvt.f32.s32 v30;
	(v2sf) =	vpush v27, $0xD  }
0x241: {  	v35 =	vsel vm2, s16, v35  }
0x242: {  	vm9 =	vgt.s32 v30, $0x0;
	v31 =	vcombine.low v35, v31;
	(v2sf) =	vpush v27, $0xC  }
0x243: {  	v28 =	vand.u32 $0x7, v28;
	v37 =	vnsel vm9, $0x0, v30  }
0x244: {  	vm9 =	vgt.s32 v63, $0x0;
	v31 =	vperm.xlane v31, v4;
	(v2sf) =	vpush v27, $0xE  }
0x245: {  	v44 =	vshra.s32 v29, $0x1F;
	v30 =	vadd.s32 $0x1, v30;
	v39 =	vnsel vm9, $0x0, v63  }
0x246: {  	v35 =	vadd.s32 $0x1, v63;
	v31 =	vsel vm3, v38, v31;
	(v2sf) =	vpush v27, $0xF  }
0x247: {  	vm9 =	vgt.s32 v30, $0x0;
	vm10 =	vgt.s32 v35, $0x0;
	v31 =	vadd.s32 v29, v31  }
0x248: {  	v43 =	vshrl.u32 v31, $0x1F;
	v31 =	vshra.s32 v31, $0x7;
	(v2sf) =	vpush v27, $0x9  }
0x249: {  	v42 =	vmin.u32 v39, $0xDF;
	v35 =	vnsel vm10, $0x0, v35;
	v31 =	vadd.s32 v43, v31  }
0x24a: {  	v45 =	vmin.u32 v35, $0xDF;
	v31 =	vadd.s32 v44, v31;
	(v2sf) =	vpush v27, $0x8  }
0x24b: {  	[tilespmem:$0x500] =	vst v34;
	v34 =	vmul.u32 $0xE0, v45;
	v38 =	vmul.u32 $0xE0, v42;
	v39 =	vmul.u32 $0xFFFFFF20, v31  }
0x24c: {  	[tilespmem:$0x540] =	vst v32;
	v37 =	vmin.u32 v37, $0xDF;
	v30 =	vnsel vm9, $0x0, v30;
	(v2sf) =	vpush v27, $0xA  }
0x24d: {  	[tilespmem:$0x580] =	vst v33;
	v47 =	vadd.s32 v1, v34;
	v46 =	vadd.s32 v1, v38;
	v29 =	vadd.s32 v29, v39  }
0x24e: {  	[tilespmem:$0x5C0] =	vst v36;
	v48 =	vadd.s32 v37, v46;
	(v2sf) =	vpush v27, $0xB;
	v29 =	vand.u32 $0xFFFFFFF8, v29  }
0x24f: {  	[tilespmem:$0x300] =	vst v48;
	v28 =	vor.u32 v28, v29;
	v29 =	vmin.u32 v30, $0xDF;
	v30 =	vadd.s32 v37, v47;
	s11 =	spop (v2sf)  }
0x250: {  	(v2sf) =	vpush v27, $0x1;
	[tilespmem:$0x340] =	vst v30;
	v30 =	vadd.s32 v29, v46;
	s16 =	smulhi.u32 $0x92492493, s11;
	s17 =	sshra.s32 s11, $0x1F  }
0x251: {  	v29 =	vadd.s32 v29, v47;
	[tilespmem:$0x380] =	vst v30;
	s18 =	spop (v2sf);
	s9 =	smul.u32 $0x92492493, s17  }
0x252: {  	[tilespmem:$0x3C0] =	vst v29;
	(v2sf) =	vpush v27, $0x0;
	s22 =	smulhi.u32 $0x92492493, s18;
	s25 =	sshra.s32 s18, $0x1F  }
0x253: {  	v29 =	vld.idx.msk [tilespmem:v31+s13+$0x0], $0xffff;
	s28 =	spop (v2sf);
	s15 =	smul.u32 $0x92492493, s25  }
0x254: {  	v28 =	vld.idx.msk [tilespmem:v28+s12+$0x0], $0xffff;
	(v2sf) =	vpush v27, $0x2;
	s4 =	ssub.s32 s16, s11;
	s19 =	smulhi.u32 $0x92492493, s28;
	s20 =	sshra.s32 s28, $0x1F  }
0x255: {  	s29 =	spop (v2sf);
	s4 =	sadd.s32 s9, s4;
	s21 =	smul.u32 $0x92492493, s20  }
0x256: {  	(v2sf) =	vpush v27, $0x3;
	s10 =	ssub.s32 s22, s18;
	s31 =	smulhi.u32 $0x92492493, s29;
	s22 =	sshra.s32 s29, $0x1F  }
0x257: {  	s18 =	spop (v2sf);
	s30 =	sadd.s32 s15, s10;
	s25 =	smul.u32 $0x92492493, s22  }
0x258: {  	(v2sf) =	vpush v27, $0x4;
	s6 =	ssub.s32 s19, s28;
	s28 =	smulhi.u32 $0x92492493, s18;
	s20 =	sshra.s32 s18, $0x1F  }
0x259: {  	v31 =	vmul.f32 v29, v21;
	v30 =	vmul.f32 v28, v20;
	s9 =	spop (v2sf);
	s10 =	sadd.s32 s21, s6;
	s21 =	smul.u32 $0x92492493, s20  }
0x25a: {  	v29 =	vmul.f32 v29, v23;
	v28 =	vmul.f32 v28, v22;
	(v2sf) =	vpush v27, $0x5;
	s11 =	ssub.s32 s31, s29;
	s22 =	smulhi.u32 $0x92492493, s9;
	s31 =	sshra.s32 s9, $0x1F  }
0x25b: {  	v30 =	vadd.f32 v31, v30;
	s29 =	sadd.s32 s25, s11;
	s19 =	smul.u32 $0x92492493, s31;
	s25 =	spop (v2sf)  }
0x25c: {  	(v2sf) =	vpush v27, $0x6;
	v28 =	vadd.f32 v29, v28;
	s28 =	ssub.s32 s28, s18;
	s31 =	smulhi.u32 $0x92492493, s25;
	s20 =	sshra.s32 s25, $0x1F  }
0x25d: {  	v29 =	vadd.f32 v30, v24;
	s11 =	sadd.s32 s21, s28;
	s18 =	spop (v2sf);
	s21 =	smul.u32 $0x92492493, s20  }
0x25e: {  	v28 =	vadd.f32 v28, v25;
	s9 =	ssub.s32 s22, s9;
	(v2sf) =	vpush v27, $0x7;
	s28 =	smulhi.u32 $0x92492493, s18;
	s22 =	sshra.s32 s18, $0x1F  }
0x25f: {  	s9 =	sadd.s32 s19, s9;
	s20 =	spop (v2sf);
	v29 =	vadd.f32 $1.000000000e+00, v29;
	s15 =	smul.u32 $0x92492493, s22  }
0x260: {  	v28 =	vadd.f32 $1.000000000e+00, v28;
	s16 =	ssub.s32 s31, s25;
	s19 =	smulhi.u32 $0x92492493, s20;
	s25 =	sshra.s32 s20, $0x1F  }
0x261: {  	s31 =	sadd.s32 s21, s16;
	s6 =	smul.u32 $0x92492493, s25;
	v29 =	vmul.f32 $2.240000000e+02, v29;
	s16 =	spop (v2sf)  }
0x262: {  	s17 =	ssub.s32 s28, s18;
	v28 =	vmul.f32 $2.240000000e+02, v28;
	s28 =	smulhi.u32 $0x92492493, s16;
	s22 =	sshra.s32 s16, $0x1F  }
0x263: {  	s15 =	sadd.s32 s15, s17;
	v29 =	vadd.f32 $-1.000000000e+00, v29;
	s21 =	spop (v2sf);
	s17 =	smul.u32 $0x92492493, s22  }
0x264: {  	s19 =	ssub.s32 s19, s20;
	v28 =	vadd.f32 $-1.000000000e+00, v28;
	s20 =	smulhi.u32 $0x92492493, s21;
	s25 =	sshra.s32 s21, $0x1F  }
0x265: {  	v49 =	vmov s30;
	s6 =	sadd.s32 s6, s19;
	v29 =	vmul.f32 $5.000000000e-01, v29;
	s22 =	spop (v2sf);
	s19 =	smul.u32 $0x92492493, s25  }
0x266: {  	v32 =	vsel vm0, s4, v49;
	v28 =	vmul.f32 $5.000000000e-01, v28;
	s16 =	ssub.s32 s28, s16;
	s18 =	smulhi.u32 $0x92492493, s22;
	s28 =	sshra.s32 s22, $0x1F  }
0x267: {  	v32 =	vsel vm1, s10, v32;
	v29 =	vmax.f32 v29, $-4.000000000e+00;
	s25 =	spop (v2sf);
	s16 =	sadd.s32 s17, s16;
	s17 =	smul.u32 $0x92492493, s28  }
0x268: {  	v32 =	vsel vm2, s29, v32;
	v28 =	vmax.f32 v28, $-4.000000000e+00;
	v29 =	vmin.f32 v29, $2.280000000e+02;
	s20 =	ssub.s32 s20, s21;
	s21 =	smulhi.u32 $0x92492493, s25;
	s28 =	sshra.s32 s25, $0x1F  }
0x269: {  	v50 =	vmov s9;
	v28 =	vmin.f32 v28, $2.280000000e+02;
	v30 =	vtrunc.f32 v29;
	s9 =	sadd.s32 s19, s20;
	s19 =	smul.u32 $0x92492493, s28;
	s20 =	spop (v2sf)  }
0x26a: {  	v31 =	vtrunc.f32 v28;
	v53 =	vmov s16;
	s28 =	ssub.s32 s18, s22;
	v30 =	vcvt.f32.s32 v30;
	s18 =	smulhi.u32 $0x92492493, s20;
	s30 =	sshra.s32 s20, $0x1F  }
0x26b: {  	v33 =	vsel vm0, s11, v50;
	v31 =	vcvt.f32.s32 v31;
	v36 =	vnsel vm4, $0x0, v53;
	s16 =	sadd.s32 s17, s28;
	s22 =	spop (v2sf);
	s17 =	smul.u32 $0x92492493, s30  }
0x26c: {  	v33 =	vsel vm1, s31, v33;
	s28 =	ssub.s32 s21, s25;
	v54 =	vsel vm0, s6, v36;
	s21 =	smulhi.u32 $0x92492493, s22;
	s30 =	sshra.s32 s22, $0x1F;
	v30 =	vcvt.s32.f32 v30  }
0x26d: {  	v33 =	vsel vm2, s15, v33;
	s6 =	sadd.s32 s19, s28;
	v31 =	vcvt.s32.f32 v31;
	v34 =	vsel vm1, s9, v54;
	s9 =	smul.u32 $0x92492493, s30;
	s19 =	spop (v2sf)  }
0x26e: {  	v32 =	vcombine.low v33, v32;
	s25 =	ssub.s32 s18, s20;
	v34 =	vsel vm2, s16, v34;
	s28 =	smulhi.u32 $0x92492493, s19;
	s30 =	sshra.s32 s19, $0x1F;
	v51 =	vadd.f32 $-1.000000000e+00, v30  }
0x26f: {  	s4 =	sadd.s32 s17, s25;
	s10 =	ssub.s32 s21, s22;
	v52 =	vadd.f32 $-1.000000000e+00, v31;
	vm9 =	vlt.f32 v29, v30;
	v34 =	vsel vm5, s6, v34;
	s16 =	smul.u32 $0x92492493, s30  }
0x270: {  	vm10 =	vlt.f32 v28, v31;
	s17 =	sadd.s32 s9, s10;
	v34 =	vsel vm6, s4, v34;
	s18 =	ssub.s32 s28, s19;
	v30 =	vsel vm9, v51, v30  }
0x271: {  	v31 =	vsel vm10, v52, v31;
	v57 =	vsel vm7, s17, v34;
	s19 =	sadd.s32 s16, s18;
	v55 =	vadd.f32 $1.000000000e+00, v30  }
0x272: {  	v56 =	vadd.f32 $1.000000000e+00, v31;
	v33 =	vsel vm8, s19, v57  }
0x273: {  	v32 =	vperm.xlane v32, v4;
	v33 =	vperm.xlane v33, v5;
	v35 =	vsub.f32 v55, v29  }
0x274: {  	v58 =	vsub.f32 v56, v28;
	v28 =	vsub.f32 v28, v31  }
0x275: {  	v29 =	vsub.f32 v29, v30;
	v30 =	vtrunc.f32 v30;
	v32 =	vsel vm3, v33, v32  }
0x276: {  	v30 =	vcvt.f32.s32 v30;
	v36 =	vmul.f32 v58, v35;
	v32 =	vadd.s32 v27, v32  }
0x277: {  	v35 =	vmul.f32 v35, v28;
	v59 =	vshrl.u32 v32, $0x1F;
	v32 =	vshra.s32 v32, $0x7  }
0x278: {  	v34 =	vmul.f32 v58, v29;
	vm9 =	vgt.s32 v30, $0x0;
	v32 =	vadd.s32 v59, v32  }
0x279: {  	v60 =	vmul.f32 v28, v29;
	v28 =	vnsel vm9, $0x0, v30;
	v29 =	vmul.u32 $0xFFFFFF20, v32  }
0x27a: {  	s20 =	sadd.s32 $0x70, s2;
	v61 =	vmin.u32 v28, $0xDF;
	v28 =	vsub.s32 $0x0, v27  }
0x27b: {  	v31 =	vtrunc.f32 v31;
	vm10 =	vne.s32 v29, v28;
	v28 =	vor.u32 s20, v0  }
0x27c: {  	v31 =	vcvt.f32.s32 v31;
	v29 =	vsub.s32 v28, v1  }
0x27d: {  	(v2sf) =	vpush v29, $0xD  }
0x27e: {  	v26 =	vand.u32 $0x7, v26;
	vm9 =	vgt.s32 v31, $0x0  }
0x27f: {  	v62 =	vnsel vm9, $0x0, v31;
	vm9 =	vgt.s32 v6, v27;
	(v2sf) =	vpush v29, $0xC  }
0x280: {  	v30 =	vadd.s32 $0x1, v30;
	v31 =	vadd.s32 $0x1, v31;
	vm9 =	vmand vm9, vm10  }
0x281: {  	v38 =	vmin.u32 v62, $0xDF;
	v63 =	vsel vm9, $0xFFFFFFFF, v6;
	(v2sf) =	vpush v29, $0xE  }
0x282: {  	vm9 =	vgt.s32 v31, $0x0;
	v32 =	vadd.s32 v63, v32;
	(v2sf) =	vpush v29, $0xF  }
0x283: {  	v38 =	vmul.u32 $0xE0, v38;
	v31 =	vnsel vm9, $0x0, v31;
	v39 =	vmul.u32 $0xFFFFFF20, v32  }
0x284: {  	[tilespmem:$0x510] =	vst v36;
	vm10 =	vgt.s32 v30, $0x0;
	v31 =	vmin.u32 v31, $0xDF;
	(v2sf) =	vpush v29, $0x9  }
0x285: {  	[tilespmem:$0x550] =	vst v35;
	v30 =	vnsel vm10, $0x0, v30;
	v31 =	vmul.u32 $0xE0, v31;
	v27 =	vadd.s32 v27, v39  }
0x286: {  	[tilespmem:$0x590] =	vst v34;
	v38 =	vadd.s32 v1, v38;
	v27 =	vand.u32 $0xFFFFFFF8, v27;
	(v2sf) =	vpush v29, $0x8  }
0x287: {  	[tilespmem:$0x5D0] =	vst v60;
	v40 =	vadd.s32 v61, v38;
	v31 =	vadd.s32 v1, v31;
	v26 =	vor.u32 v26, v27  }
0x288: {  	[tilespmem:$0x310] =	vst v40;
	v27 =	vmin.u32 v30, $0xDF;
	v30 =	vadd.s32 v61, v31;
	(v2sf) =	vpush v29, $0xA  }
0x289: {  	[tilespmem:$0x350] =	vst v30;
	v30 =	vadd.s32 v27, v38  }
0x28a: {  	v27 =	vadd.s32 v27, v31;
	(v2sf) =	vpush v29, $0xB;
	[tilespmem:$0x390] =	vst v30  }
0x28b: {  	[tilespmem:$0x3D0] =	vst v27  }
0x28c: {  	(v2sf) =	vpush v29, $0x1;
	v27 =	vld.idx.msk [tilespmem:v32+s13+$0x0], $0xffff;
	s21 =	spop (v2sf)  }
0x28d: {  	v26 =	vld.idx.msk [tilespmem:v26+s12+$0x0], $0xffff;
	s22 =	smulhi.u32 $0x92492493, s21;
	s25 =	sshra.s32 s21, $0x1F  }
0x28e: {  	s28 =	spop (v2sf);
	s9 =	smul.u32 $0x92492493, s25  }
0x28f: {  	(v2sf) =	vpush v29, $0x0;
	s29 =	smulhi.u32 $0x92492493, s28;
	s30 =	sshra.s32 s28, $0x1F  }
0x290: {  	s31 =	spop (v2sf);
	s4 =	ssub.s32 s22, s21;
	s17 =	smul.u32 $0x92492493, s30  }
0x291: {  	(v2sf) =	vpush v29, $0x2;
	s22 =	smulhi.u32 $0x92492493, s31;
	s25 =	sshra.s32 s31, $0x1F;
	s19 =	spop (v2sf)  }
0x292: {  	v31 =	vmul.f32 v27, v21;
	v30 =	vmul.f32 v26, v20;
	s10 =	sadd.s32 s9, s4;
	s28 =	ssub.s32 s29, s28;
	s29 =	smul.u32 $0x92492493, s25  }
0x293: {  	v27 =	vmul.f32 v27, v23;
	v26 =	vmul.f32 v26, v22;
	(v2sf) =	vpush v29, $0x3;
	s11 =	smulhi.u32 $0x92492493, s19;
	s21 =	sshra.s32 s19, $0x1F;
	s20 =	spop (v2sf)  }
0x294: {  	v30 =	vadd.f32 v31, v30;
	s15 =	sadd.s32 s17, s28;
	s22 =	ssub.s32 s22, s31;
	s25 =	smul.u32 $0x92492493, s21  }
0x295: {  	v26 =	vadd.f32 v27, v26;
	(v2sf) =	vpush v29, $0x4;
	s28 =	smulhi.u32 $0x92492493, s20;
	s30 =	sshra.s32 s20, $0x1F;
	s31 =	spop (v2sf)  }
0x296: {  	v27 =	vadd.f32 v30, v24;
	s29 =	sadd.s32 s29, s22;
	s11 =	ssub.s32 s11, s19;
	s17 =	smul.u32 $0x92492493, s30  }
0x297: {  	(v2sf) =	vpush v29, $0x5;
	v26 =	vadd.f32 v26, v25;
	s21 =	smulhi.u32 $0x92492493, s31;
	s22 =	sshra.s32 s31, $0x1F;
	s19 =	spop (v2sf)  }
0x298: {  	v27 =	vadd.f32 $1.000000000e+00, v27;
	s4 =	sadd.s32 s25, s11;
	s25 =	ssub.s32 s28, s20;
	s16 =	smul.u32 $0x92492493, s22  }
0x299: {  	(v2sf) =	vpush v29, $0x6;
	v26 =	vadd.f32 $1.000000000e+00, v26;
	s20 =	smulhi.u32 $0x92492493, s19;
	s28 =	sshra.s32 s19, $0x1F;
	s22 =	spop (v2sf)  }
0x29a: {  	s11 =	sadd.s32 s17, s25;
	s30 =	ssub.s32 s21, s31;
	s9 =	smul.u32 $0x92492493, s28;
	v27 =	vmul.f32 $2.240000000e+02, v27  }
0x29b: {  	s17 =	smulhi.u32 $0x92492493, s22;
	s31 =	sshra.s32 s22, $0x1F;
	s21 =	spop (v2sf);
	(v2sf) =	vpush v29, $0x7;
	v26 =	vmul.f32 $2.240000000e+02, v26  }
0x29c: {  	s6 =	sadd.s32 s16, s30;
	s16 =	smul.u32 $0x92492493, s31;
	s20 =	ssub.s32 s20, s19;
	v27 =	vadd.f32 $-1.000000000e+00, v27  }
0x29d: {  	s28 =	smulhi.u32 $0x92492493, s21;
	s30 =	sshra.s32 s21, $0x1F;
	s9 =	sadd.s32 s9, s20;
	v26 =	vadd.f32 $-1.000000000e+00, v26  }
0x29e: {  	s17 =	ssub.s32 s17, s22;
	s31 =	smul.u32 $0x92492493, s30;
	v27 =	vmul.f32 $5.000000000e-01, v27;
	s25 =	spop (v2sf)  }
0x29f: {  	s30 =	sadd.s32 s16, s17;
	v26 =	vmul.f32 $5.000000000e-01, v26;
	s16 =	smulhi.u32 $0x92492493, s25;
	s22 =	sshra.s32 s25, $0x1F  }
0x2a0: {  	s19 =	ssub.s32 s28, s21;
	v27 =	vmax.f32 v27, $-4.000000000e+00;
	s20 =	spop (v2sf);
	s17 =	smul.u32 $0x92492493, s22  }
0x2a1: {  	s18 =	sadd.s32 s31, s19;
	v26 =	vmax.f32 v26, $-4.000000000e+00;
	v27 =	vmin.f32 v27, $2.280000000e+02;
	s28 =	smulhi.u32 $0x92492493, s20;
	s31 =	sshra.s32 s20, $0x1F  }
0x2a2: {  	v41 =	vmov s15;
	v26 =	vmin.f32 v26, $2.280000000e+02;
	v30 =	vtrunc.f32 v27;
	s22 =	spop (v2sf);
	s16 =	ssub.s32 s16, s25;
	s21 =	smul.u32 $0x92492493, s31  }
0x2a3: {  	v32 =	vsel vm0, s10, v41;
	v31 =	vtrunc.f32 v26;
	v30 =	vcvt.f32.s32 v30;
	s25 =	sshra.s32 s22, $0x1F;
	s15 =	sadd.s32 s17, s16;
	s16 =	smulhi.u32 $0x92492493, s22  }
0x2a4: {  	v32 =	vsel vm1, s29, v32;
	v45 =	vmov s6;
	v31 =	vcvt.f32.s32 v31;
	s19 =	spop (v2sf);
	s28 =	ssub.s32 s28, s20;
	s17 =	smul.u32 $0x92492493, s25  }
0x2a5: {  	v32 =	vsel vm2, s4, v32;
	v35 =	vsel vm0, s11, v45;
	s20 =	smulhi.u32 $0x92492493, s19;
	s31 =	sshra.s32 s19, $0x1F;
	v30 =	vcvt.s32.f32 v30;
	s10 =	sadd.s32 s21, s28  }
0x2a6: {  	v35 =	vsel vm1, s9, v35;
	v31 =	vcvt.s32.f32 v31;
	v43 =	vmov s15;
	s21 =	smul.u32 $0x92492493, s31;
	s16 =	ssub.s32 s16, s22;
	s22 =	spop (v2sf)  }
0x2a7: {  	v35 =	vsel vm2, s30, v35;
	v34 =	vnsel vm4, $0x0, v43;
	s31 =	ssub.s32 s20, s19;
	v42 =	vadd.f32 $-1.000000000e+00, v30;
	s28 =	smulhi.u32 $0x92492493, s22;
	s29 =	sshra.s32 s22, $0x1F  }
0x2a8: {  	vm9 =	vlt.f32 v27, v30;
	v44 =	vadd.f32 $-1.000000000e+00, v31;
	s25 =	sadd.s32 s17, s16;
	v34 =	vsel vm0, s18, v34;
	s19 =	spop (v2sf);
	s17 =	smul.u32 $0x92492493, s29  }
0x2a9: {  	s11 =	sadd.s32 s21, s31;
	v34 =	vsel vm1, s10, v34;
	s20 =	smulhi.u32 $0x92492493, s19;
	s21 =	sshra.s32 s19, $0x1F;
	v30 =	vsel vm9, v42, v30;
	vm9 =	vlt.f32 v26, v31  }
0x2aa: {  	v34 =	vsel vm2, s25, v34;
	s22 =	ssub.s32 s28, s22;
	s25 =	smul.u32 $0x92492493, s21;
	s28 =	spop (v2sf);
	v31 =	vsel vm9, v44, v31;
	v46 =	vadd.f32 $1.000000000e+00, v30  }
0x2ab: {  	v32 =	vcombine.low v35, v32;
	v34 =	vsel vm5, s11, v34;
	s6 =	sadd.s32 s17, s22;
	s29 =	smulhi.u32 $0x92492493, s28;
	s31 =	sshra.s32 s28, $0x1F;
	v47 =	vadd.f32 $1.000000000e+00, v31  }
0x2ac: {  	s11 =	ssub.s32 s20, s19;
	v34 =	vsel vm6, s6, v34;
	s17 =	smul.u32 $0x92492493, s31;
	v33 =	vsub.f32 v46, v27;
	v27 =	vsub.f32 v27, v30  }
0x2ad: {  	s4 =	sadd.s32 s25, s11;
	s18 =	ssub.s32 s29, s28;
	v30 =	vtrunc.f32 v30;
	v36 =	vsub.f32 v47, v26;
	v26 =	vsub.f32 v26, v31  }
0x2ae: {  	v32 =	vperm.xlane v32, v4;
	v34 =	vsel vm7, s4, v34;
	s19 =	sadd.s32 s17, s18;
	v30 =	vcvt.f32.s32 v30  }
0x2af: {  	v34 =	vsel vm8, s19, v34;
	v48 =	vmul.f32 v36, v33;
	v33 =	vmul.f32 v33, v26  }
0x2b0: {  	v49 =	vmul.f32 v36, v27;
	v34 =	vperm.xlane v34, v5  }
0x2b1: {  	v26 =	vmul.f32 v26, v27;
	v27 =	vtrunc.f32 v31  }
0x2b2: {  	v28 =	vand.u32 $0x7, v28;
	vm9 =	vgt.s32 v30, $0x0;
	v27 =	vcvt.f32.s32 v27  }
0x2b3: {  	v52 =	vshra.s32 v29, $0x1F;
	v31 =	vnsel vm9, $0x0, v30;
	v32 =	vsel vm3, v34, v32  }
0x2b4: {  	v30 =	vadd.s32 $0x1, v30;
	v32 =	vadd.s32 v29, v32;
	vm9 =	vgt.s32 v27, $0x0  }
0x2b5: {  	v51 =	vadd.s32 $0x1, v27;
	v50 =	vshrl.u32 v32, $0x1F;
	v32 =	vshra.s32 v32, $0x7  }
0x2b6: {  	v27 =	vnsel vm9, $0x0, v27;
	vm9 =	vgt.s32 v51, $0x0;
	v32 =	vadd.s32 v50, v32  }
0x2b7: {  	v27 =	vmin.u32 v27, $0xDF;
	v53 =	vnsel vm9, $0x0, v51;
	v32 =	vadd.s32 v52, v32  }
0x2b8: {  	[tilespmem:$0x520] =	vst v48;
	v34 =	vmin.u32 v53, $0xDF;
	v27 =	vmul.u32 $0xE0, v27;
	v54 =	vmul.u32 $0xFFFFFF20, v32  }
0x2b9: {  	v31 =	vmin.u32 v31, $0xDF;
	[tilespmem:$0x560] =	vst v33;
	vm9 =	vgt.s32 v30, $0x0;
	v55 =	vmul.u32 $0xE0, v34  }
0x2ba: {  	[tilespmem:$0x5A0] =	vst v49;
	v30 =	vnsel vm9, $0x0, v30;
	v27 =	vadd.s32 v1, v27;
	v29 =	vadd.s32 v29, v54  }
0x2bb: {  	[tilespmem:$0x5E0] =	vst v26;
	v26 =	vadd.s32 v1, v55;
	v56 =	vadd.s32 v31, v27;
	v29 =	vand.u32 $0xFFFFFFF8, v29  }
0x2bc: {  	[tilespmem:$0x320] =	vst v56;
	v28 =	vor.u32 v28, v29;
	v29 =	vmin.u32 v30, $0xDF;
	v30 =	vadd.s32 v31, v26  }
0x2bd: {  	[tilespmem:$0x360] =	vst v30;
	v27 =	vadd.s32 v29, v27  }
0x2be: {  	v26 =	vadd.s32 v29, v26;
	[tilespmem:$0x3A0] =	vst v27  }
0x2bf: {  	[tilespmem:$0x3E0] =	vst v26  }
0x2c0: {  	v27 =	vld.idx.msk [tilespmem:v32+s13+$0x0], $0xffff  }
0x2c1: {  	v26 =	vld.idx.msk [tilespmem:v28+s12+$0x0], $0xffff;
	_ =	sdelay $0x4  }
0x2c2: {  	v29 =	vmul.f32 v27, v21;
	v28 =	vmul.f32 v26, v20  }
0x2c3: {  	v27 =	vmul.f32 v27, v23;
	v26 =	vmul.f32 v26, v22  }
0x2c4: {  	v28 =	vadd.f32 v29, v28  }
0x2c5: {  	v26 =	vadd.f32 v27, v26  }
0x2c6: {  	v27 =	vadd.f32 v28, v24  }
0x2c7: {  	v26 =	vadd.f32 v26, v25  }
0x2c8: {  	v27 =	vadd.f32 $1.000000000e+00, v27  }
0x2c9: {  	v26 =	vadd.f32 $1.000000000e+00, v26  }
0x2ca: {  	v27 =	vmul.f32 $2.240000000e+02, v27  }
0x2cb: {  	v26 =	vmul.f32 $2.240000000e+02, v26  }
0x2cc: {  	v27 =	vadd.f32 $-1.000000000e+00, v27  }
0x2cd: {  	v26 =	vadd.f32 $-1.000000000e+00, v26  }
0x2ce: {  	v27 =	vmul.f32 $5.000000000e-01, v27  }
0x2cf: {  	v26 =	vmul.f32 $5.000000000e-01, v26  }
0x2d0: {  	v27 =	vmax.f32 v27, $-4.000000000e+00  }
0x2d1: {  	v26 =	vmax.f32 v26, $-4.000000000e+00;
	v27 =	vmin.f32 v27, $2.280000000e+02  }
0x2d2: {  	v26 =	vmin.f32 v26, $2.280000000e+02;
	v28 =	vtrunc.f32 v27  }
0x2d3: {  	v29 =	vtrunc.f32 v26;
	v28 =	vcvt.f32.s32 v28  }
0x2d4: {  	v29 =	vcvt.f32.s32 v29  }
0x2d5: {  	v28 =	vcvt.s32.f32 v28  }
0x2d6: {  	v29 =	vcvt.s32.f32 v29  }
0x2d7: {  	v30 =	vadd.f32 $-1.000000000e+00, v28  }
0x2d8: {  	v31 =	vadd.f32 $-1.000000000e+00, v29;
	vm9 =	vlt.f32 v27, v28  }
0x2d9: {  	vm10 =	vlt.f32 v26, v29;
	v28 =	vsel vm9, v30, v28  }
0x2da: {  	v29 =	vsel vm10, v31, v29;
	v30 =	vadd.f32 $1.000000000e+00, v28  }
0x2db: {  	v31 =	vadd.f32 $1.000000000e+00, v29  }
0x2dc: {  	v30 =	vsub.f32 v30, v27  }
0x2dd: {  	v31 =	vsub.f32 v31, v26;
	v26 =	vsub.f32 v26, v29;
	v29 =	vtrunc.f32 v29  }
0x2de: {  	v27 =	vsub.f32 v27, v28;
	v28 =	vtrunc.f32 v28;
	v29 =	vcvt.f32.s32 v29  }
0x2df: {  	v28 =	vcvt.f32.s32 v28;
	v57 =	vmul.f32 v31, v30  }
0x2e0: {  	v30 =	vmul.f32 v30, v26;
	vm9 =	vgt.s32 v29, $0x0;
	v58 =	vadd.s32 $0x1, v29  }
0x2e1: {  	v31 =	vmul.f32 v31, v27;
	v29 =	vnsel vm9, $0x0, v29;
	vm9 =	vgt.s32 v58, $0x0  }
0x2e2: {  	v26 =	vmul.f32 v26, v27;
	v27 =	vmin.u32 v29, $0xDF;
	v29 =	vnsel vm9, $0x0, v58  }
0x2e3: {  	[tilespmem:$0x530] =	vst v57;
	vm9 =	vgt.s32 v28, $0x0;
	v29 =	vmin.u32 v29, $0xDF;
	v27 =	vmul.u32 $0xE0, v27  }
0x2e4: {  	[tilespmem:$0x570] =	vst v30;
	v30 =	vnsel vm9, $0x0, v28;
	v28 =	vadd.s32 $0x1, v28;
	v29 =	vmul.u32 $0xE0, v29  }
0x2e5: {  	[tilespmem:$0x5B0] =	vst v31;
	v30 =	vmin.u32 v30, $0xDF;
	vm9 =	vgt.s32 v28, $0x0;
	v27 =	vadd.s32 v1, v27  }
0x2e6: {  	[tilespmem:$0x5F0] =	vst v26;
	v26 =	vnsel vm9, $0x0, v28;
	v28 =	vadd.s32 v1, v29;
	v29 =	vadd.s32 v30, v27  }
0x2e7: {  	v26 =	vmin.u32 v26, $0xDF;
	[tilespmem:$0x330] =	vst v29;
	v29 =	vadd.s32 v30, v28  }
0x2e8: {  	v27 =	vadd.s32 v26, v27;
	[tilespmem:$0x370] =	vst v29  }
0x2e9: {  	v26 =	vadd.s32 v26, v28;
	[tilespmem:$0x3B0] =	vst v27  }
0x2ea: {  	s21 =	simm.s32 $0xC600;
	s20 =	simm.s32 $0x300;
	[tilespmem:$0x3F0] =	vst v26  }
0x2eb: {  	[tilespmem:s21], [sflag:$0x2] =	stream.indirect.gather [hbm4b:s8+s14], $0xC0, s20, s14, $0xb8;
	[tilespmem:$0x1E600] =	vst v63  }
0x2ec: {  	s22 =	simm.s32 $0x380;
	s25 =	simm.s32 $0x12600  }
0x2ed: {  	[tilespmem:s25], [sflag:$0x2] =	stream.indirect.gather [hbm4b:s8+s14], $0xC0, s22, s14, $0xb8;
	[tilespmem:$0x1E600] =	vst v63  }
0x2ee: {  	_ =	swait.ge [sflag:s23], $0x6000  }
0x2ef: {  	[sflag:s23] =	ssyncset.done $0x0  }
0x2f0: {  	[sflag:s23] =	ssyncadd.s32 $0xFFFFA000  }
0x2f1: {  	_ =	swait.ge [sflag:s23], $0x6000  }
0x2f2: {  	p0 =	seq.s32 s3, $0x0;
	[sflag:s23] =	ssyncset.done $0x0  }
0x2f3: {  	s4 =	simm.s32 @!p0 $0x3;
	[sflag:s23] =	ssyncadd.s32 $0xFFFFA000  }
0x2f4: {  	_ =	swait.ge @!p0 [sflag:s4], $0x3000  }
0x2f5: {  	[sflag:s4] =	ssyncset.done @!p0 $0x0  }
0x2f6: {  	[sflag:s4] =	ssyncadd.s32 @!p0 $0xFFFFD000;
	s4 =	simm.s32 $0x0  }
0x2f7: {  	v34 =	vld [tilespmem:s4+$0x36B0]  }
0x2f8: {  	v37 =	vld [tilespmem:s4+$0x6B0]  }
0x2f9: {  	v36 =	vld [tilespmem:s4+$0x36A0]  }
0x2fa: {  	v40 =	vld [tilespmem:s4+$0x3670]  }
0x2fb: {  	v38 =	vld [tilespmem:s4+$0x670]  }
0x2fc: {  	v39 =	vld [tilespmem:s4+$0x6A0]  }
0x2fd: {  	v42 =	vld [tilespmem:s4+$0x680]  }
0x2fe: {  	v43 =	vld [tilespmem:s4+$0x6670]  }
0x2ff: {  	v41 =	vld [tilespmem:s4+$0x3650]  }
0x300: {  	v44 =	vld [tilespmem:s4+$0x650]  }
0x301: {  	v26 =	vld [tilespmem:s4+$0x6660]  }
0x302: {  	v27 =	vld [tilespmem:s4+$0x3660]  }
0x303: {  	v45 =	vld [tilespmem:s4+$0x6630]  }
0x304: {  	v49 =	vld [tilespmem:s4+$0x660]  }
0x305: {  	v46 =	vld [tilespmem:s4+$0x9610]  }
0x306: {  	v47 =	vld [tilespmem:s4+$0x96A0]  }
0x307: {  	v48 =	vld [tilespmem:s4+$0x3640]  }
0x308: {  	v29 =	vld [tilespmem:s4+$0x66A0]  }
0x309: {  	s28 =	simm.s32 $0x0;
	v50 =	vld [tilespmem:s4+$0x66B0]  }
0x30a: {  	s29 =	simm.s32 $0x40;
	v28 =	vmov s28;
	v51 =	vld [tilespmem:s4+$0x6620]  }
0x30b: {  	s30 =	simm.s32 $0x80;
	v30 =	vmov s29;
	v52 =	vld [tilespmem:s4+$0x3610]  }
0x30c: {  	v59 =	vmov s30;
	s31 =	simm.s32 $0xC0;
	v53 =	vld [tilespmem:s4+$0x3600]  }
0x30d: {  	v60 =	vmov s31;
	v54 =	vld [tilespmem:s4+$0x610]  }
0x30e: {  	v55 =	vld [tilespmem:s4+$0x600]  }
0x30f: {  	v31 =	vld.idx.msk [tilespmem:v28+s24+$0x0], $0xffff  }
0x310: {  	v32 =	vld.idx.msk [tilespmem:v30+s24+$0x0], $0xffff  }
0x311: {  	v30 =	vld.idx.msk [tilespmem:v59+s24+$0x0], $0xffff  }
0x312: {  	v28 =	vld.idx.msk [tilespmem:v60+s24+$0x0], $0xffff  }
0x313: {  	v35 =	vld [tilespmem:s4+$0x6600]  }
0x314: {  	v56 =	vld [tilespmem:s4+$0x6610]  }
0x315: {  	v57 =	vld [tilespmem:s4+$0x96B0];
	v54 =	vmul.f32 v54, v31;
	v44 =	vmul.f32 v44, v31  }
0x316: {  	v58 =	vld [tilespmem:s4+$0x620];
	v59 =	vmul.f32 v41, v32;
	v61 =	vmul.f32 v38, v31  }
0x317: {  	v60 =	vld [tilespmem:s4+$0x3620];
	v48 =	vmul.f32 v48, v32;
	v36 =	vmul.f32 v36, v32  }
0x318: {  	v2 =	vld [tilespmem:s4+$0x640];
	v38 =	vmul.f32 v46, v28;
	v63 =	vmul.f32 v34, v32  }
0x319: {  	v62 =	vld [tilespmem:s4+$0x630];
	v34 =	vmul.f32 v39, v31;
	v45 =	vmul.f32 v45, v30  }
0x31a: {  	v46 =	vld [tilespmem:s4+$0x3630];
	v41 =	vmul.f32 v52, v32;
	v39 =	vmul.f32 v56, v30  }
0x31b: {  	v52 =	vld [tilespmem:s4+$0x9620];
	v56 =	vmul.f32 v58, v31;
	v3 =	vmul.f32 v42, v31  }
0x31c: {  	v58 =	vld [tilespmem:s4+$0x9630];
	v42 =	vmul.f32 v43, v30;
	v34 =	vadd.f32 v36, v34;
	v36 =	vmul.f32 v40, v32  }
0x31d: {  	v2 =	vmul.f32 v2, v31;
	v40 =	vld [tilespmem:s4+$0x6640];
	v41 =	vadd.f32 v41, v54;
	v54 =	vmul.f32 v60, v32  }
0x31e: {  	v60 =	vadd.f32 v36, v61;
	v61 =	vmul.f32 v62, v31;
	v62 =	vld [tilespmem:s4+$0x9640];
	v36 =	vmul.f32 v47, v28  }
0x31f: {  	v43 =	vadd.f32 v54, v56;
	v54 =	vld [tilespmem:s4+$0x9670];
	v47 =	vmul.f32 v37, v31;
	v46 =	vmul.f32 v46, v32  }
0x320: {  	v50 =	vmul.f32 v50, v30;
	v56 =	vmul.f32 v57, v28;
	v57 =	vld [tilespmem:s4+$0x6650];
	v42 =	vadd.f32 v42, v60  }
0x321: {  	v37 =	vmul.f32 v52, v28;
	v60 =	vld [tilespmem:s4+$0x3680];
	v47 =	vadd.f32 v63, v47;
	v46 =	vadd.f32 v46, v61  }
0x322: {  	v2 =	vadd.f32 v48, v2;
	v52 =	vmul.f32 v55, v31;
	v55 =	vld [tilespmem:s4+$0x6680];
	v48 =	vmul.f32 v40, v30  }
0x323: {  	v33 =	vld [tilespmem:s4+$0x9600];
	v61 =	vmul.f32 v58, v28;
	v63 =	vadd.f32 v50, v47;
	v45 =	vadd.f32 v45, v46  }
0x324: {  	v58 =	vld [tilespmem:s4+$0x3690];
	v50 =	vmul.f32 v51, v30;
	v46 =	vadd.f32 v48, v2;
	v2 =	vmul.f32 v53, v32  }
0x325: {  	v40 =	vld [tilespmem:s4+$0x9680];
	v51 =	vmul.f32 v54, v28;
	v47 =	vmul.f32 v62, v28;
	v61 =	vadd.f32 v61, v45  }
0x326: {  	v53 =	vadd.f32 v59, v44;
	v48 =	vld [tilespmem:s4+$0x6690];
	v52 =	vadd.f32 v2, v52;
	v2 =	vmul.f32 v60, v32  }
0x327: {  	v44 =	vld [tilespmem:s4+$0x9650];
	v55 =	vmul.f32 v55, v30;
	v62 =	vadd.f32 v51, v42;
	[tilespmem:s4+$0x18630] =	vst v61;
	v61 =	vmul.f32 v57, v30  }
0x328: {  	v45 =	vld [tilespmem:s4+$0x690];
	v51 =	vmul.f32 v49, v31;
	v42 =	vadd.f32 v50, v43;
	v54 =	vadd.f32 v2, v3  }
0x329: {  	s15 =	simm.s32 $0x1;
	s10 =	simm.s32 $0x300;
	v49 =	vld [tilespmem:s4+$0x9690];
	v50 =	vmul.f32 v58, v32;
	[tilespmem:s4+$0x18670] =	vst v62;
	v43 =	vadd.f32 v61, v53;
	v53 =	vadd.f32 v56, v63  }
.LBB2_3:
0x32a: {  	s6 =	sadd.s32 $0x40, s15  }
0x32b: {  	v2 =	vmov s15;
	s11 =	sshra.s32 s10, $0x2;
	v3 =	vmul.f32 v35, v30;
	v35 =	vadd.f32 v39, v41;
	v39 =	vld [tilespmem:s4+$0x9660];
	s9 =	smov.u32 s15;
	s29 =	sadd.s32 $0x1, s15  }
0x32c: {  	p1 =	sne.s32 s15, $0x3F;
	v41 =	vmov s6;
	s6 =	sadd.s32 $0x80, s9;
	v56 =	vld [tilespmem:s11+$0x36B0];
	v54 =	vadd.f32 v55, v54;
	v55 =	vmul.f32 v40, v28;
	[tilespmem:s4+$0x186B0] =	vst v53  }
0x32d: {  	v29 =	vmul.f32 v29, v30;
	v53 =	vmov s6;
	s6 =	sadd.s32 $0xC0, s9;
	v40 =	vld [tilespmem:s11+$0x6B0];
	v35 =	vadd.f32 v38, v35  }
0x32e: {  	v27 =	vmul.f32 v27, v32;
	v38 =	vmov s6;
	v57 =	vld [tilespmem:s11+$0x36A0];
	v32 =	vadd.f32 v55, v54  }
0x32f: {  	v33 =	vmul.f32 v33, v28;
	v3 =	vadd.f32 v3, v52;
	v54 =	vld [tilespmem:s11+$0x3670];
	[tilespmem:s4+$0x18610] =	vst v35;
	v35 =	vadd.f32 v47, v46  }
0x330: {  	v26 =	vmul.f32 v26, v30;
	v31 =	vmul.f32 v45, v31;
	v27 =	vadd.f32 v27, v51;
	v46 =	vld [tilespmem:s11+$0x670];
	[tilespmem:s4+$0x18680] =	vst v32  }
0x331: {  	v30 =	vmul.f32 v48, v30;
	v29 =	vadd.f32 v29, v34;
	v3 =	vadd.f32 v33, v3;
	v45 =	vld [tilespmem:s11+$0x6A0];
	[tilespmem:s4+$0x18640] =	vst v35  }
0x332: {  	v31 =	vadd.f32 v50, v31;
	v26 =	vadd.f32 v26, v27;
	v27 =	vmul.f32 v39, v28;
	v34 =	vld [tilespmem:s11+$0x680]  }
0x333: {  	v29 =	vadd.f32 v36, v29;
	v47 =	vld [tilespmem:s11+$0x6670];
	[tilespmem:s4+$0x18600] =	vst v3;
	v3 =	vmul.f32 v44, v28;
	v28 =	vmul.f32 v49, v28  }
0x334: {  	v30 =	vadd.f32 v30, v31;
	v27 =	vadd.f32 v27, v26;
	v36 =	vld [tilespmem:s11+$0x3650]  }
0x335: {  	v39 =	vld [tilespmem:s11+$0x650];
	[tilespmem:s4+$0x186A0] =	vst v29  }
0x336: {  	v3 =	vadd.f32 v3, v43;
	v28 =	vadd.f32 v28, v30;
	v26 =	vld [tilespmem:s11+$0x6660];
	[tilespmem:s4+$0x18660] =	vst v27  }
0x337: {  	v29 =	vadd.f32 v37, v42;
	v27 =	vld [tilespmem:s11+$0x3660]  }
0x338: {  	v37 =	vld [tilespmem:s11+$0x6630];
	[tilespmem:s4+$0x18690] =	vst v28  }
0x339: {  	v42 =	vld [tilespmem:s11+$0x660];
	[tilespmem:s4+$0x18620] =	vst v29  }
0x33a: {  	v43 =	vld [tilespmem:s11+$0x9610];
	[tilespmem:s4+$0x18650] =	vst v3;
	s4 =	smov.u32 s11  }
0x33b: {  	v3 =	vld [tilespmem:s4+$0x96A0]  }
0x33c: {  	v44 =	vld [tilespmem:s4+$0x3640]  }
0x33d: {  	v29 =	vld [tilespmem:s4+$0x66A0]  }
0x33e: {  	v48 =	vld [tilespmem:s4+$0x66B0]  }
0x33f: {  	v49 =	vld [tilespmem:s4+$0x6620]  }
0x340: {  	v50 =	vld [tilespmem:s4+$0x3610]  }
0x341: {  	v51 =	vld [tilespmem:s4+$0x3600]  }
0x342: {  	v52 =	vld [tilespmem:s4+$0x610]  }
0x343: {  	v55 =	vld [tilespmem:s4+$0x600]  }
0x344: {  	v31 =	vld.idx.msk [tilespmem:v2+s24+$0x0], $0xffff  }
0x345: {  	v32 =	vld.idx.msk [tilespmem:v41+s24+$0x0], $0xffff  }
0x346: {  	v30 =	vld.idx.msk [tilespmem:v53+s24+$0x0], $0xffff  }
0x347: {  	v28 =	vld.idx.msk [tilespmem:v38+s24+$0x0], $0xffff  }
0x348: {  	v35 =	vld [tilespmem:s4+$0x6600]  }
0x349: {  	v2 =	vld [tilespmem:s4+$0x6610]  }
0x34a: {  	v41 =	vmul.f32 v52, v31;
	v52 =	vmul.f32 v39, v31;
	v33 =	vld [tilespmem:s4+$0x9600]  }
0x34b: {  	v53 =	vmul.f32 v36, v32;
	v36 =	vmul.f32 v46, v31;
	v46 =	vld [tilespmem:s4+$0x96B0]  }
0x34c: {  	v44 =	vmul.f32 v44, v32;
	v57 =	vmul.f32 v57, v32;
	v58 =	vld [tilespmem:s4+$0x620]  }
0x34d: {  	v56 =	vmul.f32 v56, v32;
	v38 =	vmul.f32 v43, v28;
	v43 =	vld [tilespmem:s4+$0x3620]  }
0x34e: {  	v60 =	vmul.f32 v37, v30;
	v37 =	vmul.f32 v45, v31;
	v59 =	vld [tilespmem:s4+$0x630]  }
0x34f: {  	v61 =	vmul.f32 v34, v31;
	v39 =	vmul.f32 v2, v30;
	v2 =	vld [tilespmem:s4+$0x3630]  }
0x350: {  	v45 =	vmul.f32 v50, v32;
	v34 =	vadd.f32 v57, v37;
	v50 =	vld [tilespmem:s4+$0x640];
	v57 =	vmul.f32 v46, v28  }
0x351: {  	v54 =	vmul.f32 v54, v32;
	v37 =	vmul.f32 v58, v31;
	v46 =	vld [tilespmem:s4+$0x9620]  }
0x352: {  	v47 =	vmul.f32 v47, v30;
	v41 =	vadd.f32 v45, v41;
	v43 =	vmul.f32 v43, v32;
	v45 =	vld [tilespmem:s4+$0x6640]  }
0x353: {  	v54 =	vadd.f32 v54, v36;
	v36 =	vmul.f32 v3, v28;
	v3 =	vmul.f32 v40, v31;
	v58 =	vld [tilespmem:s4+$0x9630]  }
0x354: {  	v40 =	vmul.f32 v59, v31;
	v43 =	vadd.f32 v43, v37;
	v2 =	vmul.f32 v2, v32;
	v59 =	vld [tilespmem:s4+$0x9640]  }
0x355: {  	v54 =	vadd.f32 v47, v54;
	v47 =	vmul.f32 v48, v30;
	v50 =	vmul.f32 v50, v31;
	v62 =	vld [tilespmem:s4+$0x9670]  }
0x356: {  	v3 =	vadd.f32 v56, v3;
	v37 =	vmul.f32 v46, v28;
	v2 =	vadd.f32 v2, v40;
	v40 =	vld [tilespmem:s4+$0x6650]  }
0x357: {  	v48 =	vmul.f32 v55, v31;
	v44 =	vadd.f32 v44, v50;
	v45 =	vmul.f32 v45, v30;
	v50 =	vld [tilespmem:s4+$0x3680]  }
0x358: {  	v3 =	vadd.f32 v47, v3;
	v2 =	vadd.f32 v60, v2;
	v55 =	vmul.f32 v58, v28;
	v56 =	vld [tilespmem:s4+$0x3690]  }
0x359: {  	v49 =	vmul.f32 v49, v30;
	v46 =	vadd.f32 v45, v44;
	v47 =	vmul.f32 v59, v28;
	v58 =	vld [tilespmem:s4+$0x6680]  }
.Ltmp0:
0x35a: {  	v44 =	vmul.f32 v51, v32;
	v2 =	vadd.f32 v55, v2;
	v55 =	vmul.f32 v62, v28;
	v45 =	vld [tilespmem:s4+$0x690];
	(pc) =	sbr.rel @p1 .LBB2_3-.Ltmp0, $4  }
0x35b: {  	v53 =	vadd.f32 v53, v52;
	v51 =	vmul.f32 v42, v31;
	v59 =	vmul.f32 v40, v30;
	v40 =	vld [tilespmem:s4+$0x9680]  }
0x35c: {  	v52 =	vadd.f32 v44, v48;
	[tilespmem:s4+$0x18630] =	vst v2;
	v2 =	vadd.f32 v55, v54;
	v54 =	vmul.f32 v50, v32;
	v48 =	vld [tilespmem:s4+$0x6690]  }
0x35d: {  	v42 =	vadd.f32 v49, v43;
	v43 =	vadd.f32 v59, v53;
	v44 =	vld [tilespmem:s4+$0x9650];
	v50 =	vmul.f32 v56, v32  }
0x35e: {  	s10 =	sadd.s32 $0x300, s10;
	s15 =	smov.u32 s29;
	v53 =	vadd.f32 v57, v3;
	[tilespmem:s4+$0x18670] =	vst v2;
	v54 =	vadd.f32 v54, v61;
	v55 =	vmul.f32 v58, v30;
	v49 =	vld [tilespmem:s4+$0x9690]  }
0x35f: {  	v35 =	vmul.f32 v35, v30;
	v29 =	vmul.f32 v29, v30  }
0x360: {  	v2 =	vadd.f32 v39, v41;
	v59 =	vld [tilespmem:s4+$0x9660];
	v27 =	vmul.f32 v27, v32;
	v33 =	vmul.f32 v33, v28  }
0x361: {  	v61 =	vadd.f32 v47, v46;
	v3 =	vadd.f32 v55, v54;
	v58 =	vmul.f32 v40, v28  }
0x362: {  	v31 =	vmul.f32 v45, v31;
	v2 =	vadd.f32 v38, v2;
	v60 =	vadd.f32 v35, v52  }
0x363: {  	v26 =	vmul.f32 v26, v30;
	[tilespmem:s4+$0x186B0] =	vst v53;
	v27 =	vadd.f32 v27, v51;
	v3 =	vadd.f32 v58, v3  }
0x364: {  	v29 =	vadd.f32 v29, v34;
	v62 =	vadd.f32 v50, v31;
	[tilespmem:s4+$0x18610] =	vst v2;
	v2 =	vmul.f32 v48, v30  }
0x365: {  	v26 =	vadd.f32 v26, v27;
	[tilespmem:s4+$0x18680] =	vst v3;
	v3 =	vadd.f32 v33, v60;
	v27 =	vmul.f32 v59, v28  }
0x366: {  	[tilespmem:s4+$0x18640] =	vst v61;
	v63 =	vmul.f32 v49, v28;
	v29 =	vadd.f32 v36, v29;
	v2 =	vadd.f32 v2, v62  }
0x367: {  	[tilespmem:s4+$0x18600] =	vst v3;
	v3 =	vadd.f32 v27, v26  }
0x368: {  	p1 =	seq.s32 s3, $0x61;
	[tilespmem:s4+$0x186A0] =	vst v29;
	v26 =	vmul.f32 v44, v28;
	v2 =	vadd.f32 v63, v2  }
.Ltmp1:
0x369: {  	[tilespmem:s4+$0x18660] =	vst v3;
	v3 =	vadd.f32 v37, v42;
	(pc) =	sbr.rel @p1 .LBB2_6-.Ltmp1, $4  }
0x36a: {  	s2 =	smul.u32 $0x18, s2;
	v26 =	vadd.f32 v26, v43;
	[tilespmem:s4+$0x18690] =	vst v2  }
0x36b: {  	s30 =	rddreg [dreg:$0x4];
	[tilespmem:s4+$0x18620] =	vst v3  }
0x36c: {  	s31 =	simm.s32 $0x18600;
	s2 =	sadd.s32 s30, s2;
	[tilespmem:s4+$0x18650] =	vst v26  }
0x36d: {  	[hbm4b:s2+s7] =	stream.linear.scatter [tilespmem:s31], [sflag:$0x3], $0x3000, $0x38;
	[tilespmem:$0x1E600] =	vst v63  }
0x36e: {  	s2 =	rddreg [dreg:$0x6]  }
0x36f: {  	s1 =	sadd.s32 s1, s2  }
0x370: {  	v27 =	vor.u32 s1, v0  }
0x371: {  	v26 =	vsub.s32 v27, v1  }
0x372: {  	(v2sf) =	vpush v26, $0xD;
	_ =	sdelay $0x1  }
0x373: {  	(v2sf) =	vpush v26, $0xC;
	_ =	sdelay $0x1  }
0x374: {  	(v2sf) =	vpush v26, $0xE;
	_ =	sdelay $0x1  }
0x375: {  	(v2sf) =	vpush v26, $0xF;
	_ =	sdelay $0x1  }
0x376: {  	(v2sf) =	vpush v26, $0x9;
	_ =	sdelay $0x1  }
0x377: {  	(v2sf) =	vpush v26, $0x8;
	_ =	sdelay $0x1  }
0x378: {  	(v2sf) =	vpush v26, $0xA;
	_ =	sdelay $0x1  }
0x379: {  	(v2sf) =	vpush v26, $0xB  }
0x37a: {  	s19 =	spop (v2sf)  }
0x37b: {  	(v2sf) =	vpush v26, $0x1;
	s4 =	smulhi.u32 $0x92492493, s19;
	s6 =	sshra.s32 s19, $0x1F  }
0x37c: {  	s9 =	spop (v2sf);
	s6 =	smul.u32 $0x92492493, s6  }
0x37d: {  	(v2sf) =	vpush v26, $0x0;
	s10 =	smulhi.u32 $0x92492493, s9;
	s11 =	sshra.s32 s9, $0x1F  }
0x37e: {  	s15 =	spop (v2sf);
	s11 =	smul.u32 $0x92492493, s11  }
0x37f: {  	(v2sf) =	vpush v26, $0x2;
	s2 =	ssub.s32 s4, s19;
	s20 =	smulhi.u32 $0x92492493, s15;
	s16 =	sshra.s32 s15, $0x1F  }
0x380: {  	s22 =	spop (v2sf);
	s2 =	sadd.s32 s6, s2;
	s21 =	smul.u32 $0x92492493, s16  }
0x381: {  	(v2sf) =	vpush v26, $0x3;
	s9 =	ssub.s32 s10, s9;
	s25 =	smulhi.u32 $0x92492493, s22;
	s17 =	sshra.s32 s22, $0x1F  }
0x382: {  	s29 =	spop (v2sf);
	s11 =	sadd.s32 s11, s9;
	s28 =	smul.u32 $0x92492493, s17  }
0x383: {  	(v2sf) =	vpush v26, $0x4;
	s4 =	ssub.s32 s20, s15;
	s31 =	smulhi.u32 $0x92492493, s29;
	s18 =	sshra.s32 s29, $0x1F  }
0x384: {  	s4 =	sadd.s32 s21, s4;
	s18 =	smul.u32 $0x92492493, s18;
	s21 =	spop (v2sf)  }
0x385: {  	s10 =	ssub.s32 s25, s22;
	(v2sf) =	vpush v26, $0x5;
	s22 =	smulhi.u32 $0x92492493, s21;
	s19 =	sshra.s32 s21, $0x1F  }
0x386: {  	s10 =	sadd.s32 s28, s10;
	s30 =	spop (v2sf);
	s28 =	smul.u32 $0x92492493, s19  }
0x387: {  	s15 =	ssub.s32 s31, s29;
	(v2sf) =	vpush v26, $0x6;
	s31 =	smulhi.u32 $0x92492493, s30;
	s20 =	sshra.s32 s30, $0x1F  }
0x388: {  	s6 =	sadd.s32 s18, s15;
	s25 =	spop (v2sf);
	s20 =	smul.u32 $0x92492493, s20  }
0x389: {  	(v2sf) =	vpush v26, $0x7;
	s16 =	ssub.s32 s22, s21;
	s29 =	smulhi.u32 $0x92492493, s25;
	s21 =	sshra.s32 s25, $0x1F  }
0x38a: {  	s9 =	sadd.s32 s28, s16;
	s21 =	smul.u32 $0x92492493, s21;
	s28 =	spop (v2sf)  }
0x38b: {  	s17 =	ssub.s32 s31, s30;
	s30 =	smulhi.u32 $0x92492493, s28;
	s22 =	sshra.s32 s28, $0x1F  }
0x38c: {  	s15 =	sadd.s32 s20, s17;
	s31 =	spop (v2sf);
	s22 =	smul.u32 $0x92492493, s22  }
0x38d: {  	s18 =	ssub.s32 s29, s25;
	s29 =	smulhi.u32 $0x92492493, s31;
	s25 =	sshra.s32 s31, $0x1F  }
0x38e: {  	s16 =	sadd.s32 s21, s18;
	s18 =	smul.u32 $0x92492493, s25;
	s25 =	spop (v2sf)  }
0x38f: {  	s19 =	ssub.s32 s30, s28;
	s30 =	smulhi.u32 $0x92492493, s25;
	s28 =	sshra.s32 s25, $0x1F  }
0x390: {  	s17 =	sadd.s32 s22, s19;
	s19 =	smul.u32 $0x92492493, s28;
	s28 =	spop (v2sf)  }
0x391: {  	s20 =	ssub.s32 s29, s31;
	s31 =	smulhi.u32 $0x92492493, s28;
	s29 =	sshra.s32 s28, $0x1F  }
0x392: {  	s18 =	sadd.s32 s18, s20;
	s20 =	smul.u32 $0x92492493, s29;
	s29 =	spop (v2sf)  }
0x393: {  	s21 =	ssub.s32 s30, s25;
	s25 =	smulhi.u32 $0x92492493, s29;
	s30 =	sshra.s32 s29, $0x1F  }
0x394: {  	s19 =	sadd.s32 s19, s21;
	s21 =	smul.u32 $0x92492493, s30;
	s30 =	spop (v2sf)  }
0x395: {  	v2 =	vmov s18;
	s18 =	ssub.s32 s31, s28;
	s22 =	smulhi.u32 $0x92492493, s30;
	s31 =	sshra.s32 s30, $0x1F  }
0x396: {  	v2 =	vnsel vm4, $0x0, v2;
	s18 =	sadd.s32 s20, s18;
	s28 =	spop (v2sf);
	s20 =	smul.u32 $0x92492493, s31  }
0x397: {  	v2 =	vsel vm0, s17, v2;
	s17 =	ssub.s32 s25, s29;
	s25 =	smulhi.u32 $0x92492493, s28;
	s31 =	sshra.s32 s28, $0x1F  }
0x398: {  	v3 =	vmov s11;
	v28 =	vmov s9;
	v2 =	vsel vm1, s19, v2;
	s11 =	sadd.s32 s21, s17;
	s19 =	spop (v2sf);
	s17 =	smul.u32 $0x92492493, s31  }
0x399: {  	v3 =	vsel vm0, s2, v3;
	v28 =	vsel vm0, s6, v28;
	v2 =	vsel vm2, s18, v2;
	s21 =	ssub.s32 s22, s30;
	s22 =	smulhi.u32 $0x92492493, s19;
	s29 =	sshra.s32 s19, $0x1F  }
0x39a: {  	v3 =	vsel vm1, s4, v3;
	v28 =	vsel vm1, s15, v28;
	v2 =	vsel vm5, s11, v2;
	s2 =	sadd.s32 s20, s21;
	s30 =	ssub.s32 s25, s28;
	s31 =	smul.u32 $0x92492493, s29  }
0x39b: {  	v3 =	vsel vm2, s10, v3;
	v28 =	vsel vm2, s16, v28;
	v2 =	vsel vm6, s2, v2;
	s4 =	sadd.s32 s17, s30;
	s6 =	ssub.s32 s22, s19  }
0x39c: {  	v3 =	vcombine.low v28, v3;
	v2 =	vsel vm7, s4, v2;
	s10 =	sadd.s32 s31, s6  }
0x39d: {  	v2 =	vsel vm8, s10, v2  }
0x39e: {  	v3 =	vperm.xlane v3, v4;
	v2 =	vperm.xlane v2, v5;
	_ =	sdelay $0x1  }
0x39f: {  	v2 =	vsel vm3, v2, v3  }
0x3a0: {  	v2 =	vadd.s32 v26, v2  }
0x3a1: {  	v3 =	vshrl.u32 v2, $0x1F;
	v2 =	vshra.s32 v2, $0x7  }
0x3a2: {  	vm9 =	vne.s32 v27, v1;
	v2 =	vadd.s32 v3, v2  }
0x3a3: {  	v27 =	vsel vm9, $0x1, v6;
	v3 =	vshra.s32 v26, $0x1F;
	v55 =	vmul.u32 $0xFFFFFF20, v2  }
0x3a4: {  	v3 =	vor.u32 v27, v3;
	v27 =	vsub.s32 $0x0, v26  }
0x3a5: {  	vm9 =	vne.s32 v3, $0x1;
	vm10 =	vne.s32 v55, v27  }
0x3a6: {  	vm9 =	vmand vm10, vm9  }
0x3a7: {  	s11 =	sor.u32 $0x10, s1;
	v3 =	vsel vm9, $0xFFFFFFFF, v6  }
0x3a8: {  	v56 =	vor.u32 s11, v0;
	v2 =	vadd.s32 v3, v2  }
0x3a9: {  	v29 =	vsub.s32 v56, v1;
	v3 =	vmul.u32 $0xFFFFFF20, v2  }
0x3aa: {  	(v2sf) =	vpush v29, $0xD  }
0x3ab: {  	v3 =	vadd.s32 v26, v3  }
0x3ac: {  	(v2sf) =	vpush v29, $0xC;
	v3 =	vand.u32 $0xFFFFFFF8, v3  }
0x3ad: {  	v3 =	vor.u32 v14, v3  }
0x3ae: {  	(v2sf) =	vpush v29, $0xE;
	_ =	sdelay $0x1  }
0x3af: {  	(v2sf) =	vpush v29, $0xF  }
0x3b0: {  	v2 =	vld.idx.msk [tilespmem:v2+s13+$0x0], $0xffff  }
0x3b1: {  	(v2sf) =	vpush v29, $0x9;
	v3 =	vld.idx.msk [tilespmem:v3+s12+$0x0], $0xffff;
	_ =	sdelay $0x1  }
0x3b2: {  	(v2sf) =	vpush v29, $0x8;
	_ =	sdelay $0x1  }
0x3b3: {  	(v2sf) =	vpush v29, $0xA;
	v27 =	vmul.f32 v2, v21;
	v2 =	vmul.f32 v2, v23  }
0x3b4: {  	v26 =	vmul.f32 v3, v20;
	v3 =	vmul.f32 v3, v22  }
0x3b5: {  	(v2sf) =	vpush v29, $0xB  }
0x3b6: {  	s15 =	spop (v2sf);
	v26 =	vadd.f32 v27, v26;
	v2 =	vadd.f32 v2, v3  }
0x3b7: {  	(v2sf) =	vpush v29, $0x1;
	s16 =	smulhi.u32 $0x92492493, s15;
	s17 =	sshra.s32 s15, $0x1F  }
0x3b8: {  	s18 =	spop (v2sf);
	s6 =	smul.u32 $0x92492493, s17;
	v3 =	vadd.f32 v26, v24;
	v2 =	vadd.f32 v2, v25  }
0x3b9: {  	(v2sf) =	vpush v29, $0x0;
	s19 =	smulhi.u32 $0x92492493, s18;
	s20 =	sshra.s32 s18, $0x1F  }
0x3ba: {  	s21 =	spop (v2sf);
	s11 =	smul.u32 $0x92492493, s20;
	v3 =	vadd.f32 $1.000000000e+00, v3;
	v2 =	vadd.f32 $1.000000000e+00, v2  }
0x3bb: {  	(v2sf) =	vpush v29, $0x2;
	s2 =	ssub.s32 s16, s15;
	s22 =	smulhi.u32 $0x92492493, s21;
	s25 =	sshra.s32 s21, $0x1F  }
0x3bc: {  	s29 =	spop (v2sf);
	s2 =	sadd.s32 s6, s2;
	s28 =	smul.u32 $0x92492493, s25;
	v3 =	vmul.f32 $2.240000000e+02, v3;
	v2 =	vmul.f32 $2.240000000e+02, v2  }
0x3bd: {  	(v2sf) =	vpush v29, $0x3;
	s9 =	ssub.s32 s19, s18;
	s30 =	smulhi.u32 $0x92492493, s29;
	s31 =	sshra.s32 s29, $0x1F  }
0x3be: {  	s20 =	spop (v2sf);
	s10 =	sadd.s32 s11, s9;
	s19 =	smul.u32 $0x92492493, s31;
	v3 =	vadd.f32 $-1.000000000e+00, v3;
	v2 =	vadd.f32 $-1.000000000e+00, v2  }
0x3bf: {  	(v2sf) =	vpush v29, $0x4;
	s4 =	ssub.s32 s22, s21;
	s21 =	smulhi.u32 $0x92492493, s20;
	s22 =	sshra.s32 s20, $0x1F  }
0x3c0: {  	s4 =	sadd.s32 s28, s4;
	s25 =	smul.u32 $0x92492493, s22;
	s28 =	spop (v2sf);
	v3 =	vmul.f32 $5.000000000e-01, v3;
	v2 =	vmul.f32 $5.000000000e-01, v2  }
0x3c1: {  	(v2sf) =	vpush v29, $0x5;
	s16 =	ssub.s32 s30, s29;
	s30 =	smulhi.u32 $0x92492493, s28;
	s31 =	sshra.s32 s28, $0x1F  }
0x3c2: {  	s29 =	sadd.s32 s19, s16;
	s19 =	spop (v2sf);
	s16 =	smul.u32 $0x92492493, s31;
	v3 =	vmax.f32 v3, $-4.000000000e+00;
	v2 =	vmax.f32 v2, $-4.000000000e+00  }
0x3c3: {  	(v2sf) =	vpush v29, $0x6;
	s11 =	ssub.s32 s21, s20;
	s31 =	smulhi.u32 $0x92492493, s19;
	s21 =	sshra.s32 s19, $0x1F;
	v3 =	vmin.f32 v3, $2.280000000e+02;
	v2 =	vmin.f32 v2, $2.280000000e+02  }
0x3c4: {  	s11 =	sadd.s32 s25, s11;
	s20 =	spop (v2sf);
	s22 =	smul.u32 $0x92492493, s21;
	v26 =	vtrunc.f32 v3;
	v27 =	vtrunc.f32 v2  }
0x3c5: {  	(v2sf) =	vpush v29, $0x7;
	s25 =	ssub.s32 s30, s28;
	s28 =	smulhi.u32 $0x92492493, s20;
	s30 =	sshra.s32 s20, $0x1F;
	v26 =	vcvt.f32.s32 v26;
	v27 =	vcvt.f32.s32 v27  }
0x3c6: {  	s18 =	spop (v2sf);
	s15 =	sadd.s32 s16, s25;
	s9 =	smul.u32 $0x92492493, s30  }
0x3c7: {  	s16 =	ssub.s32 s31, s19;
	s19 =	smulhi.u32 $0x92492493, s18;
	s31 =	sshra.s32 s18, $0x1F;
	v26 =	vcvt.s32.f32 v26;
	v27 =	vcvt.s32.f32 v27  }
0x3c8: {  	s30 =	sadd.s32 s22, s16;
	s22 =	smul.u32 $0x92492493, s31;
	s21 =	spop (v2sf)  }
0x3c9: {  	s25 =	ssub.s32 s28, s20;
	s17 =	smulhi.u32 $0x92492493, s21;
	s28 =	sshra.s32 s21, $0x1F;
	v30 =	vadd.f32 $-1.000000000e+00, v26;
	v31 =	vadd.f32 $-1.000000000e+00, v27  }
0x3ca: {  	s16 =	sadd.s32 s9, s25;
	s20 =	spop (v2sf);
	s9 =	smul.u32 $0x92492493, s28;
	vm9 =	vlt.f32 v3, v26;
	vm10 =	vlt.f32 v2, v27  }
0x3cb: {  	s18 =	ssub.s32 s19, s18;
	s31 =	smulhi.u32 $0x92492493, s20;
	s25 =	sshra.s32 s20, $0x1F;
	v26 =	vsel vm9, v30, v26;
	v27 =	vsel vm10, v31, v27  }
0x3cc: {  	s6 =	sadd.s32 s22, s18;
	s22 =	spop (v2sf);
	s18 =	smul.u32 $0x92492493, s25;
	v30 =	vadd.f32 $1.000000000e+00, v26;
	v31 =	vadd.f32 $1.000000000e+00, v27  }
0x3cd: {  	s17 =	ssub.s32 s17, s21;
	s21 =	smulhi.u32 $0x92492493, s22;
	s28 =	sshra.s32 s22, $0x1F  }
0x3ce: {  	s25 =	spop (v2sf);
	s9 =	sadd.s32 s9, s17;
	s17 =	smul.u32 $0x92492493, s28;
	v30 =	vsub.f32 v30, v3;
	v31 =	vsub.f32 v31, v2  }
0x3cf: {  	s19 =	ssub.s32 s31, s20;
	s20 =	smulhi.u32 $0x92492493, s25;
	s31 =	sshra.s32 s25, $0x1F;
	v2 =	vsub.f32 v2, v27;
	v3 =	vsub.f32 v3, v26  }
0x3d0: {  	s28 =	spop (v2sf);
	s18 =	sadd.s32 s18, s19;
	s19 =	smul.u32 $0x92492493, s31;
	v32 =	vmul.f32 v31, v30  }
0x3d1: {  	v33 =	vmov s9;
	s22 =	ssub.s32 s21, s22;
	s21 =	smulhi.u32 $0x92492493, s28;
	s31 =	sshra.s32 s28, $0x1F;
	v30 =	vmul.f32 v30, v2;
	v31 =	vmul.f32 v31, v3  }
0x3d2: {  	s9 =	sadd.s32 s17, s22;
	s17 =	smul.u32 $0x92492493, s31;
	s22 =	spop (v2sf);
	v2 =	vmul.f32 v2, v3;
	v3 =	vtrunc.f32 v27;
	v27 =	vnsel vm4, $0x0, v33  }
0x3d3: {  	v34 =	vmov s15;
	s25 =	ssub.s32 s20, s25;
	s20 =	smulhi.u32 $0x92492493, s22;
	s31 =	sshra.s32 s22, $0x1F;
	v27 =	vsel vm0, s6, v27  }
0x3d4: {  	v57 =	vmov s10;
	v34 =	vsel vm0, s11, v34;
	s6 =	sadd.s32 s19, s25;
	s19 =	spop (v2sf);
	v27 =	vsel vm1, s18, v27;
	s18 =	smul.u32 $0x92492493, s31  }
0x3d5: {  	v34 =	vsel vm1, s30, v34;
	s21 =	ssub.s32 s21, s28;
	v26 =	vtrunc.f32 v26;
	s25 =	smulhi.u32 $0x92492493, s19;
	s28 =	sshra.s32 s19, $0x1F;
	v27 =	vsel vm2, s9, v27  }
0x3d6: {  	s30 =	ssub.s32 s20, s22;
	v26 =	vcvt.f32.s32 v26;
	v33 =	vsel vm0, s2, v57;
	s2 =	sadd.s32 s17, s21;
	s31 =	smul.u32 $0x92492493, s28;
	v27 =	vsel vm5, s6, v27  }
0x3d7: {  	v33 =	vsel vm1, s4, v33;
	s4 =	sadd.s32 s18, s30;
	s9 =	ssub.s32 s25, s19;
	v27 =	vsel vm6, s2, v27  }
0x3d8: {  	s11 =	sor.u32 $0x20, s1;
	vm9 =	vgt.s32 v26, $0x0;
	v58 =	vadd.s32 $0x1, v26;
	s10 =	sadd.s32 s31, s9;
	v27 =	vsel vm7, s4, v27  }
0x3d9: {  	v35 =	vnsel vm9, $0x0, v26;
	v26 =	vor.u32 s11, v0;
	v27 =	vsel vm8, s10, v27  }
0x3da: {  	v36 =	vperm.xlane v27, v5;
	v27 =	vsub.s32 v26, v1  }
0x3db: {  	(v2sf) =	vpush v27, $0xD;
	_ =	sdelay $0x1  }
0x3dc: {  	(v2sf) =	vpush v27, $0xC  }
0x3dd: {  	v34 =	vsel vm2, s16, v34;
	v33 =	vsel vm2, s29, v33  }
0x3de: {  	v3 =	vcvt.f32.s32 v3;
	v33 =	vcombine.low v34, v33;
	(v2sf) =	vpush v27, $0xE;
	_ =	sdelay $0x1  }
0x3df: {  	vm10 =	vgt.s32 v3, $0x0;
	v33 =	vperm.xlane v33, v4;
	(v2sf) =	vpush v27, $0xF  }
0x3e0: {  	v28 =	vand.u32 $0x7, v56;
	v60 =	vshra.s32 v29, $0x1F;
	v37 =	vnsel vm10, $0x0, v3  }
0x3e1: {  	v3 =	vadd.s32 $0x1, v3;
	v33 =	vsel vm3, v36, v33;
	(v2sf) =	vpush v27, $0x9  }
0x3e2: {  	vm9 =	vgt.s32 v58, $0x0;
	vm10 =	vgt.s32 v3, $0x0;
	v33 =	vadd.s32 v29, v33  }
0x3e3: {  	v59 =	vshrl.u32 v33, $0x1F;
	v33 =	vshra.s32 v33, $0x7;
	(v2sf) =	vpush v27, $0x8  }
0x3e4: {  	v37 =	vmin.u32 v37, $0xDF;
	v3 =	vnsel vm10, $0x0, v3;
	v33 =	vadd.s32 v59, v33  }
0x3e5: {  	v61 =	vmul.u32 $0xE0, v37;
	v33 =	vadd.s32 v60, v33;
	(v2sf) =	vpush v27, $0xA  }
0x3e6: {  	[tilespmem:$0x400] =	vst v32;
	v63 =	vmin.u32 v35, $0xDF;
	v3 =	vmin.u32 v3, $0xDF;
	v62 =	vmul.u32 $0xFFFFFF20, v33  }
0x3e7: {  	[tilespmem:$0x440] =	vst v30;
	v3 =	vmul.u32 $0xE0, v3;
	v38 =	vadd.s32 v1, v61;
	(v2sf) =	vpush v27, $0xB  }
0x3e8: {  	[tilespmem:$0x4C0] =	vst v2;
	v34 =	vnsel vm9, $0x0, v58;
	v2 =	vadd.s32 v63, v38;
	v29 =	vadd.s32 v29, v62;
	s15 =	spop (v2sf)  }
0x3e9: {  	[tilespmem:$0x480] =	vst v31;
	v3 =	vadd.s32 v1, v3;
	(v2sf) =	vpush v27, $0x1;
	v29 =	vand.u32 $0xFFFFFFF8, v29;
	s16 =	smulhi.u32 $0x92492493, s15;
	s17 =	sshra.s32 s15, $0x1F  }
0x3ea: {  	v39 =	vmin.u32 v34, $0xDF;
	[tilespmem:$0x200] =	vst v2;
	v2 =	vadd.s32 v63, v3;
	v28 =	vor.u32 v28, v29;
	s18 =	spop (v2sf);
	s6 =	smul.u32 $0x92492493, s17  }
0x3eb: {  	[tilespmem:$0x240] =	vst v2;
	v2 =	vadd.s32 v39, v38;
	(v2sf) =	vpush v27, $0x0;
	s19 =	smulhi.u32 $0x92492493, s18;
	s20 =	sshra.s32 s18, $0x1F  }
0x3ec: {  	s1 =	sor.u32 $0x30, s1;
	[tilespmem:$0x280] =	vst v2;
	v2 =	vadd.s32 v39, v3;
	s21 =	spop (v2sf);
	s11 =	smul.u32 $0x92492493, s20  }
0x3ed: {  	[tilespmem:$0x2C0] =	vst v2;
	(v2sf) =	vpush v27, $0x2;
	s2 =	ssub.s32 s16, s15;
	s22 =	smulhi.u32 $0x92492493, s21;
	s25 =	sshra.s32 s21, $0x1F  }
0x3ee: {  	v3 =	vld.idx.msk [tilespmem:v33+s13+$0x0], $0xffff;
	s30 =	spop (v2sf);
	s2 =	sadd.s32 s6, s2;
	s28 =	smul.u32 $0x92492493, s25  }
0x3ef: {  	v2 =	vld.idx.msk [tilespmem:v28+s12+$0x0], $0xffff;
	(v2sf) =	vpush v27, $0x3;
	s9 =	ssub.s32 s19, s18;
	s18 =	smulhi.u32 $0x92492493, s30;
	s19 =	sshra.s32 s30, $0x1F  }
0x3f0: {  	s31 =	spop (v2sf);
	s29 =	sadd.s32 s11, s9;
	s20 =	smul.u32 $0x92492493, s19  }
0x3f1: {  	(v2sf) =	vpush v27, $0x4;
	s4 =	ssub.s32 s22, s21;
	s21 =	smulhi.u32 $0x92492493, s31;
	s22 =	sshra.s32 s31, $0x1F  }
0x3f2: {  	s4 =	sadd.s32 s28, s4;
	s25 =	smul.u32 $0x92492493, s22;
	s28 =	spop (v2sf)  }
0x3f3: {  	(v2sf) =	vpush v27, $0x5;
	s10 =	ssub.s32 s18, s30;
	s30 =	smulhi.u32 $0x92492493, s28;
	s19 =	sshra.s32 s28, $0x1F  }
0x3f4: {  	v40 =	vmul.f32 v3, v21;
	v28 =	vmul.f32 v2, v20;
	s10 =	sadd.s32 s20, s10;
	s18 =	spop (v2sf);
	s20 =	smul.u32 $0x92492493, s19  }
0x3f5: {  	v3 =	vmul.f32 v3, v23;
	v2 =	vmul.f32 v2, v22;
	(v2sf) =	vpush v27, $0x6;
	s11 =	ssub.s32 s21, s31;
	s31 =	smulhi.u32 $0x92492493, s18;
	s21 =	sshra.s32 s18, $0x1F  }
0x3f6: {  	v28 =	vadd.f32 v40, v28;
	s11 =	sadd.s32 s25, s11;
	s25 =	spop (v2sf);
	s22 =	smul.u32 $0x92492493, s21  }
0x3f7: {  	v2 =	vadd.f32 v3, v2;
	(v2sf) =	vpush v27, $0x7;
	s16 =	ssub.s32 s30, s28;
	s28 =	smulhi.u32 $0x92492493, s25;
	s30 =	sshra.s32 s25, $0x1F  }
0x3f8: {  	v3 =	vadd.f32 v28, v24;
	s9 =	sadd.s32 s20, s16;
	s16 =	smul.u32 $0x92492493, s30;
	s20 =	spop (v2sf)  }
0x3f9: {  	v2 =	vadd.f32 v2, v25;
	s15 =	ssub.s32 s31, s18;
	s18 =	smulhi.u32 $0x92492493, s20;
	s31 =	sshra.s32 s20, $0x1F  }
0x3fa: {  	v3 =	vadd.f32 $1.000000000e+00, v3;
	s30 =	sadd.s32 s22, s15;
	s22 =	smul.u32 $0x92492493, s31;
	s21 =	spop (v2sf)  }
0x3fb: {  	v2 =	vadd.f32 $1.000000000e+00, v2;
	s25 =	ssub.s32 s28, s25;
	s17 =	smulhi.u32 $0x92492493, s21;
	s28 =	sshra.s32 s21, $0x1F  }
0x3fc: {  	v43 =	vmov s29;
	v44 =	vmov s9;
	s15 =	sadd.s32 s16, s25;
	v3 =	vmul.f32 $2.240000000e+02, v3;
	s19 =	spop (v2sf);
	s16 =	smul.u32 $0x92492493, s28  }
0x3fd: {  	v30 =	vsel vm0, s2, v43;
	v31 =	vsel vm0, s11, v44;
	v2 =	vmul.f32 $2.240000000e+02, v2;
	s18 =	ssub.s32 s18, s20;
	s31 =	smulhi.u32 $0x92492493, s19;
	s25 =	sshra.s32 s19, $0x1F  }
0x3fe: {  	v30 =	vsel vm1, s4, v30;
	v31 =	vsel vm1, s30, v31;
	s6 =	sadd.s32 s22, s18;
	v3 =	vadd.f32 $-1.000000000e+00, v3;
	s22 =	spop (v2sf);
	s18 =	smul.u32 $0x92492493, s25  }
0x3ff: {  	v30 =	vsel vm2, s10, v30;
	v31 =	vsel vm2, s15, v31;
	v2 =	vadd.f32 $-1.000000000e+00, v2;
	s17 =	ssub.s32 s17, s21;
	s21 =	smulhi.u32 $0x92492493, s22;
	s28 =	sshra.s32 s22, $0x1F  }
0x400: {  	v57 =	vor.u32 s1, v0;
	v30 =	vcombine.low v31, v30;
	v3 =	vmul.f32 $5.000000000e-01, v3;
	s25 =	spop (v2sf);
	s16 =	sadd.s32 s16, s17;
	s17 =	smul.u32 $0x92492493, s28  }
0x401: {  	v26 =	vand.u32 $0x7, v26;
	v59 =	vsub.s32 v57, v1;
	v2 =	vmul.f32 $5.000000000e-01, v2;
	s19 =	ssub.s32 s31, s19;
	s20 =	smulhi.u32 $0x92492493, s25;
	s31 =	sshra.s32 s25, $0x1F  }
0x402: {  	v60 =	vsub.s32 $0x0, v27;
	v30 =	vperm.xlane v30, v4;
	v3 =	vmax.f32 v3, $-4.000000000e+00;
	s28 =	spop (v2sf);
	s18 =	sadd.s32 s18, s19;
	s19 =	smul.u32 $0x92492493, s31  }
0x403: {  	v2 =	vmax.f32 v2, $-4.000000000e+00;
	v3 =	vmin.f32 v3, $2.280000000e+02;
	v46 =	vmov s16;
	s21 =	ssub.s32 s21, s22;
	s16 =	smulhi.u32 $0x92492493, s28;
	s22 =	sshra.s32 s28, $0x1F  }
0x404: {  	v2 =	vmin.f32 v2, $2.280000000e+02;
	v41 =	vtrunc.f32 v3;
	v33 =	vnsel vm4, $0x0, v46;
	s9 =	sadd.s32 s17, s21;
	s17 =	smul.u32 $0x92492493, s22;
	s21 =	spop (v2sf)  }
0x405: {  	v42 =	vtrunc.f32 v2;
	s29 =	ssub.s32 s20, s25;
	v28 =	vcvt.f32.s32 v41;
	v48 =	vsel vm0, s6, v33;
	s20 =	smulhi.u32 $0x92492493, s21  }
0x406: {  	v29 =	vcvt.f32.s32 v42;
	s31 =	sshra.s32 s21, $0x1F;
	s25 =	ssub.s32 s16, s28;
	v32 =	vsel vm1, s18, v48;
	s22 =	spop (v2sf);
	(v2sf) =	vpush v59, $0xD  }
0x407: {  	s6 =	sadd.s32 s19, s29;
	s19 =	smul.u32 $0x92492493, s31;
	s2 =	sadd.s32 s17, s25;
	v28 =	vcvt.s32.f32 v28;
	v32 =	vsel vm2, s9, v32;
	(v2sf) =	vpush v59, $0xC  }
0x408: {  	v29 =	vcvt.s32.f32 v29;
	s28 =	smulhi.u32 $0x92492493, s22;
	s29 =	sshra.s32 s22, $0x1F;
	s30 =	ssub.s32 s20, s21;
	v32 =	vsel vm5, s6, v32;
	(v2sf) =	vpush v59, $0xE  }
0x409: {  	s31 =	smul.u32 $0x92492493, s29;
	s10 =	sadd.s32 s19, s30;
	v45 =	vadd.f32 $-1.000000000e+00, v28;
	vm9 =	vlt.f32 v3, v28;
	v32 =	vsel vm6, s2, v32  }
0x40a: {  	v47 =	vadd.f32 $-1.000000000e+00, v29;
	s11 =	ssub.s32 s28, s22;
	(v2sf) =	vpush v59, $0xF;
	v51 =	vsel vm7, s10, v32  }
0x40b: {  	s15 =	sadd.s32 s31, s11;
	(v2sf) =	vpush v59, $0x9;
	v28 =	vsel vm9, v45, v28;
	vm9 =	vlt.f32 v2, v29  }
0x40c: {  	v31 =	vsel vm8, s15, v51;
	(v2sf) =	vpush v59, $0x8;
	v49 =	vsel vm9, v47, v29  }
0x40d: {  	v50 =	vadd.f32 $1.000000000e+00, v28;
	v31 =	vperm.xlane v31, v5;
	v54 =	vtrunc.f32 v28  }
0x40e: {  	(v2sf) =	vpush v59, $0xA;
	v34 =	vadd.f32 $1.000000000e+00, v49;
	v58 =	vcvt.f32.s32 v54  }
0x40f: {  	v33 =	vtrunc.f32 v49;
	(v2sf) =	vpush v59, $0xB;
	v29 =	vsub.f32 v50, v3  }
0x410: {  	v3 =	vsub.f32 v3, v28;
	v30 =	vsel vm3, v31, v30;
	(v2sf) =	vpush v59, $0x1  }
0x411: {  	v33 =	vcvt.f32.s32 v33;
	v52 =	vsub.f32 v34, v2;
	v2 =	vsub.f32 v2, v49  }
0x412: {  	v55 =	vadd.s32 v27, v30;
	vm9 =	vgt.s32 v58, $0x0;
	v36 =	vadd.s32 $0x1, v58  }
0x413: {  	v30 =	vshrl.u32 v55, $0x1F;
	v56 =	vshra.s32 v55, $0x7;
	v61 =	vnsel vm9, $0x0, v58  }
0x414: {  	vm9 =	vgt.s32 v33, $0x0;
	v62 =	vadd.s32 $0x1, v33;
	v30 =	vadd.s32 v30, v56  }
0x415: {  	v53 =	vmul.f32 v29, v2;
	v32 =	vmul.f32 v52, v3;
	v35 =	vmul.u32 $0xFFFFFF20, v30  }
0x416: {  	v33 =	vnsel vm9, $0x0, v33;
	vm9 =	vgt.s32 v62, $0x0;
	v2 =	vmul.f32 v2, v3;
	s16 =	spop (v2sf)  }
0x417: {  	v3 =	vnsel vm9, $0x0, v62;
	vm9 =	vgt.s32 v6, v27;
	vm10 =	vne.s32 v35, v60;
	s17 =	smulhi.u32 $0x92492493, s16;
	s18 =	sshra.s32 s16, $0x1F  }
0x418: {  	v34 =	vmul.f32 v52, v29;
	v33 =	vmin.u32 v33, $0xDF;
	vm9 =	vmand vm9, vm10;
	s19 =	spop (v2sf);
	s4 =	smul.u32 $0x92492493, s18  }
0x419: {  	v3 =	vmin.u32 v3, $0xDF;
	(v2sf) =	vpush v59, $0x0;
	v63 =	vsel vm9, $0xFFFFFFFF, v6;
	s20 =	smulhi.u32 $0x92492493, s19;
	s21 =	sshra.s32 s19, $0x1F  }
0x41a: {  	v33 =	vmul.u32 $0xE0, v33;
	v3 =	vmul.u32 $0xE0, v3;
	v30 =	vadd.s32 v63, v30;
	s22 =	spop (v2sf);
	s10 =	smul.u32 $0x92492493, s21  }
0x41b: {  	[tilespmem:$0x410] =	vst v34;
	v35 =	vmin.u32 v61, $0xDF;
	(v2sf) =	vpush v59, $0x2;
	v37 =	vmul.u32 $0xFFFFFF20, v30;
	s1 =	ssub.s32 s17, s16;
	s25 =	smulhi.u32 $0x92492493, s22;
	s30 =	sshra.s32 s22, $0x1F  }
0x41c: {  	[tilespmem:$0x450] =	vst v53;
	vm10 =	vgt.s32 v36, $0x0;
	v40 =	vadd.s32 v1, v33;
	v3 =	vadd.s32 v1, v3;
	s31 =	spop (v2sf);
	s1 =	sadd.s32 s4, s1;
	s15 =	smul.u32 $0x92492493, s30  }
0x41d: {  	[tilespmem:$0x4D0] =	vst v2;
	v2 =	vadd.s32 v35, v40;
	(v2sf) =	vpush v59, $0x3;
	s18 =	smulhi.u32 $0x92492493, s31;
	s28 =	sshra.s32 s31, $0x1F;
	s29 =	spop (v2sf);
	v27 =	vadd.s32 v27, v37  }
0x41e: {  	v39 =	vnsel vm10, $0x0, v36;
	[tilespmem:$0x210] =	vst v2;
	v2 =	vadd.s32 v35, v3;
	s6 =	ssub.s32 s20, s19;
	s2 =	ssub.s32 s25, s22;
	s30 =	smul.u32 $0x92492493, s28;
	v27 =	vand.u32 $0xFFFFFFF8, v27  }
0x41f: {  	[tilespmem:$0x490] =	vst v32;
	(v2sf) =	vpush v59, $0x4;
	s21 =	smulhi.u32 $0x92492493, s29;
	s22 =	sshra.s32 s29, $0x1F;
	s19 =	spop (v2sf);
	v26 =	vor.u32 v26, v27;
	v27 =	vmin.u32 v39, $0xDF  }
0x420: {  	[tilespmem:$0x250] =	vst v2;
	s6 =	sadd.s32 s10, s6;
	s2 =	sadd.s32 s15, s2;
	s25 =	smul.u32 $0x92492493, s22;
	v2 =	vadd.s32 v27, v40  }
0x421: {  	(v2sf) =	vpush v59, $0x5;
	s10 =	smulhi.u32 $0x92492493, s19;
	s28 =	sshra.s32 s19, $0x1F;
	s20 =	spop (v2sf);
	[tilespmem:$0x290] =	vst v2;
	v2 =	vadd.s32 v27, v3  }
0x422: {  	s15 =	ssub.s32 s18, s31;
	s11 =	ssub.s32 s21, s29;
	s16 =	smul.u32 $0x92492493, s28;
	[tilespmem:$0x2D0] =	vst v2  }
0x423: {  	(v2sf) =	vpush v59, $0x6;
	s29 =	smulhi.u32 $0x92492493, s20;
	s31 =	sshra.s32 s20, $0x1F;
	s21 =	spop (v2sf);
	v3 =	vld.idx.msk [tilespmem:v30+s13+$0x0], $0xffff  }
0x424: {  	s9 =	sadd.s32 s30, s15;
	s4 =	sadd.s32 s25, s11;
	s15 =	smul.u32 $0x92492493, s31;
	v2 =	vld.idx.msk [tilespmem:v26+s12+$0x0], $0xffff  }
0x425: {  	s30 =	smulhi.u32 $0x92492493, s21;
	s28 =	sshra.s32 s21, $0x1F;
	s22 =	spop (v2sf);
	(v2sf) =	vpush v59, $0x7  }
0x426: {  	s10 =	ssub.s32 s10, s19;
	s18 =	smul.u32 $0x92492493, s28;
	s17 =	ssub.s32 s29, s20  }
0x427: {  	s29 =	smulhi.u32 $0x92492493, s22;
	s31 =	sshra.s32 s22, $0x1F;
	s10 =	sadd.s32 s16, s10  }
0x428: {  	s11 =	sadd.s32 s15, s17;
	s17 =	smul.u32 $0x92492493, s31;
	s25 =	spop (v2sf)  }
0x429: {  	s15 =	ssub.s32 s30, s21;
	v27 =	vmul.f32 v3, v21;
	s30 =	smulhi.u32 $0x92492493, s25;
	s31 =	sshra.s32 s25, $0x1F;
	v26 =	vmul.f32 v2, v20  }
0x42a: {  	s15 =	sadd.s32 s18, s15;
	s21 =	spop (v2sf);
	s28 =	smul.u32 $0x92492493, s31  }
0x42b: {  	s19 =	ssub.s32 s29, s22;
	v3 =	vmul.f32 v3, v23;
	v2 =	vmul.f32 v2, v22;
	s20 =	smulhi.u32 $0x92492493, s21;
	s29 =	sshra.s32 s21, $0x1F;
	v26 =	vadd.f32 v27, v26  }
0x42c: {  	s16 =	sadd.s32 s17, s19;
	s19 =	spop (v2sf);
	s22 =	smul.u32 $0x92492493, s29  }
0x42d: {  	s30 =	ssub.s32 s30, s25;
	s17 =	smulhi.u32 $0x92492493, s19;
	s31 =	sshra.s32 s19, $0x1F;
	v2 =	vadd.f32 v3, v2;
	v3 =	vadd.f32 v26, v24;
	v26 =	vmov s6  }
0x42e: {  	s18 =	sadd.s32 s28, s30;
	s28 =	smul.u32 $0x92492493, s31;
	s6 =	spop (v2sf);
	v26 =	vsel vm0, s1, v26  }
0x42f: {  	s29 =	ssub.s32 s20, s21;
	v2 =	vadd.f32 v2, v25;
	s30 =	smulhi.u32 $0x92492493, s6;
	s31 =	sshra.s32 s6, $0x1F;
	v26 =	vsel vm1, s2, v26  }
0x430: {  	s17 =	ssub.s32 s17, s19;
	v3 =	vadd.f32 $1.000000000e+00, v3;
	s21 =	smul.u32 $0x92492493, s31;
	v26 =	vsel vm2, s9, v26;
	s9 =	spop (v2sf)  }
0x431: {  	v42 =	vmov s10;
	v43 =	vmov s18;
	s1 =	sadd.s32 s28, s17;
	v2 =	vadd.f32 $1.000000000e+00, v2;
	s10 =	smulhi.u32 $0x92492493, s9;
	s19 =	sshra.s32 s9, $0x1F  }
0x432: {  	v32 =	vnsel vm4, $0x0, v43;
	s2 =	sadd.s32 s22, s29;
	v3 =	vmul.f32 $2.240000000e+02, v3;
	s22 =	spop (v2sf);
	s17 =	smul.u32 $0x92492493, s19  }
0x433: {  	v31 =	vsel vm0, s4, v42;
	v32 =	vsel vm0, s16, v32;
	s6 =	ssub.s32 s30, s6;
	v2 =	vmul.f32 $2.240000000e+02, v2;
	s25 =	smulhi.u32 $0x92492493, s22;
	s28 =	sshra.s32 s22, $0x1F  }
0x434: {  	v31 =	vsel vm1, s11, v31;
	v32 =	vsel vm1, s2, v32;
	s29 =	sadd.s32 s21, s6;
	s31 =	spop (v2sf);
	v3 =	vadd.f32 $-1.000000000e+00, v3;
	s30 =	smul.u32 $0x92492493, s28  }
0x435: {  	v31 =	vsel vm2, s15, v31;
	v32 =	vsel vm2, s1, v32;
	v2 =	vadd.f32 $-1.000000000e+00, v2;
	s10 =	ssub.s32 s10, s9;
	s16 =	smulhi.u32 $0x92492493, s31;
	s18 =	sshra.s32 s31, $0x1F  }
0x436: {  	v26 =	vcombine.low v31, v26;
	v32 =	vsel vm5, s29, v32;
	s1 =	sadd.s32 s17, s10;
	s19 =	ssub.s32 s25, s22;
	s20 =	smul.u32 $0x92492493, s18;
	v3 =	vmul.f32 $5.000000000e-01, v3  }
0x437: {  	v2 =	vmul.f32 $5.000000000e-01, v2;
	v32 =	vsel vm6, s1, v32;
	s21 =	sadd.s32 s30, s19;
	s22 =	ssub.s32 s16, s31  }
0x438: {  	v26 =	vperm.xlane v26, v4;
	v46 =	vsel vm7, s21, v32;
	s25 =	sadd.s32 s20, s22;
	v3 =	vmax.f32 v3, $-4.000000000e+00  }
0x439: {  	v2 =	vmax.f32 v2, $-4.000000000e+00;
	v31 =	vsel vm8, s25, v46;
	v3 =	vmin.f32 v3, $2.280000000e+02  }
0x43a: {  	v2 =	vmin.f32 v2, $2.280000000e+02;
	v31 =	vperm.xlane v31, v5;
	v27 =	vtrunc.f32 v3  }
0x43b: {  	v41 =	vtrunc.f32 v2;
	v27 =	vcvt.f32.s32 v27  }
0x43c: {  	v30 =	vcvt.f32.s32 v41  }
0x43d: {  	v26 =	vsel vm3, v31, v26;
	v27 =	vcvt.s32.f32 v27  }
0x43e: {  	v26 =	vadd.s32 v59, v26;
	v30 =	vcvt.s32.f32 v30  }
0x43f: {  	v51 =	vshra.s32 v59, $0x1F;
	v50 =	vshrl.u32 v26, $0x1F;
	v44 =	vadd.f32 $-1.000000000e+00, v27  }
0x440: {  	v26 =	vshra.s32 v26, $0x7;
	vm9 =	vlt.f32 v3, v27;
	v45 =	vadd.f32 $-1.000000000e+00, v30  }
0x441: {  	v26 =	vadd.s32 v50, v26;
	v27 =	vsel vm9, v44, v27;
	vm9 =	vlt.f32 v2, v30  }
0x442: {  	v26 =	vadd.s32 v51, v26;
	v30 =	vsel vm9, v45, v30;
	v33 =	vadd.f32 $1.000000000e+00, v27  }
0x443: {  	v28 =	vand.u32 $0x7, v57;
	v53 =	vmul.u32 $0xFFFFFF20, v26;
	v34 =	vadd.f32 $1.000000000e+00, v30  }
0x444: {  	v47 =	vsub.f32 v33, v3;
	v3 =	vsub.f32 v3, v27;
	v27 =	vtrunc.f32 v27  }
0x445: {  	v48 =	vsub.f32 v34, v2;
	v2 =	vsub.f32 v2, v30;
	v30 =	vtrunc.f32 v30  }
0x446: {  	v29 =	vadd.s32 v59, v53;
	v27 =	vcvt.f32.s32 v27;
	v30 =	vcvt.f32.s32 v30  }
0x447: {  	v29 =	vand.u32 $0xFFFFFFF8, v29;
	v34 =	vmul.f32 v48, v47;
	v49 =	vmul.f32 v47, v2  }
0x448: {  	v33 =	vmul.f32 v48, v3;
	vm9 =	vgt.s32 v30, $0x0;
	v52 =	vadd.s32 $0x1, v30  }
0x449: {  	v2 =	vmul.f32 v2, v3;
	v3 =	vnsel vm9, $0x0, v30;
	vm9 =	vgt.s32 v52, $0x0  }
0x44a: {  	v28 =	vor.u32 v28, v29;
	v54 =	vnsel vm9, $0x0, v52;
	v3 =	vmin.u32 v3, $0xDF  }
0x44b: {  	[tilespmem:$0x420] =	vst v34;
	vm9 =	vgt.s32 v27, $0x0;
	v30 =	vmin.u32 v54, $0xDF;
	v3 =	vmul.u32 $0xE0, v3  }
0x44c: {  	[tilespmem:$0x460] =	vst v49;
	v55 =	vnsel vm9, $0x0, v27;
	v27 =	vadd.s32 $0x1, v27;
	v30 =	vmul.u32 $0xE0, v30  }
0x44d: {  	[tilespmem:$0x4A0] =	vst v33;
	vm9 =	vgt.s32 v27, $0x0;
	v56 =	vmin.u32 v55, $0xDF;
	v3 =	vadd.s32 v1, v3  }
0x44e: {  	[tilespmem:$0x4E0] =	vst v2;
	v27 =	vnsel vm9, $0x0, v27;
	v2 =	vadd.s32 v1, v30;
	v57 =	vadd.s32 v56, v3  }
0x44f: {  	v27 =	vmin.u32 v27, $0xDF;
	[tilespmem:$0x220] =	vst v57;
	v58 =	vadd.s32 v56, v2  }
0x450: {  	v3 =	vadd.s32 v27, v3;
	[tilespmem:$0x260] =	vst v58  }
0x451: {  	v2 =	vadd.s32 v27, v2;
	[tilespmem:$0x2A0] =	vst v3  }
0x452: {  	[tilespmem:$0x2E0] =	vst v2  }
0x453: {  	v2 =	vld.idx.msk [tilespmem:v28+s12+$0x0], $0xffff  }
0x454: {  	v3 =	vld.idx.msk [tilespmem:v26+s13+$0x0], $0xffff;
	_ =	sdelay $0x4  }
0x455: {  	v26 =	vmul.f32 v2, v20;
	v27 =	vmul.f32 v3, v21  }
0x456: {  	v2 =	vmul.f32 v2, v22;
	v3 =	vmul.f32 v3, v23  }
0x457: {  	v26 =	vadd.f32 v27, v26  }
0x458: {  	v2 =	vadd.f32 v3, v2  }
0x459: {  	v3 =	vadd.f32 v26, v24  }
0x45a: {  	v2 =	vadd.f32 v2, v25  }
0x45b: {  	v3 =	vadd.f32 $1.000000000e+00, v3  }
0x45c: {  	v2 =	vadd.f32 $1.000000000e+00, v2  }
0x45d: {  	v3 =	vmul.f32 $2.240000000e+02, v3  }
0x45e: {  	v2 =	vmul.f32 $2.240000000e+02, v2  }
0x45f: {  	v3 =	vadd.f32 $-1.000000000e+00, v3  }
0x460: {  	v2 =	vadd.f32 $-1.000000000e+00, v2  }
0x461: {  	v3 =	vmul.f32 $5.000000000e-01, v3  }
0x462: {  	v2 =	vmul.f32 $5.000000000e-01, v2  }
0x463: {  	v3 =	vmax.f32 v3, $-4.000000000e+00  }
0x464: {  	v2 =	vmax.f32 v2, $-4.000000000e+00;
	v3 =	vmin.f32 v3, $2.280000000e+02  }
0x465: {  	v2 =	vmin.f32 v2, $2.280000000e+02;
	v26 =	vtrunc.f32 v3  }
0x466: {  	v27 =	vtrunc.f32 v2;
	v26 =	vcvt.f32.s32 v26  }
0x467: {  	v27 =	vcvt.f32.s32 v27  }
0x468: {  	v26 =	vcvt.s32.f32 v26  }
0x469: {  	v27 =	vcvt.s32.f32 v27  }
0x46a: {  	v59 =	vadd.f32 $-1.000000000e+00, v26  }
0x46b: {  	v60 =	vadd.f32 $-1.000000000e+00, v27;
	vm9 =	vlt.f32 v3, v26  }
0x46c: {  	vm10 =	vlt.f32 v2, v27;
	v26 =	vsel vm9, v59, v26  }
0x46d: {  	v27 =	vsel vm10, v60, v27;
	v28 =	vadd.f32 $1.000000000e+00, v26  }
0x46e: {  	v29 =	vadd.f32 $1.000000000e+00, v27  }
0x46f: {  	v28 =	vsub.f32 v28, v3  }
0x470: {  	v29 =	vsub.f32 v29, v2;
	v2 =	vsub.f32 v2, v27;
	v27 =	vtrunc.f32 v27  }
0x471: {  	v3 =	vsub.f32 v3, v26;
	v26 =	vtrunc.f32 v26;
	v27 =	vcvt.f32.s32 v27  }
0x472: {  	v26 =	vcvt.f32.s32 v26;
	v61 =	vmul.f32 v29, v28  }
0x473: {  	v28 =	vmul.f32 v28, v2;
	vm9 =	vgt.s32 v27, $0x0;
	v62 =	vadd.s32 $0x1, v27  }
0x474: {  	v29 =	vmul.f32 v29, v3;
	v27 =	vnsel vm9, $0x0, v27;
	vm9 =	vgt.s32 v62, $0x0  }
0x475: {  	v2 =	vmul.f32 v2, v3;
	v3 =	vnsel vm9, $0x0, v62;
	v27 =	vmin.u32 v27, $0xDF  }
0x476: {  	[tilespmem:$0x430] =	vst v61;
	vm9 =	vgt.s32 v26, $0x0;
	v3 =	vmin.u32 v3, $0xDF;
	v27 =	vmul.u32 $0xE0, v27  }
0x477: {  	[tilespmem:$0x470] =	vst v28;
	v63 =	vnsel vm9, $0x0, v26;
	v26 =	vadd.s32 $0x1, v26;
	v3 =	vmul.u32 $0xE0, v3  }
0x478: {  	[tilespmem:$0x4B0] =	vst v29;
	v28 =	vmin.u32 v63, $0xDF;
	vm9 =	vgt.s32 v26, $0x0;
	v27 =	vadd.s32 v1, v27  }
0x479: {  	[tilespmem:$0x4F0] =	vst v2;
	v2 =	vnsel vm9, $0x0, v26;
	v3 =	vadd.s32 v1, v3;
	v26 =	vadd.s32 v28, v27  }
0x47a: {  	v2 =	vmin.u32 v2, $0xDF;
	[tilespmem:$0x230] =	vst v26;
	v26 =	vadd.s32 v28, v3  }
0x47b: {  	[tilespmem:$0x270] =	vst v26;
	v26 =	vadd.s32 v2, v27  }
0x47c: {  	v2 =	vadd.s32 v2, v3;
	[tilespmem:$0x2B0] =	vst v26  }
0x47d: {  	s29 =	simm.s32 $0x600;
	s28 =	simm.s32 $0x200;
	[tilespmem:$0x2F0] =	vst v2  }
0x47e: {  	[tilespmem:s29], [sflag:$0x1] =	stream.indirect.gather [hbm4b:s8+s14], $0xC0, s28, s14, $0xb8;
	[tilespmem:$0x1E600] =	vst v63  }
0x47f: {  	s30 =	simm.s32 $0x280;
	s31 =	simm.s32 $0x6600  }
0x480: {  	[tilespmem:s31], [sflag:$0x1] =	stream.indirect.gather [hbm4b:s8+s14], $0xC0, s30, s14, $0xb8;
	[tilespmem:$0x1E600] =	vst v63  }
.LBB2_6:
0x481: {  	_ =	swait.ge [sflag:s26], $0x6000  }
0x482: {  	[sflag:s26] =	ssyncset.done $0x0  }
0x483: {  	[sflag:s26] =	ssyncadd.s32 $0xFFFFA000  }
0x484: {  	_ =	swait.ge [sflag:s26], $0x6000  }
0x485: {  	[sflag:s26] =	ssyncset.done $0x0  }
0x486: {  	s1 =	simm.s32 @!p0 $0x4;
	[sflag:s26] =	ssyncadd.s32 $0xFFFFA000  }
0x487: {  	_ =	swait.ge @!p0 [sflag:s1], $0x3000  }
0x488: {  	[sflag:s1] =	ssyncset.done @!p0 $0x0  }
0x489: {  	[sflag:s1] =	ssyncadd.s32 @!p0 $0xFFFFD000;
	s1 =	simm.s32 $0x0  }
0x48a: {  	v2 =	vld [tilespmem:s1+$0xC6A0]  }
0x48b: {  	v3 =	vld [tilespmem:s1+$0x15680]  }
0x48c: {  	v38 =	vld [tilespmem:s1+$0xF680]  }
0x48d: {  	v34 =	vld [tilespmem:s1+$0x15640]  }
0x48e: {  	v33 =	vld [tilespmem:s1+$0xC660]  }
0x48f: {  	v39 =	vld [tilespmem:s1+$0x12680]  }
0x490: {  	v35 =	vld [tilespmem:s1+$0x12640]  }
0x491: {  	v40 =	vld [tilespmem:s1+$0xC680]  }
0x492: {  	v27 =	vld [tilespmem:s1+$0x15600]  }
0x493: {  	v31 =	vld [tilespmem:s1+$0x15610]  }
0x494: {  	v36 =	vld [tilespmem:s1+$0x15630]  }
0x495: {  	v41 =	vld [tilespmem:s1+$0x156B0]  }
0x496: {  	v42 =	vld [tilespmem:s1+$0x126B0]  }
0x497: {  	v37 =	vld [tilespmem:s1+$0xF630]  }
0x498: {  	s2 =	simm.s32 $0x1C0;
	v43 =	vld [tilespmem:s1+$0xC630]  }
0x499: {  	s4 =	simm.s32 $0x100;
	v26 =	vmov s2;
	v44 =	vld [tilespmem:s1+$0xC620]  }
0x49a: {  	s30 =	simm.s32 $0x140;
	v29 =	vmov s4;
	v45 =	vld [tilespmem:s1+$0xF620]  }
0x49b: {  	s31 =	simm.s32 $0x180;
	v32 =	vmov s30;
	v28 =	vld [tilespmem:s1+$0x126A0]  }
0x49c: {  	v48 =	vmov s31;
	v46 =	vld [tilespmem:s1+$0xF610]  }
0x49d: {  	v47 =	vld [tilespmem:s1+$0xF600]  }
0x49e: {  	v26 =	vld.idx.msk [tilespmem:v26+s24+$0x0], $0xffff  }
0x49f: {  	v30 =	vld.idx.msk [tilespmem:v29+s24+$0x0], $0xffff  }
0x4a0: {  	v32 =	vld.idx.msk [tilespmem:v32+s24+$0x0], $0xffff  }
0x4a1: {  	v29 =	vld.idx.msk [tilespmem:v48+s24+$0x0], $0xffff  }
0x4a2: {  	v63 =	vld [tilespmem:s1+$0xC6B0]  }
0x4a3: {  	v50 =	vld [tilespmem:s1+$0xF6B0]  }
0x4a4: {  	v52 =	vld [tilespmem:s1+$0x12600]  }
0x4a5: {  	v55 =	vld [tilespmem:s1+$0x12630];
	v27 =	vmul.f32 v27, v26;
	v31 =	vmul.f32 v31, v26  }
0x4a6: {  	v49 =	vld [tilespmem:s1+$0xC600];
	v56 =	vmul.f32 v33, v30;
	v33 =	vmul.f32 v3, v26  }
0x4a7: {  	v53 =	vld [tilespmem:s1+$0x12610];
	v37 =	vmul.f32 v37, v32;
	v57 =	vmul.f32 v36, v26  }
0x4a8: {  	v54 =	vld [tilespmem:s1+$0x12620];
	v59 =	vmul.f32 v34, v26;
	v36 =	vmul.f32 v43, v30  }
0x4a9: {  	v58 =	vld [tilespmem:s1+$0xC640];
	v48 =	vmul.f32 v63, v30;
	v50 =	vmul.f32 v50, v32  }
0x4aa: {  	v60 =	vld [tilespmem:s1+$0xC650];
	v52 =	vmul.f32 v52, v29;
	v55 =	vmul.f32 v55, v29  }
0x4ab: {  	v61 =	vld [tilespmem:s1+$0xF650];
	v62 =	vmul.f32 v35, v29;
	v35 =	vmul.f32 v41, v26  }
0x4ac: {  	v3 =	vld [tilespmem:s1+$0x15620];
	v41 =	vmul.f32 v42, v29;
	v39 =	vmul.f32 v39, v29  }
0x4ad: {  	v43 =	vld [tilespmem:s1+$0xF640];
	v40 =	vmul.f32 v40, v30;
	v45 =	vmul.f32 v45, v32  }
0x4ae: {  	v42 =	vld [tilespmem:s1+$0x12660];
	v47 =	vmul.f32 v47, v32;
	v34 =	vadd.f32 v37, v36;
	v37 =	vmul.f32 v53, v29  }
0x4af: {  	v53 =	vld [tilespmem:s1+$0xF660];
	v36 =	vmul.f32 v2, v30;
	v2 =	vmul.f32 v54, v29;
	v48 =	vadd.f32 v50, v48  }
0x4b0: {  	v50 =	vmul.f32 v58, v30;
	v58 =	vmul.f32 v60, v30;
	v63 =	vadd.f32 v55, v34;
	v55 =	vld [tilespmem:s1+$0x12650]  }
0x4b1: {  	v54 =	vld [tilespmem:s1+$0x15650];
	v60 =	vmul.f32 v61, v32;
	v34 =	vmul.f32 v3, v26  }
0x4b2: {  	v51 =	vld [tilespmem:s1+$0xC610];
	v3 =	vmul.f32 v38, v32;
	v43 =	vmul.f32 v43, v32;
	v38 =	vadd.f32 v41, v48  }
0x4b3: {  	v48 =	vadd.f32 v60, v58;
	v60 =	vmul.f32 v49, v30;
	v63 =	vadd.f32 v57, v63;
	v57 =	vld [tilespmem:s1+$0x15660]  }
0x4b4: {  	v58 =	vld [tilespmem:s1+$0xF670];
	v49 =	vmul.f32 v42, v29;
	v41 =	vmul.f32 v53, v32  }
0x4b5: {  	v53 =	vld [tilespmem:s1+$0xC670];
	v61 =	vadd.f32 v43, v50;
	v43 =	vadd.f32 v3, v40;
	v55 =	vmul.f32 v55, v29  }
0x4b6: {  	v54 =	vmul.f32 v54, v26;
	v3 =	vadd.f32 v47, v60;
	v41 =	vadd.f32 v41, v56;
	v56 =	vld [tilespmem:s1+$0xF690]  }
0x4b7: {  	[tilespmem:s1+$0x1B630] =	vst v63;
	v63 =	vmul.f32 v44, v30;
	v62 =	vadd.f32 v62, v61;
	v48 =	vadd.f32 v55, v48;
	v55 =	vld [tilespmem:s1+$0x12670]  }
0x4b8: {  	v42 =	vld [tilespmem:s1+$0xC690];
	v40 =	vadd.f32 v52, v3;
	v41 =	vadd.f32 v49, v41;
	v57 =	vmul.f32 v57, v26  }
0x4b9: {  	v50 =	vld [tilespmem:s1+$0xF6A0];
	v44 =	vmul.f32 v46, v32;
	v46 =	vadd.f32 v45, v63;
	v54 =	vadd.f32 v54, v48  }
0x4ba: {  	v63 =	vmul.f32 v58, v32;
	v49 =	vld [tilespmem:s1+$0x15670];
	v53 =	vmul.f32 v53, v30;
	v60 =	vadd.f32 v57, v41  }
0x4bb: {  	v47 =	vld [tilespmem:s1+$0x156A0];
	v48 =	vmul.f32 v51, v30;
	v41 =	vadd.f32 v2, v46;
	v51 =	vadd.f32 v59, v62;
	[tilespmem:s1+$0x1B650] =	vst v54  }
0x4bc: {  	s11 =	simm.s32 $0x300;
	s2 =	simm.s32 $0x1C1;
	v45 =	vld [tilespmem:s1+$0x12690];
	v46 =	vmul.f32 v56, v32;
	v52 =	vadd.f32 v63, v53;
	[tilespmem:s1+$0x1B660] =	vst v60;
	v53 =	vmul.f32 v55, v29  }
.LBB2_7:
0x4bd: {  	s4 =	smov.u32 s11  }
0x4be: {  	s6 =	sadd.s32 $0xFFFFFF40, s2;
	v2 =	vmov s2;
	s10 =	sshra.s32 s11, $0x2;
	v3 =	vadd.f32 v44, v48;
	v39 =	vadd.f32 v39, v43;
	v43 =	vld [tilespmem:s1+$0x15690];
	s4 =	sadd.s32 $0x300, s11  }
0x4bf: {  	p0 =	sne.s32 s11, $0xBD00;
	v44 =	vmov s6;
	s6 =	sadd.s32 $0xFFFFFF80, s2;
	v49 =	vmul.f32 v49, v26;
	v48 =	vld [tilespmem:s10+$0xC6A0];
	[tilespmem:s1+$0x1B640] =	vst v51;
	v51 =	vadd.f32 v53, v52  }
0x4c0: {  	v52 =	vmov s6;
	s6 =	sadd.s32 $0xFFFFFFC0, s2;
	v3 =	vadd.f32 v37, v3;
	v32 =	vmul.f32 v50, v32;
	v53 =	vld [tilespmem:s10+$0x15680]  }
0x4c1: {  	v30 =	vmul.f32 v42, v30;
	v37 =	vmov s6;
	v50 =	vld [tilespmem:s10+$0xF680];
	v49 =	vadd.f32 v49, v51  }
0x4c2: {  	v28 =	vmul.f32 v28, v29;
	v33 =	vadd.f32 v33, v39;
	v32 =	vadd.f32 v32, v36;
	v42 =	vld [tilespmem:s10+$0x15640]  }
0x4c3: {  	v30 =	vadd.f32 v46, v30;
	v29 =	vmul.f32 v45, v29;
	v3 =	vadd.f32 v31, v3;
	v36 =	vld [tilespmem:s10+$0xC660];
	[tilespmem:s1+$0x1B670] =	vst v49  }
0x4c4: {  	v31 =	vmul.f32 v47, v26;
	v28 =	vadd.f32 v28, v32;
	v32 =	vadd.f32 v35, v38;
	v39 =	vld [tilespmem:s10+$0x12680];
	[tilespmem:s1+$0x1B680] =	vst v33  }
0x4c5: {  	v26 =	vmul.f32 v43, v26;
	v35 =	vld [tilespmem:s10+$0x12640];
	[tilespmem:s1+$0x1B610] =	vst v3;
	v3 =	vadd.f32 v29, v30  }
0x4c6: {  	v28 =	vadd.f32 v31, v28;
	v38 =	vld [tilespmem:s10+$0xC680];
	[tilespmem:s1+$0x1B6B0] =	vst v32  }
0x4c7: {  	v29 =	vadd.f32 v34, v41;
	v31 =	vld [tilespmem:s10+$0x15600];
	v3 =	vadd.f32 v26, v3  }
0x4c8: {  	v26 =	vadd.f32 v27, v40;
	v33 =	vld [tilespmem:s10+$0x15610];
	[tilespmem:s1+$0x1B6A0] =	vst v28  }
0x4c9: {  	v34 =	vld [tilespmem:s10+$0x15630];
	[tilespmem:s1+$0x1B690] =	vst v3  }
0x4ca: {  	v3 =	vld [tilespmem:s10+$0x156B0];
	[tilespmem:s1+$0x1B600] =	vst v26  }
0x4cb: {  	v40 =	vld [tilespmem:s10+$0x126B0];
	[tilespmem:s1+$0x1B620] =	vst v29;
	s1 =	smov.u32 s10  }
0x4cc: {  	v41 =	vld [tilespmem:s1+$0xF630]  }
0x4cd: {  	v43 =	vld [tilespmem:s1+$0xC630]  }
0x4ce: {  	v45 =	vld [tilespmem:s1+$0xC620]  }
0x4cf: {  	v46 =	vld [tilespmem:s1+$0xF620]  }
0x4d0: {  	v28 =	vld [tilespmem:s1+$0x126A0]  }
0x4d1: {  	v47 =	vld [tilespmem:s1+$0xF610]  }
0x4d2: {  	v49 =	vld [tilespmem:s1+$0xF600]  }
0x4d3: {  	v51 =	vld [tilespmem:s1+$0xC600]  }
0x4d4: {  	v54 =	vld [tilespmem:s1+$0xC610]  }
0x4d5: {  	v26 =	vld.idx.msk [tilespmem:v2+s24+$0x0], $0xffff  }
0x4d6: {  	v30 =	vld.idx.msk [tilespmem:v44+s24+$0x0], $0xffff  }
0x4d7: {  	v32 =	vld.idx.msk [tilespmem:v52+s24+$0x0], $0xffff  }
0x4d8: {  	v29 =	vld.idx.msk [tilespmem:v37+s24+$0x0], $0xffff  }
0x4d9: {  	v2 =	vld [tilespmem:s1+$0xC6B0]  }
0x4da: {  	v37 =	vld [tilespmem:s1+$0xF6B0]  }
0x4db: {  	v27 =	vmul.f32 v31, v26;
	v31 =	vmul.f32 v33, v26;
	v44 =	vld [tilespmem:s1+$0x12600]  }
0x4dc: {  	v33 =	vmul.f32 v53, v26;
	v55 =	vmul.f32 v36, v30;
	v52 =	vld [tilespmem:s1+$0x12610]  }
0x4dd: {  	v56 =	vmul.f32 v34, v26;
	v41 =	vmul.f32 v41, v32;
	v53 =	vld [tilespmem:s1+$0x12620]  }
0x4de: {  	v57 =	vmul.f32 v42, v26;
	v34 =	vld [tilespmem:s1+$0x12630];
	v2 =	vmul.f32 v2, v30  }
0x4df: {  	v43 =	vmul.f32 v43, v30;
	v42 =	vld [tilespmem:s1+$0x15620];
	v58 =	vmul.f32 v37, v32  }
0x4e0: {  	v60 =	vmul.f32 v35, v29;
	v59 =	vmul.f32 v44, v29;
	v44 =	vld [tilespmem:s1+$0xC640]  }
0x4e1: {  	v36 =	vmul.f32 v48, v30;
	v37 =	vmul.f32 v52, v29;
	v52 =	vld [tilespmem:s1+$0xF640];
	v2 =	vadd.f32 v58, v2  }
0x4e2: {  	v35 =	vmul.f32 v3, v26;
	v41 =	vadd.f32 v41, v43;
	v53 =	vmul.f32 v53, v29;
	v43 =	vld [tilespmem:s1+$0xC650]  }
0x4e3: {  	v40 =	vmul.f32 v40, v29;
	v3 =	vmul.f32 v34, v29;
	v48 =	vld [tilespmem:s1+$0xF650]  }
0x4e4: {  	v50 =	vmul.f32 v50, v32;
	v34 =	vmul.f32 v42, v26;
	v42 =	vld [tilespmem:s1+$0xF660]  }
0x4e5: {  	v39 =	vmul.f32 v39, v29;
	v3 =	vadd.f32 v3, v41;
	v41 =	vmul.f32 v44, v30;
	v58 =	vld [tilespmem:s1+$0x12650]  }
0x4e6: {  	v61 =	vmul.f32 v38, v30;
	v38 =	vadd.f32 v40, v2;
	v44 =	vmul.f32 v52, v32;
	v52 =	vld [tilespmem:s1+$0x12660]  }
0x4e7: {  	v2 =	vmul.f32 v51, v30;
	v3 =	vadd.f32 v56, v3;
	v40 =	vmul.f32 v43, v30;
	v51 =	vld [tilespmem:s1+$0x15650]  }
0x4e8: {  	v46 =	vmul.f32 v46, v32;
	v41 =	vadd.f32 v44, v41;
	v56 =	vmul.f32 v48, v32;
	v62 =	vld [tilespmem:s1+$0x15660]  }
0x4e9: {  	v43 =	vadd.f32 v50, v61;
	v44 =	vmul.f32 v47, v32;
	[tilespmem:s1+$0x1B630] =	vst v3;
	v3 =	vmul.f32 v42, v32;
	v47 =	vld [tilespmem:s1+$0xC670]  }
0x4ea: {  	v48 =	vmul.f32 v54, v30;
	v40 =	vadd.f32 v56, v40;
	v42 =	vmul.f32 v58, v29;
	v50 =	vld [tilespmem:s1+$0xF670]  }
0x4eb: {  	v49 =	vmul.f32 v49, v32;
	v3 =	vadd.f32 v3, v55;
	v52 =	vmul.f32 v52, v29;
	v54 =	vld [tilespmem:s1+$0xF690]  }
0x4ec: {  	v45 =	vmul.f32 v45, v30;
	v40 =	vadd.f32 v42, v40;
	v51 =	vmul.f32 v51, v26;
	v55 =	vld [tilespmem:s1+$0x12670]  }
.Ltmp2:
0x4ed: {  	v2 =	vadd.f32 v49, v2;
	v3 =	vadd.f32 v52, v3;
	v52 =	vmul.f32 v62, v26;
	v42 =	vld [tilespmem:s1+$0xC690];
	(pc) =	sbr.rel @p0 .LBB2_7-.Ltmp2, $4  }
0x4ee: {  	v45 =	vadd.f32 v46, v45;
	v46 =	vadd.f32 v51, v40;
	v47 =	vmul.f32 v47, v30;
	v49 =	vld [tilespmem:s1+$0x15670]  }
0x4ef: {  	v51 =	vadd.f32 v60, v41;
	v3 =	vadd.f32 v52, v3;
	v52 =	vmul.f32 v50, v32;
	v50 =	vld [tilespmem:s1+$0xF6A0]  }
0x4f0: {  	v40 =	vadd.f32 v59, v2;
	v41 =	vadd.f32 v53, v45;
	[tilespmem:s1+$0x1B650] =	vst v46;
	v46 =	vmul.f32 v54, v32;
	v45 =	vld [tilespmem:s1+$0x12690]  }
0x4f1: {  	s2 =	sadd.s32 $0x1, s2;
	s11 =	smov.u32 s4;
	v51 =	vadd.f32 v57, v51;
	[tilespmem:s1+$0x1B660] =	vst v3;
	v52 =	vadd.f32 v52, v47;
	v53 =	vmul.f32 v55, v29;
	v47 =	vld [tilespmem:s1+$0x156A0]  }
0x4f2: {  	_ = 	snop  }
0x4f3: {  	v2 =	vadd.f32 v44, v48;
	v39 =	vadd.f32 v39, v43  }
0x4f4: {  	v3 =	vld [tilespmem:s1+$0x15690];
	v30 =	vmul.f32 v42, v30;
	v63 =	vadd.f32 v35, v38;
	v32 =	vmul.f32 v50, v32  }
0x4f5: {  	v58 =	vadd.f32 v53, v52;
	v59 =	vmul.f32 v49, v26;
	v2 =	vadd.f32 v37, v2  }
0x4f6: {  	v28 =	vmul.f32 v28, v29;
	[tilespmem:s1+$0x1B640] =	vst v51;
	v33 =	vadd.f32 v33, v39;
	v32 =	vadd.f32 v32, v36  }
0x4f7: {  	v30 =	vadd.f32 v46, v30;
	[tilespmem:s1+$0x1B6B0] =	vst v63;
	v60 =	vadd.f32 v59, v58;
	v61 =	vmul.f32 v45, v29  }
0x4f8: {  	v2 =	vadd.f32 v31, v2;
	v62 =	vmul.f32 v47, v26;
	[tilespmem:s1+$0x1B680] =	vst v33;
	v28 =	vadd.f32 v28, v32  }
0x4f9: {  	s3 =	sadd.s32 $0x1, s3;
	[tilespmem:s1+$0x1B670] =	vst v60;
	v29 =	vadd.f32 v61, v30;
	v3 =	vmul.f32 v3, v26;
	v26 =	vadd.f32 v27, v40  }
0x4fa: {  	p0 =	sne.s32 s3, $0x62;
	[tilespmem:s1+$0x1B610] =	vst v2;
	v2 =	vadd.f32 v62, v28  }
.Ltmp3:
0x4fb: {  	v3 =	vadd.f32 v3, v29;
	[tilespmem:s1+$0x1B600] =	vst v26;
	(pc) =	sbr.rel @p0 .LBB2_2-.Ltmp3, $4  }
0x4fc: {  	s0 =	smul.u32 $0x18, s0;
	[tilespmem:s1+$0x1B6A0] =	vst v2;
	v2 =	vadd.f32 v34, v41  }
0x4fd: {  	s30 =	rddreg [dreg:$0x4];
	[tilespmem:s1+$0x1B690] =	vst v3  }
0x4fe: {  	s31 =	simm.s32 $0x1B600;
	s0 =	sadd.s32 s30, s0;
	[tilespmem:s1+$0x1B620] =	vst v2  }
0x4ff: {  	[hbm4b:s0+s7] =	stream.linear.scatter [tilespmem:s31], [sflag:$0x4], $0x3000, $0x38;
	[tilespmem:$0x1E600] =	vst v63  }
0x500: {  	s0 =	simm.s32 $0x3  }
0x501: {  	_ =	swait.ge [sflag:s0], $0x3000  }
0x502: {  	[sflag:s0] =	ssyncset.done $0x0  }
0x503: {  	s1 =	simm.s32 $0x4;
	[sflag:s0] =	ssyncadd.s32 $0xFFFFD000  }
0x504: {  	_ =	swait.ge [sflag:s1], $0x3000  }
0x505: {  	s2 =	rddreg [dreg:$0x8]  }
0x506: {  	s31 =	rddreg [dreg:$0x7];
	s2 =	sadd.s32 $0x1, s2  }
0x507: {  	p0 =	sne.s32 s2, s31  }
.Ltmp4:
0x508: {  	_ = 	snop;
	(pc) =	sbr.rel @p0 .LBB2_1-.Ltmp4, $3  }
0x509: {  	_ =	sdelay $0x1  }
0x50a: {  	[sflag:s1] =	ssyncset.done $0x0  }
0x50b: {  	[sflag:s1] =	ssyncadd.s32 $0xFFFFD000  }
0x50c: {  	_ =	sfence.sel $0x180000  }
0x50d: {  	[bflag:$0x0] =	sbarrier.arrive $0xFFFF  }
0x50e: {  	_ =	strace $0x90000047  }
0x50f: {  	s0 =	stileid.u32;
	[bflag:$0x2] =	sbarrier.arrive $0xFFFF  }
0x510: {  	p0 =	sne.s32 s0, $0x0;
	s0 =	rddreg [dreg:$0x5]  }
0x511: {  	s0 =	sadd.s32 @!p0 $0x100000, s0  }
0x512: {  	[sflag:s0] =	ssyncadd.tile.s32 @!p0 $0x1;
	_ =	shalt  }
.Lfunc_end2:
_tile_overlayer_lowered:
.L_overlay_start_2:
0x513: {  	(tag) =	ssettag $0x2  }
0x514: {  	s0 =	rddreg [dreg:$0x0];
	s2 =	stileid.u32  }
0x515: {  	s1 =	rddreg [dreg:$0x1];
	p0 =	sne.s32 s2, $0x0  }
0x516: {  	s3 =	rddreg [dreg:$0x2];
	[bflag:$0x3] =	sbarrier.arrive $0xFFFF;
	s2 =	simm.s32 @!p0 $0x1C05  }
0x517: {  	[timem:s3], [sflag:s2] =	dma.local @!p0 [hbm:s0], s1  }
0x518: {  	s0 =	simm.s32 @!p0 $0x5  }
0x519: {  	_ =	swait.ge @!p0 [sflag:s0], s1  }
0x51a: {  	s1 =	ssub.s32 @!p0 $0x0, s1;
	[sflag:s0] =	ssyncset.done @!p0 $0x0  }
0x51b: {  	[sflag:s0] =	ssyncadd.s32 @!p0 s1  }
0x51c: {  	[bflag:$0x3] =	sbarrier.arrive $0xFFFF  }
0x51d: {  	_ =	shalt  }

</sc_bundles>
